<compile_context>
chip_gen: v7x
topology: tpu7x:2x2x1
jax: 0.10.2.dev20260603
libtpu: 0.0.44.dev20260713+nightly
codegen_flags: <defaults>
</compile_context>

<pallas_src>
import functools

import jax
import jax.numpy as jnp
from jax import lax
from jax.experimental import pallas as pl
from jax.experimental.pallas import tpu as pltpu
from jax.experimental.pallas import tpu_sc as plsc

N = 50000
E = 800000
C = 4096
H = 64

NC = 2
NS = 16
HALF = 25008
NPAD = 50176
ROWS_PT = HALF // NS
CHUNK = 128
IDXN = 112
K = 2
GROUP = K * IDXN
NB = 2
NG = 224
EPT = NG * GROUP
EPAD = EPT * NS
ZTAIL = ROWS_PT - (ROWS_PT // CHUNK) * CHUNK
BLK = 1024
NBLK = NPAD // BLK

_mesh = plsc.VectorSubcoreMesh(core_axis_name="c", subcore_axis_name="s")


def _fill_const(ref, rows, width, value):
    def body(r, _):
        for j in range(width // 16):
            ref[r, pl.ds(j * 16, 16)] = jnp.full((16,), value, jnp.float32)
        return 0
    lax.fori_loop(0, rows, body, 0)


def _zero_acc(acc, zsrc, s):
    def zbody(k, _):
        pltpu.sync_copy(zsrc, acc.at[pl.ds(s * ROWS_PT + k * CHUNK, CHUNK)])
        return 0
    lax.fori_loop(0, ROWS_PT // CHUNK, zbody, 0)
    pltpu.sync_copy(zsrc.at[pl.ds(0, ZTAIL)],
                    acc.at[pl.ds(s * ROWS_PT + (ROWS_PT // CHUNK) * CHUNK, ZTAIL)])

    @pl.when(s == 0)
    def _():
        pltpu.sync_copy(zsrc.at[pl.ds(0, 1)], acc.at[pl.ds(HALF, 1)])


def _compute_lidx(eb, lidx, base):
    for k in range(K):
        for j in range(IDXN // 16):
            d = eb[k, 1, pl.ds(j * 16, 16)]
            l = d - base
            bad = (l < 0) | (l >= HALF)
            lidx[k, pl.ds(j * 16, 16)] = jnp.where(bad, HALF, l)


@functools.partial(
    pl.kernel,
    out_type=jax.ShapeDtypeStruct((32, 65536), jnp.float32),
    mesh=_mesh,
    compiler_params=pltpu.CompilerParams(use_tc_tiling_on_sc=False,
                                         needs_layout_passes=False),
    scratch_types=[
        pltpu.VMEM((65536,), jnp.float32),
        pltpu.VMEM((2 * K * IDXN,), jnp.int32),
        pltpu.VMEM((2 * K * IDXN,), jnp.int32),
        pltpu.SemaphoreType.DMA,
        pltpu.SemaphoreType.DMA,
    ],
)
def _deg_kernel(e_hbm, out_hbm, hist, eb0, eb1, si0, si1):
    c = lax.axis_index("c")
    s = lax.axis_index("s")
    EB = (eb0, eb1)
    SI = (si0, si1)
    GWORDS = 2 * K * IDXN

    def zbody(r, _):
        hist[pl.ds(r * 16, 16)] = jnp.zeros((16,), jnp.float32)
        return 0
    lax.fori_loop(0, 65536 // 16, zbody, 0)

    wid = s * NC + c
    ngd = NG // 2
    word_base = wid * ngd * GWORDS
    ones16 = jnp.full((16,), 1.0, jnp.float32)

    def issue_idx(g, b):
        pltpu.async_copy(e_hbm.at[pl.ds(word_base + g * GWORDS, GWORDS)],
                         EB[b], SI[b])

    def drain_idx(b):
        pltpu.make_async_copy(e_hbm.at[pl.ds(0, GWORDS)], EB[b], SI[b]).wait()

    issue_idx(0, 0)

    def step(t, _):
        for b in range(NB):
            g = t * NB + b
            bp = 1 - b
            if b == NB - 1:
                @pl.when(t < ngd // NB - 1)
                def _():
                    issue_idx(g + 1, bp)
            else:
                issue_idx(g + 1, bp)
            drain_idx(b)
            for k in range(K):
                for j in range(IDXN // 16):
                    d = EB[b][pl.ds(k * 2 * IDXN + IDXN + j * 16, 16)]
                    plsc.addupdate_scatter(hist, [d], ones16)
        return 0
    lax.fori_loop(0, ngd // NB, step, 0)
    pltpu.sync_copy(hist, out_hbm.at[wid])


def _dsum_body(h_ref, out_ref):
    out_ref[...] = jnp.sum(h_ref[...], axis=0)


_dsum_call = pl.pallas_call(
    _dsum_body,
    grid=(4,),
    in_specs=[pl.BlockSpec((32, 128, 128), lambda i: (0, i, 0))],
    out_specs=pl.BlockSpec((128, 128), lambda i: (i, 0)),
    out_shape=jax.ShapeDtypeStruct((512, 128), jnp.float32),
)


@functools.partial(
    pl.kernel,
    out_type=jax.ShapeDtypeStruct((NPAD, H), jnp.float32),
    mesh=_mesh,
    compiler_params=pltpu.CompilerParams(use_tc_tiling_on_sc=False),
    scratch_types=[
        pltpu.VMEM_SHARED((HALF + 1, H), jnp.float32),
        pltpu.VMEM((K, 2, IDXN), jnp.int32),
        pltpu.VMEM((K, 2, IDXN), jnp.int32),
        pltpu.VMEM((K, IDXN), jnp.int32),
        pltpu.VMEM((K, IDXN), jnp.int32),
        pltpu.VMEM((GROUP, H), jnp.float32),
        pltpu.VMEM((GROUP, H), jnp.float32),
        pltpu.SemaphoreType.DMA,
        pltpu.SemaphoreType.DMA,
        pltpu.SemaphoreType.DMA,
        pltpu.SemaphoreType.DMA,
        pltpu.SemaphoreType.DMA,
        pltpu.SemaphoreType.DMA,
    ],
)
def _edge_kernel(xn_hbm, e_hbm, out_hbm, acc,
                 eb0, eb1, li0, li1, r0, r1,
                 si0, si1, sg0, sg1, ss0, ss1):
    c = lax.axis_index("c")
    s = lax.axis_index("s")
    base = c * HALF
    EB = (eb0, eb1)
    LI = (li0, li1)
    R = (r0, r1)
    SI = (si0, si1)
    SG = (sg0, sg1)
    SS = (ss0, ss1)

    _fill_const(r0, CHUNK, H, 0.0)
    _zero_acc(acc, r0.at[pl.ds(0, CHUNK)], s)
    plsc.subcore_barrier()

    row_base = s * (K * NG)

    def issue_idx(g, b):
        pltpu.async_copy(e_hbm.at[pl.ds(row_base + K * g, K)], EB[b], SI[b])

    def drain_idx(b):
        pltpu.make_async_copy(e_hbm.at[pl.ds(0, K)], EB[b], SI[b]).wait()

    def issue_gather(b):
        for k in range(K):
            pltpu.async_copy(xn_hbm.at[EB[b].at[k, 0]],
                             R[b].at[pl.ds(k * IDXN, IDXN)], SG[b])

    def drain_gather(b):
        pltpu.make_async_copy(xn_hbm.at[pl.ds(0, GROUP)], R[b], SG[b]).wait()

    def issue_scatter(b):
        for k in range(K):
            pltpu.async_copy(R[b].at[pl.ds(k * IDXN, IDXN)],
                             acc.at[LI[b].at[k]], SS[b], add=True)

    def drain_scatter(b):
        pltpu.make_async_copy(xn_hbm.at[pl.ds(0, GROUP)], R[b], SS[b]).wait()

    issue_idx(0, 0)

    def step(t, _):
        for b in range(NB):
            g = t * NB + b
            bp = 1 - b
            drain_idx(b)

            @pl.when(t >= 1)
            def _():
                drain_scatter(b)
            issue_gather(b)
            _compute_lidx(EB[b], LI[b], base)
            if b == 0:
                @pl.when(t >= 1)
                def _():
                    drain_gather(bp)
                    issue_scatter(bp)
            else:
                drain_gather(bp)
                issue_scatter(bp)
            if b == NB - 1:
                @pl.when(t < NG // NB - 1)
                def _():
                    issue_idx(g + 1, bp)
            else:
                issue_idx(g + 1, bp)
        return 0
    lax.fori_loop(0, NG // NB, step, 0)
    drain_gather((NG - 1) % NB)
    issue_scatter((NG - 1) % NB)
    for b in range(NB):
        drain_scatter(b)
    plsc.subcore_barrier()
    pltpu.sync_copy(acc.at[pl.ds(s * ROWS_PT, ROWS_PT)],
                    out_hbm.at[pl.ds(base + s * ROWS_PT, ROWS_PT)])


@functools.partial(
    pl.kernel,
    out_type=(jax.ShapeDtypeStruct((C, H), jnp.float32),
              jax.ShapeDtypeStruct((C, H), jnp.float32)),
    mesh=_mesh,
    compiler_params=pltpu.CompilerParams(use_tc_tiling_on_sc=False),
    scratch_types=[
        pltpu.VMEM((CHUNK,), jnp.int32),
        pltpu.VMEM((CHUNK, H), jnp.float32),
        pltpu.SemaphoreType.DMA,
    ],
)
def _cand_kernel(h_hbm, cu_hbm, cv_hbm, u_out, v_out, idx, rows, sem):
    c = lax.axis_index("c")
    s = lax.axis_index("s")
    b = (s * NC + c) * CHUNK
    pltpu.sync_copy(cu_hbm.at[pl.ds(b, CHUNK)], idx)
    pltpu.async_copy(h_hbm.at[idx], rows, sem).wait()
    pltpu.sync_copy(rows, u_out.at[pl.ds(b, CHUNK)])
    pltpu.sync_copy(cv_hbm.at[pl.ds(b, CHUNK)], idx)
    pltpu.async_copy(h_hbm.at[idx], rows, sem).wait()
    pltpu.sync_copy(rows, v_out.at[pl.ds(b, CHUNK)])


def _norm_of(deg_col):
    x = deg_col + 1.0
    r = lax.rsqrt(x)
    return r * (1.5 - 0.5 * x * r * r)


def _a0_body(kid_ref, of_ref, deg_ref, kt_ref, w0_ref, out_ref):
    norm = _norm_of(deg_ref[:, 0:1])
    iot = lax.broadcasted_iota(jnp.int32, (1, 8), 1)
    onehot = jnp.where(kid_ref[...] == iot, 1.0, 0.0)
    t0 = jnp.dot(kt_ref[...], w0_ref[0:8, :], preferred_element_type=jnp.float32)
    x = (jnp.dot(onehot[:, 0:6], t0, preferred_element_type=jnp.float32)
         + jnp.dot(of_ref[...], w0_ref[8:13, :], preferred_element_type=jnp.float32))
    out_ref[...] = x * norm


def _al_body(s_ref, xn_ref, deg_ref, b_ref, w_ref, out_ref):
    norm = _norm_of(deg_ref[:, 0:1])
    h = jnp.maximum(norm * (s_ref[...] + xn_ref[...]) + b_ref[...], 0.0)
    out_ref[...] = jnp.dot(h, w_ref[...], preferred_element_type=jnp.float32) * norm


def _a3_body(s_ref, xn_ref, deg_ref, b_ref, h_out, psum_out):
    i = pl.program_id(0)
    norm = _norm_of(deg_ref[:, 0:1])
    h = jnp.maximum(norm * (s_ref[...] + xn_ref[...]) + b_ref[...], 0.0)
    h_out[...] = h
    row = i * BLK + lax.broadcasted_iota(jnp.int32, (BLK, 1), 0)
    psum_out[...] = jnp.sum(jnp.where(row < N, h, 0.0), axis=0,
                            keepdims=True)[None, :, :]


def _f_body(ps_ref, wg_ref, bg_ref, u_ref, v_ref, wc1_ref, bc1_ref,
            wc2_ref, bc2_ref, out_ref):
    hsum = jnp.sum(ps_ref[...], axis=0)
    g = jnp.dot(hsum * (1.0 / N), wg_ref[...],
                preferred_element_type=jnp.float32) + bg_ref[...]
    cvec = jnp.dot(g, wc1_ref[2 * H:3 * H, :],
                   preferred_element_type=jnp.float32) + bc1_ref[...]
    hid = jnp.maximum(
        jnp.dot(u_ref[...], wc1_ref[0:H, :], preferred_element_type=jnp.float32)
        + jnp.dot(v_ref[...], wc1_ref[H:2 * H, :], preferred_element_type=jnp.float32)
        + cvec, 0.0)
    out_ref[...] = jnp.dot(hid, wc2_ref[...],
                           preferred_element_type=jnp.float32) + bc2_ref[...]


_a0_call = pl.pallas_call(
    _a0_body,
    grid=(NBLK,),
    in_specs=[
        pl.BlockSpec((BLK, 1), lambda i: (i, 0)),
        pl.BlockSpec((BLK, 5), lambda i: (i, 0)),
        pl.BlockSpec((BLK, 1), lambda i: (i, 0)),
        pl.BlockSpec((6, 8), lambda i: (0, 0)),
        pl.BlockSpec((13, H), lambda i: (0, 0)),
    ],
    out_specs=pl.BlockSpec((BLK, H), lambda i: (i, 0)),
    out_shape=jax.ShapeDtypeStruct((NPAD, H), jnp.float32),
)

_al_call = pl.pallas_call(
    _al_body,
    grid=(NBLK,),
    in_specs=[
        pl.BlockSpec((BLK, H), lambda i: (i, 0)),
        pl.BlockSpec((BLK, H), lambda i: (i, 0)),
        pl.BlockSpec((BLK, 1), lambda i: (i, 0)),
        pl.BlockSpec((1, H), lambda i: (0, 0)),
        pl.BlockSpec((H, H), lambda i: (0, 0)),
    ],
    out_specs=pl.BlockSpec((BLK, H), lambda i: (i, 0)),
    out_shape=jax.ShapeDtypeStruct((NPAD, H), jnp.float32),
)

_a3_call = pl.pallas_call(
    _a3_body,
    grid=(NBLK,),
    in_specs=[
        pl.BlockSpec((BLK, H), lambda i: (i, 0)),
        pl.BlockSpec((BLK, H), lambda i: (i, 0)),
        pl.BlockSpec((BLK, 1), lambda i: (i, 0)),
        pl.BlockSpec((1, H), lambda i: (0, 0)),
    ],
    out_specs=(pl.BlockSpec((BLK, H), lambda i: (i, 0)),
               pl.BlockSpec((1, 1, H), lambda i: (i, 0, 0))),
    out_shape=(jax.ShapeDtypeStruct((NPAD, H), jnp.float32),
               jax.ShapeDtypeStruct((NBLK, 1, H), jnp.float32)),
)

_f_call = pl.pallas_call(
    _f_body,
    out_shape=jax.ShapeDtypeStruct((C, 1), jnp.float32),
)


def kernel(kind_ids, other_feats, edge_index, cand_u, cand_v, kind_table,
           W0, b0, W1, b1, W2, b2, Wg, bg, Wc1, bc1, Wc2, bc2):
    src = edge_index[0].astype(jnp.int32)
    dst = edge_index[1].astype(jnp.int32)
    srcp = jnp.concatenate([src, jnp.zeros((EPAD - E,), jnp.int32)])
    dstp = jnp.concatenate([dst, jnp.full((EPAD - E,), NPAD, jnp.int32)])
    e3d = jnp.stack([srcp.reshape(EPAD // IDXN, IDXN),
                     dstp.reshape(EPAD // IDXN, IDXN)], axis=1)
    kidp = jnp.concatenate([kind_ids.astype(jnp.int32),
                            jnp.zeros((NPAD - N,), jnp.int32)]).reshape(NPAD, 1)
    ofp = jnp.concatenate([other_feats,
                           jnp.zeros((NPAD - N, 5), jnp.float32)])

    hists = _deg_kernel(e3d.reshape(-1))
    degflat = _dsum_call(hists.reshape(32, 512, 128))
    deg1 = degflat.reshape(65536)[:NPAD].reshape(NPAD, 1)
    xn0 = _a0_call(kidp, ofp, deg1, kind_table, W0)
    s0 = _edge_kernel(xn0, e3d)
    xn1 = _al_call(s0, xn0, deg1, b0.reshape(1, H), W1)
    s1 = _edge_kernel(xn1, e3d)
    xn2 = _al_call(s1, xn1, deg1, b1.reshape(1, H), W2)
    s2 = _edge_kernel(xn2, e3d)
    h3, psum = _a3_call(s2, xn2, deg1, b2.reshape(1, H))
    u_emb, v_emb = _cand_kernel(h3, cand_u.astype(jnp.int32),
                                cand_v.astype(jnp.int32))
    logits = _f_call(psum, Wg, bg.reshape(1, H), u_emb, v_emb,
                     Wc1, bc1.reshape(1, H), Wc2, bc2.reshape(1, 1))
    return logits[:, 0]

# --- scband reference (transcript-rebuilt; emitter-appended) ---
"""Pipeline reference for scband-gnnpolicy-17343077941819 (READ-ONLY COPY).

The authoritative reference and input builder live on the scoring server;
editing this copy changes nothing except your own understanding.
"""

import jax, jax.numpy as jnp
import numpy as np

N = 50000
E = 800000
C = 4096
NUM_NODE_TYPES = 6
KD = 8
H = 64
IN_DIM = KD + 5


def setup_inputs(seed: int = 0) -> dict:
    key = jax.random.key(seed)
    ks = jax.random.split(key, 20)
    inp = {}
    inp['kind_ids'] = jax.random.randint(ks[0], (N,), 0, NUM_NODE_TYPES)
    inp['other_feats'] = jax.random.uniform(ks[1], (N, 5), dtype=jnp.float32)
    inp['edge_index'] = jax.random.randint(ks[2], (2, E), 0, N)
    inp['cand_u'] = jax.random.randint(ks[3], (C,), 0, N)
    inp['cand_v'] = jax.random.randint(ks[4], (C,), 0, N)
    inp['kind_table'] = jax.random.normal(ks[5], (NUM_NODE_TYPES, KD), dtype=jnp.float32) * 0.1
    inp['W0'] = jax.random.normal(ks[6], (IN_DIM, H), dtype=jnp.float32) / np.sqrt(IN_DIM)
    inp['b0'] = jnp.zeros((H,), dtype=jnp.float32)
    inp['W1'] = jax.random.normal(ks[7], (H, H), dtype=jnp.float32) / np.sqrt(H)
    inp['b1'] = jnp.zeros((H,), dtype=jnp.float32)
    inp['W2'] = jax.random.normal(ks[8], (H, H), dtype=jnp.float32) / np.sqrt(H)
    inp['b2'] = jnp.zeros((H,), dtype=jnp.float32)
    inp['Wg'] = jax.random.normal(ks[9], (H, H), dtype=jnp.float32) / np.sqrt(H)
    inp['bg'] = jnp.zeros((H,), dtype=jnp.float32)
    inp['Wc1'] = jax.random.normal(ks[10], (3 * H, H), dtype=jnp.float32) / np.sqrt(3 * H)
    inp['bc1'] = jnp.zeros((H,), dtype=jnp.float32)
    inp['Wc2'] = jax.random.normal(ks[11], (H, 1), dtype=jnp.float32) / np.sqrt(H)
    inp['bc2'] = jnp.zeros((1,), dtype=jnp.float32)
    return inp


def _gcn_conv(h, W, b, src, dst, n_nodes):
    # GCNConv with added self-loops and symmetric normalization
    x = h @ W
    deg = jnp.zeros((n_nodes,), dtype=jnp.float32).at[dst].add(1.0) + 1.0
    norm = jax.lax.rsqrt(deg)
    coeff = (norm[src] * norm[dst])[:, None]
    msg = jnp.take(x, src, axis=0) * coeff
    agg = jnp.zeros_like(x).at[dst].add(msg)
    agg = agg + x * (norm * norm)[:, None]
    return agg + b


def reference(kind_ids, other_feats, edge_index, cand_u, cand_v, kind_table,
              W0, b0, W1, b1, W2, b2, Wg, bg, Wc1, bc1, Wc2, bc2):
    src = edge_index[0]
    dst = edge_index[1]
    # encode_graph
    kind_emb = jnp.take(kind_table, kind_ids, axis=0)           # [N, KD] embedding lookup
    x = jnp.concatenate([kind_emb, other_feats], axis=1)        # [N, KD+5]
    h = jax.nn.relu(_gcn_conv(x, W0, b0, src, dst, N))
    h = jax.nn.relu(_gcn_conv(h, W1, b1, src, dst, N))
    h = jax.nn.relu(_gcn_conv(h, W2, b2, src, dst, N))
    global_emb = jnp.mean(h, axis=0)
    global_emb = global_emb @ Wg + bg                            # [H]
    # score CNOT candidates
    u_emb = jnp.take(h, cand_u, axis=0)                          # [C, H]
    v_emb = jnp.take(h, cand_v, axis=0)                          # [C, H]
    g = jnp.broadcast_to(global_emb[None, :], (cand_u.shape[0], H))
    feat = jnp.concatenate([u_emb, v_emb, g], axis=1)            # [C, 3H]
    hid = jax.nn.relu(feat @ Wc1 + bc1)
    logits = (hid @ Wc2 + bc2)[:, 0]                             # [C]
    return logits

if __name__ == "__main__":
    import jax
    _d = setup_inputs()
    print(jax.jit(kernel)(*tuple(_d.values())))

</pallas_src>

<mosaic_0001>
#map = affine_map<(d0, d1) -> (0)>
#map1 = affine_map<(d0, d1) -> (0, 0)>
module attributes {stable_mosaic.version = 14 : i64} {
  func.func @_deg_kernel(%arg0: i32, %arg1: i32, %arg2: memref<1605632xi32, #tpu.memory_space<hbm>>, %arg3: memref<32x65536xf32, #tpu.memory_space<hbm>>, %arg4: memref<65536xf32, #tpu.memory_space<vmem>>, %arg5: memref<448xi32, #tpu.memory_space<vmem>>, %arg6: memref<448xi32, #tpu.memory_space<vmem>>, %arg7: memref<!tpu.dma_semaphore, #tpu.memory_space<semaphore_mem>>, %arg8: memref<!tpu.dma_semaphore, #tpu.memory_space<semaphore_mem>>) attributes {dimension_semantics = [#tpu.dimension_semantics<core_parallel>, #tpu.dimension_semantics<subcore_parallel>], iteration_bounds = array<i64: 2, 16>, scalar_prefetch = 0 : i64, scratch_operands = 5 : i64, tpu.core_type = #tpu.core_type<sc_vector_subcore>, window_params = [{transform_indices = #map}, {transform_indices = #map1}]} {
    %scan3A = arith.constant 0 : i32
    %scan3A_0 = arith.constant 0 : i32
    %scan3A_1 = arith.constant 4096 : i32
    %scan3A_2 = arith.addi %scan3A_0, %scan3A_1 : i32
    %scan3A_3 = arith.constant 1 : i32
    %scan3A_4 = scf.for %scan3A_22 = %scan3A_0 to %scan3A_2 step %scan3A_3 iter_args(%scan3A_23 = %scan3A) -> (i32)  : i32 {
      %broadcast_in_dim3A_24 = arith.constant 0.000000e+00 : f32
      %broadcast_in_dim3A_25 = vector.broadcast %broadcast_in_dim3A_24 : f32 to vector<16xf32>
      %mul3A_26 = arith.constant 16 : i32
      %mul3A_27 = arith.muli %scan3A_22, %mul3A_26 : i32
      %swap3A = arith.index_cast %mul3A_27 : i32 to index
      %swap3A_28 = tpu.vector_load %arg4[%swap3A] {strides = array<i32>} : memref<65536xf32, #tpu.memory_space<vmem>>, vector<16xf32>,
      tpu.vector_store %arg4[%swap3A], %broadcast_in_dim3A_25 {strides = array<i32>} : memref<65536xf32, #tpu.memory_space<vmem>>, vector<16xf32>,
      %scan3A_29 = arith.constant 0 : i32
      scf.yield %scan3A_29 : i32
    }
    %scan3A_5 = arith.constant 4096 : i32
    %mul3A = arith.constant 2 : i32
    %mul3A_6 = arith.muli %arg1, %mul3A : i32
    %add3A = arith.addi %mul3A_6, %arg0 : i32
    %mul3A_7 = arith.constant 112 : i32
    %mul3A_8 = arith.muli %add3A, %mul3A_7 : i32
    %mul3A_9 = arith.constant 448 : i32
    %mul3A_10 = arith.muli %mul3A_8, %mul3A_9 : i32
    %broadcast_in_dim3A = arith.constant 1.000000e+00 : f32
    %broadcast_in_dim3A_11 = vector.broadcast %broadcast_in_dim3A : f32 to vector<16xf32>
    %add3A_12 = arith.constant 0 : i32
    %add3A_13 = arith.addi %mul3A_10, %add3A_12 : i32
    %dma_start3A = tpu.memref_slice %arg2[%add3A_13] : memref<1605632xi32, #tpu.memory_space<hbm>> -> memref<448xi32, #tpu.memory_space<hbm>>
    %dma_start3A_14 = tpu.memref_slice %arg2[%add3A_13] : memref<1605632xi32, #tpu.memory_space<hbm>> -> memref<448xi32, #tpu.memory_space<hbm>>
    tpu.enqueue_dma source(%dma_start3A_14 : memref<448xi32, #tpu.memory_space<hbm>>) target(%arg5 : memref<448xi32, #tpu.memory_space<vmem>>) target_semaphore(%arg7 : memref<!tpu.dma_semaphore, #tpu.memory_space<semaphore_mem>>)
    %scan3A_15 = arith.constant 0 : i32
    %scan3A_16 = arith.constant 0 : i32
    %scan3A_17 = arith.constant 56 : i32
    %scan3A_18 = arith.addi %scan3A_16, %scan3A_17 : i32
    %scan3A_19 = arith.constant 1 : i32
    %scan3A_20 = scf.for %scan3A_22 = %scan3A_16 to %scan3A_18 step %scan3A_19 iter_args(%scan3A_23 = %scan3A_15) -> (i32)  : i32 {
      %mul3A_24 = arith.constant 2 : i32
      %mul3A_25 = arith.muli %scan3A_22, %mul3A_24 : i32
      %add3A_26 = arith.constant 0 : i32
      %add3A_27 = arith.addi %mul3A_25, %add3A_26 : i32
      %add3A_28 = arith.constant 1 : i32
      %add3A_29 = arith.addi %add3A_27, %add3A_28 : i32
      %mul3A_30 = arith.constant 448 : i32
      %mul3A_31 = arith.muli %add3A_29, %mul3A_30 : i32
      %add3A_32 = arith.addi %mul3A_10, %mul3A_31 : i32
      %dma_start3A_33 = tpu.memref_slice %arg2[%add3A_32] : memref<1605632xi32, #tpu.memory_space<hbm>> -> memref<448xi32, #tpu.memory_space<hbm>>
      %dma_start3A_34 = tpu.memref_slice %arg2[%add3A_32] : memref<1605632xi32, #tpu.memory_space<hbm>> -> memref<448xi32, #tpu.memory_space<hbm>>
      tpu.enqueue_dma source(%dma_start3A_34 : memref<448xi32, #tpu.memory_space<hbm>>) target(%arg6 : memref<448xi32, #tpu.memory_space<vmem>>) target_semaphore(%arg8 : memref<!tpu.dma_semaphore, #tpu.memory_space<semaphore_mem>>)
      %dma_wait3A = arith.constant 0 : i32
      %dma_wait3A_35 = tpu.memref_slice %arg2[%dma_wait3A] : memref<1605632xi32, #tpu.memory_space<hbm>> -> memref<448xi32, #tpu.memory_space<hbm>>
      %dma_wait3A_36 = arith.constant 0 : i32
      %dma_wait3A_37 = tpu.memref_slice %arg2[%dma_wait3A_36] : memref<1605632xi32, #tpu.memory_space<hbm>> -> memref<448xi32, #tpu.memory_space<hbm>>
      tpu.wait_dma2 semaphore(%arg7 : memref<!tpu.dma_semaphore, #tpu.memory_space<semaphore_mem>>) src(%dma_wait3A_37 : memref<448xi32, #tpu.memory_space<hbm>>) dst(%arg5 : memref<448xi32, #tpu.memory_space<vmem>>)
      %get3A = arith.constant 112 : index
      %get3A_38 = tpu.vector_load %arg5[%get3A] {strides = array<i32>} : memref<448xi32, #tpu.memory_space<vmem>>, vector<16xi32>,
      tpu.vector_store_idx %arg4[%get3A_38], %broadcast_in_dim3A_11 {add = true} : memref<65536xf32, #tpu.memory_space<vmem>>[vector<16xi32>], vector<16xf32>,
      %get3A_39 = arith.constant 128 : index
      %get3A_40 = tpu.vector_load %arg5[%get3A_39] {strides = array<i32>} : memref<448xi32, #tpu.memory_space<vmem>>, vector<16xi32>,
      tpu.vector_store_idx %arg4[%get3A_40], %broadcast_in_dim3A_11 {add = true} : memref<65536xf32, #tpu.memory_space<vmem>>[vector<16xi32>], vector<16xf32>,
      %get3A_41 = arith.constant 144 : index
      %get3A_42 = tpu.vector_load %arg5[%get3A_41] {strides = array<i32>} : memref<448xi32, #tpu.memory_space<vmem>>, vector<16xi32>,
      tpu.vector_store_idx %arg4[%get3A_42], %broadcast_in_dim3A_11 {add = true} : memref<65536xf32, #tpu.memory_space<vmem>>[vector<16xi32>], vector<16xf32>,
      %get3A_43 = arith.constant 160 : index
      %get3A_44 = tpu.vector_load %arg5[%get3A_43] {strides = array<i32>} : memref<448xi32, #tpu.memory_space<vmem>>, vector<16xi32>,
      tpu.vector_store_idx %arg4[%get3A_44], %broadcast_in_dim3A_11 {add = true} : memref<65536xf32, #tpu.memory_space<vmem>>[vector<16xi32>], vector<16xf32>,
      %get3A_45 = arith.constant 176 : index
      %get3A_46 = tpu.vector_load %arg5[%get3A_45] {strides = array<i32>} : memref<448xi32, #tpu.memory_space<vmem>>, vector<16xi32>,
      tpu.vector_store_idx %arg4[%get3A_46], %broadcast_in_dim3A_11 {add = true} : memref<65536xf32, #tpu.memory_space<vmem>>[vector<16xi32>], vector<16xf32>,
      %get3A_47 = arith.constant 192 : index
      %get3A_48 = tpu.vector_load %arg5[%get3A_47] {strides = array<i32>} : memref<448xi32, #tpu.memory_space<vmem>>, vector<16xi32>,
      tpu.vector_store_idx %arg4[%get3A_48], %broadcast_in_dim3A_11 {add = true} : memref<65536xf32, #tpu.memory_space<vmem>>[vector<16xi32>], vector<16xf32>,
      %get3A_49 = arith.constant 208 : index
      %get3A_50 = tpu.vector_load %arg5[%get3A_49] {strides = array<i32>} : memref<448xi32, #tpu.memory_space<vmem>>, vector<16xi32>,
      tpu.vector_store_idx %arg4[%get3A_50], %broadcast_in_dim3A_11 {add = true} : memref<65536xf32, #tpu.memory_space<vmem>>[vector<16xi32>], vector<16xf32>,
      %get3A_51 = arith.constant 336 : index
      %get3A_52 = tpu.vector_load %arg5[%get3A_51] {strides = array<i32>} : memref<448xi32, #tpu.memory_space<vmem>>, vector<16xi32>,
      tpu.vector_store_idx %arg4[%get3A_52], %broadcast_in_dim3A_11 {add = true} : memref<65536xf32, #tpu.memory_space<vmem>>[vector<16xi32>], vector<16xf32>,
      %get3A_53 = arith.constant 352 : index
      %get3A_54 = tpu.vector_load %arg5[%get3A_53] {strides = array<i32>} : memref<448xi32, #tpu.memory_space<vmem>>, vector<16xi32>,
      tpu.vector_store_idx %arg4[%get3A_54], %broadcast_in_dim3A_11 {add = true} : memref<65536xf32, #tpu.memory_space<vmem>>[vector<16xi32>], vector<16xf32>,
      %get3A_55 = arith.constant 368 : index
      %get3A_56 = tpu.vector_load %arg5[%get3A_55] {strides = array<i32>} : memref<448xi32, #tpu.memory_space<vmem>>, vector<16xi32>,
      tpu.vector_store_idx %arg4[%get3A_56], %broadcast_in_dim3A_11 {add = true} : memref<65536xf32, #tpu.memory_space<vmem>>[vector<16xi32>], vector<16xf32>,
      %get3A_57 = arith.constant 384 : index
      %get3A_58 = tpu.vector_load %arg5[%get3A_57] {strides = array<i32>} : memref<448xi32, #tpu.memory_space<vmem>>, vector<16xi32>,
      tpu.vector_store_idx %arg4[%get3A_58], %broadcast_in_dim3A_11 {add = true} : memref<65536xf32, #tpu.memory_space<vmem>>[vector<16xi32>], vector<16xf32>,
      %get3A_59 = arith.constant 400 : index
      %get3A_60 = tpu.vector_load %arg5[%get3A_59] {strides = array<i32>} : memref<448xi32, #tpu.memory_space<vmem>>, vector<16xi32>,
      tpu.vector_store_idx %arg4[%get3A_60], %broadcast_in_dim3A_11 {add = true} : memref<65536xf32, #tpu.memory_space<vmem>>[vector<16xi32>], vector<16xf32>,
      %get3A_61 = arith.constant 416 : index
      %get3A_62 = tpu.vector_load %arg5[%get3A_61] {strides = array<i32>} : memref<448xi32, #tpu.memory_space<vmem>>, vector<16xi32>,
      tpu.vector_store_idx %arg4[%get3A_62], %broadcast_in_dim3A_11 {add = true} : memref<65536xf32, #tpu.memory_space<vmem>>[vector<16xi32>], vector<16xf32>,
      %get3A_63 = arith.constant 432 : index
      %get3A_64 = tpu.vector_load %arg5[%get3A_63] {strides = array<i32>} : memref<448xi32, #tpu.memory_space<vmem>>, vector<16xi32>,
      tpu.vector_store_idx %arg4[%get3A_64], %broadcast_in_dim3A_11 {add = true} : memref<65536xf32, #tpu.memory_space<vmem>>[vector<16xi32>], vector<16xf32>,
      %mul3A_65 = arith.constant 2 : i32
      %mul3A_66 = arith.muli %scan3A_22, %mul3A_65 : i32
      %add3A_67 = arith.constant 1 : i32
      %add3A_68 = arith.addi %mul3A_66, %add3A_67 : i32
      %lt3A = arith.constant 55 : i32
      %lt3A_69 = arith.cmpi slt, %scan3A_22, %lt3A : i32
      %convert_element_type3A = arith.extui %lt3A_69 : i1 to i32
      %cond3A = arith.constant 0 : i32
      %cond3A_70 = arith.cmpi ne, %convert_element_type3A, %cond3A : i32
      scf.if %cond3A_70 {
        %add3A_104 = arith.constant 1 : i32
        %add3A_105 = arith.addi %add3A_68, %add3A_104 : i32
        %mul3A_106 = arith.constant 448 : i32
        %mul3A_107 = arith.muli %add3A_105, %mul3A_106 : i32
        %add3A_108 = arith.addi %mul3A_10, %mul3A_107 : i32
        %dma_start3A_109 = tpu.memref_slice %arg2[%add3A_108] : memref<1605632xi32, #tpu.memory_space<hbm>> -> memref<448xi32, #tpu.memory_space<hbm>>
        %dma_start3A_110 = tpu.memref_slice %arg2[%add3A_108] : memref<1605632xi32, #tpu.memory_space<hbm>> -> memref<448xi32, #tpu.memory_space<hbm>>
        tpu.enqueue_dma source(%dma_start3A_110 : memref<448xi32, #tpu.memory_space<hbm>>) target(%arg5 : memref<448xi32, #tpu.memory_space<vmem>>) target_semaphore(%arg7 : memref<!tpu.dma_semaphore, #tpu.memory_space<semaphore_mem>>)
      } else {
      }
      %dma_wait3A_71 = arith.constant 0 : i32
      %dma_wait3A_72 = tpu.memref_slice %arg2[%dma_wait3A_71] : memref<1605632xi32, #tpu.memory_space<hbm>> -> memref<448xi32, #tpu.memory_space<hbm>>
      %dma_wait3A_73 = arith.constant 0 : i32
      %dma_wait3A_74 = tpu.memref_slice %arg2[%dma_wait3A_73] : memref<1605632xi32, #tpu.memory_space<hbm>> -> memref<448xi32, #tpu.memory_space<hbm>>
      tpu.wait_dma2 semaphore(%arg8 : memref<!tpu.dma_semaphore, #tpu.memory_space<semaphore_mem>>) src(%dma_wait3A_74 : memref<448xi32, #tpu.memory_space<hbm>>) dst(%arg6 : memref<448xi32, #tpu.memory_space<vmem>>)
      %get3A_75 = arith.constant 112 : index
      %get3A_76 = tpu.vector_load %arg6[%get3A_75] {strides = array<i32>} : memref<448xi32, #tpu.memory_space<vmem>>, vector<16xi32>,
      tpu.vector_store_idx %arg4[%get3A_76], %broadcast_in_dim3A_11 {add = true} : memref<65536xf32, #tpu.memory_space<vmem>>[vector<16xi32>], vector<16xf32>,
      %get3A_77 = arith.constant 128 : index
      %get3A_78 = tpu.vector_load %arg6[%get3A_77] {strides = array<i32>} : memref<448xi32, #tpu.memory_space<vmem>>, vector<16xi32>,
      tpu.vector_store_idx %arg4[%get3A_78], %broadcast_in_dim3A_11 {add = true} : memref<65536xf32, #tpu.memory_space<vmem>>[vector<16xi32>], vector<16xf32>,
      %get3A_79 = arith.constant 144 : index
      %get3A_80 = tpu.vector_load %arg6[%get3A_79] {strides = array<i32>} : memref<448xi32, #tpu.memory_space<vmem>>, vector<16xi32>,
      tpu.vector_store_idx %arg4[%get3A_80], %broadcast_in_dim3A_11 {add = true} : memref<65536xf32, #tpu.memory_space<vmem>>[vector<16xi32>], vector<16xf32>,
      %get3A_81 = arith.constant 160 : index
      %get3A_82 = tpu.vector_load %arg6[%get3A_81] {strides = array<i32>} : memref<448xi32, #tpu.memory_space<vmem>>, vector<16xi32>,
      tpu.vector_store_idx %arg4[%get3A_82], %broadcast_in_dim3A_11 {add = true} : memref<65536xf32, #tpu.memory_space<vmem>>[vector<16xi32>], vector<16xf32>,
      %get3A_83 = arith.constant 176 : index
      %get3A_84 = tpu.vector_load %arg6[%get3A_83] {strides = array<i32>} : memref<448xi32, #tpu.memory_space<vmem>>, vector<16xi32>,
      tpu.vector_store_idx %arg4[%get3A_84], %broadcast_in_dim3A_11 {add = true} : memref<65536xf32, #tpu.memory_space<vmem>>[vector<16xi32>], vector<16xf32>,
      %get3A_85 = arith.constant 192 : index
      %get3A_86 = tpu.vector_load %arg6[%get3A_85] {strides = array<i32>} : memref<448xi32, #tpu.memory_space<vmem>>, vector<16xi32>,
      tpu.vector_store_idx %arg4[%get3A_86], %broadcast_in_dim3A_11 {add = true} : memref<65536xf32, #tpu.memory_space<vmem>>[vector<16xi32>], vector<16xf32>,
      %get3A_87 = arith.constant 208 : index
      %get3A_88 = tpu.vector_load %arg6[%get3A_87] {strides = array<i32>} : memref<448xi32, #tpu.memory_space<vmem>>, vector<16xi32>,
      tpu.vector_store_idx %arg4[%get3A_88], %broadcast_in_dim3A_11 {add = true} : memref<65536xf32, #tpu.memory_space<vmem>>[vector<16xi32>], vector<16xf32>,
      %get3A_89 = arith.constant 336 : index
      %get3A_90 = tpu.vector_load %arg6[%get3A_89] {strides = array<i32>} : memref<448xi32, #tpu.memory_space<vmem>>, vector<16xi32>,
      tpu.vector_store_idx %arg4[%get3A_90], %broadcast_in_dim3A_11 {add = true} : memref<65536xf32, #tpu.memory_space<vmem>>[vector<16xi32>], vector<16xf32>,
      %get3A_91 = arith.constant 352 : index
      %get3A_92 = tpu.vector_load %arg6[%get3A_91] {strides = array<i32>} : memref<448xi32, #tpu.memory_space<vmem>>, vector<16xi32>,
      tpu.vector_store_idx %arg4[%get3A_92], %broadcast_in_dim3A_11 {add = true} : memref<65536xf32, #tpu.memory_space<vmem>>[vector<16xi32>], vector<16xf32>,
      %get3A_93 = arith.constant 368 : index
      %get3A_94 = tpu.vector_load %arg6[%get3A_93] {strides = array<i32>} : memref<448xi32, #tpu.memory_space<vmem>>, vector<16xi32>,
      tpu.vector_store_idx %arg4[%get3A_94], %broadcast_in_dim3A_11 {add = true} : memref<65536xf32, #tpu.memory_space<vmem>>[vector<16xi32>], vector<16xf32>,
      %get3A_95 = arith.constant 384 : index
      %get3A_96 = tpu.vector_load %arg6[%get3A_95] {strides = array<i32>} : memref<448xi32, #tpu.memory_space<vmem>>, vector<16xi32>,
      tpu.vector_store_idx %arg4[%get3A_96], %broadcast_in_dim3A_11 {add = true} : memref<65536xf32, #tpu.memory_space<vmem>>[vector<16xi32>], vector<16xf32>,
      %get3A_97 = arith.constant 400 : index
      %get3A_98 = tpu.vector_load %arg6[%get3A_97] {strides = array<i32>} : memref<448xi32, #tpu.memory_space<vmem>>, vector<16xi32>,
      tpu.vector_store_idx %arg4[%get3A_98], %broadcast_in_dim3A_11 {add = true} : memref<65536xf32, #tpu.memory_space<vmem>>[vector<16xi32>], vector<16xf32>,
      %get3A_99 = arith.constant 416 : index
      %get3A_100 = tpu.vector_load %arg6[%get3A_99] {strides = array<i32>} : memref<448xi32, #tpu.memory_space<vmem>>, vector<16xi32>,
      tpu.vector_store_idx %arg4[%get3A_100], %broadcast_in_dim3A_11 {add = true} : memref<65536xf32, #tpu.memory_space<vmem>>[vector<16xi32>], vector<16xf32>,
      %get3A_101 = arith.constant 432 : index
      %get3A_102 = tpu.vector_load %arg6[%get3A_101] {strides = array<i32>} : memref<448xi32, #tpu.memory_space<vmem>>, vector<16xi32>,
      tpu.vector_store_idx %arg4[%get3A_102], %broadcast_in_dim3A_11 {add = true} : memref<65536xf32, #tpu.memory_space<vmem>>[vector<16xi32>], vector<16xf32>,
      %scan3A_103 = arith.constant 0 : i32
      scf.yield %scan3A_103 : i32
    }
    %scan3A_21 = arith.constant 56 : i32
    "tpu.region"() ({
      %run_scoped3A = tpu.sem_alloc : memref<!tpu.dma_semaphore, #tpu.memory_space<semaphore_mem>>
      %dma_start3A_22 = arith.constant 0 : i32
      %dma_start3A_23 = tpu.memref_slice %arg3[%add3A, %dma_start3A_22] : memref<32x65536xf32, #tpu.memory_space<hbm>> -> memref<1x65536xf32, #tpu.memory_space<hbm>>
      %dma_start3A_24 = tpu.memref_squeeze %dma_start3A_23 : memref<1x65536xf32, #tpu.memory_space<hbm>> -> memref<65536xf32, #tpu.memory_space<hbm>>
      %dma_start3A_25 = arith.constant 0 : i32
      %dma_start3A_26 = tpu.memref_slice %arg3[%add3A, %dma_start3A_25] : memref<32x65536xf32, #tpu.memory_space<hbm>> -> memref<1x65536xf32, #tpu.memory_space<hbm>>
      %dma_start3A_27 = tpu.memref_squeeze %dma_start3A_26 : memref<1x65536xf32, #tpu.memory_space<hbm>> -> memref<65536xf32, #tpu.memory_space<hbm>>
      tpu.enqueue_dma source(%arg4 : memref<65536xf32, #tpu.memory_space<vmem>>) target(%dma_start3A_27 : memref<65536xf32, #tpu.memory_space<hbm>>) target_semaphore(%run_scoped3A : memref<!tpu.dma_semaphore, #tpu.memory_space<semaphore_mem>>)
      %dma_wait3A = arith.constant 0 : i32
      %dma_wait3A_28 = tpu.memref_slice %arg3[%add3A, %dma_wait3A] : memref<32x65536xf32, #tpu.memory_space<hbm>> -> memref<1x65536xf32, #tpu.memory_space<hbm>>
      %dma_wait3A_29 = tpu.memref_squeeze %dma_wait3A_28 : memref<1x65536xf32, #tpu.memory_space<hbm>> -> memref<65536xf32, #tpu.memory_space<hbm>>
      %dma_wait3A_30 = arith.constant 0 : i32
      %dma_wait3A_31 = tpu.memref_slice %arg3[%add3A, %dma_wait3A_30] : memref<32x65536xf32, #tpu.memory_space<hbm>> -> memref<1x65536xf32, #tpu.memory_space<hbm>>
      %dma_wait3A_32 = tpu.memref_squeeze %dma_wait3A_31 : memref<1x65536xf32, #tpu.memory_space<hbm>> -> memref<65536xf32, #tpu.memory_space<hbm>>
      tpu.wait_dma2 semaphore(%run_scoped3A : memref<!tpu.dma_semaphore, #tpu.memory_space<semaphore_mem>>) src(%arg4 : memref<65536xf32, #tpu.memory_space<vmem>>) dst(%dma_wait3A_32 : memref<65536xf32, #tpu.memory_space<hbm>>)
      tpu.yield
    }) : () -> ()
    return
  }
}

#map = affine_map<(d0, d1) -> (0, 0)>
#map1 = affine_map<(d0, d1) -> (0, 0, 0)>
module attributes {stable_mosaic.version = 14 : i64} {
  func.func @_edge_kernel(%arg0: i32, %arg1: i32, %arg2: memref<50176x64xf32, #tpu.memory_space<hbm>>, %arg3: memref<7168x2x112xi32, #tpu.memory_space<hbm>>, %arg4: memref<50176x64xf32, #tpu.memory_space<hbm>>, %arg5: memref<25009x64xf32, #tpu.memory_space<vmem_shared>>, %arg6: memref<2x2x112xi32, #tpu.memory_space<vmem>>, %arg7: memref<2x2x112xi32, #tpu.memory_space<vmem>>, %arg8: memref<2x112xi32, #tpu.memory_space<vmem>>, %arg9: memref<2x112xi32, #tpu.memory_space<vmem>>, %arg10: memref<224x64xf32, #tpu.memory_space<vmem>>, %arg11: memref<224x64xf32, #tpu.memory_space<vmem>>, %arg12: memref<!tpu.dma_semaphore, #tpu.memory_space<semaphore_mem>>, %arg13: memref<!tpu.dma_semaphore, #tpu.memory_space<semaphore_mem>>, %arg14: memref<!tpu.dma_semaphore, #tpu.memory_space<semaphore_mem>>, %arg15: memref<!tpu.dma_semaphore, #tpu.memory_space<semaphore_mem>>, %arg16: memref<!tpu.dma_semaphore, #tpu.memory_space<semaphore_mem>>, %arg17: memref<!tpu.dma_semaphore, #tpu.memory_space<semaphore_mem>>) attributes {dimension_semantics = [#tpu.dimension_semantics<core_parallel>, #tpu.dimension_semantics<subcore_parallel>], iteration_bounds = array<i64: 2, 16>, scalar_prefetch = 0 : i64, scratch_operands = 13 : i64, tpu.core_type = #tpu.core_type<sc_vector_subcore>, window_params = [{transform_indices = #map}, {transform_indices = #map1}, {transform_indices = #map}]} {
    %mul3A = arith.constant 25008 : i32
    %mul3A_0 = arith.muli %arg0, %mul3A : i32
    %scan3A = arith.constant 0 : i32
    %scan3A_1 = arith.constant 0 : i32
    %scan3A_2 = arith.constant 128 : i32
    %scan3A_3 = arith.addi %scan3A_1, %scan3A_2 : i32
    %scan3A_4 = arith.constant 1 : i32
    %scan3A_5 = scf.for %scan3A_78 = %scan3A_1 to %scan3A_3 step %scan3A_4 iter_args(%scan3A_79 = %scan3A) -> (i32)  : i32 {
      %broadcast_in_dim3A = arith.constant 0.000000e+00 : f32
      %broadcast_in_dim3A_80 = vector.broadcast %broadcast_in_dim3A : f32 to vector<16xf32>
      %swap3A = arith.index_cast %scan3A_78 : i32 to index
      %swap3A_81 = arith.constant 0 : index
      %swap3A_82 = tpu.vector_load %arg10[%swap3A, %swap3A_81] {strides = array<i32>} : memref<224x64xf32, #tpu.memory_space<vmem>>, vector<1x16xf32>,
      %swap3A_83 = vector.shape_cast %swap3A_82 : vector<1x16xf32> to vector<16xf32>
      %swap3A_84 = vector.shape_cast %broadcast_in_dim3A_80 : vector<16xf32> to vector<1x16xf32>
      tpu.vector_store %arg10[%swap3A, %swap3A_81], %swap3A_84 {strides = array<i32>} : memref<224x64xf32, #tpu.memory_space<vmem>>, vector<1x16xf32>,
      %broadcast_in_dim3A_85 = arith.constant 0.000000e+00 : f32
      %broadcast_in_dim3A_86 = vector.broadcast %broadcast_in_dim3A_85 : f32 to vector<16xf32>
      %swap3A_87 = arith.index_cast %scan3A_78 : i32 to index
      %swap3A_88 = arith.constant 16 : index
      %swap3A_89 = tpu.vector_load %arg10[%swap3A_87, %swap3A_88] {strides = array<i32>} : memref<224x64xf32, #tpu.memory_space<vmem>>, vector<1x16xf32>,
      %swap3A_90 = vector.shape_cast %swap3A_89 : vector<1x16xf32> to vector<16xf32>
      %swap3A_91 = vector.shape_cast %broadcast_in_dim3A_86 : vector<16xf32> to vector<1x16xf32>
      tpu.vector_store %arg10[%swap3A_87, %swap3A_88], %swap3A_91 {strides = array<i32>} : memref<224x64xf32, #tpu.memory_space<vmem>>, vector<1x16xf32>,
      %broadcast_in_dim3A_92 = arith.constant 0.000000e+00 : f32
      %broadcast_in_dim3A_93 = vector.broadcast %broadcast_in_dim3A_92 : f32 to vector<16xf32>
      %swap3A_94 = arith.index_cast %scan3A_78 : i32 to index
      %swap3A_95 = arith.constant 32 : index
      %swap3A_96 = tpu.vector_load %arg10[%swap3A_94, %swap3A_95] {strides = array<i32>} : memref<224x64xf32, #tpu.memory_space<vmem>>, vector<1x16xf32>,
      %swap3A_97 = vector.shape_cast %swap3A_96 : vector<1x16xf32> to vector<16xf32>
      %swap3A_98 = vector.shape_cast %broadcast_in_dim3A_93 : vector<16xf32> to vector<1x16xf32>
      tpu.vector_store %arg10[%swap3A_94, %swap3A_95], %swap3A_98 {strides = array<i32>} : memref<224x64xf32, #tpu.memory_space<vmem>>, vector<1x16xf32>,
      %broadcast_in_dim3A_99 = arith.constant 0.000000e+00 : f32
      %broadcast_in_dim3A_100 = vector.broadcast %broadcast_in_dim3A_99 : f32 to vector<16xf32>
      %swap3A_101 = arith.index_cast %scan3A_78 : i32 to index
      %swap3A_102 = arith.constant 48 : index
      %swap3A_103 = tpu.vector_load %arg10[%swap3A_101, %swap3A_102] {strides = array<i32>} : memref<224x64xf32, #tpu.memory_space<vmem>>, vector<1x16xf32>,
      %swap3A_104 = vector.shape_cast %swap3A_103 : vector<1x16xf32> to vector<16xf32>
      %swap3A_105 = vector.shape_cast %broadcast_in_dim3A_100 : vector<16xf32> to vector<1x16xf32>
      tpu.vector_store %arg10[%swap3A_101, %swap3A_102], %swap3A_105 {strides = array<i32>} : memref<224x64xf32, #tpu.memory_space<vmem>>, vector<1x16xf32>,
      %scan3A_106 = arith.constant 0 : i32
      scf.yield %scan3A_106 : i32
    }
    %scan3A_6 = arith.constant 128 : i32
    %scan3A_7 = arith.constant 0 : i32
    %scan3A_8 = arith.constant 0 : i32
    %scan3A_9 = arith.constant 12 : i32
    %scan3A_10 = arith.addi %scan3A_8, %scan3A_9 : i32
    %scan3A_11 = arith.constant 1 : i32
    %scan3A_12 = scf.for %scan3A_78 = %scan3A_8 to %scan3A_10 step %scan3A_11 iter_args(%scan3A_79 = %scan3A_7) -> (i32)  : i32 {
      %mul3A_80 = arith.constant 1563 : i32
      %mul3A_81 = arith.muli %arg1, %mul3A_80 : i32
      %mul3A_82 = arith.constant 128 : i32
      %mul3A_83 = arith.muli %scan3A_78, %mul3A_82 : i32
      %add3A_84 = arith.addi %mul3A_81, %mul3A_83 : i32
      "tpu.region"() ({
        %run_scoped3A = tpu.sem_alloc : memref<!tpu.dma_semaphore, #tpu.memory_space<semaphore_mem>>
        %dma_start3A_86 = arith.constant 0 : i32
        %dma_start3A_87 = arith.constant 0 : i32
        %dma_start3A_88 = tpu.memref_slice %arg10[%dma_start3A_86, %dma_start3A_87] : memref<224x64xf32, #tpu.memory_space<vmem>> -> memref<128x64xf32, #tpu.memory_space<vmem>>
        %dma_start3A_89 = arith.constant 0 : i32
        %dma_start3A_90 = tpu.memref_slice %arg5[%add3A_84, %dma_start3A_89] : memref<25009x64xf32, #tpu.memory_space<vmem_shared>> -> memref<128x64xf32, #tpu.memory_space<vmem_shared>>
        %dma_start3A_91 = arith.constant 0 : i32
        %dma_start3A_92 = tpu.memref_slice %arg5[%add3A_84, %dma_start3A_91] : memref<25009x64xf32, #tpu.memory_space<vmem_shared>> -> memref<128x64xf32, #tpu.memory_space<vmem_shared>>
        %dma_start3A_93 = arith.constant 0 : i32
        %dma_start3A_94 = arith.constant 0 : i32
        %dma_start3A_95 = tpu.memref_slice %arg10[%dma_start3A_93, %dma_start3A_94] : memref<224x64xf32, #tpu.memory_space<vmem>> -> memref<128x64xf32, #tpu.memory_space<vmem>>
        tpu.enqueue_dma source(%dma_start3A_95 : memref<128x64xf32, #tpu.memory_space<vmem>>) target(%dma_start3A_92 : memref<128x64xf32, #tpu.memory_space<vmem_shared>>) target_semaphore(%run_scoped3A : memref<!tpu.dma_semaphore, #tpu.memory_space<semaphore_mem>>)
        %dma_wait3A_96 = arith.constant 0 : i32
        %dma_wait3A_97 = arith.constant 0 : i32
        %dma_wait3A_98 = tpu.memref_slice %arg10[%dma_wait3A_96, %dma_wait3A_97] : memref<224x64xf32, #tpu.memory_space<vmem>> -> memref<128x64xf32, #tpu.memory_space<vmem>>
        %dma_wait3A_99 = arith.constant 0 : i32
        %dma_wait3A_100 = tpu.memref_slice %arg5[%add3A_84, %dma_wait3A_99] : memref<25009x64xf32, #tpu.memory_space<vmem_shared>> -> memref<128x64xf32, #tpu.memory_space<vmem_shared>>
        %dma_wait3A_101 = arith.constant 0 : i32
        %dma_wait3A_102 = tpu.memref_slice %arg5[%add3A_84, %dma_wait3A_101] : memref<25009x64xf32, #tpu.memory_space<vmem_shared>> -> memref<128x64xf32, #tpu.memory_space<vmem_shared>>
        %dma_wait3A_103 = arith.constant 0 : i32
        %dma_wait3A_104 = arith.constant 0 : i32
        %dma_wait3A_105 = tpu.memref_slice %arg10[%dma_wait3A_103, %dma_wait3A_104] : memref<224x64xf32, #tpu.memory_space<vmem>> -> memref<128x64xf32, #tpu.memory_space<vmem>>
        tpu.wait_dma2 semaphore(%run_scoped3A : memref<!tpu.dma_semaphore, #tpu.memory_space<semaphore_mem>>) src(%dma_wait3A_105 : memref<128x64xf32, #tpu.memory_space<vmem>>) dst(%dma_wait3A_102 : memref<128x64xf32, #tpu.memory_space<vmem_shared>>)
        tpu.yield
      }) : () -> ()
      %scan3A_85 = arith.constant 0 : i32
      scf.yield %scan3A_85 : i32
    }
    %scan3A_13 = arith.constant 12 : i32
    %mul3A_14 = arith.constant 1563 : i32
    %mul3A_15 = arith.muli %arg1, %mul3A_14 : i32
    %add3A = arith.constant 1536 : i32
    %add3A_16 = arith.addi %mul3A_15, %add3A : i32
    "tpu.region"() ({
      %run_scoped3A = tpu.sem_alloc : memref<!tpu.dma_semaphore, #tpu.memory_space<semaphore_mem>>
      %dma_start3A_78 = arith.constant 0 : i32
      %dma_start3A_79 = arith.constant 0 : i32
      %dma_start3A_80 = tpu.memref_slice %arg10[%dma_start3A_78, %dma_start3A_79] : memref<224x64xf32, #tpu.memory_space<vmem>> -> memref<128x64xf32, #tpu.memory_space<vmem>>
      %dma_start3A_81 = arith.constant 0 : i32
      %dma_start3A_82 = arith.constant 0 : i32
      %dma_start3A_83 = tpu.memref_slice %dma_start3A_80[%dma_start3A_81, %dma_start3A_82] : memref<128x64xf32, #tpu.memory_space<vmem>> -> memref<27x64xf32, #tpu.memory_space<vmem>>
      %dma_start3A_84 = arith.constant 0 : i32
      %dma_start3A_85 = tpu.memref_slice %arg5[%add3A_16, %dma_start3A_84] : memref<25009x64xf32, #tpu.memory_space<vmem_shared>> -> memref<27x64xf32, #tpu.memory_space<vmem_shared>>
      %dma_start3A_86 = arith.constant 0 : i32
      %dma_start3A_87 = tpu.memref_slice %arg5[%add3A_16, %dma_start3A_86] : memref<25009x64xf32, #tpu.memory_space<vmem_shared>> -> memref<27x64xf32, #tpu.memory_space<vmem_shared>>
      %dma_start3A_88 = arith.constant 0 : i32
      %dma_start3A_89 = arith.constant 0 : i32
      %dma_start3A_90 = tpu.memref_slice %arg10[%dma_start3A_88, %dma_start3A_89] : memref<224x64xf32, #tpu.memory_space<vmem>> -> memref<128x64xf32, #tpu.memory_space<vmem>>
      %dma_start3A_91 = arith.constant 0 : i32
      %dma_start3A_92 = arith.constant 0 : i32
      %dma_start3A_93 = tpu.memref_slice %dma_start3A_90[%dma_start3A_91, %dma_start3A_92] : memref<128x64xf32, #tpu.memory_space<vmem>> -> memref<27x64xf32, #tpu.memory_space<vmem>>
      tpu.enqueue_dma source(%dma_start3A_93 : memref<27x64xf32, #tpu.memory_space<vmem>>) target(%dma_start3A_87 : memref<27x64xf32, #tpu.memory_space<vmem_shared>>) target_semaphore(%run_scoped3A : memref<!tpu.dma_semaphore, #tpu.memory_space<semaphore_mem>>)
      %dma_wait3A_94 = arith.constant 0 : i32
      %dma_wait3A_95 = arith.constant 0 : i32
      %dma_wait3A_96 = tpu.memref_slice %arg10[%dma_wait3A_94, %dma_wait3A_95] : memref<224x64xf32, #tpu.memory_space<vmem>> -> memref<128x64xf32, #tpu.memory_space<vmem>>
      %dma_wait3A_97 = arith.constant 0 : i32
      %dma_wait3A_98 = arith.constant 0 : i32
      %dma_wait3A_99 = tpu.memref_slice %dma_wait3A_96[%dma_wait3A_97, %dma_wait3A_98] : memref<128x64xf32, #tpu.memory_space<vmem>> -> memref<27x64xf32, #tpu.memory_space<vmem>>
      %dma_wait3A_100 = arith.constant 0 : i32
      %dma_wait3A_101 = tpu.memref_slice %arg5[%add3A_16, %dma_wait3A_100] : memref<25009x64xf32, #tpu.memory_space<vmem_shared>> -> memref<27x64xf32, #tpu.memory_space<vmem_shared>>
      %dma_wait3A_102 = arith.constant 0 : i32
      %dma_wait3A_103 = tpu.memref_slice %arg5[%add3A_16, %dma_wait3A_102] : memref<25009x64xf32, #tpu.memory_space<vmem_shared>> -> memref<27x64xf32, #tpu.memory_space<vmem_shared>>
      %dma_wait3A_104 = arith.constant 0 : i32
      %dma_wait3A_105 = arith.constant 0 : i32
      %dma_wait3A_106 = tpu.memref_slice %arg10[%dma_wait3A_104, %dma_wait3A_105] : memref<224x64xf32, #tpu.memory_space<vmem>> -> memref<128x64xf32, #tpu.memory_space<vmem>>
      %dma_wait3A_107 = arith.constant 0 : i32
      %dma_wait3A_108 = arith.constant 0 : i32
      %dma_wait3A_109 = tpu.memref_slice %dma_wait3A_106[%dma_wait3A_107, %dma_wait3A_108] : memref<128x64xf32, #tpu.memory_space<vmem>> -> memref<27x64xf32, #tpu.memory_space<vmem>>
      tpu.wait_dma2 semaphore(%run_scoped3A : memref<!tpu.dma_semaphore, #tpu.memory_space<semaphore_mem>>) src(%dma_wait3A_109 : memref<27x64xf32, #tpu.memory_space<vmem>>) dst(%dma_wait3A_103 : memref<27x64xf32, #tpu.memory_space<vmem_shared>>)
      tpu.yield
    }) : () -> ()
    %eq3A = arith.constant 0 : i32
    %eq3A_17 = arith.cmpi eq, %arg1, %eq3A : i32
    %convert_element_type3A = arith.extui %eq3A_17 : i1 to i32
    %cond3A = arith.constant 0 : i32
    %cond3A_18 = arith.cmpi ne, %convert_element_type3A, %cond3A : i32
    scf.if %cond3A_18 {
      "tpu.region"() ({
        %run_scoped3A = tpu.sem_alloc : memref<!tpu.dma_semaphore, #tpu.memory_space<semaphore_mem>>
        %dma_start3A_78 = arith.constant 0 : i32
        %dma_start3A_79 = arith.constant 0 : i32
        %dma_start3A_80 = tpu.memref_slice %arg10[%dma_start3A_78, %dma_start3A_79] : memref<224x64xf32, #tpu.memory_space<vmem>> -> memref<128x64xf32, #tpu.memory_space<vmem>>
        %dma_start3A_81 = arith.constant 0 : i32
        %dma_start3A_82 = arith.constant 0 : i32
        %dma_start3A_83 = tpu.memref_slice %dma_start3A_80[%dma_start3A_81, %dma_start3A_82] : memref<128x64xf32, #tpu.memory_space<vmem>> -> memref<1x64xf32, #tpu.memory_space<vmem>>
        %dma_start3A_84 = arith.constant 25008 : i32
        %dma_start3A_85 = arith.constant 0 : i32
        %dma_start3A_86 = tpu.memref_slice %arg5[%dma_start3A_84, %dma_start3A_85] : memref<25009x64xf32, #tpu.memory_space<vmem_shared>> -> memref<1x64xf32, #tpu.memory_space<vmem_shared>>
        %dma_start3A_87 = arith.constant 25008 : i32
        %dma_start3A_88 = arith.constant 0 : i32
        %dma_start3A_89 = tpu.memref_slice %arg5[%dma_start3A_87, %dma_start3A_88] : memref<25009x64xf32, #tpu.memory_space<vmem_shared>> -> memref<1x64xf32, #tpu.memory_space<vmem_shared>>
        %dma_start3A_90 = arith.constant 0 : i32
        %dma_start3A_91 = arith.constant 0 : i32
        %dma_start3A_92 = tpu.memref_slice %arg10[%dma_start3A_90, %dma_start3A_91] : memref<224x64xf32, #tpu.memory_space<vmem>> -> memref<128x64xf32, #tpu.memory_space<vmem>>
        %dma_start3A_93 = arith.constant 0 : i32
        %dma_start3A_94 = arith.constant 0 : i32
        %dma_start3A_95 = tpu.memref_slice %dma_start3A_92[%dma_start3A_93, %dma_start3A_94] : memref<128x64xf32, #tpu.memory_space<vmem>> -> memref<1x64xf32, #tpu.memory_space<vmem>>
        tpu.enqueue_dma source(%dma_start3A_95 : memref<1x64xf32, #tpu.memory_space<vmem>>) target(%dma_start3A_89 : memref<1x64xf32, #tpu.memory_space<vmem_shared>>) target_semaphore(%run_scoped3A : memref<!tpu.dma_semaphore, #tpu.memory_space<semaphore_mem>>)
        %dma_wait3A_96 = arith.constant 0 : i32
        %dma_wait3A_97 = arith.constant 0 : i32
        %dma_wait3A_98 = tpu.memref_slice %arg10[%dma_wait3A_96, %dma_wait3A_97] : memref<224x64xf32, #tpu.memory_space<vmem>> -> memref<128x64xf32, #tpu.memory_space<vmem>>
        %dma_wait3A_99 = arith.constant 0 : i32
        %dma_wait3A_100 = arith.constant 0 : i32
        %dma_wait3A_101 = tpu.memref_slice %dma_wait3A_98[%dma_wait3A_99, %dma_wait3A_100] : memref<128x64xf32, #tpu.memory_space<vmem>> -> memref<1x64xf32, #tpu.memory_space<vmem>>
        %dma_wait3A_102 = arith.constant 25008 : i32
        %dma_wait3A_103 = arith.constant 0 : i32
        %dma_wait3A_104 = tpu.memref_slice %arg5[%dma_wait3A_102, %dma_wait3A_103] : memref<25009x64xf32, #tpu.memory_space<vmem_shared>> -> memref<1x64xf32, #tpu.memory_space<vmem_shared>>
        %dma_wait3A_105 = arith.constant 25008 : i32
        %dma_wait3A_106 = arith.constant 0 : i32
        %dma_wait3A_107 = tpu.memref_slice %arg5[%dma_wait3A_105, %dma_wait3A_106] : memref<25009x64xf32, #tpu.memory_space<vmem_shared>> -> memref<1x64xf32, #tpu.memory_space<vmem_shared>>
        %dma_wait3A_108 = arith.constant 0 : i32
        %dma_wait3A_109 = arith.constant 0 : i32
        %dma_wait3A_110 = tpu.memref_slice %arg10[%dma_wait3A_108, %dma_wait3A_109] : memref<224x64xf32, #tpu.memory_space<vmem>> -> memref<128x64xf32, #tpu.memory_space<vmem>>
        %dma_wait3A_111 = arith.constant 0 : i32
        %dma_wait3A_112 = arith.constant 0 : i32
        %dma_wait3A_113 = tpu.memref_slice %dma_wait3A_110[%dma_wait3A_111, %dma_wait3A_112] : memref<128x64xf32, #tpu.memory_space<vmem>> -> memref<1x64xf32, #tpu.memory_space<vmem>>
        tpu.wait_dma2 semaphore(%run_scoped3A : memref<!tpu.dma_semaphore, #tpu.memory_space<semaphore_mem>>) src(%dma_wait3A_113 : memref<1x64xf32, #tpu.memory_space<vmem>>) dst(%dma_wait3A_107 : memref<1x64xf32, #tpu.memory_space<vmem_shared>>)
        tpu.yield
      }) : () -> ()
    } else {
    }
    %barrier3A = arith.constant 0 : index
    tpu.barrier barrier_id(%barrier3A)
    %mul3A_19 = arith.constant 448 : i32
    %mul3A_20 = arith.muli %arg1, %mul3A_19 : i32
    %add3A_21 = arith.constant 0 : i32
    %add3A_22 = arith.addi %mul3A_20, %add3A_21 : i32
    %dma_start3A = arith.constant 0 : i32
    %dma_start3A_23 = arith.constant 0 : i32
    %dma_start3A_24 = tpu.memref_slice %arg3[%add3A_22, %dma_start3A, %dma_start3A_23] : memref<7168x2x112xi32, #tpu.memory_space<hbm>> -> memref<2x2x112xi32, #tpu.memory_space<hbm>>
    %dma_start3A_25 = arith.constant 0 : i32
    %dma_start3A_26 = arith.constant 0 : i32
    %dma_start3A_27 = tpu.memref_slice %arg3[%add3A_22, %dma_start3A_25, %dma_start3A_26] : memref<7168x2x112xi32, #tpu.memory_space<hbm>> -> memref<2x2x112xi32, #tpu.memory_space<hbm>>
    tpu.enqueue_dma source(%dma_start3A_27 : memref<2x2x112xi32, #tpu.memory_space<hbm>>) target(%arg6 : memref<2x2x112xi32, #tpu.memory_space<vmem>>) target_semaphore(%arg12 : memref<!tpu.dma_semaphore, #tpu.memory_space<semaphore_mem>>)
    %scan3A_28 = arith.constant 0 : i32
    %scan3A_29 = arith.constant 0 : i32
    %scan3A_30 = arith.constant 112 : i32
    %scan3A_31 = arith.addi %scan3A_29, %scan3A_30 : i32
    %scan3A_32 = arith.constant 1 : i32
    %scan3A_33 = scf.for %scan3A_78 = %scan3A_29 to %scan3A_31 step %scan3A_32 iter_args(%scan3A_79 = %scan3A_28) -> (i32)  : i32 {
      %mul3A_80 = arith.constant 2 : i32
      %mul3A_81 = arith.muli %scan3A_78, %mul3A_80 : i32
      %add3A_82 = arith.constant 0 : i32
      %add3A_83 = arith.addi %mul3A_81, %add3A_82 : i32
      %dma_wait3A_84 = arith.constant 0 : i32
      %dma_wait3A_85 = arith.constant 0 : i32
      %dma_wait3A_86 = arith.constant 0 : i32
      %dma_wait3A_87 = tpu.memref_slice %arg3[%dma_wait3A_84, %dma_wait3A_85, %dma_wait3A_86] : memref<7168x2x112xi32, #tpu.memory_space<hbm>> -> memref<2x2x112xi32, #tpu.memory_space<hbm>>
      %dma_wait3A_88 = arith.constant 0 : i32
      %dma_wait3A_89 = arith.constant 0 : i32
      %dma_wait3A_90 = arith.constant 0 : i32
      %dma_wait3A_91 = tpu.memref_slice %arg3[%dma_wait3A_88, %dma_wait3A_89, %dma_wait3A_90] : memref<7168x2x112xi32, #tpu.memory_space<hbm>> -> memref<2x2x112xi32, #tpu.memory_space<hbm>>
      tpu.wait_dma2 semaphore(%arg12 : memref<!tpu.dma_semaphore, #tpu.memory_space<semaphore_mem>>) src(%dma_wait3A_91 : memref<2x2x112xi32, #tpu.memory_space<hbm>>) dst(%arg6 : memref<2x2x112xi32, #tpu.memory_space<vmem>>)
      %ge3A = arith.constant 1 : i32
      %ge3A_92 = arith.cmpi sge, %scan3A_78, %ge3A : i32
      %convert_element_type3A_93 = arith.extui %ge3A_92 : i1 to i32
      %cond3A_94 = arith.constant 0 : i32
      %cond3A_95 = arith.cmpi ne, %convert_element_type3A_93, %cond3A_94 : i32
      scf.if %cond3A_95 {
        %dma_wait3A_897 = arith.constant 0 : i32
        %dma_wait3A_898 = arith.constant 0 : i32
        %dma_wait3A_899 = tpu.memref_slice %arg2[%dma_wait3A_897, %dma_wait3A_898] : memref<50176x64xf32, #tpu.memory_space<hbm>> -> memref<224x64xf32, #tpu.memory_space<hbm>>
        %dma_wait3A_900 = arith.constant 0 : i32
        %dma_wait3A_901 = arith.constant 0 : i32
        %dma_wait3A_902 = tpu.memref_slice %arg2[%dma_wait3A_900, %dma_wait3A_901] : memref<50176x64xf32, #tpu.memory_space<hbm>> -> memref<224x64xf32, #tpu.memory_space<hbm>>
        tpu.wait_dma2 semaphore(%arg16 : memref<!tpu.dma_semaphore, #tpu.memory_space<semaphore_mem>>) src(%dma_wait3A_902 : memref<224x64xf32, #tpu.memory_space<hbm>>) dst(%arg10 : memref<224x64xf32, #tpu.memory_space<vmem>>)
      } else {
      }
      %dma_start3A_96 = arith.constant 0 : i32
      %dma_start3A_97 = arith.constant 0 : i32
      %dma_start3A_98 = arith.constant 0 : i32
      %dma_start3A_99 = arith.constant 0 : i32
      %dma_start3A_100 = tpu.memref_slice %arg10[%dma_start3A_98, %dma_start3A_99] : memref<224x64xf32, #tpu.memory_space<vmem>> -> memref<112x64xf32, #tpu.memory_space<vmem>>
      %dma_start3A_101 = arith.constant 0 : i32
      %dma_start3A_102 = tpu.memref_slice %arg6[%dma_start3A_96, %dma_start3A_97, %dma_start3A_101] : memref<2x2x112xi32, #tpu.memory_space<vmem>> -> memref<1x1x112xi32, #tpu.memory_space<vmem>>
      %dma_start3A_103 = tpu.memref_squeeze %dma_start3A_102 : memref<1x1x112xi32, #tpu.memory_space<vmem>> -> memref<112xi32, #tpu.memory_space<vmem>>
      %dma_start3A_104 = arith.constant 0 : i32
      %dma_start3A_105 = arith.constant 0 : i32
      %dma_start3A_106 = tpu.memref_slice %arg2[%dma_start3A_104, %dma_start3A_105] : memref<50176x64xf32, #tpu.memory_space<hbm>> -> memref<50176x64xf32, #tpu.memory_space<hbm>>
      tpu.enqueue_indirect_dma source(%dma_start3A_106 : memref<50176x64xf32, #tpu.memory_space<hbm>>) target(%dma_start3A_100 : memref<112x64xf32, #tpu.memory_space<vmem>>) offsets(%dma_start3A_103 : memref<112xi32, #tpu.memory_space<vmem>>) semaphore(%arg14 : memref<!tpu.dma_semaphore, #tpu.memory_space<semaphore_mem>>)
      %dma_start3A_107 = arith.constant 1 : i32
      %dma_start3A_108 = arith.constant 0 : i32
      %dma_start3A_109 = arith.constant 112 : i32
      %dma_start3A_110 = arith.constant 0 : i32
      %dma_start3A_111 = tpu.memref_slice %arg10[%dma_start3A_109, %dma_start3A_110] : memref<224x64xf32, #tpu.memory_space<vmem>> -> memref<112x64xf32, #tpu.memory_space<vmem>>
      %dma_start3A_112 = arith.constant 0 : i32
      %dma_start3A_113 = tpu.memref_slice %arg6[%dma_start3A_107, %dma_start3A_108, %dma_start3A_112] : memref<2x2x112xi32, #tpu.memory_space<vmem>> -> memref<1x1x112xi32, #tpu.memory_space<vmem>>
      %dma_start3A_114 = tpu.memref_squeeze %dma_start3A_113 : memref<1x1x112xi32, #tpu.memory_space<vmem>> -> memref<112xi32, #tpu.memory_space<vmem>>
      %dma_start3A_115 = arith.constant 0 : i32
      %dma_start3A_116 = arith.constant 0 : i32
      %dma_start3A_117 = tpu.memref_slice %arg2[%dma_start3A_115, %dma_start3A_116] : memref<50176x64xf32, #tpu.memory_space<hbm>> -> memref<50176x64xf32, #tpu.memory_space<hbm>>
      tpu.enqueue_indirect_dma source(%dma_start3A_117 : memref<50176x64xf32, #tpu.memory_space<hbm>>) target(%dma_start3A_111 : memref<112x64xf32, #tpu.memory_space<vmem>>) offsets(%dma_start3A_114 : memref<112xi32, #tpu.memory_space<vmem>>) semaphore(%arg14 : memref<!tpu.dma_semaphore, #tpu.memory_space<semaphore_mem>>)
      %get3A = arith.constant 0 : i32
      %get3A_118 = arith.constant 1 : i32
      %get3A_119 = arith.index_cast %get3A : i32 to index
      %get3A_120 = arith.index_cast %get3A_118 : i32 to index
      %get3A_121 = arith.constant 0 : index
      %get3A_122 = tpu.vector_load %arg6[%get3A_119, %get3A_120, %get3A_121] {strides = array<i32>} : memref<2x2x112xi32, #tpu.memory_space<vmem>>, vector<1x1x16xi32>,
      %get3A_123 = vector.shape_cast %get3A_122 : vector<1x1x16xi32> to vector<16xi32>
      %sub3A = vector.broadcast %mul3A_0 : i32 to vector<16xi32>
      %sub3A_124 = arith.subi %get3A_123, %sub3A : vector<16xi32>
      %lt3A = arith.constant 0 : i32
      %lt3A_125 = vector.broadcast %lt3A : i32 to vector<16xi32>
      %lt3A_126 = arith.cmpi slt, %sub3A_124, %lt3A_125 : vector<16xi32>
      %ge3A_127 = arith.constant 25008 : i32
      %ge3A_128 = vector.broadcast %ge3A_127 : i32 to vector<16xi32>
      %ge3A_129 = arith.cmpi sge, %sub3A_124, %ge3A_128 : vector<16xi32>
      %or3A = arith.ori %lt3A_126, %ge3A_129 : vector<16xi1>
      %jit3A = arith.constant 25008 : i32
      %broadcast_in_dim3A = vector.broadcast %jit3A : i32 to vector<16xi32>
      %select_n3A = arith.select %or3A, %broadcast_in_dim3A, %sub3A_124 : vector<16xi1>, vector<16xi32>
      %swap3A = arith.constant 0 : i32
      %swap3A_130 = arith.index_cast %swap3A : i32 to index
      %swap3A_131 = arith.constant 0 : index
      %swap3A_132 = tpu.vector_load %arg8[%swap3A_130, %swap3A_131] {strides = array<i32>} : memref<2x112xi32, #tpu.memory_space<vmem>>, vector<1x16xi32>,
      %swap3A_133 = vector.shape_cast %swap3A_132 : vector<1x16xi32> to vector<16xi32>
      %swap3A_134 = vector.shape_cast %select_n3A : vector<16xi32> to vector<1x16xi32>
      tpu.vector_store %arg8[%swap3A_130, %swap3A_131], %swap3A_134 {strides = array<i32>} : memref<2x112xi32, #tpu.memory_space<vmem>>, vector<1x16xi32>,
      %get3A_135 = arith.constant 0 : i32
      %get3A_136 = arith.constant 1 : i32
      %get3A_137 = arith.index_cast %get3A_135 : i32 to index
      %get3A_138 = arith.index_cast %get3A_136 : i32 to index
      %get3A_139 = arith.constant 16 : index
      %get3A_140 = tpu.vector_load %arg6[%get3A_137, %get3A_138, %get3A_139] {strides = array<i32>} : memref<2x2x112xi32, #tpu.memory_space<vmem>>, vector<1x1x16xi32>,
      %get3A_141 = vector.shape_cast %get3A_140 : vector<1x1x16xi32> to vector<16xi32>
      %sub3A_142 = vector.broadcast %mul3A_0 : i32 to vector<16xi32>
      %sub3A_143 = arith.subi %get3A_141, %sub3A_142 : vector<16xi32>
      %lt3A_144 = arith.constant 0 : i32
      %lt3A_145 = vector.broadcast %lt3A_144 : i32 to vector<16xi32>
      %lt3A_146 = arith.cmpi slt, %sub3A_143, %lt3A_145 : vector<16xi32>
      %ge3A_147 = arith.constant 25008 : i32
      %ge3A_148 = vector.broadcast %ge3A_147 : i32 to vector<16xi32>
      %ge3A_149 = arith.cmpi sge, %sub3A_143, %ge3A_148 : vector<16xi32>
      %or3A_150 = arith.ori %lt3A_146, %ge3A_149 : vector<16xi1>
      %jit3A_151 = arith.constant 25008 : i32
      %broadcast_in_dim3A_152 = vector.broadcast %jit3A_151 : i32 to vector<16xi32>
      %select_n3A_153 = arith.select %or3A_150, %broadcast_in_dim3A_152, %sub3A_143 : vector<16xi1>, vector<16xi32>
      %swap3A_154 = arith.constant 0 : i32
      %swap3A_155 = arith.index_cast %swap3A_154 : i32 to index
      %swap3A_156 = arith.constant 16 : index
      %swap3A_157 = tpu.vector_load %arg8[%swap3A_155, %swap3A_156] {strides = array<i32>} : memref<2x112xi32, #tpu.memory_space<vmem>>, vector<1x16xi32>,
      %swap3A_158 = vector.shape_cast %swap3A_157 : vector<1x16xi32> to vector<16xi32>
      %swap3A_159 = vector.shape_cast %select_n3A_153 : vector<16xi32> to vector<1x16xi32>
      tpu.vector_store %arg8[%swap3A_155, %swap3A_156], %swap3A_159 {strides = array<i32>} : memref<2x112xi32, #tpu.memory_space<vmem>>, vector<1x16xi32>,
      %get3A_160 = arith.constant 0 : i32
      %get3A_161 = arith.constant 1 : i32
      %get3A_162 = arith.index_cast %get3A_160 : i32 to index
      %get3A_163 = arith.index_cast %get3A_161 : i32 to index
      %get3A_164 = arith.constant 32 : index
      %get3A_165 = tpu.vector_load %arg6[%get3A_162, %get3A_163, %get3A_164] {strides = array<i32>} : memref<2x2x112xi32, #tpu.memory_space<vmem>>, vector<1x1x16xi32>,
      %get3A_166 = vector.shape_cast %get3A_165 : vector<1x1x16xi32> to vector<16xi32>
      %sub3A_167 = vector.broadcast %mul3A_0 : i32 to vector<16xi32>
      %sub3A_168 = arith.subi %get3A_166, %sub3A_167 : vector<16xi32>
      %lt3A_169 = arith.constant 0 : i32
      %lt3A_170 = vector.broadcast %lt3A_169 : i32 to vector<16xi32>
      %lt3A_171 = arith.cmpi slt, %sub3A_168, %lt3A_170 : vector<16xi32>
      %ge3A_172 = arith.constant 25008 : i32
      %ge3A_173 = vector.broadcast %ge3A_172 : i32 to vector<16xi32>
      %ge3A_174 = arith.cmpi sge, %sub3A_168, %ge3A_173 : vector<16xi32>
      %or3A_175 = arith.ori %lt3A_171, %ge3A_174 : vector<16xi1>
      %jit3A_176 = arith.constant 25008 : i32
      %broadcast_in_dim3A_177 = vector.broadcast %jit3A_176 : i32 to vector<16xi32>
      %select_n3A_178 = arith.select %or3A_175, %broadcast_in_dim3A_177, %sub3A_168 : vector<16xi1>, vector<16xi32>
      %swap3A_179 = arith.constant 0 : i32
      %swap3A_180 = arith.index_cast %swap3A_179 : i32 to index
      %swap3A_181 = arith.constant 32 : index
      %swap3A_182 = tpu.vector_load %arg8[%swap3A_180, %swap3A_181] {strides = array<i32>} : memref<2x112xi32, #tpu.memory_space<vmem>>, vector<1x16xi32>,
      %swap3A_183 = vector.shape_cast %swap3A_182 : vector<1x16xi32> to vector<16xi32>
      %swap3A_184 = vector.shape_cast %select_n3A_178 : vector<16xi32> to vector<1x16xi32>
      tpu.vector_store %arg8[%swap3A_180, %swap3A_181], %swap3A_184 {strides = array<i32>} : memref<2x112xi32, #tpu.memory_space<vmem>>, vector<1x16xi32>,
      %get3A_185 = arith.constant 0 : i32
      %get3A_186 = arith.constant 1 : i32
      %get3A_187 = arith.index_cast %get3A_185 : i32 to index
      %get3A_188 = arith.index_cast %get3A_186 : i32 to index
      %get3A_189 = arith.constant 48 : index
      %get3A_190 = tpu.vector_load %arg6[%get3A_187, %get3A_188, %get3A_189] {strides = array<i32>} : memref<2x2x112xi32, #tpu.memory_space<vmem>>, vector<1x1x16xi32>,
      %get3A_191 = vector.shape_cast %get3A_190 : vector<1x1x16xi32> to vector<16xi32>
      %sub3A_192 = vector.broadcast %mul3A_0 : i32 to vector<16xi32>
      %sub3A_193 = arith.subi %get3A_191, %sub3A_192 : vector<16xi32>
      %lt3A_194 = arith.constant 0 : i32
      %lt3A_195 = vector.broadcast %lt3A_194 : i32 to vector<16xi32>
      %lt3A_196 = arith.cmpi slt, %sub3A_193, %lt3A_195 : vector<16xi32>
      %ge3A_197 = arith.constant 25008 : i32
      %ge3A_198 = vector.broadcast %ge3A_197 : i32 to vector<16xi32>
      %ge3A_199 = arith.cmpi sge, %sub3A_193, %ge3A_198 : vector<16xi32>
      %or3A_200 = arith.ori %lt3A_196, %ge3A_199 : vector<16xi1>
      %jit3A_201 = arith.constant 25008 : i32
      %broadcast_in_dim3A_202 = vector.broadcast %jit3A_201 : i32 to vector<16xi32>
      %select_n3A_203 = arith.select %or3A_200, %broadcast_in_dim3A_202, %sub3A_193 : vector<16xi1>, vector<16xi32>
      %swap3A_204 = arith.constant 0 : i32
      %swap3A_205 = arith.index_cast %swap3A_204 : i32 to index
      %swap3A_206 = arith.constant 48 : index
      %swap3A_207 = tpu.vector_load %arg8[%swap3A_205, %swap3A_206] {strides = array<i32>} : memref<2x112xi32, #tpu.memory_space<vmem>>, vector<1x16xi32>,
      %swap3A_208 = vector.shape_cast %swap3A_207 : vector<1x16xi32> to vector<16xi32>
      %swap3A_209 = vector.shape_cast %select_n3A_203 : vector<16xi32> to vector<1x16xi32>
      tpu.vector_store %arg8[%swap3A_205, %swap3A_206], %swap3A_209 {strides = array<i32>} : memref<2x112xi32, #tpu.memory_space<vmem>>, vector<1x16xi32>,
      %get3A_210 = arith.constant 0 : i32
      %get3A_211 = arith.constant 1 : i32
      %get3A_212 = arith.index_cast %get3A_210 : i32 to index
      %get3A_213 = arith.index_cast %get3A_211 : i32 to index
      %get3A_214 = arith.constant 64 : index
      %get3A_215 = tpu.vector_load %arg6[%get3A_212, %get3A_213, %get3A_214] {strides = array<i32>} : memref<2x2x112xi32, #tpu.memory_space<vmem>>, vector<1x1x16xi32>,
      %get3A_216 = vector.shape_cast %get3A_215 : vector<1x1x16xi32> to vector<16xi32>
      %sub3A_217 = vector.broadcast %mul3A_0 : i32 to vector<16xi32>
      %sub3A_218 = arith.subi %get3A_216, %sub3A_217 : vector<16xi32>
      %lt3A_219 = arith.constant 0 : i32
      %lt3A_220 = vector.broadcast %lt3A_219 : i32 to vector<16xi32>
      %lt3A_221 = arith.cmpi slt, %sub3A_218, %lt3A_220 : vector<16xi32>
      %ge3A_222 = arith.constant 25008 : i32
      %ge3A_223 = vector.broadcast %ge3A_222 : i32 to vector<16xi32>
      %ge3A_224 = arith.cmpi sge, %sub3A_218, %ge3A_223 : vector<16xi32>
      %or3A_225 = arith.ori %lt3A_221, %ge3A_224 : vector<16xi1>
      %jit3A_226 = arith.constant 25008 : i32
      %broadcast_in_dim3A_227 = vector.broadcast %jit3A_226 : i32 to vector<16xi32>
      %select_n3A_228 = arith.select %or3A_225, %broadcast_in_dim3A_227, %sub3A_218 : vector<16xi1>, vector<16xi32>
      %swap3A_229 = arith.constant 0 : i32
      %swap3A_230 = arith.index_cast %swap3A_229 : i32 to index
      %swap3A_231 = arith.constant 64 : index
      %swap3A_232 = tpu.vector_load %arg8[%swap3A_230, %swap3A_231] {strides = array<i32>} : memref<2x112xi32, #tpu.memory_space<vmem>>, vector<1x16xi32>,
      %swap3A_233 = vector.shape_cast %swap3A_232 : vector<1x16xi32> to vector<16xi32>
      %swap3A_234 = vector.shape_cast %select_n3A_228 : vector<16xi32> to vector<1x16xi32>
      tpu.vector_store %arg8[%swap3A_230, %swap3A_231], %swap3A_234 {strides = array<i32>} : memref<2x112xi32, #tpu.memory_space<vmem>>, vector<1x16xi32>,
      %get3A_235 = arith.constant 0 : i32
      %get3A_236 = arith.constant 1 : i32
      %get3A_237 = arith.index_cast %get3A_235 : i32 to index
      %get3A_238 = arith.index_cast %get3A_236 : i32 to index
      %get3A_239 = arith.constant 80 : index
      %get3A_240 = tpu.vector_load %arg6[%get3A_237, %get3A_238, %get3A_239] {strides = array<i32>} : memref<2x2x112xi32, #tpu.memory_space<vmem>>, vector<1x1x16xi32>,
      %get3A_241 = vector.shape_cast %get3A_240 : vector<1x1x16xi32> to vector<16xi32>
      %sub3A_242 = vector.broadcast %mul3A_0 : i32 to vector<16xi32>
      %sub3A_243 = arith.subi %get3A_241, %sub3A_242 : vector<16xi32>
      %lt3A_244 = arith.constant 0 : i32
      %lt3A_245 = vector.broadcast %lt3A_244 : i32 to vector<16xi32>
      %lt3A_246 = arith.cmpi slt, %sub3A_243, %lt3A_245 : vector<16xi32>
      %ge3A_247 = arith.constant 25008 : i32
      %ge3A_248 = vector.broadcast %ge3A_247 : i32 to vector<16xi32>
      %ge3A_249 = arith.cmpi sge, %sub3A_243, %ge3A_248 : vector<16xi32>
      %or3A_250 = arith.ori %lt3A_246, %ge3A_249 : vector<16xi1>
      %jit3A_251 = arith.constant 25008 : i32
      %broadcast_in_dim3A_252 = vector.broadcast %jit3A_251 : i32 to vector<16xi32>
      %select_n3A_253 = arith.select %or3A_250, %broadcast_in_dim3A_252, %sub3A_243 : vector<16xi1>, vector<16xi32>
      %swap3A_254 = arith.constant 0 : i32
      %swap3A_255 = arith.index_cast %swap3A_254 : i32 to index
      %swap3A_256 = arith.constant 80 : index
      %swap3A_257 = tpu.vector_load %arg8[%swap3A_255, %swap3A_256] {strides = array<i32>} : memref<2x112xi32, #tpu.memory_space<vmem>>, vector<1x16xi32>,
      %swap3A_258 = vector.shape_cast %swap3A_257 : vector<1x16xi32> to vector<16xi32>
      %swap3A_259 = vector.shape_cast %select_n3A_253 : vector<16xi32> to vector<1x16xi32>
      tpu.vector_store %arg8[%swap3A_255, %swap3A_256], %swap3A_259 {strides = array<i32>} : memref<2x112xi32, #tpu.memory_space<vmem>>, vector<1x16xi32>,
      %get3A_260 = arith.constant 0 : i32
      %get3A_261 = arith.constant 1 : i32
      %get3A_262 = arith.index_cast %get3A_260 : i32 to index
      %get3A_263 = arith.index_cast %get3A_261 : i32 to index
      %get3A_264 = arith.constant 96 : index
      %get3A_265 = tpu.vector_load %arg6[%get3A_262, %get3A_263, %get3A_264] {strides = array<i32>} : memref<2x2x112xi32, #tpu.memory_space<vmem>>, vector<1x1x16xi32>,
      %get3A_266 = vector.shape_cast %get3A_265 : vector<1x1x16xi32> to vector<16xi32>
      %sub3A_267 = vector.broadcast %mul3A_0 : i32 to vector<16xi32>
      %sub3A_268 = arith.subi %get3A_266, %sub3A_267 : vector<16xi32>
      %lt3A_269 = arith.constant 0 : i32
      %lt3A_270 = vector.broadcast %lt3A_269 : i32 to vector<16xi32>
      %lt3A_271 = arith.cmpi slt, %sub3A_268, %lt3A_270 : vector<16xi32>
      %ge3A_272 = arith.constant 25008 : i32
      %ge3A_273 = vector.broadcast %ge3A_272 : i32 to vector<16xi32>
      %ge3A_274 = arith.cmpi sge, %sub3A_268, %ge3A_273 : vector<16xi32>
      %or3A_275 = arith.ori %lt3A_271, %ge3A_274 : vector<16xi1>
      %jit3A_276 = arith.constant 25008 : i32
      %broadcast_in_dim3A_277 = vector.broadcast %jit3A_276 : i32 to vector<16xi32>
      %select_n3A_278 = arith.select %or3A_275, %broadcast_in_dim3A_277, %sub3A_268 : vector<16xi1>, vector<16xi32>
      %swap3A_279 = arith.constant 0 : i32
      %swap3A_280 = arith.index_cast %swap3A_279 : i32 to index
      %swap3A_281 = arith.constant 96 : index
      %swap3A_282 = tpu.vector_load %arg8[%swap3A_280, %swap3A_281] {strides = array<i32>} : memref<2x112xi32, #tpu.memory_space<vmem>>, vector<1x16xi32>,
      %swap3A_283 = vector.shape_cast %swap3A_282 : vector<1x16xi32> to vector<16xi32>
      %swap3A_284 = vector.shape_cast %select_n3A_278 : vector<16xi32> to vector<1x16xi32>
      tpu.vector_store %arg8[%swap3A_280, %swap3A_281], %swap3A_284 {strides = array<i32>} : memref<2x112xi32, #tpu.memory_space<vmem>>, vector<1x16xi32>,
      %get3A_285 = arith.constant 1 : i32
      %get3A_286 = arith.constant 1 : i32
      %get3A_287 = arith.index_cast %get3A_285 : i32 to index
      %get3A_288 = arith.index_cast %get3A_286 : i32 to index
      %get3A_289 = arith.constant 0 : index
      %get3A_290 = tpu.vector_load %arg6[%get3A_287, %get3A_288, %get3A_289] {strides = array<i32>} : memref<2x2x112xi32, #tpu.memory_space<vmem>>, vector<1x1x16xi32>,
      %get3A_291 = vector.shape_cast %get3A_290 : vector<1x1x16xi32> to vector<16xi32>
      %sub3A_292 = vector.broadcast %mul3A_0 : i32 to vector<16xi32>
      %sub3A_293 = arith.subi %get3A_291, %sub3A_292 : vector<16xi32>
      %lt3A_294 = arith.constant 0 : i32
      %lt3A_295 = vector.broadcast %lt3A_294 : i32 to vector<16xi32>
      %lt3A_296 = arith.cmpi slt, %sub3A_293, %lt3A_295 : vector<16xi32>
      %ge3A_297 = arith.constant 25008 : i32
      %ge3A_298 = vector.broadcast %ge3A_297 : i32 to vector<16xi32>
      %ge3A_299 = arith.cmpi sge, %sub3A_293, %ge3A_298 : vector<16xi32>
      %or3A_300 = arith.ori %lt3A_296, %ge3A_299 : vector<16xi1>
      %jit3A_301 = arith.constant 25008 : i32
      %broadcast_in_dim3A_302 = vector.broadcast %jit3A_301 : i32 to vector<16xi32>
      %select_n3A_303 = arith.select %or3A_300, %broadcast_in_dim3A_302, %sub3A_293 : vector<16xi1>, vector<16xi32>
      %swap3A_304 = arith.constant 1 : i32
      %swap3A_305 = arith.index_cast %swap3A_304 : i32 to index
      %swap3A_306 = arith.constant 0 : index
      %swap3A_307 = tpu.vector_load %arg8[%swap3A_305, %swap3A_306] {strides = array<i32>} : memref<2x112xi32, #tpu.memory_space<vmem>>, vector<1x16xi32>,
      %swap3A_308 = vector.shape_cast %swap3A_307 : vector<1x16xi32> to vector<16xi32>
      %swap3A_309 = vector.shape_cast %select_n3A_303 : vector<16xi32> to vector<1x16xi32>
      tpu.vector_store %arg8[%swap3A_305, %swap3A_306], %swap3A_309 {strides = array<i32>} : memref<2x112xi32, #tpu.memory_space<vmem>>, vector<1x16xi32>,
      %get3A_310 = arith.constant 1 : i32
      %get3A_311 = arith.constant 1 : i32
      %get3A_312 = arith.index_cast %get3A_310 : i32 to index
      %get3A_313 = arith.index_cast %get3A_311 : i32 to index
      %get3A_314 = arith.constant 16 : index
      %get3A_315 = tpu.vector_load %arg6[%get3A_312, %get3A_313, %get3A_314] {strides = array<i32>} : memref<2x2x112xi32, #tpu.memory_space<vmem>>, vector<1x1x16xi32>,
      %get3A_316 = vector.shape_cast %get3A_315 : vector<1x1x16xi32> to vector<16xi32>
      %sub3A_317 = vector.broadcast %mul3A_0 : i32 to vector<16xi32>
      %sub3A_318 = arith.subi %get3A_316, %sub3A_317 : vector<16xi32>
      %lt3A_319 = arith.constant 0 : i32
      %lt3A_320 = vector.broadcast %lt3A_319 : i32 to vector<16xi32>
      %lt3A_321 = arith.cmpi slt, %sub3A_318, %lt3A_320 : vector<16xi32>
      %ge3A_322 = arith.constant 25008 : i32
      %ge3A_323 = vector.broadcast %ge3A_322 : i32 to vector<16xi32>
      %ge3A_324 = arith.cmpi sge, %sub3A_318, %ge3A_323 : vector<16xi32>
      %or3A_325 = arith.ori %lt3A_321, %ge3A_324 : vector<16xi1>
      %jit3A_326 = arith.constant 25008 : i32
      %broadcast_in_dim3A_327 = vector.broadcast %jit3A_326 : i32 to vector<16xi32>
      %select_n3A_328 = arith.select %or3A_325, %broadcast_in_dim3A_327, %sub3A_318 : vector<16xi1>, vector<16xi32>
      %swap3A_329 = arith.constant 1 : i32
      %swap3A_330 = arith.index_cast %swap3A_329 : i32 to index
      %swap3A_331 = arith.constant 16 : index
      %swap3A_332 = tpu.vector_load %arg8[%swap3A_330, %swap3A_331] {strides = array<i32>} : memref<2x112xi32, #tpu.memory_space<vmem>>, vector<1x16xi32>,
      %swap3A_333 = vector.shape_cast %swap3A_332 : vector<1x16xi32> to vector<16xi32>
      %swap3A_334 = vector.shape_cast %select_n3A_328 : vector<16xi32> to vector<1x16xi32>
      tpu.vector_store %arg8[%swap3A_330, %swap3A_331], %swap3A_334 {strides = array<i32>} : memref<2x112xi32, #tpu.memory_space<vmem>>, vector<1x16xi32>,
      %get3A_335 = arith.constant 1 : i32
      %get3A_336 = arith.constant 1 : i32
      %get3A_337 = arith.index_cast %get3A_335 : i32 to index
      %get3A_338 = arith.index_cast %get3A_336 : i32 to index
      %get3A_339 = arith.constant 32 : index
      %get3A_340 = tpu.vector_load %arg6[%get3A_337, %get3A_338, %get3A_339] {strides = array<i32>} : memref<2x2x112xi32, #tpu.memory_space<vmem>>, vector<1x1x16xi32>,
      %get3A_341 = vector.shape_cast %get3A_340 : vector<1x1x16xi32> to vector<16xi32>
      %sub3A_342 = vector.broadcast %mul3A_0 : i32 to vector<16xi32>
      %sub3A_343 = arith.subi %get3A_341, %sub3A_342 : vector<16xi32>
      %lt3A_344 = arith.constant 0 : i32
      %lt3A_345 = vector.broadcast %lt3A_344 : i32 to vector<16xi32>
      %lt3A_346 = arith.cmpi slt, %sub3A_343, %lt3A_345 : vector<16xi32>
      %ge3A_347 = arith.constant 25008 : i32
      %ge3A_348 = vector.broadcast %ge3A_347 : i32 to vector<16xi32>
      %ge3A_349 = arith.cmpi sge, %sub3A_343, %ge3A_348 : vector<16xi32>
      %or3A_350 = arith.ori %lt3A_346, %ge3A_349 : vector<16xi1>
      %jit3A_351 = arith.constant 25008 : i32
      %broadcast_in_dim3A_352 = vector.broadcast %jit3A_351 : i32 to vector<16xi32>
      %select_n3A_353 = arith.select %or3A_350, %broadcast_in_dim3A_352, %sub3A_343 : vector<16xi1>, vector<16xi32>
      %swap3A_354 = arith.constant 1 : i32
      %swap3A_355 = arith.index_cast %swap3A_354 : i32 to index
      %swap3A_356 = arith.constant 32 : index
      %swap3A_357 = tpu.vector_load %arg8[%swap3A_355, %swap3A_356] {strides = array<i32>} : memref<2x112xi32, #tpu.memory_space<vmem>>, vector<1x16xi32>,
      %swap3A_358 = vector.shape_cast %swap3A_357 : vector<1x16xi32> to vector<16xi32>
      %swap3A_359 = vector.shape_cast %select_n3A_353 : vector<16xi32> to vector<1x16xi32>
      tpu.vector_store %arg8[%swap3A_355, %swap3A_356], %swap3A_359 {strides = array<i32>} : memref<2x112xi32, #tpu.memory_space<vmem>>, vector<1x16xi32>,
      %get3A_360 = arith.constant 1 : i32
      %get3A_361 = arith.constant 1 : i32
      %get3A_362 = arith.index_cast %get3A_360 : i32 to index
      %get3A_363 = arith.index_cast %get3A_361 : i32 to index
      %get3A_364 = arith.constant 48 : index
      %get3A_365 = tpu.vector_load %arg6[%get3A_362, %get3A_363, %get3A_364] {strides = array<i32>} : memref<2x2x112xi32, #tpu.memory_space<vmem>>, vector<1x1x16xi32>,
      %get3A_366 = vector.shape_cast %get3A_365 : vector<1x1x16xi32> to vector<16xi32>
      %sub3A_367 = vector.broadcast %mul3A_0 : i32 to vector<16xi32>
      %sub3A_368 = arith.subi %get3A_366, %sub3A_367 : vector<16xi32>
      %lt3A_369 = arith.constant 0 : i32
      %lt3A_370 = vector.broadcast %lt3A_369 : i32 to vector<16xi32>
      %lt3A_371 = arith.cmpi slt, %sub3A_368, %lt3A_370 : vector<16xi32>
      %ge3A_372 = arith.constant 25008 : i32
      %ge3A_373 = vector.broadcast %ge3A_372 : i32 to vector<16xi32>
      %ge3A_374 = arith.cmpi sge, %sub3A_368, %ge3A_373 : vector<16xi32>
      %or3A_375 = arith.ori %lt3A_371, %ge3A_374 : vector<16xi1>
      %jit3A_376 = arith.constant 25008 : i32
      %broadcast_in_dim3A_377 = vector.broadcast %jit3A_376 : i32 to vector<16xi32>
      %select_n3A_378 = arith.select %or3A_375, %broadcast_in_dim3A_377, %sub3A_368 : vector<16xi1>, vector<16xi32>
      %swap3A_379 = arith.constant 1 : i32
      %swap3A_380 = arith.index_cast %swap3A_379 : i32 to index
      %swap3A_381 = arith.constant 48 : index
      %swap3A_382 = tpu.vector_load %arg8[%swap3A_380, %swap3A_381] {strides = array<i32>} : memref<2x112xi32, #tpu.memory_space<vmem>>, vector<1x16xi32>,
      %swap3A_383 = vector.shape_cast %swap3A_382 : vector<1x16xi32> to vector<16xi32>
      %swap3A_384 = vector.shape_cast %select_n3A_378 : vector<16xi32> to vector<1x16xi32>
      tpu.vector_store %arg8[%swap3A_380, %swap3A_381], %swap3A_384 {strides = array<i32>} : memref<2x112xi32, #tpu.memory_space<vmem>>, vector<1x16xi32>,
      %get3A_385 = arith.constant 1 : i32
      %get3A_386 = arith.constant 1 : i32
      %get3A_387 = arith.index_cast %get3A_385 : i32 to index
      %get3A_388 = arith.index_cast %get3A_386 : i32 to index
      %get3A_389 = arith.constant 64 : index
      %get3A_390 = tpu.vector_load %arg6[%get3A_387, %get3A_388, %get3A_389] {strides = array<i32>} : memref<2x2x112xi32, #tpu.memory_space<vmem>>, vector<1x1x16xi32>,
      %get3A_391 = vector.shape_cast %get3A_390 : vector<1x1x16xi32> to vector<16xi32>
      %sub3A_392 = vector.broadcast %mul3A_0 : i32 to vector<16xi32>
      %sub3A_393 = arith.subi %get3A_391, %sub3A_392 : vector<16xi32>
      %lt3A_394 = arith.constant 0 : i32
      %lt3A_395 = vector.broadcast %lt3A_394 : i32 to vector<16xi32>
      %lt3A_396 = arith.cmpi slt, %sub3A_393, %lt3A_395 : vector<16xi32>
      %ge3A_397 = arith.constant 25008 : i32
      %ge3A_398 = vector.broadcast %ge3A_397 : i32 to vector<16xi32>
      %ge3A_399 = arith.cmpi sge, %sub3A_393, %ge3A_398 : vector<16xi32>
      %or3A_400 = arith.ori %lt3A_396, %ge3A_399 : vector<16xi1>
      %jit3A_401 = arith.constant 25008 : i32
      %broadcast_in_dim3A_402 = vector.broadcast %jit3A_401 : i32 to vector<16xi32>
      %select_n3A_403 = arith.select %or3A_400, %broadcast_in_dim3A_402, %sub3A_393 : vector<16xi1>, vector<16xi32>
      %swap3A_404 = arith.constant 1 : i32
      %swap3A_405 = arith.index_cast %swap3A_404 : i32 to index
      %swap3A_406 = arith.constant 64 : index
      %swap3A_407 = tpu.vector_load %arg8[%swap3A_405, %swap3A_406] {strides = array<i32>} : memref<2x112xi32, #tpu.memory_space<vmem>>, vector<1x16xi32>,
      %swap3A_408 = vector.shape_cast %swap3A_407 : vector<1x16xi32> to vector<16xi32>
      %swap3A_409 = vector.shape_cast %select_n3A_403 : vector<16xi32> to vector<1x16xi32>
      tpu.vector_store %arg8[%swap3A_405, %swap3A_406], %swap3A_409 {strides = array<i32>} : memref<2x112xi32, #tpu.memory_space<vmem>>, vector<1x16xi32>,
      %get3A_410 = arith.constant 1 : i32
      %get3A_411 = arith.constant 1 : i32
      %get3A_412 = arith.index_cast %get3A_410 : i32 to index
      %get3A_413 = arith.index_cast %get3A_411 : i32 to index
      %get3A_414 = arith.constant 80 : index
      %get3A_415 = tpu.vector_load %arg6[%get3A_412, %get3A_413, %get3A_414] {strides = array<i32>} : memref<2x2x112xi32, #tpu.memory_space<vmem>>, vector<1x1x16xi32>,
      %get3A_416 = vector.shape_cast %get3A_415 : vector<1x1x16xi32> to vector<16xi32>
      %sub3A_417 = vector.broadcast %mul3A_0 : i32 to vector<16xi32>
      %sub3A_418 = arith.subi %get3A_416, %sub3A_417 : vector<16xi32>
      %lt3A_419 = arith.constant 0 : i32
      %lt3A_420 = vector.broadcast %lt3A_419 : i32 to vector<16xi32>
      %lt3A_421 = arith.cmpi slt, %sub3A_418, %lt3A_420 : vector<16xi32>
      %ge3A_422 = arith.constant 25008 : i32
      %ge3A_423 = vector.broadcast %ge3A_422 : i32 to vector<16xi32>
      %ge3A_424 = arith.cmpi sge, %sub3A_418, %ge3A_423 : vector<16xi32>
      %or3A_425 = arith.ori %lt3A_421, %ge3A_424 : vector<16xi1>
      %jit3A_426 = arith.constant 25008 : i32
      %broadcast_in_dim3A_427 = vector.broadcast %jit3A_426 : i32 to vector<16xi32>
      %select_n3A_428 = arith.select %or3A_425, %broadcast_in_dim3A_427, %sub3A_418 : vector<16xi1>, vector<16xi32>
      %swap3A_429 = arith.constant 1 : i32
      %swap3A_430 = arith.index_cast %swap3A_429 : i32 to index
      %swap3A_431 = arith.constant 80 : index
      %swap3A_432 = tpu.vector_load %arg8[%swap3A_430, %swap3A_431] {strides = array<i32>} : memref<2x112xi32, #tpu.memory_space<vmem>>, vector<1x16xi32>,
      %swap3A_433 = vector.shape_cast %swap3A_432 : vector<1x16xi32> to vector<16xi32>
      %swap3A_434 = vector.shape_cast %select_n3A_428 : vector<16xi32> to vector<1x16xi32>
      tpu.vector_store %arg8[%swap3A_430, %swap3A_431], %swap3A_434 {strides = array<i32>} : memref<2x112xi32, #tpu.memory_space<vmem>>, vector<1x16xi32>,
      %get3A_435 = arith.constant 1 : i32
      %get3A_436 = arith.constant 1 : i32
      %get3A_437 = arith.index_cast %get3A_435 : i32 to index
      %get3A_438 = arith.index_cast %get3A_436 : i32 to index
      %get3A_439 = arith.constant 96 : index
      %get3A_440 = tpu.vector_load %arg6[%get3A_437, %get3A_438, %get3A_439] {strides = array<i32>} : memref<2x2x112xi32, #tpu.memory_space<vmem>>, vector<1x1x16xi32>,
      %get3A_441 = vector.shape_cast %get3A_440 : vector<1x1x16xi32> to vector<16xi32>
      %sub3A_442 = vector.broadcast %mul3A_0 : i32 to vector<16xi32>
      %sub3A_443 = arith.subi %get3A_441, %sub3A_442 : vector<16xi32>
      %lt3A_444 = arith.constant 0 : i32
      %lt3A_445 = vector.broadcast %lt3A_444 : i32 to vector<16xi32>
      %lt3A_446 = arith.cmpi slt, %sub3A_443, %lt3A_445 : vector<16xi32>
      %ge3A_447 = arith.constant 25008 : i32
      %ge3A_448 = vector.broadcast %ge3A_447 : i32 to vector<16xi32>
      %ge3A_449 = arith.cmpi sge, %sub3A_443, %ge3A_448 : vector<16xi32>
      %or3A_450 = arith.ori %lt3A_446, %ge3A_449 : vector<16xi1>
      %jit3A_451 = arith.constant 25008 : i32
      %broadcast_in_dim3A_452 = vector.broadcast %jit3A_451 : i32 to vector<16xi32>
      %select_n3A_453 = arith.select %or3A_450, %broadcast_in_dim3A_452, %sub3A_443 : vector<16xi1>, vector<16xi32>
      %swap3A_454 = arith.constant 1 : i32
      %swap3A_455 = arith.index_cast %swap3A_454 : i32 to index
      %swap3A_456 = arith.constant 96 : index
      %swap3A_457 = tpu.vector_load %arg8[%swap3A_455, %swap3A_456] {strides = array<i32>} : memref<2x112xi32, #tpu.memory_space<vmem>>, vector<1x16xi32>,
      %swap3A_458 = vector.shape_cast %swap3A_457 : vector<1x16xi32> to vector<16xi32>
      %swap3A_459 = vector.shape_cast %select_n3A_453 : vector<16xi32> to vector<1x16xi32>
      tpu.vector_store %arg8[%swap3A_455, %swap3A_456], %swap3A_459 {strides = array<i32>} : memref<2x112xi32, #tpu.memory_space<vmem>>, vector<1x16xi32>,
      %ge3A_460 = arith.constant 1 : i32
      %ge3A_461 = arith.cmpi sge, %scan3A_78, %ge3A_460 : i32
      %convert_element_type3A_462 = arith.extui %ge3A_461 : i1 to i32
      %cond3A_463 = arith.constant 0 : i32
      %cond3A_464 = arith.cmpi ne, %convert_element_type3A_462, %cond3A_463 : i32
      scf.if %cond3A_464 {
        %dma_wait3A_897 = arith.constant 0 : i32
        %dma_wait3A_898 = arith.constant 0 : i32
        %dma_wait3A_899 = tpu.memref_slice %arg2[%dma_wait3A_897, %dma_wait3A_898] : memref<50176x64xf32, #tpu.memory_space<hbm>> -> memref<224x64xf32, #tpu.memory_space<hbm>>
        %dma_wait3A_900 = arith.constant 0 : i32
        %dma_wait3A_901 = arith.constant 0 : i32
        %dma_wait3A_902 = tpu.memref_slice %arg2[%dma_wait3A_900, %dma_wait3A_901] : memref<50176x64xf32, #tpu.memory_space<hbm>> -> memref<224x64xf32, #tpu.memory_space<hbm>>
        tpu.wait_dma2 semaphore(%arg15 : memref<!tpu.dma_semaphore, #tpu.memory_space<semaphore_mem>>) src(%dma_wait3A_902 : memref<224x64xf32, #tpu.memory_space<hbm>>) dst(%arg11 : memref<224x64xf32, #tpu.memory_space<vmem>>)
        %dma_start3A_903 = arith.constant 0 : i32
        %dma_start3A_904 = arith.constant 0 : i32
        %dma_start3A_905 = arith.constant 0 : i32
        %dma_start3A_906 = tpu.memref_slice %arg11[%dma_start3A_904, %dma_start3A_905] : memref<224x64xf32, #tpu.memory_space<vmem>> -> memref<112x64xf32, #tpu.memory_space<vmem>>
        %dma_start3A_907 = arith.constant 0 : i32
        %dma_start3A_908 = tpu.memref_slice %arg9[%dma_start3A_903, %dma_start3A_907] : memref<2x112xi32, #tpu.memory_space<vmem>> -> memref<1x112xi32, #tpu.memory_space<vmem>>
        %dma_start3A_909 = tpu.memref_squeeze %dma_start3A_908 : memref<1x112xi32, #tpu.memory_space<vmem>> -> memref<112xi32, #tpu.memory_space<vmem>>
        %dma_start3A_910 = arith.constant 0 : i32
        %dma_start3A_911 = arith.constant 0 : i32
        %dma_start3A_912 = tpu.memref_slice %arg5[%dma_start3A_910, %dma_start3A_911] : memref<25009x64xf32, #tpu.memory_space<vmem_shared>> -> memref<25009x64xf32, #tpu.memory_space<vmem_shared>>
        tpu.enqueue_indirect_dma source(%dma_start3A_906 : memref<112x64xf32, #tpu.memory_space<vmem>>) target(%dma_start3A_912 : memref<25009x64xf32, #tpu.memory_space<vmem_shared>>) offsets(%dma_start3A_909 : memref<112xi32, #tpu.memory_space<vmem>>) semaphore(%arg17 : memref<!tpu.dma_semaphore, #tpu.memory_space<semaphore_mem>>) {add = true}
        %dma_start3A_913 = arith.constant 1 : i32
        %dma_start3A_914 = arith.constant 112 : i32
        %dma_start3A_915 = arith.constant 0 : i32
        %dma_start3A_916 = tpu.memref_slice %arg11[%dma_start3A_914, %dma_start3A_915] : memref<224x64xf32, #tpu.memory_space<vmem>> -> memref<112x64xf32, #tpu.memory_space<vmem>>
        %dma_start3A_917 = arith.constant 0 : i32
        %dma_start3A_918 = tpu.memref_slice %arg9[%dma_start3A_913, %dma_start3A_917] : memref<2x112xi32, #tpu.memory_space<vmem>> -> memref<1x112xi32, #tpu.memory_space<vmem>>
        %dma_start3A_919 = tpu.memref_squeeze %dma_start3A_918 : memref<1x112xi32, #tpu.memory_space<vmem>> -> memref<112xi32, #tpu.memory_space<vmem>>
        %dma_start3A_920 = arith.constant 0 : i32
        %dma_start3A_921 = arith.constant 0 : i32
        %dma_start3A_922 = tpu.memref_slice %arg5[%dma_start3A_920, %dma_start3A_921] : memref<25009x64xf32, #tpu.memory_space<vmem_shared>> -> memref<25009x64xf32, #tpu.memory_space<vmem_shared>>
        tpu.enqueue_indirect_dma source(%dma_start3A_916 : memref<112x64xf32, #tpu.memory_space<vmem>>) target(%dma_start3A_922 : memref<25009x64xf32, #tpu.memory_space<vmem_shared>>) offsets(%dma_start3A_919 : memref<112xi32, #tpu.memory_space<vmem>>) semaphore(%arg17 : memref<!tpu.dma_semaphore, #tpu.memory_space<semaphore_mem>>) {add = true}
      } else {
      }
      %add3A_465 = arith.constant 1 : i32
      %add3A_466 = arith.addi %add3A_83, %add3A_465 : i32
      %mul3A_467 = arith.constant 2 : i32
      %mul3A_468 = arith.muli %mul3A_467, %add3A_466 : i32
      %add3A_469 = arith.addi %mul3A_20, %mul3A_468 : i32
      %dma_start3A_470 = arith.constant 0 : i32
      %dma_start3A_471 = arith.constant 0 : i32
      %dma_start3A_472 = tpu.memref_slice %arg3[%add3A_469, %dma_start3A_470, %dma_start3A_471] : memref<7168x2x112xi32, #tpu.memory_space<hbm>> -> memref<2x2x112xi32, #tpu.memory_space<hbm>>
      %dma_start3A_473 = arith.constant 0 : i32
      %dma_start3A_474 = arith.constant 0 : i32
      %dma_start3A_475 = tpu.memref_slice %arg3[%add3A_469, %dma_start3A_473, %dma_start3A_474] : memref<7168x2x112xi32, #tpu.memory_space<hbm>> -> memref<2x2x112xi32, #tpu.memory_space<hbm>>
      tpu.enqueue_dma source(%dma_start3A_475 : memref<2x2x112xi32, #tpu.memory_space<hbm>>) target(%arg7 : memref<2x2x112xi32, #tpu.memory_space<vmem>>) target_semaphore(%arg13 : memref<!tpu.dma_semaphore, #tpu.memory_space<semaphore_mem>>)
      %mul3A_476 = arith.constant 2 : i32
      %mul3A_477 = arith.muli %scan3A_78, %mul3A_476 : i32
      %add3A_478 = arith.constant 1 : i32
      %add3A_479 = arith.addi %mul3A_477, %add3A_478 : i32
      %dma_wait3A_480 = arith.constant 0 : i32
      %dma_wait3A_481 = arith.constant 0 : i32
      %dma_wait3A_482 = arith.constant 0 : i32
      %dma_wait3A_483 = tpu.memref_slice %arg3[%dma_wait3A_480, %dma_wait3A_481, %dma_wait3A_482] : memref<7168x2x112xi32, #tpu.memory_space<hbm>> -> memref<2x2x112xi32, #tpu.memory_space<hbm>>
      %dma_wait3A_484 = arith.constant 0 : i32
      %dma_wait3A_485 = arith.constant 0 : i32
      %dma_wait3A_486 = arith.constant 0 : i32
      %dma_wait3A_487 = tpu.memref_slice %arg3[%dma_wait3A_484, %dma_wait3A_485, %dma_wait3A_486] : memref<7168x2x112xi32, #tpu.memory_space<hbm>> -> memref<2x2x112xi32, #tpu.memory_space<hbm>>
      tpu.wait_dma2 semaphore(%arg13 : memref<!tpu.dma_semaphore, #tpu.memory_space<semaphore_mem>>) src(%dma_wait3A_487 : memref<2x2x112xi32, #tpu.memory_space<hbm>>) dst(%arg7 : memref<2x2x112xi32, #tpu.memory_space<vmem>>)
      %ge3A_488 = arith.constant 1 : i32
      %ge3A_489 = arith.cmpi sge, %scan3A_78, %ge3A_488 : i32
      %convert_element_type3A_490 = arith.extui %ge3A_489 : i1 to i32
      %cond3A_491 = arith.constant 0 : i32
      %cond3A_492 = arith.cmpi ne, %convert_element_type3A_490, %cond3A_491 : i32
      scf.if %cond3A_492 {
        %dma_wait3A_897 = arith.constant 0 : i32
        %dma_wait3A_898 = arith.constant 0 : i32
        %dma_wait3A_899 = tpu.memref_slice %arg2[%dma_wait3A_897, %dma_wait3A_898] : memref<50176x64xf32, #tpu.memory_space<hbm>> -> memref<224x64xf32, #tpu.memory_space<hbm>>
        %dma_wait3A_900 = arith.constant 0 : i32
        %dma_wait3A_901 = arith.constant 0 : i32
        %dma_wait3A_902 = tpu.memref_slice %arg2[%dma_wait3A_900, %dma_wait3A_901] : memref<50176x64xf32, #tpu.memory_space<hbm>> -> memref<224x64xf32, #tpu.memory_space<hbm>>
        tpu.wait_dma2 semaphore(%arg17 : memref<!tpu.dma_semaphore, #tpu.memory_space<semaphore_mem>>) src(%dma_wait3A_902 : memref<224x64xf32, #tpu.memory_space<hbm>>) dst(%arg11 : memref<224x64xf32, #tpu.memory_space<vmem>>)
      } else {
      }
      %dma_start3A_493 = arith.constant 0 : i32
      %dma_start3A_494 = arith.constant 0 : i32
      %dma_start3A_495 = arith.constant 0 : i32
      %dma_start3A_496 = arith.constant 0 : i32
      %dma_start3A_497 = tpu.memref_slice %arg11[%dma_start3A_495, %dma_start3A_496] : memref<224x64xf32, #tpu.memory_space<vmem>> -> memref<112x64xf32, #tpu.memory_space<vmem>>
      %dma_start3A_498 = arith.constant 0 : i32
      %dma_start3A_499 = tpu.memref_slice %arg7[%dma_start3A_493, %dma_start3A_494, %dma_start3A_498] : memref<2x2x112xi32, #tpu.memory_space<vmem>> -> memref<1x1x112xi32, #tpu.memory_space<vmem>>
      %dma_start3A_500 = tpu.memref_squeeze %dma_start3A_499 : memref<1x1x112xi32, #tpu.memory_space<vmem>> -> memref<112xi32, #tpu.memory_space<vmem>>
      %dma_start3A_501 = arith.constant 0 : i32
      %dma_start3A_502 = arith.constant 0 : i32
      %dma_start3A_503 = tpu.memref_slice %arg2[%dma_start3A_501, %dma_start3A_502] : memref<50176x64xf32, #tpu.memory_space<hbm>> -> memref<50176x64xf32, #tpu.memory_space<hbm>>
      tpu.enqueue_indirect_dma source(%dma_start3A_503 : memref<50176x64xf32, #tpu.memory_space<hbm>>) target(%dma_start3A_497 : memref<112x64xf32, #tpu.memory_space<vmem>>) offsets(%dma_start3A_500 : memref<112xi32, #tpu.memory_space<vmem>>) semaphore(%arg15 : memref<!tpu.dma_semaphore, #tpu.memory_space<semaphore_mem>>)
      %dma_start3A_504 = arith.constant 1 : i32
      %dma_start3A_505 = arith.constant 0 : i32
      %dma_start3A_506 = arith.constant 112 : i32
      %dma_start3A_507 = arith.constant 0 : i32
      %dma_start3A_508 = tpu.memref_slice %arg11[%dma_start3A_506, %dma_start3A_507] : memref<224x64xf32, #tpu.memory_space<vmem>> -> memref<112x64xf32, #tpu.memory_space<vmem>>
      %dma_start3A_509 = arith.constant 0 : i32
      %dma_start3A_510 = tpu.memref_slice %arg7[%dma_start3A_504, %dma_start3A_505, %dma_start3A_509] : memref<2x2x112xi32, #tpu.memory_space<vmem>> -> memref<1x1x112xi32, #tpu.memory_space<vmem>>
      %dma_start3A_511 = tpu.memref_squeeze %dma_start3A_510 : memref<1x1x112xi32, #tpu.memory_space<vmem>> -> memref<112xi32, #tpu.memory_space<vmem>>
      %dma_start3A_512 = arith.constant 0 : i32
      %dma_start3A_513 = arith.constant 0 : i32
      %dma_start3A_514 = tpu.memref_slice %arg2[%dma_start3A_512, %dma_start3A_513] : memref<50176x64xf32, #tpu.memory_space<hbm>> -> memref<50176x64xf32, #tpu.memory_space<hbm>>
      tpu.enqueue_indirect_dma source(%dma_start3A_514 : memref<50176x64xf32, #tpu.memory_space<hbm>>) target(%dma_start3A_508 : memref<112x64xf32, #tpu.memory_space<vmem>>) offsets(%dma_start3A_511 : memref<112xi32, #tpu.memory_space<vmem>>) semaphore(%arg15 : memref<!tpu.dma_semaphore, #tpu.memory_space<semaphore_mem>>)
      %get3A_515 = arith.constant 0 : i32
      %get3A_516 = arith.constant 1 : i32
      %get3A_517 = arith.index_cast %get3A_515 : i32 to index
      %get3A_518 = arith.index_cast %get3A_516 : i32 to index
      %get3A_519 = arith.constant 0 : index
      %get3A_520 = tpu.vector_load %arg7[%get3A_517, %get3A_518, %get3A_519] {strides = array<i32>} : memref<2x2x112xi32, #tpu.memory_space<vmem>>, vector<1x1x16xi32>,
      %get3A_521 = vector.shape_cast %get3A_520 : vector<1x1x16xi32> to vector<16xi32>
      %sub3A_522 = vector.broadcast %mul3A_0 : i32 to vector<16xi32>
      %sub3A_523 = arith.subi %get3A_521, %sub3A_522 : vector<16xi32>
      %lt3A_524 = arith.constant 0 : i32
      %lt3A_525 = vector.broadcast %lt3A_524 : i32 to vector<16xi32>
      %lt3A_526 = arith.cmpi slt, %sub3A_523, %lt3A_525 : vector<16xi32>
      %ge3A_527 = arith.constant 25008 : i32
      %ge3A_528 = vector.broadcast %ge3A_527 : i32 to vector<16xi32>
      %ge3A_529 = arith.cmpi sge, %sub3A_523, %ge3A_528 : vector<16xi32>
      %or3A_530 = arith.ori %lt3A_526, %ge3A_529 : vector<16xi1>
      %jit3A_531 = arith.constant 25008 : i32
      %broadcast_in_dim3A_532 = vector.broadcast %jit3A_531 : i32 to vector<16xi32>
      %select_n3A_533 = arith.select %or3A_530, %broadcast_in_dim3A_532, %sub3A_523 : vector<16xi1>, vector<16xi32>
      %swap3A_534 = arith.constant 0 : i32
      %swap3A_535 = arith.index_cast %swap3A_534 : i32 to index
      %swap3A_536 = arith.constant 0 : index
      %swap3A_537 = tpu.vector_load %arg9[%swap3A_535, %swap3A_536] {strides = array<i32>} : memref<2x112xi32, #tpu.memory_space<vmem>>, vector<1x16xi32>,
      %swap3A_538 = vector.shape_cast %swap3A_537 : vector<1x16xi32> to vector<16xi32>
      %swap3A_539 = vector.shape_cast %select_n3A_533 : vector<16xi32> to vector<1x16xi32>
      tpu.vector_store %arg9[%swap3A_535, %swap3A_536], %swap3A_539 {strides = array<i32>} : memref<2x112xi32, #tpu.memory_space<vmem>>, vector<1x16xi32>,
      %get3A_540 = arith.constant 0 : i32
      %get3A_541 = arith.constant 1 : i32
      %get3A_542 = arith.index_cast %get3A_540 : i32 to index
      %get3A_543 = arith.index_cast %get3A_541 : i32 to index
      %get3A_544 = arith.constant 16 : index
      %get3A_545 = tpu.vector_load %arg7[%get3A_542, %get3A_543, %get3A_544] {strides = array<i32>} : memref<2x2x112xi32, #tpu.memory_space<vmem>>, vector<1x1x16xi32>,
      %get3A_546 = vector.shape_cast %get3A_545 : vector<1x1x16xi32> to vector<16xi32>
      %sub3A_547 = vector.broadcast %mul3A_0 : i32 to vector<16xi32>
      %sub3A_548 = arith.subi %get3A_546, %sub3A_547 : vector<16xi32>
      %lt3A_549 = arith.constant 0 : i32
      %lt3A_550 = vector.broadcast %lt3A_549 : i32 to vector<16xi32>
      %lt3A_551 = arith.cmpi slt, %sub3A_548, %lt3A_550 : vector<16xi32>
      %ge3A_552 = arith.constant 25008 : i32
      %ge3A_553 = vector.broadcast %ge3A_552 : i32 to vector<16xi32>
      %ge3A_554 = arith.cmpi sge, %sub3A_548, %ge3A_553 : vector<16xi32>
      %or3A_555 = arith.ori %lt3A_551, %ge3A_554 : vector<16xi1>
      %jit3A_556 = arith.constant 25008 : i32
      %broadcast_in_dim3A_557 = vector.broadcast %jit3A_556 : i32 to vector<16xi32>
      %select_n3A_558 = arith.select %or3A_555, %broadcast_in_dim3A_557, %sub3A_548 : vector<16xi1>, vector<16xi32>
      %swap3A_559 = arith.constant 0 : i32
      %swap3A_560 = arith.index_cast %swap3A_559 : i32 to index
      %swap3A_561 = arith.constant 16 : index
      %swap3A_562 = tpu.vector_load %arg9[%swap3A_560, %swap3A_561] {strides = array<i32>} : memref<2x112xi32, #tpu.memory_space<vmem>>, vector<1x16xi32>,
      %swap3A_563 = vector.shape_cast %swap3A_562 : vector<1x16xi32> to vector<16xi32>
      %swap3A_564 = vector.shape_cast %select_n3A_558 : vector<16xi32> to vector<1x16xi32>
      tpu.vector_store %arg9[%swap3A_560, %swap3A_561], %swap3A_564 {strides = array<i32>} : memref<2x112xi32, #tpu.memory_space<vmem>>, vector<1x16xi32>,
      %get3A_565 = arith.constant 0 : i32
      %get3A_566 = arith.constant 1 : i32
      %get3A_567 = arith.index_cast %get3A_565 : i32 to index
      %get3A_568 = arith.index_cast %get3A_566 : i32 to index
      %get3A_569 = arith.constant 32 : index
      %get3A_570 = tpu.vector_load %arg7[%get3A_567, %get3A_568, %get3A_569] {strides = array<i32>} : memref<2x2x112xi32, #tpu.memory_space<vmem>>, vector<1x1x16xi32>,
      %get3A_571 = vector.shape_cast %get3A_570 : vector<1x1x16xi32> to vector<16xi32>
      %sub3A_572 = vector.broadcast %mul3A_0 : i32 to vector<16xi32>
      %sub3A_573 = arith.subi %get3A_571, %sub3A_572 : vector<16xi32>
      %lt3A_574 = arith.constant 0 : i32
      %lt3A_575 = vector.broadcast %lt3A_574 : i32 to vector<16xi32>
      %lt3A_576 = arith.cmpi slt, %sub3A_573, %lt3A_575 : vector<16xi32>
      %ge3A_577 = arith.constant 25008 : i32
      %ge3A_578 = vector.broadcast %ge3A_577 : i32 to vector<16xi32>
      %ge3A_579 = arith.cmpi sge, %sub3A_573, %ge3A_578 : vector<16xi32>
      %or3A_580 = arith.ori %lt3A_576, %ge3A_579 : vector<16xi1>
      %jit3A_581 = arith.constant 25008 : i32
      %broadcast_in_dim3A_582 = vector.broadcast %jit3A_581 : i32 to vector<16xi32>
      %select_n3A_583 = arith.select %or3A_580, %broadcast_in_dim3A_582, %sub3A_573 : vector<16xi1>, vector<16xi32>
      %swap3A_584 = arith.constant 0 : i32
      %swap3A_585 = arith.index_cast %swap3A_584 : i32 to index
      %swap3A_586 = arith.constant 32 : index
      %swap3A_587 = tpu.vector_load %arg9[%swap3A_585, %swap3A_586] {strides = array<i32>} : memref<2x112xi32, #tpu.memory_space<vmem>>, vector<1x16xi32>,
      %swap3A_588 = vector.shape_cast %swap3A_587 : vector<1x16xi32> to vector<16xi32>
      %swap3A_589 = vector.shape_cast %select_n3A_583 : vector<16xi32> to vector<1x16xi32>
      tpu.vector_store %arg9[%swap3A_585, %swap3A_586], %swap3A_589 {strides = array<i32>} : memref<2x112xi32, #tpu.memory_space<vmem>>, vector<1x16xi32>,
      %get3A_590 = arith.constant 0 : i32
      %get3A_591 = arith.constant 1 : i32
      %get3A_592 = arith.index_cast %get3A_590 : i32 to index
      %get3A_593 = arith.index_cast %get3A_591 : i32 to index
      %get3A_594 = arith.constant 48 : index
      %get3A_595 = tpu.vector_load %arg7[%get3A_592, %get3A_593, %get3A_594] {strides = array<i32>} : memref<2x2x112xi32, #tpu.memory_space<vmem>>, vector<1x1x16xi32>,
      %get3A_596 = vector.shape_cast %get3A_595 : vector<1x1x16xi32> to vector<16xi32>
      %sub3A_597 = vector.broadcast %mul3A_0 : i32 to vector<16xi32>
      %sub3A_598 = arith.subi %get3A_596, %sub3A_597 : vector<16xi32>
      %lt3A_599 = arith.constant 0 : i32
      %lt3A_600 = vector.broadcast %lt3A_599 : i32 to vector<16xi32>
      %lt3A_601 = arith.cmpi slt, %sub3A_598, %lt3A_600 : vector<16xi32>
      %ge3A_602 = arith.constant 25008 : i32
      %ge3A_603 = vector.broadcast %ge3A_602 : i32 to vector<16xi32>
      %ge3A_604 = arith.cmpi sge, %sub3A_598, %ge3A_603 : vector<16xi32>
      %or3A_605 = arith.ori %lt3A_601, %ge3A_604 : vector<16xi1>
      %jit3A_606 = arith.constant 25008 : i32
      %broadcast_in_dim3A_607 = vector.broadcast %jit3A_606 : i32 to vector<16xi32>
      %select_n3A_608 = arith.select %or3A_605, %broadcast_in_dim3A_607, %sub3A_598 : vector<16xi1>, vector<16xi32>
      %swap3A_609 = arith.constant 0 : i32
      %swap3A_610 = arith.index_cast %swap3A_609 : i32 to index
      %swap3A_611 = arith.constant 48 : index
      %swap3A_612 = tpu.vector_load %arg9[%swap3A_610, %swap3A_611] {strides = array<i32>} : memref<2x112xi32, #tpu.memory_space<vmem>>, vector<1x16xi32>,
      %swap3A_613 = vector.shape_cast %swap3A_612 : vector<1x16xi32> to vector<16xi32>
      %swap3A_614 = vector.shape_cast %select_n3A_608 : vector<16xi32> to vector<1x16xi32>
      tpu.vector_store %arg9[%swap3A_610, %swap3A_611], %swap3A_614 {strides = array<i32>} : memref<2x112xi32, #tpu.memory_space<vmem>>, vector<1x16xi32>,
      %get3A_615 = arith.constant 0 : i32
      %get3A_616 = arith.constant 1 : i32
      %get3A_617 = arith.index_cast %get3A_615 : i32 to index
      %get3A_618 = arith.index_cast %get3A_616 : i32 to index
      %get3A_619 = arith.constant 64 : index
      %get3A_620 = tpu.vector_load %arg7[%get3A_617, %get3A_618, %get3A_619] {strides = array<i32>} : memref<2x2x112xi32, #tpu.memory_space<vmem>>, vector<1x1x16xi32>,
      %get3A_621 = vector.shape_cast %get3A_620 : vector<1x1x16xi32> to vector<16xi32>
      %sub3A_622 = vector.broadcast %mul3A_0 : i32 to vector<16xi32>
      %sub3A_623 = arith.subi %get3A_621, %sub3A_622 : vector<16xi32>
      %lt3A_624 = arith.constant 0 : i32
      %lt3A_625 = vector.broadcast %lt3A_624 : i32 to vector<16xi32>
      %lt3A_626 = arith.cmpi slt, %sub3A_623, %lt3A_625 : vector<16xi32>
      %ge3A_627 = arith.constant 25008 : i32
      %ge3A_628 = vector.broadcast %ge3A_627 : i32 to vector<16xi32>
      %ge3A_629 = arith.cmpi sge, %sub3A_623, %ge3A_628 : vector<16xi32>
      %or3A_630 = arith.ori %lt3A_626, %ge3A_629 : vector<16xi1>
      %jit3A_631 = arith.constant 25008 : i32
      %broadcast_in_dim3A_632 = vector.broadcast %jit3A_631 : i32 to vector<16xi32>
      %select_n3A_633 = arith.select %or3A_630, %broadcast_in_dim3A_632, %sub3A_623 : vector<16xi1>, vector<16xi32>
      %swap3A_634 = arith.constant 0 : i32
      %swap3A_635 = arith.index_cast %swap3A_634 : i32 to index
      %swap3A_636 = arith.constant 64 : index
      %swap3A_637 = tpu.vector_load %arg9[%swap3A_635, %swap3A_636] {strides = array<i32>} : memref<2x112xi32, #tpu.memory_space<vmem>>, vector<1x16xi32>,
      %swap3A_638 = vector.shape_cast %swap3A_637 : vector<1x16xi32> to vector<16xi32>
      %swap3A_639 = vector.shape_cast %select_n3A_633 : vector<16xi32> to vector<1x16xi32>
      tpu.vector_store %arg9[%swap3A_635, %swap3A_636], %swap3A_639 {strides = array<i32>} : memref<2x112xi32, #tpu.memory_space<vmem>>, vector<1x16xi32>,
      %get3A_640 = arith.constant 0 : i32
      %get3A_641 = arith.constant 1 : i32
      %get3A_642 = arith.index_cast %get3A_640 : i32 to index
      %get3A_643 = arith.index_cast %get3A_641 : i32 to index
      %get3A_644 = arith.constant 80 : index
      %get3A_645 = tpu.vector_load %arg7[%get3A_642, %get3A_643, %get3A_644] {strides = array<i32>} : memref<2x2x112xi32, #tpu.memory_space<vmem>>, vector<1x1x16xi32>,
      %get3A_646 = vector.shape_cast %get3A_645 : vector<1x1x16xi32> to vector<16xi32>
      %sub3A_647 = vector.broadcast %mul3A_0 : i32 to vector<16xi32>
      %sub3A_648 = arith.subi %get3A_646, %sub3A_647 : vector<16xi32>
      %lt3A_649 = arith.constant 0 : i32
      %lt3A_650 = vector.broadcast %lt3A_649 : i32 to vector<16xi32>
      %lt3A_651 = arith.cmpi slt, %sub3A_648, %lt3A_650 : vector<16xi32>
      %ge3A_652 = arith.constant 25008 : i32
      %ge3A_653 = vector.broadcast %ge3A_652 : i32 to vector<16xi32>
      %ge3A_654 = arith.cmpi sge, %sub3A_648, %ge3A_653 : vector<16xi32>
      %or3A_655 = arith.ori %lt3A_651, %ge3A_654 : vector<16xi1>
      %jit3A_656 = arith.constant 25008 : i32
      %broadcast_in_dim3A_657 = vector.broadcast %jit3A_656 : i32 to vector<16xi32>
      %select_n3A_658 = arith.select %or3A_655, %broadcast_in_dim3A_657, %sub3A_648 : vector<16xi1>, vector<16xi32>
      %swap3A_659 = arith.constant 0 : i32
      %swap3A_660 = arith.index_cast %swap3A_659 : i32 to index
      %swap3A_661 = arith.constant 80 : index
      %swap3A_662 = tpu.vector_load %arg9[%swap3A_660, %swap3A_661] {strides = array<i32>} : memref<2x112xi32, #tpu.memory_space<vmem>>, vector<1x16xi32>,
      %swap3A_663 = vector.shape_cast %swap3A_662 : vector<1x16xi32> to vector<16xi32>
      %swap3A_664 = vector.shape_cast %select_n3A_658 : vector<16xi32> to vector<1x16xi32>
      tpu.vector_store %arg9[%swap3A_660, %swap3A_661], %swap3A_664 {strides = array<i32>} : memref<2x112xi32, #tpu.memory_space<vmem>>, vector<1x16xi32>,
      %get3A_665 = arith.constant 0 : i32
      %get3A_666 = arith.constant 1 : i32
      %get3A_667 = arith.index_cast %get3A_665 : i32 to index
      %get3A_668 = arith.index_cast %get3A_666 : i32 to index
      %get3A_669 = arith.constant 96 : index
      %get3A_670 = tpu.vector_load %arg7[%get3A_667, %get3A_668, %get3A_669] {strides = array<i32>} : memref<2x2x112xi32, #tpu.memory_space<vmem>>, vector<1x1x16xi32>,
      %get3A_671 = vector.shape_cast %get3A_670 : vector<1x1x16xi32> to vector<16xi32>
      %sub3A_672 = vector.broadcast %mul3A_0 : i32 to vector<16xi32>
      %sub3A_673 = arith.subi %get3A_671, %sub3A_672 : vector<16xi32>
      %lt3A_674 = arith.constant 0 : i32
      %lt3A_675 = vector.broadcast %lt3A_674 : i32 to vector<16xi32>
      %lt3A_676 = arith.cmpi slt, %sub3A_673, %lt3A_675 : vector<16xi32>
      %ge3A_677 = arith.constant 25008 : i32
      %ge3A_678 = vector.broadcast %ge3A_677 : i32 to vector<16xi32>
      %ge3A_679 = arith.cmpi sge, %sub3A_673, %ge3A_678 : vector<16xi32>
      %or3A_680 = arith.ori %lt3A_676, %ge3A_679 : vector<16xi1>
      %jit3A_681 = arith.constant 25008 : i32
      %broadcast_in_dim3A_682 = vector.broadcast %jit3A_681 : i32 to vector<16xi32>
      %select_n3A_683 = arith.select %or3A_680, %broadcast_in_dim3A_682, %sub3A_673 : vector<16xi1>, vector<16xi32>
      %swap3A_684 = arith.constant 0 : i32
      %swap3A_685 = arith.index_cast %swap3A_684 : i32 to index
      %swap3A_686 = arith.constant 96 : index
      %swap3A_687 = tpu.vector_load %arg9[%swap3A_685, %swap3A_686] {strides = array<i32>} : memref<2x112xi32, #tpu.memory_space<vmem>>, vector<1x16xi32>,
      %swap3A_688 = vector.shape_cast %swap3A_687 : vector<1x16xi32> to vector<16xi32>
      %swap3A_689 = vector.shape_cast %select_n3A_683 : vector<16xi32> to vector<1x16xi32>
      tpu.vector_store %arg9[%swap3A_685, %swap3A_686], %swap3A_689 {strides = array<i32>} : memref<2x112xi32, #tpu.memory_space<vmem>>, vector<1x16xi32>,
      %get3A_690 = arith.constant 1 : i32
      %get3A_691 = arith.constant 1 : i32
      %get3A_692 = arith.index_cast %get3A_690 : i32 to index
      %get3A_693 = arith.index_cast %get3A_691 : i32 to index
      %get3A_694 = arith.constant 0 : index
      %get3A_695 = tpu.vector_load %arg7[%get3A_692, %get3A_693, %get3A_694] {strides = array<i32>} : memref<2x2x112xi32, #tpu.memory_space<vmem>>, vector<1x1x16xi32>,
      %get3A_696 = vector.shape_cast %get3A_695 : vector<1x1x16xi32> to vector<16xi32>
      %sub3A_697 = vector.broadcast %mul3A_0 : i32 to vector<16xi32>
      %sub3A_698 = arith.subi %get3A_696, %sub3A_697 : vector<16xi32>
      %lt3A_699 = arith.constant 0 : i32
      %lt3A_700 = vector.broadcast %lt3A_699 : i32 to vector<16xi32>
      %lt3A_701 = arith.cmpi slt, %sub3A_698, %lt3A_700 : vector<16xi32>
      %ge3A_702 = arith.constant 25008 : i32
      %ge3A_703 = vector.broadcast %ge3A_702 : i32 to vector<16xi32>
      %ge3A_704 = arith.cmpi sge, %sub3A_698, %ge3A_703 : vector<16xi32>
      %or3A_705 = arith.ori %lt3A_701, %ge3A_704 : vector<16xi1>
      %jit3A_706 = arith.constant 25008 : i32
      %broadcast_in_dim3A_707 = vector.broadcast %jit3A_706 : i32 to vector<16xi32>
      %select_n3A_708 = arith.select %or3A_705, %broadcast_in_dim3A_707, %sub3A_698 : vector<16xi1>, vector<16xi32>
      %swap3A_709 = arith.constant 1 : i32
      %swap3A_710 = arith.index_cast %swap3A_709 : i32 to index
      %swap3A_711 = arith.constant 0 : index
      %swap3A_712 = tpu.vector_load %arg9[%swap3A_710, %swap3A_711] {strides = array<i32>} : memref<2x112xi32, #tpu.memory_space<vmem>>, vector<1x16xi32>,
      %swap3A_713 = vector.shape_cast %swap3A_712 : vector<1x16xi32> to vector<16xi32>
      %swap3A_714 = vector.shape_cast %select_n3A_708 : vector<16xi32> to vector<1x16xi32>
      tpu.vector_store %arg9[%swap3A_710, %swap3A_711], %swap3A_714 {strides = array<i32>} : memref<2x112xi32, #tpu.memory_space<vmem>>, vector<1x16xi32>,
      %get3A_715 = arith.constant 1 : i32
      %get3A_716 = arith.constant 1 : i32
      %get3A_717 = arith.index_cast %get3A_715 : i32 to index
      %get3A_718 = arith.index_cast %get3A_716 : i32 to index
      %get3A_719 = arith.constant 16 : index
      %get3A_720 = tpu.vector_load %arg7[%get3A_717, %get3A_718, %get3A_719] {strides = array<i32>} : memref<2x2x112xi32, #tpu.memory_space<vmem>>, vector<1x1x16xi32>,
      %get3A_721 = vector.shape_cast %get3A_720 : vector<1x1x16xi32> to vector<16xi32>
      %sub3A_722 = vector.broadcast %mul3A_0 : i32 to vector<16xi32>
      %sub3A_723 = arith.subi %get3A_721, %sub3A_722 : vector<16xi32>
      %lt3A_724 = arith.constant 0 : i32
      %lt3A_725 = vector.broadcast %lt3A_724 : i32 to vector<16xi32>
      %lt3A_726 = arith.cmpi slt, %sub3A_723, %lt3A_725 : vector<16xi32>
      %ge3A_727 = arith.constant 25008 : i32
      %ge3A_728 = vector.broadcast %ge3A_727 : i32 to vector<16xi32>
      %ge3A_729 = arith.cmpi sge, %sub3A_723, %ge3A_728 : vector<16xi32>
      %or3A_730 = arith.ori %lt3A_726, %ge3A_729 : vector<16xi1>
      %jit3A_731 = arith.constant 25008 : i32
      %broadcast_in_dim3A_732 = vector.broadcast %jit3A_731 : i32 to vector<16xi32>
      %select_n3A_733 = arith.select %or3A_730, %broadcast_in_dim3A_732, %sub3A_723 : vector<16xi1>, vector<16xi32>
      %swap3A_734 = arith.constant 1 : i32
      %swap3A_735 = arith.index_cast %swap3A_734 : i32 to index
      %swap3A_736 = arith.constant 16 : index
      %swap3A_737 = tpu.vector_load %arg9[%swap3A_735, %swap3A_736] {strides = array<i32>} : memref<2x112xi32, #tpu.memory_space<vmem>>, vector<1x16xi32>,
      %swap3A_738 = vector.shape_cast %swap3A_737 : vector<1x16xi32> to vector<16xi32>
      %swap3A_739 = vector.shape_cast %select_n3A_733 : vector<16xi32> to vector<1x16xi32>
      tpu.vector_store %arg9[%swap3A_735, %swap3A_736], %swap3A_739 {strides = array<i32>} : memref<2x112xi32, #tpu.memory_space<vmem>>, vector<1x16xi32>,
      %get3A_740 = arith.constant 1 : i32
      %get3A_741 = arith.constant 1 : i32
      %get3A_742 = arith.index_cast %get3A_740 : i32 to index
      %get3A_743 = arith.index_cast %get3A_741 : i32 to index
      %get3A_744 = arith.constant 32 : index
      %get3A_745 = tpu.vector_load %arg7[%get3A_742, %get3A_743, %get3A_744] {strides = array<i32>} : memref<2x2x112xi32, #tpu.memory_space<vmem>>, vector<1x1x16xi32>,
      %get3A_746 = vector.shape_cast %get3A_745 : vector<1x1x16xi32> to vector<16xi32>
      %sub3A_747 = vector.broadcast %mul3A_0 : i32 to vector<16xi32>
      %sub3A_748 = arith.subi %get3A_746, %sub3A_747 : vector<16xi32>
      %lt3A_749 = arith.constant 0 : i32
      %lt3A_750 = vector.broadcast %lt3A_749 : i32 to vector<16xi32>
      %lt3A_751 = arith.cmpi slt, %sub3A_748, %lt3A_750 : vector<16xi32>
      %ge3A_752 = arith.constant 25008 : i32
      %ge3A_753 = vector.broadcast %ge3A_752 : i32 to vector<16xi32>
      %ge3A_754 = arith.cmpi sge, %sub3A_748, %ge3A_753 : vector<16xi32>
      %or3A_755 = arith.ori %lt3A_751, %ge3A_754 : vector<16xi1>
      %jit3A_756 = arith.constant 25008 : i32
      %broadcast_in_dim3A_757 = vector.broadcast %jit3A_756 : i32 to vector<16xi32>
      %select_n3A_758 = arith.select %or3A_755, %broadcast_in_dim3A_757, %sub3A_748 : vector<16xi1>, vector<16xi32>
      %swap3A_759 = arith.constant 1 : i32
      %swap3A_760 = arith.index_cast %swap3A_759 : i32 to index
      %swap3A_761 = arith.constant 32 : index
      %swap3A_762 = tpu.vector_load %arg9[%swap3A_760, %swap3A_761] {strides = array<i32>} : memref<2x112xi32, #tpu.memory_space<vmem>>, vector<1x16xi32>,
      %swap3A_763 = vector.shape_cast %swap3A_762 : vector<1x16xi32> to vector<16xi32>
      %swap3A_764 = vector.shape_cast %select_n3A_758 : vector<16xi32> to vector<1x16xi32>
      tpu.vector_store %arg9[%swap3A_760, %swap3A_761], %swap3A_764 {strides = array<i32>} : memref<2x112xi32, #tpu.memory_space<vmem>>, vector<1x16xi32>,
      %get3A_765 = arith.constant 1 : i32
      %get3A_766 = arith.constant 1 : i32
      %get3A_767 = arith.index_cast %get3A_765 : i32 to index
      %get3A_768 = arith.index_cast %get3A_766 : i32 to index
      %get3A_769 = arith.constant 48 : index
      %get3A_770 = tpu.vector_load %arg7[%get3A_767, %get3A_768, %get3A_769] {strides = array<i32>} : memref<2x2x112xi32, #tpu.memory_space<vmem>>, vector<1x1x16xi32>,
      %get3A_771 = vector.shape_cast %get3A_770 : vector<1x1x16xi32> to vector<16xi32>
      %sub3A_772 = vector.broadcast %mul3A_0 : i32 to vector<16xi32>
      %sub3A_773 = arith.subi %get3A_771, %sub3A_772 : vector<16xi32>
      %lt3A_774 = arith.constant 0 : i32
      %lt3A_775 = vector.broadcast %lt3A_774 : i32 to vector<16xi32>
      %lt3A_776 = arith.cmpi slt, %sub3A_773, %lt3A_775 : vector<16xi32>
      %ge3A_777 = arith.constant 25008 : i32
      %ge3A_778 = vector.broadcast %ge3A_777 : i32 to vector<16xi32>
      %ge3A_779 = arith.cmpi sge, %sub3A_773, %ge3A_778 : vector<16xi32>
      %or3A_780 = arith.ori %lt3A_776, %ge3A_779 : vector<16xi1>
      %jit3A_781 = arith.constant 25008 : i32
      %broadcast_in_dim3A_782 = vector.broadcast %jit3A_781 : i32 to vector<16xi32>
      %select_n3A_783 = arith.select %or3A_780, %broadcast_in_dim3A_782, %sub3A_773 : vector<16xi1>, vector<16xi32>
      %swap3A_784 = arith.constant 1 : i32
      %swap3A_785 = arith.index_cast %swap3A_784 : i32 to index
      %swap3A_786 = arith.constant 48 : index
      %swap3A_787 = tpu.vector_load %arg9[%swap3A_785, %swap3A_786] {strides = array<i32>} : memref<2x112xi32, #tpu.memory_space<vmem>>, vector<1x16xi32>,
      %swap3A_788 = vector.shape_cast %swap3A_787 : vector<1x16xi32> to vector<16xi32>
      %swap3A_789 = vector.shape_cast %select_n3A_783 : vector<16xi32> to vector<1x16xi32>
      tpu.vector_store %arg9[%swap3A_785, %swap3A_786], %swap3A_789 {strides = array<i32>} : memref<2x112xi32, #tpu.memory_space<vmem>>, vector<1x16xi32>,
      %get3A_790 = arith.constant 1 : i32
      %get3A_791 = arith.constant 1 : i32
      %get3A_792 = arith.index_cast %get3A_790 : i32 to index
      %get3A_793 = arith.index_cast %get3A_791 : i32 to index
      %get3A_794 = arith.constant 64 : index
      %get3A_795 = tpu.vector_load %arg7[%get3A_792, %get3A_793, %get3A_794] {strides = array<i32>} : memref<2x2x112xi32, #tpu.memory_space<vmem>>, vector<1x1x16xi32>,
      %get3A_796 = vector.shape_cast %get3A_795 : vector<1x1x16xi32> to vector<16xi32>
      %sub3A_797 = vector.broadcast %mul3A_0 : i32 to vector<16xi32>
      %sub3A_798 = arith.subi %get3A_796, %sub3A_797 : vector<16xi32>
      %lt3A_799 = arith.constant 0 : i32
      %lt3A_800 = vector.broadcast %lt3A_799 : i32 to vector<16xi32>
      %lt3A_801 = arith.cmpi slt, %sub3A_798, %lt3A_800 : vector<16xi32>
      %ge3A_802 = arith.constant 25008 : i32
      %ge3A_803 = vector.broadcast %ge3A_802 : i32 to vector<16xi32>
      %ge3A_804 = arith.cmpi sge, %sub3A_798, %ge3A_803 : vector<16xi32>
      %or3A_805 = arith.ori %lt3A_801, %ge3A_804 : vector<16xi1>
      %jit3A_806 = arith.constant 25008 : i32
      %broadcast_in_dim3A_807 = vector.broadcast %jit3A_806 : i32 to vector<16xi32>
      %select_n3A_808 = arith.select %or3A_805, %broadcast_in_dim3A_807, %sub3A_798 : vector<16xi1>, vector<16xi32>
      %swap3A_809 = arith.constant 1 : i32
      %swap3A_810 = arith.index_cast %swap3A_809 : i32 to index
      %swap3A_811 = arith.constant 64 : index
      %swap3A_812 = tpu.vector_load %arg9[%swap3A_810, %swap3A_811] {strides = array<i32>} : memref<2x112xi32, #tpu.memory_space<vmem>>, vector<1x16xi32>,
      %swap3A_813 = vector.shape_cast %swap3A_812 : vector<1x16xi32> to vector<16xi32>
      %swap3A_814 = vector.shape_cast %select_n3A_808 : vector<16xi32> to vector<1x16xi32>
      tpu.vector_store %arg9[%swap3A_810, %swap3A_811], %swap3A_814 {strides = array<i32>} : memref<2x112xi32, #tpu.memory_space<vmem>>, vector<1x16xi32>,
      %get3A_815 = arith.constant 1 : i32
      %get3A_816 = arith.constant 1 : i32
      %get3A_817 = arith.index_cast %get3A_815 : i32 to index
      %get3A_818 = arith.index_cast %get3A_816 : i32 to index
      %get3A_819 = arith.constant 80 : index
      %get3A_820 = tpu.vector_load %arg7[%get3A_817, %get3A_818, %get3A_819] {strides = array<i32>} : memref<2x2x112xi32, #tpu.memory_space<vmem>>, vector<1x1x16xi32>,
      %get3A_821 = vector.shape_cast %get3A_820 : vector<1x1x16xi32> to vector<16xi32>
      %sub3A_822 = vector.broadcast %mul3A_0 : i32 to vector<16xi32>
      %sub3A_823 = arith.subi %get3A_821, %sub3A_822 : vector<16xi32>
      %lt3A_824 = arith.constant 0 : i32
      %lt3A_825 = vector.broadcast %lt3A_824 : i32 to vector<16xi32>
      %lt3A_826 = arith.cmpi slt, %sub3A_823, %lt3A_825 : vector<16xi32>
      %ge3A_827 = arith.constant 25008 : i32
      %ge3A_828 = vector.broadcast %ge3A_827 : i32 to vector<16xi32>
      %ge3A_829 = arith.cmpi sge, %sub3A_823, %ge3A_828 : vector<16xi32>
      %or3A_830 = arith.ori %lt3A_826, %ge3A_829 : vector<16xi1>
      %jit3A_831 = arith.constant 25008 : i32
      %broadcast_in_dim3A_832 = vector.broadcast %jit3A_831 : i32 to vector<16xi32>
      %select_n3A_833 = arith.select %or3A_830, %broadcast_in_dim3A_832, %sub3A_823 : vector<16xi1>, vector<16xi32>
      %swap3A_834 = arith.constant 1 : i32
      %swap3A_835 = arith.index_cast %swap3A_834 : i32 to index
      %swap3A_836 = arith.constant 80 : index
      %swap3A_837 = tpu.vector_load %arg9[%swap3A_835, %swap3A_836] {strides = array<i32>} : memref<2x112xi32, #tpu.memory_space<vmem>>, vector<1x16xi32>,
      %swap3A_838 = vector.shape_cast %swap3A_837 : vector<1x16xi32> to vector<16xi32>
      %swap3A_839 = vector.shape_cast %select_n3A_833 : vector<16xi32> to vector<1x16xi32>
      tpu.vector_store %arg9[%swap3A_835, %swap3A_836], %swap3A_839 {strides = array<i32>} : memref<2x112xi32, #tpu.memory_space<vmem>>, vector<1x16xi32>,
      %get3A_840 = arith.constant 1 : i32
      %get3A_841 = arith.constant 1 : i32
      %get3A_842 = arith.index_cast %get3A_840 : i32 to index
      %get3A_843 = arith.index_cast %get3A_841 : i32 to index
      %get3A_844 = arith.constant 96 : index
      %get3A_845 = tpu.vector_load %arg7[%get3A_842, %get3A_843, %get3A_844] {strides = array<i32>} : memref<2x2x112xi32, #tpu.memory_space<vmem>>, vector<1x1x16xi32>,
      %get3A_846 = vector.shape_cast %get3A_845 : vector<1x1x16xi32> to vector<16xi32>
      %sub3A_847 = vector.broadcast %mul3A_0 : i32 to vector<16xi32>
      %sub3A_848 = arith.subi %get3A_846, %sub3A_847 : vector<16xi32>
      %lt3A_849 = arith.constant 0 : i32
      %lt3A_850 = vector.broadcast %lt3A_849 : i32 to vector<16xi32>
      %lt3A_851 = arith.cmpi slt, %sub3A_848, %lt3A_850 : vector<16xi32>
      %ge3A_852 = arith.constant 25008 : i32
      %ge3A_853 = vector.broadcast %ge3A_852 : i32 to vector<16xi32>
      %ge3A_854 = arith.cmpi sge, %sub3A_848, %ge3A_853 : vector<16xi32>
      %or3A_855 = arith.ori %lt3A_851, %ge3A_854 : vector<16xi1>
      %jit3A_856 = arith.constant 25008 : i32
      %broadcast_in_dim3A_857 = vector.broadcast %jit3A_856 : i32 to vector<16xi32>
      %select_n3A_858 = arith.select %or3A_855, %broadcast_in_dim3A_857, %sub3A_848 : vector<16xi1>, vector<16xi32>
      %swap3A_859 = arith.constant 1 : i32
      %swap3A_860 = arith.index_cast %swap3A_859 : i32 to index
      %swap3A_861 = arith.constant 96 : index
      %swap3A_862 = tpu.vector_load %arg9[%swap3A_860, %swap3A_861] {strides = array<i32>} : memref<2x112xi32, #tpu.memory_space<vmem>>, vector<1x16xi32>,
      %swap3A_863 = vector.shape_cast %swap3A_862 : vector<1x16xi32> to vector<16xi32>
      %swap3A_864 = vector.shape_cast %select_n3A_858 : vector<16xi32> to vector<1x16xi32>
      tpu.vector_store %arg9[%swap3A_860, %swap3A_861], %swap3A_864 {strides = array<i32>} : memref<2x112xi32, #tpu.memory_space<vmem>>, vector<1x16xi32>,
      %dma_wait3A_865 = arith.constant 0 : i32
      %dma_wait3A_866 = arith.constant 0 : i32
      %dma_wait3A_867 = tpu.memref_slice %arg2[%dma_wait3A_865, %dma_wait3A_866] : memref<50176x64xf32, #tpu.memory_space<hbm>> -> memref<224x64xf32, #tpu.memory_space<hbm>>
      %dma_wait3A_868 = arith.constant 0 : i32
      %dma_wait3A_869 = arith.constant 0 : i32
      %dma_wait3A_870 = tpu.memref_slice %arg2[%dma_wait3A_868, %dma_wait3A_869] : memref<50176x64xf32, #tpu.memory_space<hbm>> -> memref<224x64xf32, #tpu.memory_space<hbm>>
      tpu.wait_dma2 semaphore(%arg14 : memref<!tpu.dma_semaphore, #tpu.memory_space<semaphore_mem>>) src(%dma_wait3A_870 : memref<224x64xf32, #tpu.memory_space<hbm>>) dst(%arg10 : memref<224x64xf32, #tpu.memory_space<vmem>>)
      %dma_start3A_871 = arith.constant 0 : i32
      %dma_start3A_872 = arith.constant 0 : i32
      %dma_start3A_873 = arith.constant 0 : i32
      %dma_start3A_874 = tpu.memref_slice %arg10[%dma_start3A_872, %dma_start3A_873] : memref<224x64xf32, #tpu.memory_space<vmem>> -> memref<112x64xf32, #tpu.memory_space<vmem>>
      %dma_start3A_875 = arith.constant 0 : i32
      %dma_start3A_876 = tpu.memref_slice %arg8[%dma_start3A_871, %dma_start3A_875] : memref<2x112xi32, #tpu.memory_space<vmem>> -> memref<1x112xi32, #tpu.memory_space<vmem>>
      %dma_start3A_877 = tpu.memref_squeeze %dma_start3A_876 : memref<1x112xi32, #tpu.memory_space<vmem>> -> memref<112xi32, #tpu.memory_space<vmem>>
      %dma_start3A_878 = arith.constant 0 : i32
      %dma_start3A_879 = arith.constant 0 : i32
      %dma_start3A_880 = tpu.memref_slice %arg5[%dma_start3A_878, %dma_start3A_879] : memref<25009x64xf32, #tpu.memory_space<vmem_shared>> -> memref<25009x64xf32, #tpu.memory_space<vmem_shared>>
      tpu.enqueue_indirect_dma source(%dma_start3A_874 : memref<112x64xf32, #tpu.memory_space<vmem>>) target(%dma_start3A_880 : memref<25009x64xf32, #tpu.memory_space<vmem_shared>>) offsets(%dma_start3A_877 : memref<112xi32, #tpu.memory_space<vmem>>) semaphore(%arg16 : memref<!tpu.dma_semaphore, #tpu.memory_space<semaphore_mem>>) {add = true}
      %dma_start3A_881 = arith.constant 1 : i32
      %dma_start3A_882 = arith.constant 112 : i32
      %dma_start3A_883 = arith.constant 0 : i32
      %dma_start3A_884 = tpu.memref_slice %arg10[%dma_start3A_882, %dma_start3A_883] : memref<224x64xf32, #tpu.memory_space<vmem>> -> memref<112x64xf32, #tpu.memory_space<vmem>>
      %dma_start3A_885 = arith.constant 0 : i32
      %dma_start3A_886 = tpu.memref_slice %arg8[%dma_start3A_881, %dma_start3A_885] : memref<2x112xi32, #tpu.memory_space<vmem>> -> memref<1x112xi32, #tpu.memory_space<vmem>>
      %dma_start3A_887 = tpu.memref_squeeze %dma_start3A_886 : memref<1x112xi32, #tpu.memory_space<vmem>> -> memref<112xi32, #tpu.memory_space<vmem>>
      %dma_start3A_888 = arith.constant 0 : i32
      %dma_start3A_889 = arith.constant 0 : i32
      %dma_start3A_890 = tpu.memref_slice %arg5[%dma_start3A_888, %dma_start3A_889] : memref<25009x64xf32, #tpu.memory_space<vmem_shared>> -> memref<25009x64xf32, #tpu.memory_space<vmem_shared>>
      tpu.enqueue_indirect_dma source(%dma_start3A_884 : memref<112x64xf32, #tpu.memory_space<vmem>>) target(%dma_start3A_890 : memref<25009x64xf32, #tpu.memory_space<vmem_shared>>) offsets(%dma_start3A_887 : memref<112xi32, #tpu.memory_space<vmem>>) semaphore(%arg16 : memref<!tpu.dma_semaphore, #tpu.memory_space<semaphore_mem>>) {add = true}
      %lt3A_891 = arith.constant 111 : i32
      %lt3A_892 = arith.cmpi slt, %scan3A_78, %lt3A_891 : i32
      %convert_element_type3A_893 = arith.extui %lt3A_892 : i1 to i32
      %cond3A_894 = arith.constant 0 : i32
      %cond3A_895 = arith.cmpi ne, %convert_element_type3A_893, %cond3A_894 : i32
      scf.if %cond3A_895 {
        %add3A_897 = arith.constant 1 : i32
        %add3A_898 = arith.addi %add3A_479, %add3A_897 : i32
        %mul3A_899 = arith.constant 2 : i32
        %mul3A_900 = arith.muli %mul3A_899, %add3A_898 : i32
        %add3A_901 = arith.addi %mul3A_20, %mul3A_900 : i32
        %dma_start3A_902 = arith.constant 0 : i32
        %dma_start3A_903 = arith.constant 0 : i32
        %dma_start3A_904 = tpu.memref_slice %arg3[%add3A_901, %dma_start3A_902, %dma_start3A_903] : memref<7168x2x112xi32, #tpu.memory_space<hbm>> -> memref<2x2x112xi32, #tpu.memory_space<hbm>>
        %dma_start3A_905 = arith.constant 0 : i32
        %dma_start3A_906 = arith.constant 0 : i32
        %dma_start3A_907 = tpu.memref_slice %arg3[%add3A_901, %dma_start3A_905, %dma_start3A_906] : memref<7168x2x112xi32, #tpu.memory_space<hbm>> -> memref<2x2x112xi32, #tpu.memory_space<hbm>>
        tpu.enqueue_dma source(%dma_start3A_907 : memref<2x2x112xi32, #tpu.memory_space<hbm>>) target(%arg6 : memref<2x2x112xi32, #tpu.memory_space<vmem>>) target_semaphore(%arg12 : memref<!tpu.dma_semaphore, #tpu.memory_space<semaphore_mem>>)
      } else {
      }
      %scan3A_896 = arith.constant 0 : i32
      scf.yield %scan3A_896 : i32
    }
    %scan3A_34 = arith.constant 112 : i32
    %dma_wait3A = arith.constant 0 : i32
    %dma_wait3A_35 = arith.constant 0 : i32
    %dma_wait3A_36 = tpu.memref_slice %arg2[%dma_wait3A, %dma_wait3A_35] : memref<50176x64xf32, #tpu.memory_space<hbm>> -> memref<224x64xf32, #tpu.memory_space<hbm>>
    %dma_wait3A_37 = arith.constant 0 : i32
    %dma_wait3A_38 = arith.constant 0 : i32
    %dma_wait3A_39 = tpu.memref_slice %arg2[%dma_wait3A_37, %dma_wait3A_38] : memref<50176x64xf32, #tpu.memory_space<hbm>> -> memref<224x64xf32, #tpu.memory_space<hbm>>
    tpu.wait_dma2 semaphore(%arg15 : memref<!tpu.dma_semaphore, #tpu.memory_space<semaphore_mem>>) src(%dma_wait3A_39 : memref<224x64xf32, #tpu.memory_space<hbm>>) dst(%arg11 : memref<224x64xf32, #tpu.memory_space<vmem>>)
    %dma_start3A_40 = arith.constant 0 : i32
    %dma_start3A_41 = arith.constant 0 : i32
    %dma_start3A_42 = arith.constant 0 : i32
    %dma_start3A_43 = tpu.memref_slice %arg11[%dma_start3A_41, %dma_start3A_42] : memref<224x64xf32, #tpu.memory_space<vmem>> -> memref<112x64xf32, #tpu.memory_space<vmem>>
    %dma_start3A_44 = arith.constant 0 : i32
    %dma_start3A_45 = tpu.memref_slice %arg9[%dma_start3A_40, %dma_start3A_44] : memref<2x112xi32, #tpu.memory_space<vmem>> -> memref<1x112xi32, #tpu.memory_space<vmem>>
    %dma_start3A_46 = tpu.memref_squeeze %dma_start3A_45 : memref<1x112xi32, #tpu.memory_space<vmem>> -> memref<112xi32, #tpu.memory_space<vmem>>
    %dma_start3A_47 = arith.constant 0 : i32
    %dma_start3A_48 = arith.constant 0 : i32
    %dma_start3A_49 = tpu.memref_slice %arg5[%dma_start3A_47, %dma_start3A_48] : memref<25009x64xf32, #tpu.memory_space<vmem_shared>> -> memref<25009x64xf32, #tpu.memory_space<vmem_shared>>
    tpu.enqueue_indirect_dma source(%dma_start3A_43 : memref<112x64xf32, #tpu.memory_space<vmem>>) target(%dma_start3A_49 : memref<25009x64xf32, #tpu.memory_space<vmem_shared>>) offsets(%dma_start3A_46 : memref<112xi32, #tpu.memory_space<vmem>>) semaphore(%arg17 : memref<!tpu.dma_semaphore, #tpu.memory_space<semaphore_mem>>) {add = true}
    %dma_start3A_50 = arith.constant 1 : i32
    %dma_start3A_51 = arith.constant 112 : i32
    %dma_start3A_52 = arith.constant 0 : i32
    %dma_start3A_53 = tpu.memref_slice %arg11[%dma_start3A_51, %dma_start3A_52] : memref<224x64xf32, #tpu.memory_space<vmem>> -> memref<112x64xf32, #tpu.memory_space<vmem>>
    %dma_start3A_54 = arith.constant 0 : i32
    %dma_start3A_55 = tpu.memref_slice %arg9[%dma_start3A_50, %dma_start3A_54] : memref<2x112xi32, #tpu.memory_space<vmem>> -> memref<1x112xi32, #tpu.memory_space<vmem>>
    %dma_start3A_56 = tpu.memref_squeeze %dma_start3A_55 : memref<1x112xi32, #tpu.memory_space<vmem>> -> memref<112xi32, #tpu.memory_space<vmem>>
    %dma_start3A_57 = arith.constant 0 : i32
    %dma_start3A_58 = arith.constant 0 : i32
    %dma_start3A_59 = tpu.memref_slice %arg5[%dma_start3A_57, %dma_start3A_58] : memref<25009x64xf32, #tpu.memory_space<vmem_shared>> -> memref<25009x64xf32, #tpu.memory_space<vmem_shared>>
    tpu.enqueue_indirect_dma source(%dma_start3A_53 : memref<112x64xf32, #tpu.memory_space<vmem>>) target(%dma_start3A_59 : memref<25009x64xf32, #tpu.memory_space<vmem_shared>>) offsets(%dma_start3A_56 : memref<112xi32, #tpu.memory_space<vmem>>) semaphore(%arg17 : memref<!tpu.dma_semaphore, #tpu.memory_space<semaphore_mem>>) {add = true}
    %dma_wait3A_60 = arith.constant 0 : i32
    %dma_wait3A_61 = arith.constant 0 : i32
    %dma_wait3A_62 = tpu.memref_slice %arg2[%dma_wait3A_60, %dma_wait3A_61] : memref<50176x64xf32, #tpu.memory_space<hbm>> -> memref<224x64xf32, #tpu.memory_space<hbm>>
    %dma_wait3A_63 = arith.constant 0 : i32
    %dma_wait3A_64 = arith.constant 0 : i32
    %dma_wait3A_65 = tpu.memref_slice %arg2[%dma_wait3A_63, %dma_wait3A_64] : memref<50176x64xf32, #tpu.memory_space<hbm>> -> memref<224x64xf32, #tpu.memory_space<hbm>>
    tpu.wait_dma2 semaphore(%arg16 : memref<!tpu.dma_semaphore, #tpu.memory_space<semaphore_mem>>) src(%dma_wait3A_65 : memref<224x64xf32, #tpu.memory_space<hbm>>) dst(%arg10 : memref<224x64xf32, #tpu.memory_space<vmem>>)
    %dma_wait3A_66 = arith.constant 0 : i32
    %dma_wait3A_67 = arith.constant 0 : i32
    %dma_wait3A_68 = tpu.memref_slice %arg2[%dma_wait3A_66, %dma_wait3A_67] : memref<50176x64xf32, #tpu.memory_space<hbm>> -> memref<224x64xf32, #tpu.memory_space<hbm>>
    %dma_wait3A_69 = arith.constant 0 : i32
    %dma_wait3A_70 = arith.constant 0 : i32
    %dma_wait3A_71 = tpu.memref_slice %arg2[%dma_wait3A_69, %dma_wait3A_70] : memref<50176x64xf32, #tpu.memory_space<hbm>> -> memref<224x64xf32, #tpu.memory_space<hbm>>
    tpu.wait_dma2 semaphore(%arg17 : memref<!tpu.dma_semaphore, #tpu.memory_space<semaphore_mem>>) src(%dma_wait3A_71 : memref<224x64xf32, #tpu.memory_space<hbm>>) dst(%arg11 : memref<224x64xf32, #tpu.memory_space<vmem>>)
    %barrier3A_72 = arith.constant 0 : index
    tpu.barrier barrier_id(%barrier3A_72)
    %mul3A_73 = arith.constant 1563 : i32
    %mul3A_74 = arith.muli %arg1, %mul3A_73 : i32
    %mul3A_75 = arith.constant 1563 : i32
    %mul3A_76 = arith.muli %arg1, %mul3A_75 : i32
    %add3A_77 = arith.addi %mul3A_0, %mul3A_76 : i32
    "tpu.region"() ({
      %run_scoped3A = tpu.sem_alloc : memref<!tpu.dma_semaphore, #tpu.memory_space<semaphore_mem>>
      %dma_start3A_78 = arith.constant 0 : i32
      %dma_start3A_79 = tpu.memref_slice %arg4[%add3A_77, %dma_start3A_78] : memref<50176x64xf32, #tpu.memory_space<hbm>> -> memref<1563x64xf32, #tpu.memory_space<hbm>>
      %dma_start3A_80 = arith.constant 0 : i32
      %dma_start3A_81 = tpu.memref_slice %arg5[%mul3A_74, %dma_start3A_80] : memref<25009x64xf32, #tpu.memory_space<vmem_shared>> -> memref<1563x64xf32, #tpu.memory_space<vmem_shared>>
      tpu.enqueue_dma source(%dma_start3A_81 : memref<1563x64xf32, #tpu.memory_space<vmem_shared>>) target(%dma_start3A_79 : memref<1563x64xf32, #tpu.memory_space<hbm>>) target_semaphore(%run_scoped3A : memref<!tpu.dma_semaphore, #tpu.memory_space<semaphore_mem>>)
      %dma_wait3A_82 = arith.constant 0 : i32
      %dma_wait3A_83 = tpu.memref_slice %arg4[%add3A_77, %dma_wait3A_82] : memref<50176x64xf32, #tpu.memory_space<hbm>> -> memref<1563x64xf32, #tpu.memory_space<hbm>>
      %dma_wait3A_84 = arith.constant 0 : i32
      %dma_wait3A_85 = tpu.memref_slice %arg5[%mul3A_74, %dma_wait3A_84] : memref<25009x64xf32, #tpu.memory_space<vmem_shared>> -> memref<1563x64xf32, #tpu.memory_space<vmem_shared>>
      tpu.wait_dma2 semaphore(%run_scoped3A : memref<!tpu.dma_semaphore, #tpu.memory_space<semaphore_mem>>) src(%dma_wait3A_85 : memref<1563x64xf32, #tpu.memory_space<vmem_shared>>) dst(%dma_wait3A_83 : memref<1563x64xf32, #tpu.memory_space<hbm>>)
      tpu.yield
    }) : () -> ()
    return
  }
}

#map = affine_map<(d0, d1) -> (0, 0)>
#map1 = affine_map<(d0, d1) -> (0, 0, 0)>
module attributes {stable_mosaic.version = 14 : i64} {
  func.func @_edge_kernel(%arg0: i32, %arg1: i32, %arg2: memref<50176x64xf32, #tpu.memory_space<hbm>>, %arg3: memref<7168x2x112xi32, #tpu.memory_space<hbm>>, %arg4: memref<50176x64xf32, #tpu.memory_space<hbm>>, %arg5: memref<25009x64xf32, #tpu.memory_space<vmem_shared>>, %arg6: memref<2x2x112xi32, #tpu.memory_space<vmem>>, %arg7: memref<2x2x112xi32, #tpu.memory_space<vmem>>, %arg8: memref<2x112xi32, #tpu.memory_space<vmem>>, %arg9: memref<2x112xi32, #tpu.memory_space<vmem>>, %arg10: memref<224x64xf32, #tpu.memory_space<vmem>>, %arg11: memref<224x64xf32, #tpu.memory_space<vmem>>, %arg12: memref<!tpu.dma_semaphore, #tpu.memory_space<semaphore_mem>>, %arg13: memref<!tpu.dma_semaphore, #tpu.memory_space<semaphore_mem>>, %arg14: memref<!tpu.dma_semaphore, #tpu.memory_space<semaphore_mem>>, %arg15: memref<!tpu.dma_semaphore, #tpu.memory_space<semaphore_mem>>, %arg16: memref<!tpu.dma_semaphore, #tpu.memory_space<semaphore_mem>>, %arg17: memref<!tpu.dma_semaphore, #tpu.memory_space<semaphore_mem>>) attributes {dimension_semantics = [#tpu.dimension_semantics<core_parallel>, #tpu.dimension_semantics<subcore_parallel>], iteration_bounds = array<i64: 2, 16>, scalar_prefetch = 0 : i64, scratch_operands = 13 : i64, tpu.core_type = #tpu.core_type<sc_vector_subcore>, window_params = [{transform_indices = #map}, {transform_indices = #map1}, {transform_indices = #map}]} {
    %mul3A = arith.constant 25008 : i32
    %mul3A_0 = arith.muli %arg0, %mul3A : i32
    %scan3A = arith.constant 0 : i32
    %scan3A_1 = arith.constant 0 : i32
    %scan3A_2 = arith.constant 128 : i32
    %scan3A_3 = arith.addi %scan3A_1, %scan3A_2 : i32
    %scan3A_4 = arith.constant 1 : i32
    %scan3A_5 = scf.for %scan3A_78 = %scan3A_1 to %scan3A_3 step %scan3A_4 iter_args(%scan3A_79 = %scan3A) -> (i32)  : i32 {
      %broadcast_in_dim3A = arith.constant 0.000000e+00 : f32
      %broadcast_in_dim3A_80 = vector.broadcast %broadcast_in_dim3A : f32 to vector<16xf32>
      %swap3A = arith.index_cast %scan3A_78 : i32 to index
      %swap3A_81 = arith.constant 0 : index
      %swap3A_82 = tpu.vector_load %arg10[%swap3A, %swap3A_81] {strides = array<i32>} : memref<224x64xf32, #tpu.memory_space<vmem>>, vector<1x16xf32>,
      %swap3A_83 = vector.shape_cast %swap3A_82 : vector<1x16xf32> to vector<16xf32>
      %swap3A_84 = vector.shape_cast %broadcast_in_dim3A_80 : vector<16xf32> to vector<1x16xf32>
      tpu.vector_store %arg10[%swap3A, %swap3A_81], %swap3A_84 {strides = array<i32>} : memref<224x64xf32, #tpu.memory_space<vmem>>, vector<1x16xf32>,
      %broadcast_in_dim3A_85 = arith.constant 0.000000e+00 : f32
      %broadcast_in_dim3A_86 = vector.broadcast %broadcast_in_dim3A_85 : f32 to vector<16xf32>
      %swap3A_87 = arith.index_cast %scan3A_78 : i32 to index
      %swap3A_88 = arith.constant 16 : index
      %swap3A_89 = tpu.vector_load %arg10[%swap3A_87, %swap3A_88] {strides = array<i32>} : memref<224x64xf32, #tpu.memory_space<vmem>>, vector<1x16xf32>,
      %swap3A_90 = vector.shape_cast %swap3A_89 : vector<1x16xf32> to vector<16xf32>
      %swap3A_91 = vector.shape_cast %broadcast_in_dim3A_86 : vector<16xf32> to vector<1x16xf32>
      tpu.vector_store %arg10[%swap3A_87, %swap3A_88], %swap3A_91 {strides = array<i32>} : memref<224x64xf32, #tpu.memory_space<vmem>>, vector<1x16xf32>,
      %broadcast_in_dim3A_92 = arith.constant 0.000000e+00 : f32
      %broadcast_in_dim3A_93 = vector.broadcast %broadcast_in_dim3A_92 : f32 to vector<16xf32>
      %swap3A_94 = arith.index_cast %scan3A_78 : i32 to index
      %swap3A_95 = arith.constant 32 : index
      %swap3A_96 = tpu.vector_load %arg10[%swap3A_94, %swap3A_95] {strides = array<i32>} : memref<224x64xf32, #tpu.memory_space<vmem>>, vector<1x16xf32>,
      %swap3A_97 = vector.shape_cast %swap3A_96 : vector<1x16xf32> to vector<16xf32>
      %swap3A_98 = vector.shape_cast %broadcast_in_dim3A_93 : vector<16xf32> to vector<1x16xf32>
      tpu.vector_store %arg10[%swap3A_94, %swap3A_95], %swap3A_98 {strides = array<i32>} : memref<224x64xf32, #tpu.memory_space<vmem>>, vector<1x16xf32>,
      %broadcast_in_dim3A_99 = arith.constant 0.000000e+00 : f32
      %broadcast_in_dim3A_100 = vector.broadcast %broadcast_in_dim3A_99 : f32 to vector<16xf32>
      %swap3A_101 = arith.index_cast %scan3A_78 : i32 to index
      %swap3A_102 = arith.constant 48 : index
      %swap3A_103 = tpu.vector_load %arg10[%swap3A_101, %swap3A_102] {strides = array<i32>} : memref<224x64xf32, #tpu.memory_space<vmem>>, vector<1x16xf32>,
      %swap3A_104 = vector.shape_cast %swap3A_103 : vector<1x16xf32> to vector<16xf32>
      %swap3A_105 = vector.shape_cast %broadcast_in_dim3A_100 : vector<16xf32> to vector<1x16xf32>
      tpu.vector_store %arg10[%swap3A_101, %swap3A_102], %swap3A_105 {strides = array<i32>} : memref<224x64xf32, #tpu.memory_space<vmem>>, vector<1x16xf32>,
      %scan3A_106 = arith.constant 0 : i32
      scf.yield %scan3A_106 : i32
    }
    %scan3A_6 = arith.constant 128 : i32
    %scan3A_7 = arith.constant 0 : i32
    %scan3A_8 = arith.constant 0 : i32
    %scan3A_9 = arith.constant 12 : i32
    %scan3A_10 = arith.addi %scan3A_8, %scan3A_9 : i32
    %scan3A_11 = arith.constant 1 : i32
    %scan3A_12 = scf.for %scan3A_78 = %scan3A_8 to %scan3A_10 step %scan3A_11 iter_args(%scan3A_79 = %scan3A_7) -> (i32)  : i32 {
      %mul3A_80 = arith.constant 1563 : i32
      %mul3A_81 = arith.muli %arg1, %mul3A_80 : i32
      %mul3A_82 = arith.constant 128 : i32
      %mul3A_83 = arith.muli %scan3A_78, %mul3A_82 : i32
      %add3A_84 = arith.addi %mul3A_81, %mul3A_83 : i32
      "tpu.region"() ({
        %run_scoped3A = tpu.sem_alloc : memref<!tpu.dma_semaphore, #tpu.memory_space<semaphore_mem>>
        %dma_start3A_86 = arith.constant 0 : i32
        %dma_start3A_87 = arith.constant 0 : i32
        %dma_start3A_88 = tpu.memref_slice %arg10[%dma_start3A_86, %dma_start3A_87] : memref<224x64xf32, #tpu.memory_space<vmem>> -> memref<128x64xf32, #tpu.memory_space<vmem>>
        %dma_start3A_89 = arith.constant 0 : i32
        %dma_start3A_90 = tpu.memref_slice %arg5[%add3A_84, %dma_start3A_89] : memref<25009x64xf32, #tpu.memory_space<vmem_shared>> -> memref<128x64xf32, #tpu.memory_space<vmem_shared>>
        %dma_start3A_91 = arith.constant 0 : i32
        %dma_start3A_92 = tpu.memref_slice %arg5[%add3A_84, %dma_start3A_91] : memref<25009x64xf32, #tpu.memory_space<vmem_shared>> -> memref<128x64xf32, #tpu.memory_space<vmem_shared>>
        %dma_start3A_93 = arith.constant 0 : i32
        %dma_start3A_94 = arith.constant 0 : i32
        %dma_start3A_95 = tpu.memref_slice %arg10[%dma_start3A_93, %dma_start3A_94] : memref<224x64xf32, #tpu.memory_space<vmem>> -> memref<128x64xf32, #tpu.memory_space<vmem>>
        tpu.enqueue_dma source(%dma_start3A_95 : memref<128x64xf32, #tpu.memory_space<vmem>>) target(%dma_start3A_92 : memref<128x64xf32, #tpu.memory_space<vmem_shared>>) target_semaphore(%run_scoped3A : memref<!tpu.dma_semaphore, #tpu.memory_space<semaphore_mem>>)
        %dma_wait3A_96 = arith.constant 0 : i32
        %dma_wait3A_97 = arith.constant 0 : i32
        %dma_wait3A_98 = tpu.memref_slice %arg10[%dma_wait3A_96, %dma_wait3A_97] : memref<224x64xf32, #tpu.memory_space<vmem>> -> memref<128x64xf32, #tpu.memory_space<vmem>>
        %dma_wait3A_99 = arith.constant 0 : i32
        %dma_wait3A_100 = tpu.memref_slice %arg5[%add3A_84, %dma_wait3A_99] : memref<25009x64xf32, #tpu.memory_space<vmem_shared>> -> memref<128x64xf32, #tpu.memory_space<vmem_shared>>
        %dma_wait3A_101 = arith.constant 0 : i32
        %dma_wait3A_102 = tpu.memref_slice %arg5[%add3A_84, %dma_wait3A_101] : memref<25009x64xf32, #tpu.memory_space<vmem_shared>> -> memref<128x64xf32, #tpu.memory_space<vmem_shared>>
        %dma_wait3A_103 = arith.constant 0 : i32
        %dma_wait3A_104 = arith.constant 0 : i32
        %dma_wait3A_105 = tpu.memref_slice %arg10[%dma_wait3A_103, %dma_wait3A_104] : memref<224x64xf32, #tpu.memory_space<vmem>> -> memref<128x64xf32, #tpu.memory_space<vmem>>
        tpu.wait_dma2 semaphore(%run_scoped3A : memref<!tpu.dma_semaphore, #tpu.memory_space<semaphore_mem>>) src(%dma_wait3A_105 : memref<128x64xf32, #tpu.memory_space<vmem>>) dst(%dma_wait3A_102 : memref<128x64xf32, #tpu.memory_space<vmem_shared>>)
        tpu.yield
      }) : () -> ()
      %scan3A_85 = arith.constant 0 : i32
      scf.yield %scan3A_85 : i32
    }
    %scan3A_13 = arith.constant 12 : i32
    %mul3A_14 = arith.constant 1563 : i32
    %mul3A_15 = arith.muli %arg1, %mul3A_14 : i32
    %add3A = arith.constant 1536 : i32
    %add3A_16 = arith.addi %mul3A_15, %add3A : i32
    "tpu.region"() ({
      %run_scoped3A = tpu.sem_alloc : memref<!tpu.dma_semaphore, #tpu.memory_space<semaphore_mem>>
      %dma_start3A_78 = arith.constant 0 : i32
      %dma_start3A_79 = arith.constant 0 : i32
      %dma_start3A_80 = tpu.memref_slice %arg10[%dma_start3A_78, %dma_start3A_79] : memref<224x64xf32, #tpu.memory_space<vmem>> -> memref<128x64xf32, #tpu.memory_space<vmem>>
      %dma_start3A_81 = arith.constant 0 : i32
      %dma_start3A_82 = arith.constant 0 : i32
      %dma_start3A_83 = tpu.memref_slice %dma_start3A_80[%dma_start3A_81, %dma_start3A_82] : memref<128x64xf32, #tpu.memory_space<vmem>> -> memref<27x64xf32, #tpu.memory_space<vmem>>
      %dma_start3A_84 = arith.constant 0 : i32
      %dma_start3A_85 = tpu.memref_slice %arg5[%add3A_16, %dma_start3A_84] : memref<25009x64xf32, #tpu.memory_space<vmem_shared>> -> memref<27x64xf32, #tpu.memory_space<vmem_shared>>
      %dma_start3A_86 = arith.constant 0 : i32
      %dma_start3A_87 = tpu.memref_slice %arg5[%add3A_16, %dma_start3A_86] : memref<25009x64xf32, #tpu.memory_space<vmem_shared>> -> memref<27x64xf32, #tpu.memory_space<vmem_shared>>
      %dma_start3A_88 = arith.constant 0 : i32
      %dma_start3A_89 = arith.constant 0 : i32
      %dma_start3A_90 = tpu.memref_slice %arg10[%dma_start3A_88, %dma_start3A_89] : memref<224x64xf32, #tpu.memory_space<vmem>> -> memref<128x64xf32, #tpu.memory_space<vmem>>
      %dma_start3A_91 = arith.constant 0 : i32
      %dma_start3A_92 = arith.constant 0 : i32
      %dma_start3A_93 = tpu.memref_slice %dma_start3A_90[%dma_start3A_91, %dma_start3A_92] : memref<128x64xf32, #tpu.memory_space<vmem>> -> memref<27x64xf32, #tpu.memory_space<vmem>>
      tpu.enqueue_dma source(%dma_start3A_93 : memref<27x64xf32, #tpu.memory_space<vmem>>) target(%dma_start3A_87 : memref<27x64xf32, #tpu.memory_space<vmem_shared>>) target_semaphore(%run_scoped3A : memref<!tpu.dma_semaphore, #tpu.memory_space<semaphore_mem>>)
      %dma_wait3A_94 = arith.constant 0 : i32
      %dma_wait3A_95 = arith.constant 0 : i32
      %dma_wait3A_96 = tpu.memref_slice %arg10[%dma_wait3A_94, %dma_wait3A_95] : memref<224x64xf32, #tpu.memory_space<vmem>> -> memref<128x64xf32, #tpu.memory_space<vmem>>
      %dma_wait3A_97 = arith.constant 0 : i32
      %dma_wait3A_98 = arith.constant 0 : i32
      %dma_wait3A_99 = tpu.memref_slice %dma_wait3A_96[%dma_wait3A_97, %dma_wait3A_98] : memref<128x64xf32, #tpu.memory_space<vmem>> -> memref<27x64xf32, #tpu.memory_space<vmem>>
      %dma_wait3A_100 = arith.constant 0 : i32
      %dma_wait3A_101 = tpu.memref_slice %arg5[%add3A_16, %dma_wait3A_100] : memref<25009x64xf32, #tpu.memory_space<vmem_shared>> -> memref<27x64xf32, #tpu.memory_space<vmem_shared>>
      %dma_wait3A_102 = arith.constant 0 : i32
      %dma_wait3A_103 = tpu.memref_slice %arg5[%add3A_16, %dma_wait3A_102] : memref<25009x64xf32, #tpu.memory_space<vmem_shared>> -> memref<27x64xf32, #tpu.memory_space<vmem_shared>>
      %dma_wait3A_104 = arith.constant 0 : i32
      %dma_wait3A_105 = arith.constant 0 : i32
      %dma_wait3A_106 = tpu.memref_slice %arg10[%dma_wait3A_104, %dma_wait3A_105] : memref<224x64xf32, #tpu.memory_space<vmem>> -> memref<128x64xf32, #tpu.memory_space<vmem>>
      %dma_wait3A_107 = arith.constant 0 : i32
      %dma_wait3A_108 = arith.constant 0 : i32
      %dma_wait3A_109 = tpu.memref_slice %dma_wait3A_106[%dma_wait3A_107, %dma_wait3A_108] : memref<128x64xf32, #tpu.memory_space<vmem>> -> memref<27x64xf32, #tpu.memory_space<vmem>>
      tpu.wait_dma2 semaphore(%run_scoped3A : memref<!tpu.dma_semaphore, #tpu.memory_space<semaphore_mem>>) src(%dma_wait3A_109 : memref<27x64xf32, #tpu.memory_space<vmem>>) dst(%dma_wait3A_103 : memref<27x64xf32, #tpu.memory_space<vmem_shared>>)
      tpu.yield
    }) : () -> ()
    %eq3A = arith.constant 0 : i32
    %eq3A_17 = arith.cmpi eq, %arg1, %eq3A : i32
    %convert_element_type3A = arith.extui %eq3A_17 : i1 to i32
    %cond3A = arith.constant 0 : i32
    %cond3A_18 = arith.cmpi ne, %convert_element_type3A, %cond3A : i32
    scf.if %cond3A_18 {
      "tpu.region"() ({
        %run_scoped3A = tpu.sem_alloc : memref<!tpu.dma_semaphore, #tpu.memory_space<semaphore_mem>>
        %dma_start3A_78 = arith.constant 0 : i32
        %dma_start3A_79 = arith.constant 0 : i32
        %dma_start3A_80 = tpu.memref_slice %arg10[%dma_start3A_78, %dma_start3A_79] : memref<224x64xf32, #tpu.memory_space<vmem>> -> memref<128x64xf32, #tpu.memory_space<vmem>>
        %dma_start3A_81 = arith.constant 0 : i32
        %dma_start3A_82 = arith.constant 0 : i32
        %dma_start3A_83 = tpu.memref_slice %dma_start3A_80[%dma_start3A_81, %dma_start3A_82] : memref<128x64xf32, #tpu.memory_space<vmem>> -> memref<1x64xf32, #tpu.memory_space<vmem>>
        %dma_start3A_84 = arith.constant 25008 : i32
        %dma_start3A_85 = arith.constant 0 : i32
        %dma_start3A_86 = tpu.memref_slice %arg5[%dma_start3A_84, %dma_start3A_85] : memref<25009x64xf32, #tpu.memory_space<vmem_shared>> -> memref<1x64xf32, #tpu.memory_space<vmem_shared>>
        %dma_start3A_87 = arith.constant 25008 : i32
        %dma_start3A_88 = arith.constant 0 : i32
        %dma_start3A_89 = tpu.memref_slice %arg5[%dma_start3A_87, %dma_start3A_88] : memref<25009x64xf32, #tpu.memory_space<vmem_shared>> -> memref<1x64xf32, #tpu.memory_space<vmem_shared>>
        %dma_start3A_90 = arith.constant 0 : i32
        %dma_start3A_91 = arith.constant 0 : i32
        %dma_start3A_92 = tpu.memref_slice %arg10[%dma_start3A_90, %dma_start3A_91] : memref<224x64xf32, #tpu.memory_space<vmem>> -> memref<128x64xf32, #tpu.memory_space<vmem>>
        %dma_start3A_93 = arith.constant 0 : i32
        %dma_start3A_94 = arith.constant 0 : i32
        %dma_start3A_95 = tpu.memref_slice %dma_start3A_92[%dma_start3A_93, %dma_start3A_94] : memref<128x64xf32, #tpu.memory_space<vmem>> -> memref<1x64xf32, #tpu.memory_space<vmem>>
        tpu.enqueue_dma source(%dma_start3A_95 : memref<1x64xf32, #tpu.memory_space<vmem>>) target(%dma_start3A_89 : memref<1x64xf32, #tpu.memory_space<vmem_shared>>) target_semaphore(%run_scoped3A : memref<!tpu.dma_semaphore, #tpu.memory_space<semaphore_mem>>)
        %dma_wait3A_96 = arith.constant 0 : i32
        %dma_wait3A_97 = arith.constant 0 : i32
        %dma_wait3A_98 = tpu.memref_slice %arg10[%dma_wait3A_96, %dma_wait3A_97] : memref<224x64xf32, #tpu.memory_space<vmem>> -> memref<128x64xf32, #tpu.memory_space<vmem>>
        %dma_wait3A_99 = arith.constant 0 : i32
        %dma_wait3A_100 = arith.constant 0 : i32
        %dma_wait3A_101 = tpu.memref_slice %dma_wait3A_98[%dma_wait3A_99, %dma_wait3A_100] : memref<128x64xf32, #tpu.memory_space<vmem>> -> memref<1x64xf32, #tpu.memory_space<vmem>>
        %dma_wait3A_102 = arith.constant 25008 : i32
        %dma_wait3A_103 = arith.constant 0 : i32
        %dma_wait3A_104 = tpu.memref_slice %arg5[%dma_wait3A_102, %dma_wait3A_103] : memref<25009x64xf32, #tpu.memory_space<vmem_shared>> -> memref<1x64xf32, #tpu.memory_space<vmem_shared>>
        %dma_wait3A_105 = arith.constant 25008 : i32
        %dma_wait3A_106 = arith.constant 0 : i32
        %dma_wait3A_107 = tpu.memref_slice %arg5[%dma_wait3A_105, %dma_wait3A_106] : memref<25009x64xf32, #tpu.memory_space<vmem_shared>> -> memref<1x64xf32, #tpu.memory_space<vmem_shared>>
        %dma_wait3A_108 = arith.constant 0 : i32
        %dma_wait3A_109 = arith.constant 0 : i32
        %dma_wait3A_110 = tpu.memref_slice %arg10[%dma_wait3A_108, %dma_wait3A_109] : memref<224x64xf32, #tpu.memory_space<vmem>> -> memref<128x64xf32, #tpu.memory_space<vmem>>
        %dma_wait3A_111 = arith.constant 0 : i32
        %dma_wait3A_112 = arith.constant 0 : i32
        %dma_wait3A_113 = tpu.memref_slice %dma_wait3A_110[%dma_wait3A_111, %dma_wait3A_112] : memref<128x64xf32, #tpu.memory_space<vmem>> -> memref<1x64xf32, #tpu.memory_space<vmem>>
        tpu.wait_dma2 semaphore(%run_scoped3A : memref<!tpu.dma_semaphore, #tpu.memory_space<semaphore_mem>>) src(%dma_wait3A_113 : memref<1x64xf32, #tpu.memory_space<vmem>>) dst(%dma_wait3A_107 : memref<1x64xf32, #tpu.memory_space<vmem_shared>>)
        tpu.yield
      }) : () -> ()
    } else {
    }
    %barrier3A = arith.constant 0 : index
    tpu.barrier barrier_id(%barrier3A)
    %mul3A_19 = arith.constant 448 : i32
    %mul3A_20 = arith.muli %arg1, %mul3A_19 : i32
    %add3A_21 = arith.constant 0 : i32
    %add3A_22 = arith.addi %mul3A_20, %add3A_21 : i32
    %dma_start3A = arith.constant 0 : i32
    %dma_start3A_23 = arith.constant 0 : i32
    %dma_start3A_24 = tpu.memref_slice %arg3[%add3A_22, %dma_start3A, %dma_start3A_23] : memref<7168x2x112xi32, #tpu.memory_space<hbm>> -> memref<2x2x112xi32, #tpu.memory_space<hbm>>
    %dma_start3A_25 = arith.constant 0 : i32
    %dma_start3A_26 = arith.constant 0 : i32
    %dma_start3A_27 = tpu.memref_slice %arg3[%add3A_22, %dma_start3A_25, %dma_start3A_26] : memref<7168x2x112xi32, #tpu.memory_space<hbm>> -> memref<2x2x112xi32, #tpu.memory_space<hbm>>
    tpu.enqueue_dma source(%dma_start3A_27 : memref<2x2x112xi32, #tpu.memory_space<hbm>>) target(%arg6 : memref<2x2x112xi32, #tpu.memory_space<vmem>>) target_semaphore(%arg12 : memref<!tpu.dma_semaphore, #tpu.memory_space<semaphore_mem>>)
    %scan3A_28 = arith.constant 0 : i32
    %scan3A_29 = arith.constant 0 : i32
    %scan3A_30 = arith.constant 112 : i32
    %scan3A_31 = arith.addi %scan3A_29, %scan3A_30 : i32
    %scan3A_32 = arith.constant 1 : i32
    %scan3A_33 = scf.for %scan3A_78 = %scan3A_29 to %scan3A_31 step %scan3A_32 iter_args(%scan3A_79 = %scan3A_28) -> (i32)  : i32 {
      %mul3A_80 = arith.constant 2 : i32
      %mul3A_81 = arith.muli %scan3A_78, %mul3A_80 : i32
      %add3A_82 = arith.constant 0 : i32
      %add3A_83 = arith.addi %mul3A_81, %add3A_82 : i32
      %dma_wait3A_84 = arith.constant 0 : i32
      %dma_wait3A_85 = arith.constant 0 : i32
      %dma_wait3A_86 = arith.constant 0 : i32
      %dma_wait3A_87 = tpu.memref_slice %arg3[%dma_wait3A_84, %dma_wait3A_85, %dma_wait3A_86] : memref<7168x2x112xi32, #tpu.memory_space<hbm>> -> memref<2x2x112xi32, #tpu.memory_space<hbm>>
      %dma_wait3A_88 = arith.constant 0 : i32
      %dma_wait3A_89 = arith.constant 0 : i32
      %dma_wait3A_90 = arith.constant 0 : i32
      %dma_wait3A_91 = tpu.memref_slice %arg3[%dma_wait3A_88, %dma_wait3A_89, %dma_wait3A_90] : memref<7168x2x112xi32, #tpu.memory_space<hbm>> -> memref<2x2x112xi32, #tpu.memory_space<hbm>>
      tpu.wait_dma2 semaphore(%arg12 : memref<!tpu.dma_semaphore, #tpu.memory_space<semaphore_mem>>) src(%dma_wait3A_91 : memref<2x2x112xi32, #tpu.memory_space<hbm>>) dst(%arg6 : memref<2x2x112xi32, #tpu.memory_space<vmem>>)
      %ge3A = arith.constant 1 : i32
      %ge3A_92 = arith.cmpi sge, %scan3A_78, %ge3A : i32
      %convert_element_type3A_93 = arith.extui %ge3A_92 : i1 to i32
      %cond3A_94 = arith.constant 0 : i32
      %cond3A_95 = arith.cmpi ne, %convert_element_type3A_93, %cond3A_94 : i32
      scf.if %cond3A_95 {
        %dma_wait3A_897 = arith.constant 0 : i32
        %dma_wait3A_898 = arith.constant 0 : i32
        %dma_wait3A_899 = tpu.memref_slice %arg2[%dma_wait3A_897, %dma_wait3A_898] : memref<50176x64xf32, #tpu.memory_space<hbm>> -> memref<224x64xf32, #tpu.memory_space<hbm>>
        %dma_wait3A_900 = arith.constant 0 : i32
        %dma_wait3A_901 = arith.constant 0 : i32
        %dma_wait3A_902 = tpu.memref_slice %arg2[%dma_wait3A_900, %dma_wait3A_901] : memref<50176x64xf32, #tpu.memory_space<hbm>> -> memref<224x64xf32, #tpu.memory_space<hbm>>
        tpu.wait_dma2 semaphore(%arg16 : memref<!tpu.dma_semaphore, #tpu.memory_space<semaphore_mem>>) src(%dma_wait3A_902 : memref<224x64xf32, #tpu.memory_space<hbm>>) dst(%arg10 : memref<224x64xf32, #tpu.memory_space<vmem>>)
      } else {
      }
      %dma_start3A_96 = arith.constant 0 : i32
      %dma_start3A_97 = arith.constant 0 : i32
      %dma_start3A_98 = arith.constant 0 : i32
      %dma_start3A_99 = arith.constant 0 : i32
      %dma_start3A_100 = tpu.memref_slice %arg10[%dma_start3A_98, %dma_start3A_99] : memref<224x64xf32, #tpu.memory_space<vmem>> -> memref<112x64xf32, #tpu.memory_space<vmem>>
      %dma_start3A_101 = arith.constant 0 : i32
      %dma_start3A_102 = tpu.memref_slice %arg6[%dma_start3A_96, %dma_start3A_97, %dma_start3A_101] : memref<2x2x112xi32, #tpu.memory_space<vmem>> -> memref<1x1x112xi32, #tpu.memory_space<vmem>>
      %dma_start3A_103 = tpu.memref_squeeze %dma_start3A_102 : memref<1x1x112xi32, #tpu.memory_space<vmem>> -> memref<112xi32, #tpu.memory_space<vmem>>
      %dma_start3A_104 = arith.constant 0 : i32
      %dma_start3A_105 = arith.constant 0 : i32
      %dma_start3A_106 = tpu.memref_slice %arg2[%dma_start3A_104, %dma_start3A_105] : memref<50176x64xf32, #tpu.memory_space<hbm>> -> memref<50176x64xf32, #tpu.memory_space<hbm>>
      tpu.enqueue_indirect_dma source(%dma_start3A_106 : memref<50176x64xf32, #tpu.memory_space<hbm>>) target(%dma_start3A_100 : memref<112x64xf32, #tpu.memory_space<vmem>>) offsets(%dma_start3A_103 : memref<112xi32, #tpu.memory_space<vmem>>) semaphore(%arg14 : memref<!tpu.dma_semaphore, #tpu.memory_space<semaphore_mem>>)
      %dma_start3A_107 = arith.constant 1 : i32
      %dma_start3A_108 = arith.constant 0 : i32
      %dma_start3A_109 = arith.constant 112 : i32
      %dma_start3A_110 = arith.constant 0 : i32
      %dma_start3A_111 = tpu.memref_slice %arg10[%dma_start3A_109, %dma_start3A_110] : memref<224x64xf32, #tpu.memory_space<vmem>> -> memref<112x64xf32, #tpu.memory_space<vmem>>
      %dma_start3A_112 = arith.constant 0 : i32
      %dma_start3A_113 = tpu.memref_slice %arg6[%dma_start3A_107, %dma_start3A_108, %dma_start3A_112] : memref<2x2x112xi32, #tpu.memory_space<vmem>> -> memref<1x1x112xi32, #tpu.memory_space<vmem>>
      %dma_start3A_114 = tpu.memref_squeeze %dma_start3A_113 : memref<1x1x112xi32, #tpu.memory_space<vmem>> -> memref<112xi32, #tpu.memory_space<vmem>>
      %dma_start3A_115 = arith.constant 0 : i32
      %dma_start3A_116 = arith.constant 0 : i32
      %dma_start3A_117 = tpu.memref_slice %arg2[%dma_start3A_115, %dma_start3A_116] : memref<50176x64xf32, #tpu.memory_space<hbm>> -> memref<50176x64xf32, #tpu.memory_space<hbm>>
      tpu.enqueue_indirect_dma source(%dma_start3A_117 : memref<50176x64xf32, #tpu.memory_space<hbm>>) target(%dma_start3A_111 : memref<112x64xf32, #tpu.memory_space<vmem>>) offsets(%dma_start3A_114 : memref<112xi32, #tpu.memory_space<vmem>>) semaphore(%arg14 : memref<!tpu.dma_semaphore, #tpu.memory_space<semaphore_mem>>)
      %get3A = arith.constant 0 : i32
      %get3A_118 = arith.constant 1 : i32
      %get3A_119 = arith.index_cast %get3A : i32 to index
      %get3A_120 = arith.index_cast %get3A_118 : i32 to index
      %get3A_121 = arith.constant 0 : index
      %get3A_122 = tpu.vector_load %arg6[%get3A_119, %get3A_120, %get3A_121] {strides = array<i32>} : memref<2x2x112xi32, #tpu.memory_space<vmem>>, vector<1x1x16xi32>,
      %get3A_123 = vector.shape_cast %get3A_122 : vector<1x1x16xi32> to vector<16xi32>
      %sub3A = vector.broadcast %mul3A_0 : i32 to vector<16xi32>
      %sub3A_124 = arith.subi %get3A_123, %sub3A : vector<16xi32>
      %lt3A = arith.constant 0 : i32
      %lt3A_125 = vector.broadcast %lt3A : i32 to vector<16xi32>
      %lt3A_126 = arith.cmpi slt, %sub3A_124, %lt3A_125 : vector<16xi32>
      %ge3A_127 = arith.constant 25008 : i32
      %ge3A_128 = vector.broadcast %ge3A_127 : i32 to vector<16xi32>
      %ge3A_129 = arith.cmpi sge, %sub3A_124, %ge3A_128 : vector<16xi32>
      %or3A = arith.ori %lt3A_126, %ge3A_129 : vector<16xi1>
      %jit3A = arith.constant 25008 : i32
      %broadcast_in_dim3A = vector.broadcast %jit3A : i32 to vector<16xi32>
      %select_n3A = arith.select %or3A, %broadcast_in_dim3A, %sub3A_124 : vector<16xi1>, vector<16xi32>
      %swap3A = arith.constant 0 : i32
      %swap3A_130 = arith.index_cast %swap3A : i32 to index
      %swap3A_131 = arith.constant 0 : index
      %swap3A_132 = tpu.vector_load %arg8[%swap3A_130, %swap3A_131] {strides = array<i32>} : memref<2x112xi32, #tpu.memory_space<vmem>>, vector<1x16xi32>,
      %swap3A_133 = vector.shape_cast %swap3A_132 : vector<1x16xi32> to vector<16xi32>
      %swap3A_134 = vector.shape_cast %select_n3A : vector<16xi32> to vector<1x16xi32>
      tpu.vector_store %arg8[%swap3A_130, %swap3A_131], %swap3A_134 {strides = array<i32>} : memref<2x112xi32, #tpu.memory_space<vmem>>, vector<1x16xi32>,
      %get3A_135 = arith.constant 0 : i32
      %get3A_136 = arith.constant 1 : i32
      %get3A_137 = arith.index_cast %get3A_135 : i32 to index
      %get3A_138 = arith.index_cast %get3A_136 : i32 to index
      %get3A_139 = arith.constant 16 : index
      %get3A_140 = tpu.vector_load %arg6[%get3A_137, %get3A_138, %get3A_139] {strides = array<i32>} : memref<2x2x112xi32, #tpu.memory_space<vmem>>, vector<1x1x16xi32>,
      %get3A_141 = vector.shape_cast %get3A_140 : vector<1x1x16xi32> to vector<16xi32>
      %sub3A_142 = vector.broadcast %mul3A_0 : i32 to vector<16xi32>
      %sub3A_143 = arith.subi %get3A_141, %sub3A_142 : vector<16xi32>
      %lt3A_144 = arith.constant 0 : i32
      %lt3A_145 = vector.broadcast %lt3A_144 : i32 to vector<16xi32>
      %lt3A_146 = arith.cmpi slt, %sub3A_143, %lt3A_145 : vector<16xi32>
      %ge3A_147 = arith.constant 25008 : i32
      %ge3A_148 = vector.broadcast %ge3A_147 : i32 to vector<16xi32>
      %ge3A_149 = arith.cmpi sge, %sub3A_143, %ge3A_148 : vector<16xi32>
      %or3A_150 = arith.ori %lt3A_146, %ge3A_149 : vector<16xi1>
      %jit3A_151 = arith.constant 25008 : i32
      %broadcast_in_dim3A_152 = vector.broadcast %jit3A_151 : i32 to vector<16xi32>
      %select_n3A_153 = arith.select %or3A_150, %broadcast_in_dim3A_152, %sub3A_143 : vector<16xi1>, vector<16xi32>
      %swap3A_154 = arith.constant 0 : i32
      %swap3A_155 = arith.index_cast %swap3A_154 : i32 to index
      %swap3A_156 = arith.constant 16 : index
      %swap3A_157 = tpu.vector_load %arg8[%swap3A_155, %swap3A_156] {strides = array<i32>} : memref<2x112xi32, #tpu.memory_space<vmem>>, vector<1x16xi32>,
      %swap3A_158 = vector.shape_cast %swap3A_157 : vector<1x16xi32> to vector<16xi32>
      %swap3A_159 = vector.shape_cast %select_n3A_153 : vector<16xi32> to vector<1x16xi32>
      tpu.vector_store %arg8[%swap3A_155, %swap3A_156], %swap3A_159 {strides = array<i32>} : memref<2x112xi32, #tpu.memory_space<vmem>>, vector<1x16xi32>,
      %get3A_160 = arith.constant 0 : i32
      %get3A_161 = arith.constant 1 : i32
      %get3A_162 = arith.index_cast %get3A_160 : i32 to index
      %get3A_163 = arith.index_cast %get3A_161 : i32 to index
      %get3A_164 = arith.constant 32 : index
      %get3A_165 = tpu.vector_load %arg6[%get3A_162, %get3A_163, %get3A_164] {strides = array<i32>} : memref<2x2x112xi32, #tpu.memory_space<vmem>>, vector<1x1x16xi32>,
      %get3A_166 = vector.shape_cast %get3A_165 : vector<1x1x16xi32> to vector<16xi32>
      %sub3A_167 = vector.broadcast %mul3A_0 : i32 to vector<16xi32>
      %sub3A_168 = arith.subi %get3A_166, %sub3A_167 : vector<16xi32>
      %lt3A_169 = arith.constant 0 : i32
      %lt3A_170 = vector.broadcast %lt3A_169 : i32 to vector<16xi32>
      %lt3A_171 = arith.cmpi slt, %sub3A_168, %lt3A_170 : vector<16xi32>
      %ge3A_172 = arith.constant 25008 : i32
      %ge3A_173 = vector.broadcast %ge3A_172 : i32 to vector<16xi32>
      %ge3A_174 = arith.cmpi sge, %sub3A_168, %ge3A_173 : vector<16xi32>
      %or3A_175 = arith.ori %lt3A_171, %ge3A_174 : vector<16xi1>
      %jit3A_176 = arith.constant 25008 : i32
      %broadcast_in_dim3A_177 = vector.broadcast %jit3A_176 : i32 to vector<16xi32>
      %select_n3A_178 = arith.select %or3A_175, %broadcast_in_dim3A_177, %sub3A_168 : vector<16xi1>, vector<16xi32>
      %swap3A_179 = arith.constant 0 : i32
      %swap3A_180 = arith.index_cast %swap3A_179 : i32 to index
      %swap3A_181 = arith.constant 32 : index
      %swap3A_182 = tpu.vector_load %arg8[%swap3A_180, %swap3A_181] {strides = array<i32>} : memref<2x112xi32, #tpu.memory_space<vmem>>, vector<1x16xi32>,
      %swap3A_183 = vector.shape_cast %swap3A_182 : vector<1x16xi32> to vector<16xi32>
      %swap3A_184 = vector.shape_cast %select_n3A_178 : vector<16xi32> to vector<1x16xi32>
      tpu.vector_store %arg8[%swap3A_180, %swap3A_181], %swap3A_184 {strides = array<i32>} : memref<2x112xi32, #tpu.memory_space<vmem>>, vector<1x16xi32>,
      %get3A_185 = arith.constant 0 : i32
      %get3A_186 = arith.constant 1 : i32
      %get3A_187 = arith.index_cast %get3A_185 : i32 to index
      %get3A_188 = arith.index_cast %get3A_186 : i32 to index
      %get3A_189 = arith.constant 48 : index
      %get3A_190 = tpu.vector_load %arg6[%get3A_187, %get3A_188, %get3A_189] {strides = array<i32>} : memref<2x2x112xi32, #tpu.memory_space<vmem>>, vector<1x1x16xi32>,
      %get3A_191 = vector.shape_cast %get3A_190 : vector<1x1x16xi32> to vector<16xi32>
      %sub3A_192 = vector.broadcast %mul3A_0 : i32 to vector<16xi32>
      %sub3A_193 = arith.subi %get3A_191, %sub3A_192 : vector<16xi32>
      %lt3A_194 = arith.constant 0 : i32
      %lt3A_195 = vector.broadcast %lt3A_194 : i32 to vector<16xi32>
      %lt3A_196 = arith.cmpi slt, %sub3A_193, %lt3A_195 : vector<16xi32>
      %ge3A_197 = arith.constant 25008 : i32
      %ge3A_198 = vector.broadcast %ge3A_197 : i32 to vector<16xi32>
      %ge3A_199 = arith.cmpi sge, %sub3A_193, %ge3A_198 : vector<16xi32>
      %or3A_200 = arith.ori %lt3A_196, %ge3A_199 : vector<16xi1>
      %jit3A_201 = arith.constant 25008 : i32
      %broadcast_in_dim3A_202 = vector.broadcast %jit3A_201 : i32 to vector<16xi32>
      %select_n3A_203 = arith.select %or3A_200, %broadcast_in_dim3A_202, %sub3A_193 : vector<16xi1>, vector<16xi32>
      %swap3A_204 = arith.constant 0 : i32
      %swap3A_205 = arith.index_cast %swap3A_204 : i32 to index
      %swap3A_206 = arith.constant 48 : index
      %swap3A_207 = tpu.vector_load %arg8[%swap3A_205, %swap3A_206] {strides = array<i32>} : memref<2x112xi32, #tpu.memory_space<vmem>>, vector<1x16xi32>,
      %swap3A_208 = vector.shape_cast %swap3A_207 : vector<1x16xi32> to vector<16xi32>
      %swap3A_209 = vector.shape_cast %select_n3A_203 : vector<16xi32> to vector<1x16xi32>
      tpu.vector_store %arg8[%swap3A_205, %swap3A_206], %swap3A_209 {strides = array<i32>} : memref<2x112xi32, #tpu.memory_space<vmem>>, vector<1x16xi32>,
      %get3A_210 = arith.constant 0 : i32
      %get3A_211 = arith.constant 1 : i32
      %get3A_212 = arith.index_cast %get3A_210 : i32 to index
      %get3A_213 = arith.index_cast %get3A_211 : i32 to index
      %get3A_214 = arith.constant 64 : index
      %get3A_215 = tpu.vector_load %arg6[%get3A_212, %get3A_213, %get3A_214] {strides = array<i32>} : memref<2x2x112xi32, #tpu.memory_space<vmem>>, vector<1x1x16xi32>,
      %get3A_216 = vector.shape_cast %get3A_215 : vector<1x1x16xi32> to vector<16xi32>
      %sub3A_217 = vector.broadcast %mul3A_0 : i32 to vector<16xi32>
      %sub3A_218 = arith.subi %get3A_216, %sub3A_217 : vector<16xi32>
      %lt3A_219 = arith.constant 0 : i32
      %lt3A_220 = vector.broadcast %lt3A_219 : i32 to vector<16xi32>
      %lt3A_221 = arith.cmpi slt, %sub3A_218, %lt3A_220 : vector<16xi32>
      %ge3A_222 = arith.constant 25008 : i32
      %ge3A_223 = vector.broadcast %ge3A_222 : i32 to vector<16xi32>
      %ge3A_224 = arith.cmpi sge, %sub3A_218, %ge3A_223 : vector<16xi32>
      %or3A_225 = arith.ori %lt3A_221, %ge3A_224 : vector<16xi1>
      %jit3A_226 = arith.constant 25008 : i32
      %broadcast_in_dim3A_227 = vector.broadcast %jit3A_226 : i32 to vector<16xi32>
      %select_n3A_228 = arith.select %or3A_225, %broadcast_in_dim3A_227, %sub3A_218 : vector<16xi1>, vector<16xi32>
      %swap3A_229 = arith.constant 0 : i32
      %swap3A_230 = arith.index_cast %swap3A_229 : i32 to index
      %swap3A_231 = arith.constant 64 : index
      %swap3A_232 = tpu.vector_load %arg8[%swap3A_230, %swap3A_231] {strides = array<i32>} : memref<2x112xi32, #tpu.memory_space<vmem>>, vector<1x16xi32>,
      %swap3A_233 = vector.shape_cast %swap3A_232 : vector<1x16xi32> to vector<16xi32>
      %swap3A_234 = vector.shape_cast %select_n3A_228 : vector<16xi32> to vector<1x16xi32>
      tpu.vector_store %arg8[%swap3A_230, %swap3A_231], %swap3A_234 {strides = array<i32>} : memref<2x112xi32, #tpu.memory_space<vmem>>, vector<1x16xi32>,
      %get3A_235 = arith.constant 0 : i32
      %get3A_236 = arith.constant 1 : i32
      %get3A_237 = arith.index_cast %get3A_235 : i32 to index
      %get3A_238 = arith.index_cast %get3A_236 : i32 to index
      %get3A_239 = arith.constant 80 : index
      %get3A_240 = tpu.vector_load %arg6[%get3A_237, %get3A_238, %get3A_239] {strides = array<i32>} : memref<2x2x112xi32, #tpu.memory_space<vmem>>, vector<1x1x16xi32>,
      %get3A_241 = vector.shape_cast %get3A_240 : vector<1x1x16xi32> to vector<16xi32>
      %sub3A_242 = vector.broadcast %mul3A_0 : i32 to vector<16xi32>
      %sub3A_243 = arith.subi %get3A_241, %sub3A_242 : vector<16xi32>
      %lt3A_244 = arith.constant 0 : i32
      %lt3A_245 = vector.broadcast %lt3A_244 : i32 to vector<16xi32>
      %lt3A_246 = arith.cmpi slt, %sub3A_243, %lt3A_245 : vector<16xi32>
      %ge3A_247 = arith.constant 25008 : i32
      %ge3A_248 = vector.broadcast %ge3A_247 : i32 to vector<16xi32>
      %ge3A_249 = arith.cmpi sge, %sub3A_243, %ge3A_248 : vector<16xi32>
      %or3A_250 = arith.ori %lt3A_246, %ge3A_249 : vector<16xi1>
      %jit3A_251 = arith.constant 25008 : i32
      %broadcast_in_dim3A_252 = vector.broadcast %jit3A_251 : i32 to vector<16xi32>
      %select_n3A_253 = arith.select %or3A_250, %broadcast_in_dim3A_252, %sub3A_243 : vector<16xi1>, vector<16xi32>
      %swap3A_254 = arith.constant 0 : i32
      %swap3A_255 = arith.index_cast %swap3A_254 : i32 to index
      %swap3A_256 = arith.constant 80 : index
      %swap3A_257 = tpu.vector_load %arg8[%swap3A_255, %swap3A_256] {strides = array<i32>} : memref<2x112xi32, #tpu.memory_space<vmem>>, vector<1x16xi32>,
      %swap3A_258 = vector.shape_cast %swap3A_257 : vector<1x16xi32> to vector<16xi32>
      %swap3A_259 = vector.shape_cast %select_n3A_253 : vector<16xi32> to vector<1x16xi32>
      tpu.vector_store %arg8[%swap3A_255, %swap3A_256], %swap3A_259 {strides = array<i32>} : memref<2x112xi32, #tpu.memory_space<vmem>>, vector<1x16xi32>,
      %get3A_260 = arith.constant 0 : i32
      %get3A_261 = arith.constant 1 : i32
      %get3A_262 = arith.index_cast %get3A_260 : i32 to index
      %get3A_263 = arith.index_cast %get3A_261 : i32 to index
      %get3A_264 = arith.constant 96 : index
      %get3A_265 = tpu.vector_load %arg6[%get3A_262, %get3A_263, %get3A_264] {strides = array<i32>} : memref<2x2x112xi32, #tpu.memory_space<vmem>>, vector<1x1x16xi32>,
      %get3A_266 = vector.shape_cast %get3A_265 : vector<1x1x16xi32> to vector<16xi32>
      %sub3A_267 = vector.broadcast %mul3A_0 : i32 to vector<16xi32>
      %sub3A_268 = arith.subi %get3A_266, %sub3A_267 : vector<16xi32>
      %lt3A_269 = arith.constant 0 : i32
      %lt3A_270 = vector.broadcast %lt3A_269 : i32 to vector<16xi32>
      %lt3A_271 = arith.cmpi slt, %sub3A_268, %lt3A_270 : vector<16xi32>
      %ge3A_272 = arith.constant 25008 : i32
      %ge3A_273 = vector.broadcast %ge3A_272 : i32 to vector<16xi32>
      %ge3A_274 = arith.cmpi sge, %sub3A_268, %ge3A_273 : vector<16xi32>
      %or3A_275 = arith.ori %lt3A_271, %ge3A_274 : vector<16xi1>
      %jit3A_276 = arith.constant 25008 : i32
      %broadcast_in_dim3A_277 = vector.broadcast %jit3A_276 : i32 to vector<16xi32>
      %select_n3A_278 = arith.select %or3A_275, %broadcast_in_dim3A_277, %sub3A_268 : vector<16xi1>, vector<16xi32>
      %swap3A_279 = arith.constant 0 : i32
      %swap3A_280 = arith.index_cast %swap3A_279 : i32 to index
      %swap3A_281 = arith.constant 96 : index
      %swap3A_282 = tpu.vector_load %arg8[%swap3A_280, %swap3A_281] {strides = array<i32>} : memref<2x112xi32, #tpu.memory_space<vmem>>, vector<1x16xi32>,
      %swap3A_283 = vector.shape_cast %swap3A_282 : vector<1x16xi32> to vector<16xi32>
      %swap3A_284 = vector.shape_cast %select_n3A_278 : vector<16xi32> to vector<1x16xi32>
      tpu.vector_store %arg8[%swap3A_280, %swap3A_281], %swap3A_284 {strides = array<i32>} : memref<2x112xi32, #tpu.memory_space<vmem>>, vector<1x16xi32>,
      %get3A_285 = arith.constant 1 : i32
      %get3A_286 = arith.constant 1 : i32
      %get3A_287 = arith.index_cast %get3A_285 : i32 to index
      %get3A_288 = arith.index_cast %get3A_286 : i32 to index
      %get3A_289 = arith.constant 0 : index
      %get3A_290 = tpu.vector_load %arg6[%get3A_287, %get3A_288, %get3A_289] {strides = array<i32>} : memref<2x2x112xi32, #tpu.memory_space<vmem>>, vector<1x1x16xi32>,
      %get3A_291 = vector.shape_cast %get3A_290 : vector<1x1x16xi32> to vector<16xi32>
      %sub3A_292 = vector.broadcast %mul3A_0 : i32 to vector<16xi32>
      %sub3A_293 = arith.subi %get3A_291, %sub3A_292 : vector<16xi32>
      %lt3A_294 = arith.constant 0 : i32
      %lt3A_295 = vector.broadcast %lt3A_294 : i32 to vector<16xi32>
      %lt3A_296 = arith.cmpi slt, %sub3A_293, %lt3A_295 : vector<16xi32>
      %ge3A_297 = arith.constant 25008 : i32
      %ge3A_298 = vector.broadcast %ge3A_297 : i32 to vector<16xi32>
      %ge3A_299 = arith.cmpi sge, %sub3A_293, %ge3A_298 : vector<16xi32>
      %or3A_300 = arith.ori %lt3A_296, %ge3A_299 : vector<16xi1>
      %jit3A_301 = arith.constant 25008 : i32
      %broadcast_in_dim3A_302 = vector.broadcast %jit3A_301 : i32 to vector<16xi32>
      %select_n3A_303 = arith.select %or3A_300, %broadcast_in_dim3A_302, %sub3A_293 : vector<16xi1>, vector<16xi32>
      %swap3A_304 = arith.constant 1 : i32
      %swap3A_305 = arith.index_cast %swap3A_304 : i32 to index
      %swap3A_306 = arith.constant 0 : index
      %swap3A_307 = tpu.vector_load %arg8[%swap3A_305, %swap3A_306] {strides = array<i32>} : memref<2x112xi32, #tpu.memory_space<vmem>>, vector<1x16xi32>,
      %swap3A_308 = vector.shape_cast %swap3A_307 : vector<1x16xi32> to vector<16xi32>
      %swap3A_309 = vector.shape_cast %select_n3A_303 : vector<16xi32> to vector<1x16xi32>
      tpu.vector_store %arg8[%swap3A_305, %swap3A_306], %swap3A_309 {strides = array<i32>} : memref<2x112xi32, #tpu.memory_space<vmem>>, vector<1x16xi32>,
      %get3A_310 = arith.constant 1 : i32
      %get3A_311 = arith.constant 1 : i32
      %get3A_312 = arith.index_cast %get3A_310 : i32 to index
      %get3A_313 = arith.index_cast %get3A_311 : i32 to index
      %get3A_314 = arith.constant 16 : index
      %get3A_315 = tpu.vector_load %arg6[%get3A_312, %get3A_313, %get3A_314] {strides = array<i32>} : memref<2x2x112xi32, #tpu.memory_space<vmem>>, vector<1x1x16xi32>,
      %get3A_316 = vector.shape_cast %get3A_315 : vector<1x1x16xi32> to vector<16xi32>
      %sub3A_317 = vector.broadcast %mul3A_0 : i32 to vector<16xi32>
      %sub3A_318 = arith.subi %get3A_316, %sub3A_317 : vector<16xi32>
      %lt3A_319 = arith.constant 0 : i32
      %lt3A_320 = vector.broadcast %lt3A_319 : i32 to vector<16xi32>
      %lt3A_321 = arith.cmpi slt, %sub3A_318, %lt3A_320 : vector<16xi32>
      %ge3A_322 = arith.constant 25008 : i32
      %ge3A_323 = vector.broadcast %ge3A_322 : i32 to vector<16xi32>
      %ge3A_324 = arith.cmpi sge, %sub3A_318, %ge3A_323 : vector<16xi32>
      %or3A_325 = arith.ori %lt3A_321, %ge3A_324 : vector<16xi1>
      %jit3A_326 = arith.constant 25008 : i32
      %broadcast_in_dim3A_327 = vector.broadcast %jit3A_326 : i32 to vector<16xi32>
      %select_n3A_328 = arith.select %or3A_325, %broadcast_in_dim3A_327, %sub3A_318 : vector<16xi1>, vector<16xi32>
      %swap3A_329 = arith.constant 1 : i32
      %swap3A_330 = arith.index_cast %swap3A_329 : i32 to index
      %swap3A_331 = arith.constant 16 : index
      %swap3A_332 = tpu.vector_load %arg8[%swap3A_330, %swap3A_331] {strides = array<i32>} : memref<2x112xi32, #tpu.memory_space<vmem>>, vector<1x16xi32>,
      %swap3A_333 = vector.shape_cast %swap3A_332 : vector<1x16xi32> to vector<16xi32>
      %swap3A_334 = vector.shape_cast %select_n3A_328 : vector<16xi32> to vector<1x16xi32>
      tpu.vector_store %arg8[%swap3A_330, %swap3A_331], %swap3A_334 {strides = array<i32>} : memref<2x112xi32, #tpu.memory_space<vmem>>, vector<1x16xi32>,
      %get3A_335 = arith.constant 1 : i32
      %get3A_336 = arith.constant 1 : i32
      %get3A_337 = arith.index_cast %get3A_335 : i32 to index
      %get3A_338 = arith.index_cast %get3A_336 : i32 to index
      %get3A_339 = arith.constant 32 : index
      %get3A_340 = tpu.vector_load %arg6[%get3A_337, %get3A_338, %get3A_339] {strides = array<i32>} : memref<2x2x112xi32, #tpu.memory_space<vmem>>, vector<1x1x16xi32>,
      %get3A_341 = vector.shape_cast %get3A_340 : vector<1x1x16xi32> to vector<16xi32>
      %sub3A_342 = vector.broadcast %mul3A_0 : i32 to vector<16xi32>
      %sub3A_343 = arith.subi %get3A_341, %sub3A_342 : vector<16xi32>
      %lt3A_344 = arith.constant 0 : i32
      %lt3A_345 = vector.broadcast %lt3A_344 : i32 to vector<16xi32>
      %lt3A_346 = arith.cmpi slt, %sub3A_343, %lt3A_345 : vector<16xi32>
      %ge3A_347 = arith.constant 25008 : i32
      %ge3A_348 = vector.broadcast %ge3A_347 : i32 to vector<16xi32>
      %ge3A_349 = arith.cmpi sge, %sub3A_343, %ge3A_348 : vector<16xi32>
      %or3A_350 = arith.ori %lt3A_346, %ge3A_349 : vector<16xi1>
      %jit3A_351 = arith.constant 25008 : i32
      %broadcast_in_dim3A_352 = vector.broadcast %jit3A_351 : i32 to vector<16xi32>
      %select_n3A_353 = arith.select %or3A_350, %broadcast_in_dim3A_352, %sub3A_343 : vector<16xi1>, vector<16xi32>
      %swap3A_354 = arith.constant 1 : i32
      %swap3A_355 = arith.index_cast %swap3A_354 : i32 to index
      %swap3A_356 = arith.constant 32 : index
      %swap3A_357 = tpu.vector_load %arg8[%swap3A_355, %swap3A_356] {strides = array<i32>} : memref<2x112xi32, #tpu.memory_space<vmem>>, vector<1x16xi32>,
      %swap3A_358 = vector.shape_cast %swap3A_357 : vector<1x16xi32> to vector<16xi32>
      %swap3A_359 = vector.shape_cast %select_n3A_353 : vector<16xi32> to vector<1x16xi32>
      tpu.vector_store %arg8[%swap3A_355, %swap3A_356], %swap3A_359 {strides = array<i32>} : memref<2x112xi32, #tpu.memory_space<vmem>>, vector<1x16xi32>,
      %get3A_360 = arith.constant 1 : i32
      %get3A_361 = arith.constant 1 : i32
      %get3A_362 = arith.index_cast %get3A_360 : i32 to index
      %get3A_363 = arith.index_cast %get3A_361 : i32 to index
      %get3A_364 = arith.constant 48 : index
      %get3A_365 = tpu.vector_load %arg6[%get3A_362, %get3A_363, %get3A_364] {strides = array<i32>} : memref<2x2x112xi32, #tpu.memory_space<vmem>>, vector<1x1x16xi32>,
      %get3A_366 = vector.shape_cast %get3A_365 : vector<1x1x16xi32> to vector<16xi32>
      %sub3A_367 = vector.broadcast %mul3A_0 : i32 to vector<16xi32>
      %sub3A_368 = arith.subi %get3A_366, %sub3A_367 : vector<16xi32>
      %lt3A_369 = arith.constant 0 : i32
      %lt3A_370 = vector.broadcast %lt3A_369 : i32 to vector<16xi32>
      %lt3A_371 = arith.cmpi slt, %sub3A_368, %lt3A_370 : vector<16xi32>
      %ge3A_372 = arith.constant 25008 : i32
      %ge3A_373 = vector.broadcast %ge3A_372 : i32 to vector<16xi32>
      %ge3A_374 = arith.cmpi sge, %sub3A_368, %ge3A_373 : vector<16xi32>
      %or3A_375 = arith.ori %lt3A_371, %ge3A_374 : vector<16xi1>
      %jit3A_376 = arith.constant 25008 : i32
      %broadcast_in_dim3A_377 = vector.broadcast %jit3A_376 : i32 to vector<16xi32>
      %select_n3A_378 = arith.select %or3A_375, %broadcast_in_dim3A_377, %sub3A_368 : vector<16xi1>, vector<16xi32>
      %swap3A_379 = arith.constant 1 : i32
      %swap3A_380 = arith.index_cast %swap3A_379 : i32 to index
      %swap3A_381 = arith.constant 48 : index
      %swap3A_382 = tpu.vector_load %arg8[%swap3A_380, %swap3A_381] {strides = array<i32>} : memref<2x112xi32, #tpu.memory_space<vmem>>, vector<1x16xi32>,
      %swap3A_383 = vector.shape_cast %swap3A_382 : vector<1x16xi32> to vector<16xi32>
      %swap3A_384 = vector.shape_cast %select_n3A_378 : vector<16xi32> to vector<1x16xi32>
      tpu.vector_store %arg8[%swap3A_380, %swap3A_381], %swap3A_384 {strides = array<i32>} : memref<2x112xi32, #tpu.memory_space<vmem>>, vector<1x16xi32>,
      %get3A_385 = arith.constant 1 : i32
      %get3A_386 = arith.constant 1 : i32
      %get3A_387 = arith.index_cast %get3A_385 : i32 to index
      %get3A_388 = arith.index_cast %get3A_386 : i32 to index
      %get3A_389 = arith.constant 64 : index
      %get3A_390 = tpu.vector_load %arg6[%get3A_387, %get3A_388, %get3A_389] {strides = array<i32>} : memref<2x2x112xi32, #tpu.memory_space<vmem>>, vector<1x1x16xi32>,
      %get3A_391 = vector.shape_cast %get3A_390 : vector<1x1x16xi32> to vector<16xi32>
      %sub3A_392 = vector.broadcast %mul3A_0 : i32 to vector<16xi32>
      %sub3A_393 = arith.subi %get3A_391, %sub3A_392 : vector<16xi32>
      %lt3A_394 = arith.constant 0 : i32
      %lt3A_395 = vector.broadcast %lt3A_394 : i32 to vector<16xi32>
      %lt3A_396 = arith.cmpi slt, %sub3A_393, %lt3A_395 : vector<16xi32>
      %ge3A_397 = arith.constant 25008 : i32
      %ge3A_398 = vector.broadcast %ge3A_397 : i32 to vector<16xi32>
      %ge3A_399 = arith.cmpi sge, %sub3A_393, %ge3A_398 : vector<16xi32>
      %or3A_400 = arith.ori %lt3A_396, %ge3A_399 : vector<16xi1>
      %jit3A_401 = arith.constant 25008 : i32
      %broadcast_in_dim3A_402 = vector.broadcast %jit3A_401 : i32 to vector<16xi32>
      %select_n3A_403 = arith.select %or3A_400, %broadcast_in_dim3A_402, %sub3A_393 : vector<16xi1>, vector<16xi32>
      %swap3A_404 = arith.constant 1 : i32
      %swap3A_405 = arith.index_cast %swap3A_404 : i32 to index
      %swap3A_406 = arith.constant 64 : index
      %swap3A_407 = tpu.vector_load %arg8[%swap3A_405, %swap3A_406] {strides = array<i32>} : memref<2x112xi32, #tpu.memory_space<vmem>>, vector<1x16xi32>,
      %swap3A_408 = vector.shape_cast %swap3A_407 : vector<1x16xi32> to vector<16xi32>
      %swap3A_409 = vector.shape_cast %select_n3A_403 : vector<16xi32> to vector<1x16xi32>
      tpu.vector_store %arg8[%swap3A_405, %swap3A_406], %swap3A_409 {strides = array<i32>} : memref<2x112xi32, #tpu.memory_space<vmem>>, vector<1x16xi32>,
      %get3A_410 = arith.constant 1 : i32
      %get3A_411 = arith.constant 1 : i32
      %get3A_412 = arith.index_cast %get3A_410 : i32 to index
      %get3A_413 = arith.index_cast %get3A_411 : i32 to index
      %get3A_414 = arith.constant 80 : index
      %get3A_415 = tpu.vector_load %arg6[%get3A_412, %get3A_413, %get3A_414] {strides = array<i32>} : memref<2x2x112xi32, #tpu.memory_space<vmem>>, vector<1x1x16xi32>,
      %get3A_416 = vector.shape_cast %get3A_415 : vector<1x1x16xi32> to vector<16xi32>
      %sub3A_417 = vector.broadcast %mul3A_0 : i32 to vector<16xi32>
      %sub3A_418 = arith.subi %get3A_416, %sub3A_417 : vector<16xi32>
      %lt3A_419 = arith.constant 0 : i32
      %lt3A_420 = vector.broadcast %lt3A_419 : i32 to vector<16xi32>
      %lt3A_421 = arith.cmpi slt, %sub3A_418, %lt3A_420 : vector<16xi32>
      %ge3A_422 = arith.constant 25008 : i32
      %ge3A_423 = vector.broadcast %ge3A_422 : i32 to vector<16xi32>
      %ge3A_424 = arith.cmpi sge, %sub3A_418, %ge3A_423 : vector<16xi32>
      %or3A_425 = arith.ori %lt3A_421, %ge3A_424 : vector<16xi1>
      %jit3A_426 = arith.constant 25008 : i32
      %broadcast_in_dim3A_427 = vector.broadcast %jit3A_426 : i32 to vector<16xi32>
      %select_n3A_428 = arith.select %or3A_425, %broadcast_in_dim3A_427, %sub3A_418 : vector<16xi1>, vector<16xi32>
      %swap3A_429 = arith.constant 1 : i32
      %swap3A_430 = arith.index_cast %swap3A_429 : i32 to index
      %swap3A_431 = arith.constant 80 : index
      %swap3A_432 = tpu.vector_load %arg8[%swap3A_430, %swap3A_431] {strides = array<i32>} : memref<2x112xi32, #tpu.memory_space<vmem>>, vector<1x16xi32>,
      %swap3A_433 = vector.shape_cast %swap3A_432 : vector<1x16xi32> to vector<16xi32>
      %swap3A_434 = vector.shape_cast %select_n3A_428 : vector<16xi32> to vector<1x16xi32>
      tpu.vector_store %arg8[%swap3A_430, %swap3A_431], %swap3A_434 {strides = array<i32>} : memref<2x112xi32, #tpu.memory_space<vmem>>, vector<1x16xi32>,
      %get3A_435 = arith.constant 1 : i32
      %get3A_436 = arith.constant 1 : i32
      %get3A_437 = arith.index_cast %get3A_435 : i32 to index
      %get3A_438 = arith.index_cast %get3A_436 : i32 to index
      %get3A_439 = arith.constant 96 : index
      %get3A_440 = tpu.vector_load %arg6[%get3A_437, %get3A_438, %get3A_439] {strides = array<i32>} : memref<2x2x112xi32, #tpu.memory_space<vmem>>, vector<1x1x16xi32>,
      %get3A_441 = vector.shape_cast %get3A_440 : vector<1x1x16xi32> to vector<16xi32>
      %sub3A_442 = vector.broadcast %mul3A_0 : i32 to vector<16xi32>
      %sub3A_443 = arith.subi %get3A_441, %sub3A_442 : vector<16xi32>
      %lt3A_444 = arith.constant 0 : i32
      %lt3A_445 = vector.broadcast %lt3A_444 : i32 to vector<16xi32>
      %lt3A_446 = arith.cmpi slt, %sub3A_443, %lt3A_445 : vector<16xi32>
      %ge3A_447 = arith.constant 25008 : i32
      %ge3A_448 = vector.broadcast %ge3A_447 : i32 to vector<16xi32>
      %ge3A_449 = arith.cmpi sge, %sub3A_443, %ge3A_448 : vector<16xi32>
      %or3A_450 = arith.ori %lt3A_446, %ge3A_449 : vector<16xi1>
      %jit3A_451 = arith.constant 25008 : i32
      %broadcast_in_dim3A_452 = vector.broadcast %jit3A_451 : i32 to vector<16xi32>
      %select_n3A_453 = arith.select %or3A_450, %broadcast_in_dim3A_452, %sub3A_443 : vector<16xi1>, vector<16xi32>
      %swap3A_454 = arith.constant 1 : i32
      %swap3A_455 = arith.index_cast %swap3A_454 : i32 to index
      %swap3A_456 = arith.constant 96 : index
      %swap3A_457 = tpu.vector_load %arg8[%swap3A_455, %swap3A_456] {strides = array<i32>} : memref<2x112xi32, #tpu.memory_space<vmem>>, vector<1x16xi32>,
      %swap3A_458 = vector.shape_cast %swap3A_457 : vector<1x16xi32> to vector<16xi32>
      %swap3A_459 = vector.shape_cast %select_n3A_453 : vector<16xi32> to vector<1x16xi32>
      tpu.vector_store %arg8[%swap3A_455, %swap3A_456], %swap3A_459 {strides = array<i32>} : memref<2x112xi32, #tpu.memory_space<vmem>>, vector<1x16xi32>,
      %ge3A_460 = arith.constant 1 : i32
      %ge3A_461 = arith.cmpi sge, %scan3A_78, %ge3A_460 : i32
      %convert_element_type3A_462 = arith.extui %ge3A_461 : i1 to i32
      %cond3A_463 = arith.constant 0 : i32
      %cond3A_464 = arith.cmpi ne, %convert_element_type3A_462, %cond3A_463 : i32
      scf.if %cond3A_464 {
        %dma_wait3A_897 = arith.constant 0 : i32
        %dma_wait3A_898 = arith.constant 0 : i32
        %dma_wait3A_899 = tpu.memref_slice %arg2[%dma_wait3A_897, %dma_wait3A_898] : memref<50176x64xf32, #tpu.memory_space<hbm>> -> memref<224x64xf32, #tpu.memory_space<hbm>>
        %dma_wait3A_900 = arith.constant 0 : i32
        %dma_wait3A_901 = arith.constant 0 : i32
        %dma_wait3A_902 = tpu.memref_slice %arg2[%dma_wait3A_900, %dma_wait3A_901] : memref<50176x64xf32, #tpu.memory_space<hbm>> -> memref<224x64xf32, #tpu.memory_space<hbm>>
        tpu.wait_dma2 semaphore(%arg15 : memref<!tpu.dma_semaphore, #tpu.memory_space<semaphore_mem>>) src(%dma_wait3A_902 : memref<224x64xf32, #tpu.memory_space<hbm>>) dst(%arg11 : memref<224x64xf32, #tpu.memory_space<vmem>>)
        %dma_start3A_903 = arith.constant 0 : i32
        %dma_start3A_904 = arith.constant 0 : i32
        %dma_start3A_905 = arith.constant 0 : i32
        %dma_start3A_906 = tpu.memref_slice %arg11[%dma_start3A_904, %dma_start3A_905] : memref<224x64xf32, #tpu.memory_space<vmem>> -> memref<112x64xf32, #tpu.memory_space<vmem>>
        %dma_start3A_907 = arith.constant 0 : i32
        %dma_start3A_908 = tpu.memref_slice %arg9[%dma_start3A_903, %dma_start3A_907] : memref<2x112xi32, #tpu.memory_space<vmem>> -> memref<1x112xi32, #tpu.memory_space<vmem>>
        %dma_start3A_909 = tpu.memref_squeeze %dma_start3A_908 : memref<1x112xi32, #tpu.memory_space<vmem>> -> memref<112xi32, #tpu.memory_space<vmem>>
        %dma_start3A_910 = arith.constant 0 : i32
        %dma_start3A_911 = arith.constant 0 : i32
        %dma_start3A_912 = tpu.memref_slice %arg5[%dma_start3A_910, %dma_start3A_911] : memref<25009x64xf32, #tpu.memory_space<vmem_shared>> -> memref<25009x64xf32, #tpu.memory_space<vmem_shared>>
        tpu.enqueue_indirect_dma source(%dma_start3A_906 : memref<112x64xf32, #tpu.memory_space<vmem>>) target(%dma_start3A_912 : memref<25009x64xf32, #tpu.memory_space<vmem_shared>>) offsets(%dma_start3A_909 : memref<112xi32, #tpu.memory_space<vmem>>) semaphore(%arg17 : memref<!tpu.dma_semaphore, #tpu.memory_space<semaphore_mem>>) {add = true}
        %dma_start3A_913 = arith.constant 1 : i32
        %dma_start3A_914 = arith.constant 112 : i32
        %dma_start3A_915 = arith.constant 0 : i32
        %dma_start3A_916 = tpu.memref_slice %arg11[%dma_start3A_914, %dma_start3A_915] : memref<224x64xf32, #tpu.memory_space<vmem>> -> memref<112x64xf32, #tpu.memory_space<vmem>>
        %dma_start3A_917 = arith.constant 0 : i32
        %dma_start3A_918 = tpu.memref_slice %arg9[%dma_start3A_913, %dma_start3A_917] : memref<2x112xi32, #tpu.memory_space<vmem>> -> memref<1x112xi32, #tpu.memory_space<vmem>>
        %dma_start3A_919 = tpu.memref_squeeze %dma_start3A_918 : memref<1x112xi32, #tpu.memory_space<vmem>> -> memref<112xi32, #tpu.memory_space<vmem>>
        %dma_start3A_920 = arith.constant 0 : i32
        %dma_start3A_921 = arith.constant 0 : i32
        %dma_start3A_922 = tpu.memref_slice %arg5[%dma_start3A_920, %dma_start3A_921] : memref<25009x64xf32, #tpu.memory_space<vmem_shared>> -> memref<25009x64xf32, #tpu.memory_space<vmem_shared>>
        tpu.enqueue_indirect_dma source(%dma_start3A_916 : memref<112x64xf32, #tpu.memory_space<vmem>>) target(%dma_start3A_922 : memref<25009x64xf32, #tpu.memory_space<vmem_shared>>) offsets(%dma_start3A_919 : memref<112xi32, #tpu.memory_space<vmem>>) semaphore(%arg17 : memref<!tpu.dma_semaphore, #tpu.memory_space<semaphore_mem>>) {add = true}
      } else {
      }
      %add3A_465 = arith.constant 1 : i32
      %add3A_466 = arith.addi %add3A_83, %add3A_465 : i32
      %mul3A_467 = arith.constant 2 : i32
      %mul3A_468 = arith.muli %mul3A_467, %add3A_466 : i32
      %add3A_469 = arith.addi %mul3A_20, %mul3A_468 : i32
      %dma_start3A_470 = arith.constant 0 : i32
      %dma_start3A_471 = arith.constant 0 : i32
      %dma_start3A_472 = tpu.memref_slice %arg3[%add3A_469, %dma_start3A_470, %dma_start3A_471] : memref<7168x2x112xi32, #tpu.memory_space<hbm>> -> memref<2x2x112xi32, #tpu.memory_space<hbm>>
      %dma_start3A_473 = arith.constant 0 : i32
      %dma_start3A_474 = arith.constant 0 : i32
      %dma_start3A_475 = tpu.memref_slice %arg3[%add3A_469, %dma_start3A_473, %dma_start3A_474] : memref<7168x2x112xi32, #tpu.memory_space<hbm>> -> memref<2x2x112xi32, #tpu.memory_space<hbm>>
      tpu.enqueue_dma source(%dma_start3A_475 : memref<2x2x112xi32, #tpu.memory_space<hbm>>) target(%arg7 : memref<2x2x112xi32, #tpu.memory_space<vmem>>) target_semaphore(%arg13 : memref<!tpu.dma_semaphore, #tpu.memory_space<semaphore_mem>>)
      %mul3A_476 = arith.constant 2 : i32
      %mul3A_477 = arith.muli %scan3A_78, %mul3A_476 : i32
      %add3A_478 = arith.constant 1 : i32
      %add3A_479 = arith.addi %mul3A_477, %add3A_478 : i32
      %dma_wait3A_480 = arith.constant 0 : i32
      %dma_wait3A_481 = arith.constant 0 : i32
      %dma_wait3A_482 = arith.constant 0 : i32
      %dma_wait3A_483 = tpu.memref_slice %arg3[%dma_wait3A_480, %dma_wait3A_481, %dma_wait3A_482] : memref<7168x2x112xi32, #tpu.memory_space<hbm>> -> memref<2x2x112xi32, #tpu.memory_space<hbm>>
      %dma_wait3A_484 = arith.constant 0 : i32
      %dma_wait3A_485 = arith.constant 0 : i32
      %dma_wait3A_486 = arith.constant 0 : i32
      %dma_wait3A_487 = tpu.memref_slice %arg3[%dma_wait3A_484, %dma_wait3A_485, %dma_wait3A_486] : memref<7168x2x112xi32, #tpu.memory_space<hbm>> -> memref<2x2x112xi32, #tpu.memory_space<hbm>>
      tpu.wait_dma2 semaphore(%arg13 : memref<!tpu.dma_semaphore, #tpu.memory_space<semaphore_mem>>) src(%dma_wait3A_487 : memref<2x2x112xi32, #tpu.memory_space<hbm>>) dst(%arg7 : memref<2x2x112xi32, #tpu.memory_space<vmem>>)
      %ge3A_488 = arith.constant 1 : i32
      %ge3A_489 = arith.cmpi sge, %scan3A_78, %ge3A_488 : i32
      %convert_element_type3A_490 = arith.extui %ge3A_489 : i1 to i32
      %cond3A_491 = arith.constant 0 : i32
      %cond3A_492 = arith.cmpi ne, %convert_element_type3A_490, %cond3A_491 : i32
      scf.if %cond3A_492 {
        %dma_wait3A_897 = arith.constant 0 : i32
        %dma_wait3A_898 = arith.constant 0 : i32
        %dma_wait3A_899 = tpu.memref_slice %arg2[%dma_wait3A_897, %dma_wait3A_898] : memref<50176x64xf32, #tpu.memory_space<hbm>> -> memref<224x64xf32, #tpu.memory_space<hbm>>
        %dma_wait3A_900 = arith.constant 0 : i32
        %dma_wait3A_901 = arith.constant 0 : i32
        %dma_wait3A_902 = tpu.memref_slice %arg2[%dma_wait3A_900, %dma_wait3A_901] : memref<50176x64xf32, #tpu.memory_space<hbm>> -> memref<224x64xf32, #tpu.memory_space<hbm>>
        tpu.wait_dma2 semaphore(%arg17 : memref<!tpu.dma_semaphore, #tpu.memory_space<semaphore_mem>>) src(%dma_wait3A_902 : memref<224x64xf32, #tpu.memory_space<hbm>>) dst(%arg11 : memref<224x64xf32, #tpu.memory_space<vmem>>)
      } else {
      }
      %dma_start3A_493 = arith.constant 0 : i32
      %dma_start3A_494 = arith.constant 0 : i32
      %dma_start3A_495 = arith.constant 0 : i32
      %dma_start3A_496 = arith.constant 0 : i32
      %dma_start3A_497 = tpu.memref_slice %arg11[%dma_start3A_495, %dma_start3A_496] : memref<224x64xf32, #tpu.memory_space<vmem>> -> memref<112x64xf32, #tpu.memory_space<vmem>>
      %dma_start3A_498 = arith.constant 0 : i32
      %dma_start3A_499 = tpu.memref_slice %arg7[%dma_start3A_493, %dma_start3A_494, %dma_start3A_498] : memref<2x2x112xi32, #tpu.memory_space<vmem>> -> memref<1x1x112xi32, #tpu.memory_space<vmem>>
      %dma_start3A_500 = tpu.memref_squeeze %dma_start3A_499 : memref<1x1x112xi32, #tpu.memory_space<vmem>> -> memref<112xi32, #tpu.memory_space<vmem>>
      %dma_start3A_501 = arith.constant 0 : i32
      %dma_start3A_502 = arith.constant 0 : i32
      %dma_start3A_503 = tpu.memref_slice %arg2[%dma_start3A_501, %dma_start3A_502] : memref<50176x64xf32, #tpu.memory_space<hbm>> -> memref<50176x64xf32, #tpu.memory_space<hbm>>
      tpu.enqueue_indirect_dma source(%dma_start3A_503 : memref<50176x64xf32, #tpu.memory_space<hbm>>) target(%dma_start3A_497 : memref<112x64xf32, #tpu.memory_space<vmem>>) offsets(%dma_start3A_500 : memref<112xi32, #tpu.memory_space<vmem>>) semaphore(%arg15 : memref<!tpu.dma_semaphore, #tpu.memory_space<semaphore_mem>>)
      %dma_start3A_504 = arith.constant 1 : i32
      %dma_start3A_505 = arith.constant 0 : i32
      %dma_start3A_506 = arith.constant 112 : i32
      %dma_start3A_507 = arith.constant 0 : i32
      %dma_start3A_508 = tpu.memref_slice %arg11[%dma_start3A_506, %dma_start3A_507] : memref<224x64xf32, #tpu.memory_space<vmem>> -> memref<112x64xf32, #tpu.memory_space<vmem>>
      %dma_start3A_509 = arith.constant 0 : i32
      %dma_start3A_510 = tpu.memref_slice %arg7[%dma_start3A_504, %dma_start3A_505, %dma_start3A_509] : memref<2x2x112xi32, #tpu.memory_space<vmem>> -> memref<1x1x112xi32, #tpu.memory_space<vmem>>
      %dma_start3A_511 = tpu.memref_squeeze %dma_start3A_510 : memref<1x1x112xi32, #tpu.memory_space<vmem>> -> memref<112xi32, #tpu.memory_space<vmem>>
      %dma_start3A_512 = arith.constant 0 : i32
      %dma_start3A_513 = arith.constant 0 : i32
      %dma_start3A_514 = tpu.memref_slice %arg2[%dma_start3A_512, %dma_start3A_513] : memref<50176x64xf32, #tpu.memory_space<hbm>> -> memref<50176x64xf32, #tpu.memory_space<hbm>>
      tpu.enqueue_indirect_dma source(%dma_start3A_514 : memref<50176x64xf32, #tpu.memory_space<hbm>>) target(%dma_start3A_508 : memref<112x64xf32, #tpu.memory_space<vmem>>) offsets(%dma_start3A_511 : memref<112xi32, #tpu.memory_space<vmem>>) semaphore(%arg15 : memref<!tpu.dma_semaphore, #tpu.memory_space<semaphore_mem>>)
      %get3A_515 = arith.constant 0 : i32
      %get3A_516 = arith.constant 1 : i32
      %get3A_517 = arith.index_cast %get3A_515 : i32 to index
      %get3A_518 = arith.index_cast %get3A_516 : i32 to index
      %get3A_519 = arith.constant 0 : index
      %get3A_520 = tpu.vector_load %arg7[%get3A_517, %get3A_518, %get3A_519] {strides = array<i32>} : memref<2x2x112xi32, #tpu.memory_space<vmem>>, vector<1x1x16xi32>,
      %get3A_521 = vector.shape_cast %get3A_520 : vector<1x1x16xi32> to vector<16xi32>
      %sub3A_522 = vector.broadcast %mul3A_0 : i32 to vector<16xi32>
      %sub3A_523 = arith.subi %get3A_521, %sub3A_522 : vector<16xi32>
      %lt3A_524 = arith.constant 0 : i32
      %lt3A_525 = vector.broadcast %lt3A_524 : i32 to vector<16xi32>
      %lt3A_526 = arith.cmpi slt, %sub3A_523, %lt3A_525 : vector<16xi32>
      %ge3A_527 = arith.constant 25008 : i32
      %ge3A_528 = vector.broadcast %ge3A_527 : i32 to vector<16xi32>
      %ge3A_529 = arith.cmpi sge, %sub3A_523, %ge3A_528 : vector<16xi32>
      %or3A_530 = arith.ori %lt3A_526, %ge3A_529 : vector<16xi1>
      %jit3A_531 = arith.constant 25008 : i32
      %broadcast_in_dim3A_532 = vector.broadcast %jit3A_531 : i32 to vector<16xi32>
      %select_n3A_533 = arith.select %or3A_530, %broadcast_in_dim3A_532, %sub3A_523 : vector<16xi1>, vector<16xi32>
      %swap3A_534 = arith.constant 0 : i32
      %swap3A_535 = arith.index_cast %swap3A_534 : i32 to index
      %swap3A_536 = arith.constant 0 : index
      %swap3A_537 = tpu.vector_load %arg9[%swap3A_535, %swap3A_536] {strides = array<i32>} : memref<2x112xi32, #tpu.memory_space<vmem>>, vector<1x16xi32>,
      %swap3A_538 = vector.shape_cast %swap3A_537 : vector<1x16xi32> to vector<16xi32>
      %swap3A_539 = vector.shape_cast %select_n3A_533 : vector<16xi32> to vector<1x16xi32>
      tpu.vector_store %arg9[%swap3A_535, %swap3A_536], %swap3A_539 {strides = array<i32>} : memref<2x112xi32, #tpu.memory_space<vmem>>, vector<1x16xi32>,
      %get3A_540 = arith.constant 0 : i32
      %get3A_541 = arith.constant 1 : i32
      %get3A_542 = arith.index_cast %get3A_540 : i32 to index
      %get3A_543 = arith.index_cast %get3A_541 : i32 to index
      %get3A_544 = arith.constant 16 : index
      %get3A_545 = tpu.vector_load %arg7[%get3A_542, %get3A_543, %get3A_544] {strides = array<i32>} : memref<2x2x112xi32, #tpu.memory_space<vmem>>, vector<1x1x16xi32>,
      %get3A_546 = vector.shape_cast %get3A_545 : vector<1x1x16xi32> to vector<16xi32>
      %sub3A_547 = vector.broadcast %mul3A_0 : i32 to vector<16xi32>
      %sub3A_548 = arith.subi %get3A_546, %sub3A_547 : vector<16xi32>
      %lt3A_549 = arith.constant 0 : i32
      %lt3A_550 = vector.broadcast %lt3A_549 : i32 to vector<16xi32>
      %lt3A_551 = arith.cmpi slt, %sub3A_548, %lt3A_550 : vector<16xi32>
      %ge3A_552 = arith.constant 25008 : i32
      %ge3A_553 = vector.broadcast %ge3A_552 : i32 to vector<16xi32>
      %ge3A_554 = arith.cmpi sge, %sub3A_548, %ge3A_553 : vector<16xi32>
      %or3A_555 = arith.ori %lt3A_551, %ge3A_554 : vector<16xi1>
      %jit3A_556 = arith.constant 25008 : i32
      %broadcast_in_dim3A_557 = vector.broadcast %jit3A_556 : i32 to vector<16xi32>
      %select_n3A_558 = arith.select %or3A_555, %broadcast_in_dim3A_557, %sub3A_548 : vector<16xi1>, vector<16xi32>
      %swap3A_559 = arith.constant 0 : i32
      %swap3A_560 = arith.index_cast %swap3A_559 : i32 to index
      %swap3A_561 = arith.constant 16 : index
      %swap3A_562 = tpu.vector_load %arg9[%swap3A_560, %swap3A_561] {strides = array<i32>} : memref<2x112xi32, #tpu.memory_space<vmem>>, vector<1x16xi32>,
      %swap3A_563 = vector.shape_cast %swap3A_562 : vector<1x16xi32> to vector<16xi32>
      %swap3A_564 = vector.shape_cast %select_n3A_558 : vector<16xi32> to vector<1x16xi32>
      tpu.vector_store %arg9[%swap3A_560, %swap3A_561], %swap3A_564 {strides = array<i32>} : memref<2x112xi32, #tpu.memory_space<vmem>>, vector<1x16xi32>,
      %get3A_565 = arith.constant 0 : i32
      %get3A_566 = arith.constant 1 : i32
      %get3A_567 = arith.index_cast %get3A_565 : i32 to index
      %get3A_568 = arith.index_cast %get3A_566 : i32 to index
      %get3A_569 = arith.constant 32 : index
      %get3A_570 = tpu.vector_load %arg7[%get3A_567, %get3A_568, %get3A_569] {strides = array<i32>} : memref<2x2x112xi32, #tpu.memory_space<vmem>>, vector<1x1x16xi32>,
      %get3A_571 = vector.shape_cast %get3A_570 : vector<1x1x16xi32> to vector<16xi32>
      %sub3A_572 = vector.broadcast %mul3A_0 : i32 to vector<16xi32>
      %sub3A_573 = arith.subi %get3A_571, %sub3A_572 : vector<16xi32>
      %lt3A_574 = arith.constant 0 : i32
      %lt3A_575 = vector.broadcast %lt3A_574 : i32 to vector<16xi32>
      %lt3A_576 = arith.cmpi slt, %sub3A_573, %lt3A_575 : vector<16xi32>
      %ge3A_577 = arith.constant 25008 : i32
      %ge3A_578 = vector.broadcast %ge3A_577 : i32 to vector<16xi32>
      %ge3A_579 = arith.cmpi sge, %sub3A_573, %ge3A_578 : vector<16xi32>
      %or3A_580 = arith.ori %lt3A_576, %ge3A_579 : vector<16xi1>
      %jit3A_581 = arith.constant 25008 : i32
      %broadcast_in_dim3A_582 = vector.broadcast %jit3A_581 : i32 to vector<16xi32>
      %select_n3A_583 = arith.select %or3A_580, %broadcast_in_dim3A_582, %sub3A_573 : vector<16xi1>, vector<16xi32>
      %swap3A_584 = arith.constant 0 : i32
      %swap3A_585 = arith.index_cast %swap3A_584 : i32 to index
      %swap3A_586 = arith.constant 32 : index
      %swap3A_587 = tpu.vector_load %arg9[%swap3A_585, %swap3A_586] {strides = array<i32>} : memref<2x112xi32, #tpu.memory_space<vmem>>, vector<1x16xi32>,
      %swap3A_588 = vector.shape_cast %swap3A_587 : vector<1x16xi32> to vector<16xi32>
      %swap3A_589 = vector.shape_cast %select_n3A_583 : vector<16xi32> to vector<1x16xi32>
      tpu.vector_store %arg9[%swap3A_585, %swap3A_586], %swap3A_589 {strides = array<i32>} : memref<2x112xi32, #tpu.memory_space<vmem>>, vector<1x16xi32>,
      %get3A_590 = arith.constant 0 : i32
      %get3A_591 = arith.constant 1 : i32
      %get3A_592 = arith.index_cast %get3A_590 : i32 to index
      %get3A_593 = arith.index_cast %get3A_591 : i32 to index
      %get3A_594 = arith.constant 48 : index
      %get3A_595 = tpu.vector_load %arg7[%get3A_592, %get3A_593, %get3A_594] {strides = array<i32>} : memref<2x2x112xi32, #tpu.memory_space<vmem>>, vector<1x1x16xi32>,
      %get3A_596 = vector.shape_cast %get3A_595 : vector<1x1x16xi32> to vector<16xi32>
      %sub3A_597 = vector.broadcast %mul3A_0 : i32 to vector<16xi32>
      %sub3A_598 = arith.subi %get3A_596, %sub3A_597 : vector<16xi32>
      %lt3A_599 = arith.constant 0 : i32
      %lt3A_600 = vector.broadcast %lt3A_599 : i32 to vector<16xi32>
      %lt3A_601 = arith.cmpi slt, %sub3A_598, %lt3A_600 : vector<16xi32>
      %ge3A_602 = arith.constant 25008 : i32
      %ge3A_603 = vector.broadcast %ge3A_602 : i32 to vector<16xi32>
      %ge3A_604 = arith.cmpi sge, %sub3A_598, %ge3A_603 : vector<16xi32>
      %or3A_605 = arith.ori %lt3A_601, %ge3A_604 : vector<16xi1>
      %jit3A_606 = arith.constant 25008 : i32
      %broadcast_in_dim3A_607 = vector.broadcast %jit3A_606 : i32 to vector<16xi32>
      %select_n3A_608 = arith.select %or3A_605, %broadcast_in_dim3A_607, %sub3A_598 : vector<16xi1>, vector<16xi32>
      %swap3A_609 = arith.constant 0 : i32
      %swap3A_610 = arith.index_cast %swap3A_609 : i32 to index
      %swap3A_611 = arith.constant 48 : index
      %swap3A_612 = tpu.vector_load %arg9[%swap3A_610, %swap3A_611] {strides = array<i32>} : memref<2x112xi32, #tpu.memory_space<vmem>>, vector<1x16xi32>,
      %swap3A_613 = vector.shape_cast %swap3A_612 : vector<1x16xi32> to vector<16xi32>
      %swap3A_614 = vector.shape_cast %select_n3A_608 : vector<16xi32> to vector<1x16xi32>
      tpu.vector_store %arg9[%swap3A_610, %swap3A_611], %swap3A_614 {strides = array<i32>} : memref<2x112xi32, #tpu.memory_space<vmem>>, vector<1x16xi32>,
      %get3A_615 = arith.constant 0 : i32
      %get3A_616 = arith.constant 1 : i32
      %get3A_617 = arith.index_cast %get3A_615 : i32 to index
      %get3A_618 = arith.index_cast %get3A_616 : i32 to index
      %get3A_619 = arith.constant 64 : index
      %get3A_620 = tpu.vector_load %arg7[%get3A_617, %get3A_618, %get3A_619] {strides = array<i32>} : memref<2x2x112xi32, #tpu.memory_space<vmem>>, vector<1x1x16xi32>,
      %get3A_621 = vector.shape_cast %get3A_620 : vector<1x1x16xi32> to vector<16xi32>
      %sub3A_622 = vector.broadcast %mul3A_0 : i32 to vector<16xi32>
      %sub3A_623 = arith.subi %get3A_621, %sub3A_622 : vector<16xi32>
      %lt3A_624 = arith.constant 0 : i32
      %lt3A_625 = vector.broadcast %lt3A_624 : i32 to vector<16xi32>
      %lt3A_626 = arith.cmpi slt, %sub3A_623, %lt3A_625 : vector<16xi32>
      %ge3A_627 = arith.constant 25008 : i32
      %ge3A_628 = vector.broadcast %ge3A_627 : i32 to vector<16xi32>
      %ge3A_629 = arith.cmpi sge, %sub3A_623, %ge3A_628 : vector<16xi32>
      %or3A_630 = arith.ori %lt3A_626, %ge3A_629 : vector<16xi1>
      %jit3A_631 = arith.constant 25008 : i32
      %broadcast_in_dim3A_632 = vector.broadcast %jit3A_631 : i32 to vector<16xi32>
      %select_n3A_633 = arith.select %or3A_630, %broadcast_in_dim3A_632, %sub3A_623 : vector<16xi1>, vector<16xi32>
      %swap3A_634 = arith.constant 0 : i32
      %swap3A_635 = arith.index_cast %swap3A_634 : i32 to index
      %swap3A_636 = arith.constant 64 : index
      %swap3A_637 = tpu.vector_load %arg9[%swap3A_635, %swap3A_636] {strides = array<i32>} : memref<2x112xi32, #tpu.memory_space<vmem>>, vector<1x16xi32>,
      %swap3A_638 = vector.shape_cast %swap3A_637 : vector<1x16xi32> to vector<16xi32>
      %swap3A_639 = vector.shape_cast %select_n3A_633 : vector<16xi32> to vector<1x16xi32>
      tpu.vector_store %arg9[%swap3A_635, %swap3A_636], %swap3A_639 {strides = array<i32>} : memref<2x112xi32, #tpu.memory_space<vmem>>, vector<1x16xi32>,
      %get3A_640 = arith.constant 0 : i32
      %get3A_641 = arith.constant 1 : i32
      %get3A_642 = arith.index_cast %get3A_640 : i32 to index
      %get3A_643 = arith.index_cast %get3A_641 : i32 to index
      %get3A_644 = arith.constant 80 : index
      %get3A_645 = tpu.vector_load %arg7[%get3A_642, %get3A_643, %get3A_644] {strides = array<i32>} : memref<2x2x112xi32, #tpu.memory_space<vmem>>, vector<1x1x16xi32>,
      %get3A_646 = vector.shape_cast %get3A_645 : vector<1x1x16xi32> to vector<16xi32>
      %sub3A_647 = vector.broadcast %mul3A_0 : i32 to vector<16xi32>
      %sub3A_648 = arith.subi %get3A_646, %sub3A_647 : vector<16xi32>
      %lt3A_649 = arith.constant 0 : i32
      %lt3A_650 = vector.broadcast %lt3A_649 : i32 to vector<16xi32>
      %lt3A_651 = arith.cmpi slt, %sub3A_648, %lt3A_650 : vector<16xi32>
      %ge3A_652 = arith.constant 25008 : i32
      %ge3A_653 = vector.broadcast %ge3A_652 : i32 to vector<16xi32>
      %ge3A_654 = arith.cmpi sge, %sub3A_648, %ge3A_653 : vector<16xi32>
      %or3A_655 = arith.ori %lt3A_651, %ge3A_654 : vector<16xi1>
      %jit3A_656 = arith.constant 25008 : i32
      %broadcast_in_dim3A_657 = vector.broadcast %jit3A_656 : i32 to vector<16xi32>
      %select_n3A_658 = arith.select %or3A_655, %broadcast_in_dim3A_657, %sub3A_648 : vector<16xi1>, vector<16xi32>
      %swap3A_659 = arith.constant 0 : i32
      %swap3A_660 = arith.index_cast %swap3A_659 : i32 to index
      %swap3A_661 = arith.constant 80 : index
      %swap3A_662 = tpu.vector_load %arg9[%swap3A_660, %swap3A_661] {strides = array<i32>} : memref<2x112xi32, #tpu.memory_space<vmem>>, vector<1x16xi32>,
      %swap3A_663 = vector.shape_cast %swap3A_662 : vector<1x16xi32> to vector<16xi32>
      %swap3A_664 = vector.shape_cast %select_n3A_658 : vector<16xi32> to vector<1x16xi32>
      tpu.vector_store %arg9[%swap3A_660, %swap3A_661], %swap3A_664 {strides = array<i32>} : memref<2x112xi32, #tpu.memory_space<vmem>>, vector<1x16xi32>,
      %get3A_665 = arith.constant 0 : i32
      %get3A_666 = arith.constant 1 : i32
      %get3A_667 = arith.index_cast %get3A_665 : i32 to index
      %get3A_668 = arith.index_cast %get3A_666 : i32 to index
      %get3A_669 = arith.constant 96 : index
      %get3A_670 = tpu.vector_load %arg7[%get3A_667, %get3A_668, %get3A_669] {strides = array<i32>} : memref<2x2x112xi32, #tpu.memory_space<vmem>>, vector<1x1x16xi32>,
      %get3A_671 = vector.shape_cast %get3A_670 : vector<1x1x16xi32> to vector<16xi32>
      %sub3A_672 = vector.broadcast %mul3A_0 : i32 to vector<16xi32>
      %sub3A_673 = arith.subi %get3A_671, %sub3A_672 : vector<16xi32>
      %lt3A_674 = arith.constant 0 : i32
      %lt3A_675 = vector.broadcast %lt3A_674 : i32 to vector<16xi32>
      %lt3A_676 = arith.cmpi slt, %sub3A_673, %lt3A_675 : vector<16xi32>
      %ge3A_677 = arith.constant 25008 : i32
      %ge3A_678 = vector.broadcast %ge3A_677 : i32 to vector<16xi32>
      %ge3A_679 = arith.cmpi sge, %sub3A_673, %ge3A_678 : vector<16xi32>
      %or3A_680 = arith.ori %lt3A_676, %ge3A_679 : vector<16xi1>
      %jit3A_681 = arith.constant 25008 : i32
      %broadcast_in_dim3A_682 = vector.broadcast %jit3A_681 : i32 to vector<16xi32>
      %select_n3A_683 = arith.select %or3A_680, %broadcast_in_dim3A_682, %sub3A_673 : vector<16xi1>, vector<16xi32>
      %swap3A_684 = arith.constant 0 : i32
      %swap3A_685 = arith.index_cast %swap3A_684 : i32 to index
      %swap3A_686 = arith.constant 96 : index
      %swap3A_687 = tpu.vector_load %arg9[%swap3A_685, %swap3A_686] {strides = array<i32>} : memref<2x112xi32, #tpu.memory_space<vmem>>, vector<1x16xi32>,
      %swap3A_688 = vector.shape_cast %swap3A_687 : vector<1x16xi32> to vector<16xi32>
      %swap3A_689 = vector.shape_cast %select_n3A_683 : vector<16xi32> to vector<1x16xi32>
      tpu.vector_store %arg9[%swap3A_685, %swap3A_686], %swap3A_689 {strides = array<i32>} : memref<2x112xi32, #tpu.memory_space<vmem>>, vector<1x16xi32>,
      %get3A_690 = arith.constant 1 : i32
      %get3A_691 = arith.constant 1 : i32
      %get3A_692 = arith.index_cast %get3A_690 : i32 to index
      %get3A_693 = arith.index_cast %get3A_691 : i32 to index
      %get3A_694 = arith.constant 0 : index
      %get3A_695 = tpu.vector_load %arg7[%get3A_692, %get3A_693, %get3A_694] {strides = array<i32>} : memref<2x2x112xi32, #tpu.memory_space<vmem>>, vector<1x1x16xi32>,
      %get3A_696 = vector.shape_cast %get3A_695 : vector<1x1x16xi32> to vector<16xi32>
      %sub3A_697 = vector.broadcast %mul3A_0 : i32 to vector<16xi32>
      %sub3A_698 = arith.subi %get3A_696, %sub3A_697 : vector<16xi32>
      %lt3A_699 = arith.constant 0 : i32
      %lt3A_700 = vector.broadcast %lt3A_699 : i32 to vector<16xi32>
      %lt3A_701 = arith.cmpi slt, %sub3A_698, %lt3A_700 : vector<16xi32>
      %ge3A_702 = arith.constant 25008 : i32
      %ge3A_703 = vector.broadcast %ge3A_702 : i32 to vector<16xi32>
      %ge3A_704 = arith.cmpi sge, %sub3A_698, %ge3A_703 : vector<16xi32>
      %or3A_705 = arith.ori %lt3A_701, %ge3A_704 : vector<16xi1>
      %jit3A_706 = arith.constant 25008 : i32
      %broadcast_in_dim3A_707 = vector.broadcast %jit3A_706 : i32 to vector<16xi32>
      %select_n3A_708 = arith.select %or3A_705, %broadcast_in_dim3A_707, %sub3A_698 : vector<16xi1>, vector<16xi32>
      %swap3A_709 = arith.constant 1 : i32
      %swap3A_710 = arith.index_cast %swap3A_709 : i32 to index
      %swap3A_711 = arith.constant 0 : index
      %swap3A_712 = tpu.vector_load %arg9[%swap3A_710, %swap3A_711] {strides = array<i32>} : memref<2x112xi32, #tpu.memory_space<vmem>>, vector<1x16xi32>,
      %swap3A_713 = vector.shape_cast %swap3A_712 : vector<1x16xi32> to vector<16xi32>
      %swap3A_714 = vector.shape_cast %select_n3A_708 : vector<16xi32> to vector<1x16xi32>
      tpu.vector_store %arg9[%swap3A_710, %swap3A_711], %swap3A_714 {strides = array<i32>} : memref<2x112xi32, #tpu.memory_space<vmem>>, vector<1x16xi32>,
      %get3A_715 = arith.constant 1 : i32
      %get3A_716 = arith.constant 1 : i32
      %get3A_717 = arith.index_cast %get3A_715 : i32 to index
      %get3A_718 = arith.index_cast %get3A_716 : i32 to index
      %get3A_719 = arith.constant 16 : index
      %get3A_720 = tpu.vector_load %arg7[%get3A_717, %get3A_718, %get3A_719] {strides = array<i32>} : memref<2x2x112xi32, #tpu.memory_space<vmem>>, vector<1x1x16xi32>,
      %get3A_721 = vector.shape_cast %get3A_720 : vector<1x1x16xi32> to vector<16xi32>
      %sub3A_722 = vector.broadcast %mul3A_0 : i32 to vector<16xi32>
      %sub3A_723 = arith.subi %get3A_721, %sub3A_722 : vector<16xi32>
      %lt3A_724 = arith.constant 0 : i32
      %lt3A_725 = vector.broadcast %lt3A_724 : i32 to vector<16xi32>
      %lt3A_726 = arith.cmpi slt, %sub3A_723, %lt3A_725 : vector<16xi32>
      %ge3A_727 = arith.constant 25008 : i32
      %ge3A_728 = vector.broadcast %ge3A_727 : i32 to vector<16xi32>
      %ge3A_729 = arith.cmpi sge, %sub3A_723, %ge3A_728 : vector<16xi32>
      %or3A_730 = arith.ori %lt3A_726, %ge3A_729 : vector<16xi1>
      %jit3A_731 = arith.constant 25008 : i32
      %broadcast_in_dim3A_732 = vector.broadcast %jit3A_731 : i32 to vector<16xi32>
      %select_n3A_733 = arith.select %or3A_730, %broadcast_in_dim3A_732, %sub3A_723 : vector<16xi1>, vector<16xi32>
      %swap3A_734 = arith.constant 1 : i32
      %swap3A_735 = arith.index_cast %swap3A_734 : i32 to index
      %swap3A_736 = arith.constant 16 : index
      %swap3A_737 = tpu.vector_load %arg9[%swap3A_735, %swap3A_736] {strides = array<i32>} : memref<2x112xi32, #tpu.memory_space<vmem>>, vector<1x16xi32>,
      %swap3A_738 = vector.shape_cast %swap3A_737 : vector<1x16xi32> to vector<16xi32>
      %swap3A_739 = vector.shape_cast %select_n3A_733 : vector<16xi32> to vector<1x16xi32>
      tpu.vector_store %arg9[%swap3A_735, %swap3A_736], %swap3A_739 {strides = array<i32>} : memref<2x112xi32, #tpu.memory_space<vmem>>, vector<1x16xi32>,
      %get3A_740 = arith.constant 1 : i32
      %get3A_741 = arith.constant 1 : i32
      %get3A_742 = arith.index_cast %get3A_740 : i32 to index
      %get3A_743 = arith.index_cast %get3A_741 : i32 to index
      %get3A_744 = arith.constant 32 : index
      %get3A_745 = tpu.vector_load %arg7[%get3A_742, %get3A_743, %get3A_744] {strides = array<i32>} : memref<2x2x112xi32, #tpu.memory_space<vmem>>, vector<1x1x16xi32>,
      %get3A_746 = vector.shape_cast %get3A_745 : vector<1x1x16xi32> to vector<16xi32>
      %sub3A_747 = vector.broadcast %mul3A_0 : i32 to vector<16xi32>
      %sub3A_748 = arith.subi %get3A_746, %sub3A_747 : vector<16xi32>
      %lt3A_749 = arith.constant 0 : i32
      %lt3A_750 = vector.broadcast %lt3A_749 : i32 to vector<16xi32>
      %lt3A_751 = arith.cmpi slt, %sub3A_748, %lt3A_750 : vector<16xi32>
      %ge3A_752 = arith.constant 25008 : i32
      %ge3A_753 = vector.broadcast %ge3A_752 : i32 to vector<16xi32>
      %ge3A_754 = arith.cmpi sge, %sub3A_748, %ge3A_753 : vector<16xi32>
      %or3A_755 = arith.ori %lt3A_751, %ge3A_754 : vector<16xi1>
      %jit3A_756 = arith.constant 25008 : i32
      %broadcast_in_dim3A_757 = vector.broadcast %jit3A_756 : i32 to vector<16xi32>
      %select_n3A_758 = arith.select %or3A_755, %broadcast_in_dim3A_757, %sub3A_748 : vector<16xi1>, vector<16xi32>
      %swap3A_759 = arith.constant 1 : i32
      %swap3A_760 = arith.index_cast %swap3A_759 : i32 to index
      %swap3A_761 = arith.constant 32 : index
      %swap3A_762 = tpu.vector_load %arg9[%swap3A_760, %swap3A_761] {strides = array<i32>} : memref<2x112xi32, #tpu.memory_space<vmem>>, vector<1x16xi32>,
      %swap3A_763 = vector.shape_cast %swap3A_762 : vector<1x16xi32> to vector<16xi32>
      %swap3A_764 = vector.shape_cast %select_n3A_758 : vector<16xi32> to vector<1x16xi32>
      tpu.vector_store %arg9[%swap3A_760, %swap3A_761], %swap3A_764 {strides = array<i32>} : memref<2x112xi32, #tpu.memory_space<vmem>>, vector<1x16xi32>,
      %get3A_765 = arith.constant 1 : i32
      %get3A_766 = arith.constant 1 : i32
      %get3A_767 = arith.index_cast %get3A_765 : i32 to index
      %get3A_768 = arith.index_cast %get3A_766 : i32 to index
      %get3A_769 = arith.constant 48 : index
      %get3A_770 = tpu.vector_load %arg7[%get3A_767, %get3A_768, %get3A_769] {strides = array<i32>} : memref<2x2x112xi32, #tpu.memory_space<vmem>>, vector<1x1x16xi32>,
      %get3A_771 = vector.shape_cast %get3A_770 : vector<1x1x16xi32> to vector<16xi32>
      %sub3A_772 = vector.broadcast %mul3A_0 : i32 to vector<16xi32>
      %sub3A_773 = arith.subi %get3A_771, %sub3A_772 : vector<16xi32>
      %lt3A_774 = arith.constant 0 : i32
      %lt3A_775 = vector.broadcast %lt3A_774 : i32 to vector<16xi32>
      %lt3A_776 = arith.cmpi slt, %sub3A_773, %lt3A_775 : vector<16xi32>
      %ge3A_777 = arith.constant 25008 : i32
      %ge3A_778 = vector.broadcast %ge3A_777 : i32 to vector<16xi32>
      %ge3A_779 = arith.cmpi sge, %sub3A_773, %ge3A_778 : vector<16xi32>
      %or3A_780 = arith.ori %lt3A_776, %ge3A_779 : vector<16xi1>
      %jit3A_781 = arith.constant 25008 : i32
      %broadcast_in_dim3A_782 = vector.broadcast %jit3A_781 : i32 to vector<16xi32>
      %select_n3A_783 = arith.select %or3A_780, %broadcast_in_dim3A_782, %sub3A_773 : vector<16xi1>, vector<16xi32>
      %swap3A_784 = arith.constant 1 : i32
      %swap3A_785 = arith.index_cast %swap3A_784 : i32 to index
      %swap3A_786 = arith.constant 48 : index
      %swap3A_787 = tpu.vector_load %arg9[%swap3A_785, %swap3A_786] {strides = array<i32>} : memref<2x112xi32, #tpu.memory_space<vmem>>, vector<1x16xi32>,
      %swap3A_788 = vector.shape_cast %swap3A_787 : vector<1x16xi32> to vector<16xi32>
      %swap3A_789 = vector.shape_cast %select_n3A_783 : vector<16xi32> to vector<1x16xi32>
      tpu.vector_store %arg9[%swap3A_785, %swap3A_786], %swap3A_789 {strides = array<i32>} : memref<2x112xi32, #tpu.memory_space<vmem>>, vector<1x16xi32>,
      %get3A_790 = arith.constant 1 : i32
      %get3A_791 = arith.constant 1 : i32
      %get3A_792 = arith.index_cast %get3A_790 : i32 to index
      %get3A_793 = arith.index_cast %get3A_791 : i32 to index
      %get3A_794 = arith.constant 64 : index
      %get3A_795 = tpu.vector_load %arg7[%get3A_792, %get3A_793, %get3A_794] {strides = array<i32>} : memref<2x2x112xi32, #tpu.memory_space<vmem>>, vector<1x1x16xi32>,
      %get3A_796 = vector.shape_cast %get3A_795 : vector<1x1x16xi32> to vector<16xi32>
      %sub3A_797 = vector.broadcast %mul3A_0 : i32 to vector<16xi32>
      %sub3A_798 = arith.subi %get3A_796, %sub3A_797 : vector<16xi32>
      %lt3A_799 = arith.constant 0 : i32
      %lt3A_800 = vector.broadcast %lt3A_799 : i32 to vector<16xi32>
      %lt3A_801 = arith.cmpi slt, %sub3A_798, %lt3A_800 : vector<16xi32>
      %ge3A_802 = arith.constant 25008 : i32
      %ge3A_803 = vector.broadcast %ge3A_802 : i32 to vector<16xi32>
      %ge3A_804 = arith.cmpi sge, %sub3A_798, %ge3A_803 : vector<16xi32>
      %or3A_805 = arith.ori %lt3A_801, %ge3A_804 : vector<16xi1>
      %jit3A_806 = arith.constant 25008 : i32
      %broadcast_in_dim3A_807 = vector.broadcast %jit3A_806 : i32 to vector<16xi32>
      %select_n3A_808 = arith.select %or3A_805, %broadcast_in_dim3A_807, %sub3A_798 : vector<16xi1>, vector<16xi32>
      %swap3A_809 = arith.constant 1 : i32
      %swap3A_810 = arith.index_cast %swap3A_809 : i32 to index
      %swap3A_811 = arith.constant 64 : index
      %swap3A_812 = tpu.vector_load %arg9[%swap3A_810, %swap3A_811] {strides = array<i32>} : memref<2x112xi32, #tpu.memory_space<vmem>>, vector<1x16xi32>,
      %swap3A_813 = vector.shape_cast %swap3A_812 : vector<1x16xi32> to vector<16xi32>
      %swap3A_814 = vector.shape_cast %select_n3A_808 : vector<16xi32> to vector<1x16xi32>
      tpu.vector_store %arg9[%swap3A_810, %swap3A_811], %swap3A_814 {strides = array<i32>} : memref<2x112xi32, #tpu.memory_space<vmem>>, vector<1x16xi32>,
      %get3A_815 = arith.constant 1 : i32
      %get3A_816 = arith.constant 1 : i32
      %get3A_817 = arith.index_cast %get3A_815 : i32 to index
      %get3A_818 = arith.index_cast %get3A_816 : i32 to index
      %get3A_819 = arith.constant 80 : index
      %get3A_820 = tpu.vector_load %arg7[%get3A_817, %get3A_818, %get3A_819] {strides = array<i32>} : memref<2x2x112xi32, #tpu.memory_space<vmem>>, vector<1x1x16xi32>,
      %get3A_821 = vector.shape_cast %get3A_820 : vector<1x1x16xi32> to vector<16xi32>
      %sub3A_822 = vector.broadcast %mul3A_0 : i32 to vector<16xi32>
      %sub3A_823 = arith.subi %get3A_821, %sub3A_822 : vector<16xi32>
      %lt3A_824 = arith.constant 0 : i32
      %lt3A_825 = vector.broadcast %lt3A_824 : i32 to vector<16xi32>
      %lt3A_826 = arith.cmpi slt, %sub3A_823, %lt3A_825 : vector<16xi32>
      %ge3A_827 = arith.constant 25008 : i32
      %ge3A_828 = vector.broadcast %ge3A_827 : i32 to vector<16xi32>
      %ge3A_829 = arith.cmpi sge, %sub3A_823, %ge3A_828 : vector<16xi32>
      %or3A_830 = arith.ori %lt3A_826, %ge3A_829 : vector<16xi1>
      %jit3A_831 = arith.constant 25008 : i32
      %broadcast_in_dim3A_832 = vector.broadcast %jit3A_831 : i32 to vector<16xi32>
      %select_n3A_833 = arith.select %or3A_830, %broadcast_in_dim3A_832, %sub3A_823 : vector<16xi1>, vector<16xi32>
      %swap3A_834 = arith.constant 1 : i32
      %swap3A_835 = arith.index_cast %swap3A_834 : i32 to index
      %swap3A_836 = arith.constant 80 : index
      %swap3A_837 = tpu.vector_load %arg9[%swap3A_835, %swap3A_836] {strides = array<i32>} : memref<2x112xi32, #tpu.memory_space<vmem>>, vector<1x16xi32>,
      %swap3A_838 = vector.shape_cast %swap3A_837 : vector<1x16xi32> to vector<16xi32>
      %swap3A_839 = vector.shape_cast %select_n3A_833 : vector<16xi32> to vector<1x16xi32>
      tpu.vector_store %arg9[%swap3A_835, %swap3A_836], %swap3A_839 {strides = array<i32>} : memref<2x112xi32, #tpu.memory_space<vmem>>, vector<1x16xi32>,
      %get3A_840 = arith.constant 1 : i32
      %get3A_841 = arith.constant 1 : i32
      %get3A_842 = arith.index_cast %get3A_840 : i32 to index
      %get3A_843 = arith.index_cast %get3A_841 : i32 to index
      %get3A_844 = arith.constant 96 : index
      %get3A_845 = tpu.vector_load %arg7[%get3A_842, %get3A_843, %get3A_844] {strides = array<i32>} : memref<2x2x112xi32, #tpu.memory_space<vmem>>, vector<1x1x16xi32>,
      %get3A_846 = vector.shape_cast %get3A_845 : vector<1x1x16xi32> to vector<16xi32>
      %sub3A_847 = vector.broadcast %mul3A_0 : i32 to vector<16xi32>
      %sub3A_848 = arith.subi %get3A_846, %sub3A_847 : vector<16xi32>
      %lt3A_849 = arith.constant 0 : i32
      %lt3A_850 = vector.broadcast %lt3A_849 : i32 to vector<16xi32>
      %lt3A_851 = arith.cmpi slt, %sub3A_848, %lt3A_850 : vector<16xi32>
      %ge3A_852 = arith.constant 25008 : i32
      %ge3A_853 = vector.broadcast %ge3A_852 : i32 to vector<16xi32>
      %ge3A_854 = arith.cmpi sge, %sub3A_848, %ge3A_853 : vector<16xi32>
      %or3A_855 = arith.ori %lt3A_851, %ge3A_854 : vector<16xi1>
      %jit3A_856 = arith.constant 25008 : i32
      %broadcast_in_dim3A_857 = vector.broadcast %jit3A_856 : i32 to vector<16xi32>
      %select_n3A_858 = arith.select %or3A_855, %broadcast_in_dim3A_857, %sub3A_848 : vector<16xi1>, vector<16xi32>
      %swap3A_859 = arith.constant 1 : i32
      %swap3A_860 = arith.index_cast %swap3A_859 : i32 to index
      %swap3A_861 = arith.constant 96 : index
      %swap3A_862 = tpu.vector_load %arg9[%swap3A_860, %swap3A_861] {strides = array<i32>} : memref<2x112xi32, #tpu.memory_space<vmem>>, vector<1x16xi32>,
      %swap3A_863 = vector.shape_cast %swap3A_862 : vector<1x16xi32> to vector<16xi32>
      %swap3A_864 = vector.shape_cast %select_n3A_858 : vector<16xi32> to vector<1x16xi32>
      tpu.vector_store %arg9[%swap3A_860, %swap3A_861], %swap3A_864 {strides = array<i32>} : memref<2x112xi32, #tpu.memory_space<vmem>>, vector<1x16xi32>,
      %dma_wait3A_865 = arith.constant 0 : i32
      %dma_wait3A_866 = arith.constant 0 : i32
      %dma_wait3A_867 = tpu.memref_slice %arg2[%dma_wait3A_865, %dma_wait3A_866] : memref<50176x64xf32, #tpu.memory_space<hbm>> -> memref<224x64xf32, #tpu.memory_space<hbm>>
      %dma_wait3A_868 = arith.constant 0 : i32
      %dma_wait3A_869 = arith.constant 0 : i32
      %dma_wait3A_870 = tpu.memref_slice %arg2[%dma_wait3A_868, %dma_wait3A_869] : memref<50176x64xf32, #tpu.memory_space<hbm>> -> memref<224x64xf32, #tpu.memory_space<hbm>>
      tpu.wait_dma2 semaphore(%arg14 : memref<!tpu.dma_semaphore, #tpu.memory_space<semaphore_mem>>) src(%dma_wait3A_870 : memref<224x64xf32, #tpu.memory_space<hbm>>) dst(%arg10 : memref<224x64xf32, #tpu.memory_space<vmem>>)
      %dma_start3A_871 = arith.constant 0 : i32
      %dma_start3A_872 = arith.constant 0 : i32
      %dma_start3A_873 = arith.constant 0 : i32
      %dma_start3A_874 = tpu.memref_slice %arg10[%dma_start3A_872, %dma_start3A_873] : memref<224x64xf32, #tpu.memory_space<vmem>> -> memref<112x64xf32, #tpu.memory_space<vmem>>
      %dma_start3A_875 = arith.constant 0 : i32
      %dma_start3A_876 = tpu.memref_slice %arg8[%dma_start3A_871, %dma_start3A_875] : memref<2x112xi32, #tpu.memory_space<vmem>> -> memref<1x112xi32, #tpu.memory_space<vmem>>
      %dma_start3A_877 = tpu.memref_squeeze %dma_start3A_876 : memref<1x112xi32, #tpu.memory_space<vmem>> -> memref<112xi32, #tpu.memory_space<vmem>>
      %dma_start3A_878 = arith.constant 0 : i32
      %dma_start3A_879 = arith.constant 0 : i32
      %dma_start3A_880 = tpu.memref_slice %arg5[%dma_start3A_878, %dma_start3A_879] : memref<25009x64xf32, #tpu.memory_space<vmem_shared>> -> memref<25009x64xf32, #tpu.memory_space<vmem_shared>>
      tpu.enqueue_indirect_dma source(%dma_start3A_874 : memref<112x64xf32, #tpu.memory_space<vmem>>) target(%dma_start3A_880 : memref<25009x64xf32, #tpu.memory_space<vmem_shared>>) offsets(%dma_start3A_877 : memref<112xi32, #tpu.memory_space<vmem>>) semaphore(%arg16 : memref<!tpu.dma_semaphore, #tpu.memory_space<semaphore_mem>>) {add = true}
      %dma_start3A_881 = arith.constant 1 : i32
      %dma_start3A_882 = arith.constant 112 : i32
      %dma_start3A_883 = arith.constant 0 : i32
      %dma_start3A_884 = tpu.memref_slice %arg10[%dma_start3A_882, %dma_start3A_883] : memref<224x64xf32, #tpu.memory_space<vmem>> -> memref<112x64xf32, #tpu.memory_space<vmem>>
      %dma_start3A_885 = arith.constant 0 : i32
      %dma_start3A_886 = tpu.memref_slice %arg8[%dma_start3A_881, %dma_start3A_885] : memref<2x112xi32, #tpu.memory_space<vmem>> -> memref<1x112xi32, #tpu.memory_space<vmem>>
      %dma_start3A_887 = tpu.memref_squeeze %dma_start3A_886 : memref<1x112xi32, #tpu.memory_space<vmem>> -> memref<112xi32, #tpu.memory_space<vmem>>
      %dma_start3A_888 = arith.constant 0 : i32
      %dma_start3A_889 = arith.constant 0 : i32
      %dma_start3A_890 = tpu.memref_slice %arg5[%dma_start3A_888, %dma_start3A_889] : memref<25009x64xf32, #tpu.memory_space<vmem_shared>> -> memref<25009x64xf32, #tpu.memory_space<vmem_shared>>
      tpu.enqueue_indirect_dma source(%dma_start3A_884 : memref<112x64xf32, #tpu.memory_space<vmem>>) target(%dma_start3A_890 : memref<25009x64xf32, #tpu.memory_space<vmem_shared>>) offsets(%dma_start3A_887 : memref<112xi32, #tpu.memory_space<vmem>>) semaphore(%arg16 : memref<!tpu.dma_semaphore, #tpu.memory_space<semaphore_mem>>) {add = true}
      %lt3A_891 = arith.constant 111 : i32
      %lt3A_892 = arith.cmpi slt, %scan3A_78, %lt3A_891 : i32
      %convert_element_type3A_893 = arith.extui %lt3A_892 : i1 to i32
      %cond3A_894 = arith.constant 0 : i32
      %cond3A_895 = arith.cmpi ne, %convert_element_type3A_893, %cond3A_894 : i32
      scf.if %cond3A_895 {
        %add3A_897 = arith.constant 1 : i32
        %add3A_898 = arith.addi %add3A_479, %add3A_897 : i32
        %mul3A_899 = arith.constant 2 : i32
        %mul3A_900 = arith.muli %mul3A_899, %add3A_898 : i32
        %add3A_901 = arith.addi %mul3A_20, %mul3A_900 : i32
        %dma_start3A_902 = arith.constant 0 : i32
        %dma_start3A_903 = arith.constant 0 : i32
        %dma_start3A_904 = tpu.memref_slice %arg3[%add3A_901, %dma_start3A_902, %dma_start3A_903] : memref<7168x2x112xi32, #tpu.memory_space<hbm>> -> memref<2x2x112xi32, #tpu.memory_space<hbm>>
        %dma_start3A_905 = arith.constant 0 : i32
        %dma_start3A_906 = arith.constant 0 : i32
        %dma_start3A_907 = tpu.memref_slice %arg3[%add3A_901, %dma_start3A_905, %dma_start3A_906] : memref<7168x2x112xi32, #tpu.memory_space<hbm>> -> memref<2x2x112xi32, #tpu.memory_space<hbm>>
        tpu.enqueue_dma source(%dma_start3A_907 : memref<2x2x112xi32, #tpu.memory_space<hbm>>) target(%arg6 : memref<2x2x112xi32, #tpu.memory_space<vmem>>) target_semaphore(%arg12 : memref<!tpu.dma_semaphore, #tpu.memory_space<semaphore_mem>>)
      } else {
      }
      %scan3A_896 = arith.constant 0 : i32
      scf.yield %scan3A_896 : i32
    }
    %scan3A_34 = arith.constant 112 : i32
    %dma_wait3A = arith.constant 0 : i32
    %dma_wait3A_35 = arith.constant 0 : i32
    %dma_wait3A_36 = tpu.memref_slice %arg2[%dma_wait3A, %dma_wait3A_35] : memref<50176x64xf32, #tpu.memory_space<hbm>> -> memref<224x64xf32, #tpu.memory_space<hbm>>
    %dma_wait3A_37 = arith.constant 0 : i32
    %dma_wait3A_38 = arith.constant 0 : i32
    %dma_wait3A_39 = tpu.memref_slice %arg2[%dma_wait3A_37, %dma_wait3A_38] : memref<50176x64xf32, #tpu.memory_space<hbm>> -> memref<224x64xf32, #tpu.memory_space<hbm>>
    tpu.wait_dma2 semaphore(%arg15 : memref<!tpu.dma_semaphore, #tpu.memory_space<semaphore_mem>>) src(%dma_wait3A_39 : memref<224x64xf32, #tpu.memory_space<hbm>>) dst(%arg11 : memref<224x64xf32, #tpu.memory_space<vmem>>)
    %dma_start3A_40 = arith.constant 0 : i32
    %dma_start3A_41 = arith.constant 0 : i32
    %dma_start3A_42 = arith.constant 0 : i32
    %dma_start3A_43 = tpu.memref_slice %arg11[%dma_start3A_41, %dma_start3A_42] : memref<224x64xf32, #tpu.memory_space<vmem>> -> memref<112x64xf32, #tpu.memory_space<vmem>>
    %dma_start3A_44 = arith.constant 0 : i32
    %dma_start3A_45 = tpu.memref_slice %arg9[%dma_start3A_40, %dma_start3A_44] : memref<2x112xi32, #tpu.memory_space<vmem>> -> memref<1x112xi32, #tpu.memory_space<vmem>>
    %dma_start3A_46 = tpu.memref_squeeze %dma_start3A_45 : memref<1x112xi32, #tpu.memory_space<vmem>> -> memref<112xi32, #tpu.memory_space<vmem>>
    %dma_start3A_47 = arith.constant 0 : i32
    %dma_start3A_48 = arith.constant 0 : i32
    %dma_start3A_49 = tpu.memref_slice %arg5[%dma_start3A_47, %dma_start3A_48] : memref<25009x64xf32, #tpu.memory_space<vmem_shared>> -> memref<25009x64xf32, #tpu.memory_space<vmem_shared>>
    tpu.enqueue_indirect_dma source(%dma_start3A_43 : memref<112x64xf32, #tpu.memory_space<vmem>>) target(%dma_start3A_49 : memref<25009x64xf32, #tpu.memory_space<vmem_shared>>) offsets(%dma_start3A_46 : memref<112xi32, #tpu.memory_space<vmem>>) semaphore(%arg17 : memref<!tpu.dma_semaphore, #tpu.memory_space<semaphore_mem>>) {add = true}
    %dma_start3A_50 = arith.constant 1 : i32
    %dma_start3A_51 = arith.constant 112 : i32
    %dma_start3A_52 = arith.constant 0 : i32
    %dma_start3A_53 = tpu.memref_slice %arg11[%dma_start3A_51, %dma_start3A_52] : memref<224x64xf32, #tpu.memory_space<vmem>> -> memref<112x64xf32, #tpu.memory_space<vmem>>
    %dma_start3A_54 = arith.constant 0 : i32
    %dma_start3A_55 = tpu.memref_slice %arg9[%dma_start3A_50, %dma_start3A_54] : memref<2x112xi32, #tpu.memory_space<vmem>> -> memref<1x112xi32, #tpu.memory_space<vmem>>
    %dma_start3A_56 = tpu.memref_squeeze %dma_start3A_55 : memref<1x112xi32, #tpu.memory_space<vmem>> -> memref<112xi32, #tpu.memory_space<vmem>>
    %dma_start3A_57 = arith.constant 0 : i32
    %dma_start3A_58 = arith.constant 0 : i32
    %dma_start3A_59 = tpu.memref_slice %arg5[%dma_start3A_57, %dma_start3A_58] : memref<25009x64xf32, #tpu.memory_space<vmem_shared>> -> memref<25009x64xf32, #tpu.memory_space<vmem_shared>>
    tpu.enqueue_indirect_dma source(%dma_start3A_53 : memref<112x64xf32, #tpu.memory_space<vmem>>) target(%dma_start3A_59 : memref<25009x64xf32, #tpu.memory_space<vmem_shared>>) offsets(%dma_start3A_56 : memref<112xi32, #tpu.memory_space<vmem>>) semaphore(%arg17 : memref<!tpu.dma_semaphore, #tpu.memory_space<semaphore_mem>>) {add = true}
    %dma_wait3A_60 = arith.constant 0 : i32
    %dma_wait3A_61 = arith.constant 0 : i32
    %dma_wait3A_62 = tpu.memref_slice %arg2[%dma_wait3A_60, %dma_wait3A_61] : memref<50176x64xf32, #tpu.memory_space<hbm>> -> memref<224x64xf32, #tpu.memory_space<hbm>>
    %dma_wait3A_63 = arith.constant 0 : i32
    %dma_wait3A_64 = arith.constant 0 : i32
    %dma_wait3A_65 = tpu.memref_slice %arg2[%dma_wait3A_63, %dma_wait3A_64] : memref<50176x64xf32, #tpu.memory_space<hbm>> -> memref<224x64xf32, #tpu.memory_space<hbm>>
    tpu.wait_dma2 semaphore(%arg16 : memref<!tpu.dma_semaphore, #tpu.memory_space<semaphore_mem>>) src(%dma_wait3A_65 : memref<224x64xf32, #tpu.memory_space<hbm>>) dst(%arg10 : memref<224x64xf32, #tpu.memory_space<vmem>>)
    %dma_wait3A_66 = arith.constant 0 : i32
    %dma_wait3A_67 = arith.constant 0 : i32
    %dma_wait3A_68 = tpu.memref_slice %arg2[%dma_wait3A_66, %dma_wait3A_67] : memref<50176x64xf32, #tpu.memory_space<hbm>> -> memref<224x64xf32, #tpu.memory_space<hbm>>
    %dma_wait3A_69 = arith.constant 0 : i32
    %dma_wait3A_70 = arith.constant 0 : i32
    %dma_wait3A_71 = tpu.memref_slice %arg2[%dma_wait3A_69, %dma_wait3A_70] : memref<50176x64xf32, #tpu.memory_space<hbm>> -> memref<224x64xf32, #tpu.memory_space<hbm>>
    tpu.wait_dma2 semaphore(%arg17 : memref<!tpu.dma_semaphore, #tpu.memory_space<semaphore_mem>>) src(%dma_wait3A_71 : memref<224x64xf32, #tpu.memory_space<hbm>>) dst(%arg11 : memref<224x64xf32, #tpu.memory_space<vmem>>)
    %barrier3A_72 = arith.constant 0 : index
    tpu.barrier barrier_id(%barrier3A_72)
    %mul3A_73 = arith.constant 1563 : i32
    %mul3A_74 = arith.muli %arg1, %mul3A_73 : i32
    %mul3A_75 = arith.constant 1563 : i32
    %mul3A_76 = arith.muli %arg1, %mul3A_75 : i32
    %add3A_77 = arith.addi %mul3A_0, %mul3A_76 : i32
    "tpu.region"() ({
      %run_scoped3A = tpu.sem_alloc : memref<!tpu.dma_semaphore, #tpu.memory_space<semaphore_mem>>
      %dma_start3A_78 = arith.constant 0 : i32
      %dma_start3A_79 = tpu.memref_slice %arg4[%add3A_77, %dma_start3A_78] : memref<50176x64xf32, #tpu.memory_space<hbm>> -> memref<1563x64xf32, #tpu.memory_space<hbm>>
      %dma_start3A_80 = arith.constant 0 : i32
      %dma_start3A_81 = tpu.memref_slice %arg5[%mul3A_74, %dma_start3A_80] : memref<25009x64xf32, #tpu.memory_space<vmem_shared>> -> memref<1563x64xf32, #tpu.memory_space<vmem_shared>>
      tpu.enqueue_dma source(%dma_start3A_81 : memref<1563x64xf32, #tpu.memory_space<vmem_shared>>) target(%dma_start3A_79 : memref<1563x64xf32, #tpu.memory_space<hbm>>) target_semaphore(%run_scoped3A : memref<!tpu.dma_semaphore, #tpu.memory_space<semaphore_mem>>)
      %dma_wait3A_82 = arith.constant 0 : i32
      %dma_wait3A_83 = tpu.memref_slice %arg4[%add3A_77, %dma_wait3A_82] : memref<50176x64xf32, #tpu.memory_space<hbm>> -> memref<1563x64xf32, #tpu.memory_space<hbm>>
      %dma_wait3A_84 = arith.constant 0 : i32
      %dma_wait3A_85 = tpu.memref_slice %arg5[%mul3A_74, %dma_wait3A_84] : memref<25009x64xf32, #tpu.memory_space<vmem_shared>> -> memref<1563x64xf32, #tpu.memory_space<vmem_shared>>
      tpu.wait_dma2 semaphore(%run_scoped3A : memref<!tpu.dma_semaphore, #tpu.memory_space<semaphore_mem>>) src(%dma_wait3A_85 : memref<1563x64xf32, #tpu.memory_space<vmem_shared>>) dst(%dma_wait3A_83 : memref<1563x64xf32, #tpu.memory_space<hbm>>)
      tpu.yield
    }) : () -> ()
    return
  }
}

#map = affine_map<(d0, d1) -> (0, 0)>
#map1 = affine_map<(d0, d1) -> (0, 0, 0)>
module attributes {stable_mosaic.version = 14 : i64} {
  func.func @_edge_kernel(%arg0: i32, %arg1: i32, %arg2: memref<50176x64xf32, #tpu.memory_space<hbm>>, %arg3: memref<7168x2x112xi32, #tpu.memory_space<hbm>>, %arg4: memref<50176x64xf32, #tpu.memory_space<hbm>>, %arg5: memref<25009x64xf32, #tpu.memory_space<vmem_shared>>, %arg6: memref<2x2x112xi32, #tpu.memory_space<vmem>>, %arg7: memref<2x2x112xi32, #tpu.memory_space<vmem>>, %arg8: memref<2x112xi32, #tpu.memory_space<vmem>>, %arg9: memref<2x112xi32, #tpu.memory_space<vmem>>, %arg10: memref<224x64xf32, #tpu.memory_space<vmem>>, %arg11: memref<224x64xf32, #tpu.memory_space<vmem>>, %arg12: memref<!tpu.dma_semaphore, #tpu.memory_space<semaphore_mem>>, %arg13: memref<!tpu.dma_semaphore, #tpu.memory_space<semaphore_mem>>, %arg14: memref<!tpu.dma_semaphore, #tpu.memory_space<semaphore_mem>>, %arg15: memref<!tpu.dma_semaphore, #tpu.memory_space<semaphore_mem>>, %arg16: memref<!tpu.dma_semaphore, #tpu.memory_space<semaphore_mem>>, %arg17: memref<!tpu.dma_semaphore, #tpu.memory_space<semaphore_mem>>) attributes {dimension_semantics = [#tpu.dimension_semantics<core_parallel>, #tpu.dimension_semantics<subcore_parallel>], iteration_bounds = array<i64: 2, 16>, scalar_prefetch = 0 : i64, scratch_operands = 13 : i64, tpu.core_type = #tpu.core_type<sc_vector_subcore>, window_params = [{transform_indices = #map}, {transform_indices = #map1}, {transform_indices = #map}]} {
    %mul3A = arith.constant 25008 : i32
    %mul3A_0 = arith.muli %arg0, %mul3A : i32
    %scan3A = arith.constant 0 : i32
    %scan3A_1 = arith.constant 0 : i32
    %scan3A_2 = arith.constant 128 : i32
    %scan3A_3 = arith.addi %scan3A_1, %scan3A_2 : i32
    %scan3A_4 = arith.constant 1 : i32
    %scan3A_5 = scf.for %scan3A_78 = %scan3A_1 to %scan3A_3 step %scan3A_4 iter_args(%scan3A_79 = %scan3A) -> (i32)  : i32 {
      %broadcast_in_dim3A = arith.constant 0.000000e+00 : f32
      %broadcast_in_dim3A_80 = vector.broadcast %broadcast_in_dim3A : f32 to vector<16xf32>
      %swap3A = arith.index_cast %scan3A_78 : i32 to index
      %swap3A_81 = arith.constant 0 : index
      %swap3A_82 = tpu.vector_load %arg10[%swap3A, %swap3A_81] {strides = array<i32>} : memref<224x64xf32, #tpu.memory_space<vmem>>, vector<1x16xf32>,
      %swap3A_83 = vector.shape_cast %swap3A_82 : vector<1x16xf32> to vector<16xf32>
      %swap3A_84 = vector.shape_cast %broadcast_in_dim3A_80 : vector<16xf32> to vector<1x16xf32>
      tpu.vector_store %arg10[%swap3A, %swap3A_81], %swap3A_84 {strides = array<i32>} : memref<224x64xf32, #tpu.memory_space<vmem>>, vector<1x16xf32>,
      %broadcast_in_dim3A_85 = arith.constant 0.000000e+00 : f32
      %broadcast_in_dim3A_86 = vector.broadcast %broadcast_in_dim3A_85 : f32 to vector<16xf32>
      %swap3A_87 = arith.index_cast %scan3A_78 : i32 to index
      %swap3A_88 = arith.constant 16 : index
      %swap3A_89 = tpu.vector_load %arg10[%swap3A_87, %swap3A_88] {strides = array<i32>} : memref<224x64xf32, #tpu.memory_space<vmem>>, vector<1x16xf32>,
      %swap3A_90 = vector.shape_cast %swap3A_89 : vector<1x16xf32> to vector<16xf32>
      %swap3A_91 = vector.shape_cast %broadcast_in_dim3A_86 : vector<16xf32> to vector<1x16xf32>
      tpu.vector_store %arg10[%swap3A_87, %swap3A_88], %swap3A_91 {strides = array<i32>} : memref<224x64xf32, #tpu.memory_space<vmem>>, vector<1x16xf32>,
      %broadcast_in_dim3A_92 = arith.constant 0.000000e+00 : f32
      %broadcast_in_dim3A_93 = vector.broadcast %broadcast_in_dim3A_92 : f32 to vector<16xf32>
      %swap3A_94 = arith.index_cast %scan3A_78 : i32 to index
      %swap3A_95 = arith.constant 32 : index
      %swap3A_96 = tpu.vector_load %arg10[%swap3A_94, %swap3A_95] {strides = array<i32>} : memref<224x64xf32, #tpu.memory_space<vmem>>, vector<1x16xf32>,
      %swap3A_97 = vector.shape_cast %swap3A_96 : vector<1x16xf32> to vector<16xf32>
      %swap3A_98 = vector.shape_cast %broadcast_in_dim3A_93 : vector<16xf32> to vector<1x16xf32>
      tpu.vector_store %arg10[%swap3A_94, %swap3A_95], %swap3A_98 {strides = array<i32>} : memref<224x64xf32, #tpu.memory_space<vmem>>, vector<1x16xf32>,
      %broadcast_in_dim3A_99 = arith.constant 0.000000e+00 : f32
      %broadcast_in_dim3A_100 = vector.broadcast %broadcast_in_dim3A_99 : f32 to vector<16xf32>
      %swap3A_101 = arith.index_cast %scan3A_78 : i32 to index
      %swap3A_102 = arith.constant 48 : index
      %swap3A_103 = tpu.vector_load %arg10[%swap3A_101, %swap3A_102] {strides = array<i32>} : memref<224x64xf32, #tpu.memory_space<vmem>>, vector<1x16xf32>,
      %swap3A_104 = vector.shape_cast %swap3A_103 : vector<1x16xf32> to vector<16xf32>
      %swap3A_105 = vector.shape_cast %broadcast_in_dim3A_100 : vector<16xf32> to vector<1x16xf32>
      tpu.vector_store %arg10[%swap3A_101, %swap3A_102], %swap3A_105 {strides = array<i32>} : memref<224x64xf32, #tpu.memory_space<vmem>>, vector<1x16xf32>,
      %scan3A_106 = arith.constant 0 : i32
      scf.yield %scan3A_106 : i32
    }
    %scan3A_6 = arith.constant 128 : i32
    %scan3A_7 = arith.constant 0 : i32
    %scan3A_8 = arith.constant 0 : i32
    %scan3A_9 = arith.constant 12 : i32
    %scan3A_10 = arith.addi %scan3A_8, %scan3A_9 : i32
    %scan3A_11 = arith.constant 1 : i32
    %scan3A_12 = scf.for %scan3A_78 = %scan3A_8 to %scan3A_10 step %scan3A_11 iter_args(%scan3A_79 = %scan3A_7) -> (i32)  : i32 {
      %mul3A_80 = arith.constant 1563 : i32
      %mul3A_81 = arith.muli %arg1, %mul3A_80 : i32
      %mul3A_82 = arith.constant 128 : i32
      %mul3A_83 = arith.muli %scan3A_78, %mul3A_82 : i32
      %add3A_84 = arith.addi %mul3A_81, %mul3A_83 : i32
      "tpu.region"() ({
        %run_scoped3A = tpu.sem_alloc : memref<!tpu.dma_semaphore, #tpu.memory_space<semaphore_mem>>
        %dma_start3A_86 = arith.constant 0 : i32
        %dma_start3A_87 = arith.constant 0 : i32
        %dma_start3A_88 = tpu.memref_slice %arg10[%dma_start3A_86, %dma_start3A_87] : memref<224x64xf32, #tpu.memory_space<vmem>> -> memref<128x64xf32, #tpu.memory_space<vmem>>
        %dma_start3A_89 = arith.constant 0 : i32
        %dma_start3A_90 = tpu.memref_slice %arg5[%add3A_84, %dma_start3A_89] : memref<25009x64xf32, #tpu.memory_space<vmem_shared>> -> memref<128x64xf32, #tpu.memory_space<vmem_shared>>
        %dma_start3A_91 = arith.constant 0 : i32
        %dma_start3A_92 = tpu.memref_slice %arg5[%add3A_84, %dma_start3A_91] : memref<25009x64xf32, #tpu.memory_space<vmem_shared>> -> memref<128x64xf32, #tpu.memory_space<vmem_shared>>
        %dma_start3A_93 = arith.constant 0 : i32
        %dma_start3A_94 = arith.constant 0 : i32
        %dma_start3A_95 = tpu.memref_slice %arg10[%dma_start3A_93, %dma_start3A_94] : memref<224x64xf32, #tpu.memory_space<vmem>> -> memref<128x64xf32, #tpu.memory_space<vmem>>
        tpu.enqueue_dma source(%dma_start3A_95 : memref<128x64xf32, #tpu.memory_space<vmem>>) target(%dma_start3A_92 : memref<128x64xf32, #tpu.memory_space<vmem_shared>>) target_semaphore(%run_scoped3A : memref<!tpu.dma_semaphore, #tpu.memory_space<semaphore_mem>>)
        %dma_wait3A_96 = arith.constant 0 : i32
        %dma_wait3A_97 = arith.constant 0 : i32
        %dma_wait3A_98 = tpu.memref_slice %arg10[%dma_wait3A_96, %dma_wait3A_97] : memref<224x64xf32, #tpu.memory_space<vmem>> -> memref<128x64xf32, #tpu.memory_space<vmem>>
        %dma_wait3A_99 = arith.constant 0 : i32
        %dma_wait3A_100 = tpu.memref_slice %arg5[%add3A_84, %dma_wait3A_99] : memref<25009x64xf32, #tpu.memory_space<vmem_shared>> -> memref<128x64xf32, #tpu.memory_space<vmem_shared>>
        %dma_wait3A_101 = arith.constant 0 : i32
        %dma_wait3A_102 = tpu.memref_slice %arg5[%add3A_84, %dma_wait3A_101] : memref<25009x64xf32, #tpu.memory_space<vmem_shared>> -> memref<128x64xf32, #tpu.memory_space<vmem_shared>>
        %dma_wait3A_103 = arith.constant 0 : i32
        %dma_wait3A_104 = arith.constant 0 : i32
        %dma_wait3A_105 = tpu.memref_slice %arg10[%dma_wait3A_103, %dma_wait3A_104] : memref<224x64xf32, #tpu.memory_space<vmem>> -> memref<128x64xf32, #tpu.memory_space<vmem>>
        tpu.wait_dma2 semaphore(%run_scoped3A : memref<!tpu.dma_semaphore, #tpu.memory_space<semaphore_mem>>) src(%dma_wait3A_105 : memref<128x64xf32, #tpu.memory_space<vmem>>) dst(%dma_wait3A_102 : memref<128x64xf32, #tpu.memory_space<vmem_shared>>)
        tpu.yield
      }) : () -> ()
      %scan3A_85 = arith.constant 0 : i32
      scf.yield %scan3A_85 : i32
    }
    %scan3A_13 = arith.constant 12 : i32
    %mul3A_14 = arith.constant 1563 : i32
    %mul3A_15 = arith.muli %arg1, %mul3A_14 : i32
    %add3A = arith.constant 1536 : i32
    %add3A_16 = arith.addi %mul3A_15, %add3A : i32
    "tpu.region"() ({
      %run_scoped3A = tpu.sem_alloc : memref<!tpu.dma_semaphore, #tpu.memory_space<semaphore_mem>>
      %dma_start3A_78 = arith.constant 0 : i32
      %dma_start3A_79 = arith.constant 0 : i32
      %dma_start3A_80 = tpu.memref_slice %arg10[%dma_start3A_78, %dma_start3A_79] : memref<224x64xf32, #tpu.memory_space<vmem>> -> memref<128x64xf32, #tpu.memory_space<vmem>>
      %dma_start3A_81 = arith.constant 0 : i32
      %dma_start3A_82 = arith.constant 0 : i32
      %dma_start3A_83 = tpu.memref_slice %dma_start3A_80[%dma_start3A_81, %dma_start3A_82] : memref<128x64xf32, #tpu.memory_space<vmem>> -> memref<27x64xf32, #tpu.memory_space<vmem>>
      %dma_start3A_84 = arith.constant 0 : i32
      %dma_start3A_85 = tpu.memref_slice %arg5[%add3A_16, %dma_start3A_84] : memref<25009x64xf32, #tpu.memory_space<vmem_shared>> -> memref<27x64xf32, #tpu.memory_space<vmem_shared>>
      %dma_start3A_86 = arith.constant 0 : i32
      %dma_start3A_87 = tpu.memref_slice %arg5[%add3A_16, %dma_start3A_86] : memref<25009x64xf32, #tpu.memory_space<vmem_shared>> -> memref<27x64xf32, #tpu.memory_space<vmem_shared>>
      %dma_start3A_88 = arith.constant 0 : i32
      %dma_start3A_89 = arith.constant 0 : i32
      %dma_start3A_90 = tpu.memref_slice %arg10[%dma_start3A_88, %dma_start3A_89] : memref<224x64xf32, #tpu.memory_space<vmem>> -> memref<128x64xf32, #tpu.memory_space<vmem>>
      %dma_start3A_91 = arith.constant 0 : i32
      %dma_start3A_92 = arith.constant 0 : i32
      %dma_start3A_93 = tpu.memref_slice %dma_start3A_90[%dma_start3A_91, %dma_start3A_92] : memref<128x64xf32, #tpu.memory_space<vmem>> -> memref<27x64xf32, #tpu.memory_space<vmem>>
      tpu.enqueue_dma source(%dma_start3A_93 : memref<27x64xf32, #tpu.memory_space<vmem>>) target(%dma_start3A_87 : memref<27x64xf32, #tpu.memory_space<vmem_shared>>) target_semaphore(%run_scoped3A : memref<!tpu.dma_semaphore, #tpu.memory_space<semaphore_mem>>)
      %dma_wait3A_94 = arith.constant 0 : i32
      %dma_wait3A_95 = arith.constant 0 : i32
      %dma_wait3A_96 = tpu.memref_slice %arg10[%dma_wait3A_94, %dma_wait3A_95] : memref<224x64xf32, #tpu.memory_space<vmem>> -> memref<128x64xf32, #tpu.memory_space<vmem>>
      %dma_wait3A_97 = arith.constant 0 : i32
      %dma_wait3A_98 = arith.constant 0 : i32
      %dma_wait3A_99 = tpu.memref_slice %dma_wait3A_96[%dma_wait3A_97, %dma_wait3A_98] : memref<128x64xf32, #tpu.memory_space<vmem>> -> memref<27x64xf32, #tpu.memory_space<vmem>>
      %dma_wait3A_100 = arith.constant 0 : i32
      %dma_wait3A_101 = tpu.memref_slice %arg5[%add3A_16, %dma_wait3A_100] : memref<25009x64xf32, #tpu.memory_space<vmem_shared>> -> memref<27x64xf32, #tpu.memory_space<vmem_shared>>
      %dma_wait3A_102 = arith.constant 0 : i32
      %dma_wait3A_103 = tpu.memref_slice %arg5[%add3A_16, %dma_wait3A_102] : memref<25009x64xf32, #tpu.memory_space<vmem_shared>> -> memref<27x64xf32, #tpu.memory_space<vmem_shared>>
      %dma_wait3A_104 = arith.constant 0 : i32
      %dma_wait3A_105 = arith.constant 0 : i32
      %dma_wait3A_106 = tpu.memref_slice %arg10[%dma_wait3A_104, %dma_wait3A_105] : memref<224x64xf32, #tpu.memory_space<vmem>> -> memref<128x64xf32, #tpu.memory_space<vmem>>
      %dma_wait3A_107 = arith.constant 0 : i32
      %dma_wait3A_108 = arith.constant 0 : i32
      %dma_wait3A_109 = tpu.memref_slice %dma_wait3A_106[%dma_wait3A_107, %dma_wait3A_108] : memref<128x64xf32, #tpu.memory_space<vmem>> -> memref<27x64xf32, #tpu.memory_space<vmem>>
      tpu.wait_dma2 semaphore(%run_scoped3A : memref<!tpu.dma_semaphore, #tpu.memory_space<semaphore_mem>>) src(%dma_wait3A_109 : memref<27x64xf32, #tpu.memory_space<vmem>>) dst(%dma_wait3A_103 : memref<27x64xf32, #tpu.memory_space<vmem_shared>>)
      tpu.yield
    }) : () -> ()
    %eq3A = arith.constant 0 : i32
    %eq3A_17 = arith.cmpi eq, %arg1, %eq3A : i32
    %convert_element_type3A = arith.extui %eq3A_17 : i1 to i32
    %cond3A = arith.constant 0 : i32
    %cond3A_18 = arith.cmpi ne, %convert_element_type3A, %cond3A : i32
    scf.if %cond3A_18 {
      "tpu.region"() ({
        %run_scoped3A = tpu.sem_alloc : memref<!tpu.dma_semaphore, #tpu.memory_space<semaphore_mem>>
        %dma_start3A_78 = arith.constant 0 : i32
        %dma_start3A_79 = arith.constant 0 : i32
        %dma_start3A_80 = tpu.memref_slice %arg10[%dma_start3A_78, %dma_start3A_79] : memref<224x64xf32, #tpu.memory_space<vmem>> -> memref<128x64xf32, #tpu.memory_space<vmem>>
        %dma_start3A_81 = arith.constant 0 : i32
        %dma_start3A_82 = arith.constant 0 : i32
        %dma_start3A_83 = tpu.memref_slice %dma_start3A_80[%dma_start3A_81, %dma_start3A_82] : memref<128x64xf32, #tpu.memory_space<vmem>> -> memref<1x64xf32, #tpu.memory_space<vmem>>
        %dma_start3A_84 = arith.constant 25008 : i32
        %dma_start3A_85 = arith.constant 0 : i32
        %dma_start3A_86 = tpu.memref_slice %arg5[%dma_start3A_84, %dma_start3A_85] : memref<25009x64xf32, #tpu.memory_space<vmem_shared>> -> memref<1x64xf32, #tpu.memory_space<vmem_shared>>
        %dma_start3A_87 = arith.constant 25008 : i32
        %dma_start3A_88 = arith.constant 0 : i32
        %dma_start3A_89 = tpu.memref_slice %arg5[%dma_start3A_87, %dma_start3A_88] : memref<25009x64xf32, #tpu.memory_space<vmem_shared>> -> memref<1x64xf32, #tpu.memory_space<vmem_shared>>
        %dma_start3A_90 = arith.constant 0 : i32
        %dma_start3A_91 = arith.constant 0 : i32
        %dma_start3A_92 = tpu.memref_slice %arg10[%dma_start3A_90, %dma_start3A_91] : memref<224x64xf32, #tpu.memory_space<vmem>> -> memref<128x64xf32, #tpu.memory_space<vmem>>
        %dma_start3A_93 = arith.constant 0 : i32
        %dma_start3A_94 = arith.constant 0 : i32
        %dma_start3A_95 = tpu.memref_slice %dma_start3A_92[%dma_start3A_93, %dma_start3A_94] : memref<128x64xf32, #tpu.memory_space<vmem>> -> memref<1x64xf32, #tpu.memory_space<vmem>>
        tpu.enqueue_dma source(%dma_start3A_95 : memref<1x64xf32, #tpu.memory_space<vmem>>) target(%dma_start3A_89 : memref<1x64xf32, #tpu.memory_space<vmem_shared>>) target_semaphore(%run_scoped3A : memref<!tpu.dma_semaphore, #tpu.memory_space<semaphore_mem>>)
        %dma_wait3A_96 = arith.constant 0 : i32
        %dma_wait3A_97 = arith.constant 0 : i32
        %dma_wait3A_98 = tpu.memref_slice %arg10[%dma_wait3A_96, %dma_wait3A_97] : memref<224x64xf32, #tpu.memory_space<vmem>> -> memref<128x64xf32, #tpu.memory_space<vmem>>
        %dma_wait3A_99 = arith.constant 0 : i32
        %dma_wait3A_100 = arith.constant 0 : i32
        %dma_wait3A_101 = tpu.memref_slice %dma_wait3A_98[%dma_wait3A_99, %dma_wait3A_100] : memref<128x64xf32, #tpu.memory_space<vmem>> -> memref<1x64xf32, #tpu.memory_space<vmem>>
        %dma_wait3A_102 = arith.constant 25008 : i32
        %dma_wait3A_103 = arith.constant 0 : i32
        %dma_wait3A_104 = tpu.memref_slice %arg5[%dma_wait3A_102, %dma_wait3A_103] : memref<25009x64xf32, #tpu.memory_space<vmem_shared>> -> memref<1x64xf32, #tpu.memory_space<vmem_shared>>
        %dma_wait3A_105 = arith.constant 25008 : i32
        %dma_wait3A_106 = arith.constant 0 : i32
        %dma_wait3A_107 = tpu.memref_slice %arg5[%dma_wait3A_105, %dma_wait3A_106] : memref<25009x64xf32, #tpu.memory_space<vmem_shared>> -> memref<1x64xf32, #tpu.memory_space<vmem_shared>>
        %dma_wait3A_108 = arith.constant 0 : i32
        %dma_wait3A_109 = arith.constant 0 : i32
        %dma_wait3A_110 = tpu.memref_slice %arg10[%dma_wait3A_108, %dma_wait3A_109] : memref<224x64xf32, #tpu.memory_space<vmem>> -> memref<128x64xf32, #tpu.memory_space<vmem>>
        %dma_wait3A_111 = arith.constant 0 : i32
        %dma_wait3A_112 = arith.constant 0 : i32
        %dma_wait3A_113 = tpu.memref_slice %dma_wait3A_110[%dma_wait3A_111, %dma_wait3A_112] : memref<128x64xf32, #tpu.memory_space<vmem>> -> memref<1x64xf32, #tpu.memory_space<vmem>>
        tpu.wait_dma2 semaphore(%run_scoped3A : memref<!tpu.dma_semaphore, #tpu.memory_space<semaphore_mem>>) src(%dma_wait3A_113 : memref<1x64xf32, #tpu.memory_space<vmem>>) dst(%dma_wait3A_107 : memref<1x64xf32, #tpu.memory_space<vmem_shared>>)
        tpu.yield
      }) : () -> ()
    } else {
    }
    %barrier3A = arith.constant 0 : index
    tpu.barrier barrier_id(%barrier3A)
    %mul3A_19 = arith.constant 448 : i32
    %mul3A_20 = arith.muli %arg1, %mul3A_19 : i32
    %add3A_21 = arith.constant 0 : i32
    %add3A_22 = arith.addi %mul3A_20, %add3A_21 : i32
    %dma_start3A = arith.constant 0 : i32
    %dma_start3A_23 = arith.constant 0 : i32
    %dma_start3A_24 = tpu.memref_slice %arg3[%add3A_22, %dma_start3A, %dma_start3A_23] : memref<7168x2x112xi32, #tpu.memory_space<hbm>> -> memref<2x2x112xi32, #tpu.memory_space<hbm>>
    %dma_start3A_25 = arith.constant 0 : i32
    %dma_start3A_26 = arith.constant 0 : i32
    %dma_start3A_27 = tpu.memref_slice %arg3[%add3A_22, %dma_start3A_25, %dma_start3A_26] : memref<7168x2x112xi32, #tpu.memory_space<hbm>> -> memref<2x2x112xi32, #tpu.memory_space<hbm>>
    tpu.enqueue_dma source(%dma_start3A_27 : memref<2x2x112xi32, #tpu.memory_space<hbm>>) target(%arg6 : memref<2x2x112xi32, #tpu.memory_space<vmem>>) target_semaphore(%arg12 : memref<!tpu.dma_semaphore, #tpu.memory_space<semaphore_mem>>)
    %scan3A_28 = arith.constant 0 : i32
    %scan3A_29 = arith.constant 0 : i32
    %scan3A_30 = arith.constant 112 : i32
    %scan3A_31 = arith.addi %scan3A_29, %scan3A_30 : i32
    %scan3A_32 = arith.constant 1 : i32
    %scan3A_33 = scf.for %scan3A_78 = %scan3A_29 to %scan3A_31 step %scan3A_32 iter_args(%scan3A_79 = %scan3A_28) -> (i32)  : i32 {
      %mul3A_80 = arith.constant 2 : i32
      %mul3A_81 = arith.muli %scan3A_78, %mul3A_80 : i32
      %add3A_82 = arith.constant 0 : i32
      %add3A_83 = arith.addi %mul3A_81, %add3A_82 : i32
      %dma_wait3A_84 = arith.constant 0 : i32
      %dma_wait3A_85 = arith.constant 0 : i32
      %dma_wait3A_86 = arith.constant 0 : i32
      %dma_wait3A_87 = tpu.memref_slice %arg3[%dma_wait3A_84, %dma_wait3A_85, %dma_wait3A_86] : memref<7168x2x112xi32, #tpu.memory_space<hbm>> -> memref<2x2x112xi32, #tpu.memory_space<hbm>>
      %dma_wait3A_88 = arith.constant 0 : i32
      %dma_wait3A_89 = arith.constant 0 : i32
      %dma_wait3A_90 = arith.constant 0 : i32
      %dma_wait3A_91 = tpu.memref_slice %arg3[%dma_wait3A_88, %dma_wait3A_89, %dma_wait3A_90] : memref<7168x2x112xi32, #tpu.memory_space<hbm>> -> memref<2x2x112xi32, #tpu.memory_space<hbm>>
      tpu.wait_dma2 semaphore(%arg12 : memref<!tpu.dma_semaphore, #tpu.memory_space<semaphore_mem>>) src(%dma_wait3A_91 : memref<2x2x112xi32, #tpu.memory_space<hbm>>) dst(%arg6 : memref<2x2x112xi32, #tpu.memory_space<vmem>>)
      %ge3A = arith.constant 1 : i32
      %ge3A_92 = arith.cmpi sge, %scan3A_78, %ge3A : i32
      %convert_element_type3A_93 = arith.extui %ge3A_92 : i1 to i32
      %cond3A_94 = arith.constant 0 : i32
      %cond3A_95 = arith.cmpi ne, %convert_element_type3A_93, %cond3A_94 : i32
      scf.if %cond3A_95 {
        %dma_wait3A_897 = arith.constant 0 : i32
        %dma_wait3A_898 = arith.constant 0 : i32
        %dma_wait3A_899 = tpu.memref_slice %arg2[%dma_wait3A_897, %dma_wait3A_898] : memref<50176x64xf32, #tpu.memory_space<hbm>> -> memref<224x64xf32, #tpu.memory_space<hbm>>
        %dma_wait3A_900 = arith.constant 0 : i32
        %dma_wait3A_901 = arith.constant 0 : i32
        %dma_wait3A_902 = tpu.memref_slice %arg2[%dma_wait3A_900, %dma_wait3A_901] : memref<50176x64xf32, #tpu.memory_space<hbm>> -> memref<224x64xf32, #tpu.memory_space<hbm>>
        tpu.wait_dma2 semaphore(%arg16 : memref<!tpu.dma_semaphore, #tpu.memory_space<semaphore_mem>>) src(%dma_wait3A_902 : memref<224x64xf32, #tpu.memory_space<hbm>>) dst(%arg10 : memref<224x64xf32, #tpu.memory_space<vmem>>)
      } else {
      }
      %dma_start3A_96 = arith.constant 0 : i32
      %dma_start3A_97 = arith.constant 0 : i32
      %dma_start3A_98 = arith.constant 0 : i32
      %dma_start3A_99 = arith.constant 0 : i32
      %dma_start3A_100 = tpu.memref_slice %arg10[%dma_start3A_98, %dma_start3A_99] : memref<224x64xf32, #tpu.memory_space<vmem>> -> memref<112x64xf32, #tpu.memory_space<vmem>>
      %dma_start3A_101 = arith.constant 0 : i32
      %dma_start3A_102 = tpu.memref_slice %arg6[%dma_start3A_96, %dma_start3A_97, %dma_start3A_101] : memref<2x2x112xi32, #tpu.memory_space<vmem>> -> memref<1x1x112xi32, #tpu.memory_space<vmem>>
      %dma_start3A_103 = tpu.memref_squeeze %dma_start3A_102 : memref<1x1x112xi32, #tpu.memory_space<vmem>> -> memref<112xi32, #tpu.memory_space<vmem>>
      %dma_start3A_104 = arith.constant 0 : i32
      %dma_start3A_105 = arith.constant 0 : i32
      %dma_start3A_106 = tpu.memref_slice %arg2[%dma_start3A_104, %dma_start3A_105] : memref<50176x64xf32, #tpu.memory_space<hbm>> -> memref<50176x64xf32, #tpu.memory_space<hbm>>
      tpu.enqueue_indirect_dma source(%dma_start3A_106 : memref<50176x64xf32, #tpu.memory_space<hbm>>) target(%dma_start3A_100 : memref<112x64xf32, #tpu.memory_space<vmem>>) offsets(%dma_start3A_103 : memref<112xi32, #tpu.memory_space<vmem>>) semaphore(%arg14 : memref<!tpu.dma_semaphore, #tpu.memory_space<semaphore_mem>>)
      %dma_start3A_107 = arith.constant 1 : i32
      %dma_start3A_108 = arith.constant 0 : i32
      %dma_start3A_109 = arith.constant 112 : i32
      %dma_start3A_110 = arith.constant 0 : i32
      %dma_start3A_111 = tpu.memref_slice %arg10[%dma_start3A_109, %dma_start3A_110] : memref<224x64xf32, #tpu.memory_space<vmem>> -> memref<112x64xf32, #tpu.memory_space<vmem>>
      %dma_start3A_112 = arith.constant 0 : i32
      %dma_start3A_113 = tpu.memref_slice %arg6[%dma_start3A_107, %dma_start3A_108, %dma_start3A_112] : memref<2x2x112xi32, #tpu.memory_space<vmem>> -> memref<1x1x112xi32, #tpu.memory_space<vmem>>
      %dma_start3A_114 = tpu.memref_squeeze %dma_start3A_113 : memref<1x1x112xi32, #tpu.memory_space<vmem>> -> memref<112xi32, #tpu.memory_space<vmem>>
      %dma_start3A_115 = arith.constant 0 : i32
      %dma_start3A_116 = arith.constant 0 : i32
      %dma_start3A_117 = tpu.memref_slice %arg2[%dma_start3A_115, %dma_start3A_116] : memref<50176x64xf32, #tpu.memory_space<hbm>> -> memref<50176x64xf32, #tpu.memory_space<hbm>>
      tpu.enqueue_indirect_dma source(%dma_start3A_117 : memref<50176x64xf32, #tpu.memory_space<hbm>>) target(%dma_start3A_111 : memref<112x64xf32, #tpu.memory_space<vmem>>) offsets(%dma_start3A_114 : memref<112xi32, #tpu.memory_space<vmem>>) semaphore(%arg14 : memref<!tpu.dma_semaphore, #tpu.memory_space<semaphore_mem>>)
      %get3A = arith.constant 0 : i32
      %get3A_118 = arith.constant 1 : i32
      %get3A_119 = arith.index_cast %get3A : i32 to index
      %get3A_120 = arith.index_cast %get3A_118 : i32 to index
      %get3A_121 = arith.constant 0 : index
      %get3A_122 = tpu.vector_load %arg6[%get3A_119, %get3A_120, %get3A_121] {strides = array<i32>} : memref<2x2x112xi32, #tpu.memory_space<vmem>>, vector<1x1x16xi32>,
      %get3A_123 = vector.shape_cast %get3A_122 : vector<1x1x16xi32> to vector<16xi32>
      %sub3A = vector.broadcast %mul3A_0 : i32 to vector<16xi32>
      %sub3A_124 = arith.subi %get3A_123, %sub3A : vector<16xi32>
      %lt3A = arith.constant 0 : i32
      %lt3A_125 = vector.broadcast %lt3A : i32 to vector<16xi32>
      %lt3A_126 = arith.cmpi slt, %sub3A_124, %lt3A_125 : vector<16xi32>
      %ge3A_127 = arith.constant 25008 : i32
      %ge3A_128 = vector.broadcast %ge3A_127 : i32 to vector<16xi32>
      %ge3A_129 = arith.cmpi sge, %sub3A_124, %ge3A_128 : vector<16xi32>
      %or3A = arith.ori %lt3A_126, %ge3A_129 : vector<16xi1>
      %jit3A = arith.constant 25008 : i32
      %broadcast_in_dim3A = vector.broadcast %jit3A : i32 to vector<16xi32>
      %select_n3A = arith.select %or3A, %broadcast_in_dim3A, %sub3A_124 : vector<16xi1>, vector<16xi32>
      %swap3A = arith.constant 0 : i32
      %swap3A_130 = arith.index_cast %swap3A : i32 to index
      %swap3A_131 = arith.constant 0 : index
      %swap3A_132 = tpu.vector_load %arg8[%swap3A_130, %swap3A_131] {strides = array<i32>} : memref<2x112xi32, #tpu.memory_space<vmem>>, vector<1x16xi32>,
      %swap3A_133 = vector.shape_cast %swap3A_132 : vector<1x16xi32> to vector<16xi32>
      %swap3A_134 = vector.shape_cast %select_n3A : vector<16xi32> to vector<1x16xi32>
      tpu.vector_store %arg8[%swap3A_130, %swap3A_131], %swap3A_134 {strides = array<i32>} : memref<2x112xi32, #tpu.memory_space<vmem>>, vector<1x16xi32>,
      %get3A_135 = arith.constant 0 : i32
      %get3A_136 = arith.constant 1 : i32
      %get3A_137 = arith.index_cast %get3A_135 : i32 to index
      %get3A_138 = arith.index_cast %get3A_136 : i32 to index
      %get3A_139 = arith.constant 16 : index
      %get3A_140 = tpu.vector_load %arg6[%get3A_137, %get3A_138, %get3A_139] {strides = array<i32>} : memref<2x2x112xi32, #tpu.memory_space<vmem>>, vector<1x1x16xi32>,
      %get3A_141 = vector.shape_cast %get3A_140 : vector<1x1x16xi32> to vector<16xi32>
      %sub3A_142 = vector.broadcast %mul3A_0 : i32 to vector<16xi32>
      %sub3A_143 = arith.subi %get3A_141, %sub3A_142 : vector<16xi32>
      %lt3A_144 = arith.constant 0 : i32
      %lt3A_145 = vector.broadcast %lt3A_144 : i32 to vector<16xi32>
      %lt3A_146 = arith.cmpi slt, %sub3A_143, %lt3A_145 : vector<16xi32>
      %ge3A_147 = arith.constant 25008 : i32
      %ge3A_148 = vector.broadcast %ge3A_147 : i32 to vector<16xi32>
      %ge3A_149 = arith.cmpi sge, %sub3A_143, %ge3A_148 : vector<16xi32>
      %or3A_150 = arith.ori %lt3A_146, %ge3A_149 : vector<16xi1>
      %jit3A_151 = arith.constant 25008 : i32
      %broadcast_in_dim3A_152 = vector.broadcast %jit3A_151 : i32 to vector<16xi32>
      %select_n3A_153 = arith.select %or3A_150, %broadcast_in_dim3A_152, %sub3A_143 : vector<16xi1>, vector<16xi32>
      %swap3A_154 = arith.constant 0 : i32
      %swap3A_155 = arith.index_cast %swap3A_154 : i32 to index
      %swap3A_156 = arith.constant 16 : index
      %swap3A_157 = tpu.vector_load %arg8[%swap3A_155, %swap3A_156] {strides = array<i32>} : memref<2x112xi32, #tpu.memory_space<vmem>>, vector<1x16xi32>,
      %swap3A_158 = vector.shape_cast %swap3A_157 : vector<1x16xi32> to vector<16xi32>
      %swap3A_159 = vector.shape_cast %select_n3A_153 : vector<16xi32> to vector<1x16xi32>
      tpu.vector_store %arg8[%swap3A_155, %swap3A_156], %swap3A_159 {strides = array<i32>} : memref<2x112xi32, #tpu.memory_space<vmem>>, vector<1x16xi32>,
      %get3A_160 = arith.constant 0 : i32
      %get3A_161 = arith.constant 1 : i32
      %get3A_162 = arith.index_cast %get3A_160 : i32 to index
      %get3A_163 = arith.index_cast %get3A_161 : i32 to index
      %get3A_164 = arith.constant 32 : index
      %get3A_165 = tpu.vector_load %arg6[%get3A_162, %get3A_163, %get3A_164] {strides = array<i32>} : memref<2x2x112xi32, #tpu.memory_space<vmem>>, vector<1x1x16xi32>,
      %get3A_166 = vector.shape_cast %get3A_165 : vector<1x1x16xi32> to vector<16xi32>
      %sub3A_167 = vector.broadcast %mul3A_0 : i32 to vector<16xi32>
      %sub3A_168 = arith.subi %get3A_166, %sub3A_167 : vector<16xi32>
      %lt3A_169 = arith.constant 0 : i32
      %lt3A_170 = vector.broadcast %lt3A_169 : i32 to vector<16xi32>
      %lt3A_171 = arith.cmpi slt, %sub3A_168, %lt3A_170 : vector<16xi32>
      %ge3A_172 = arith.constant 25008 : i32
      %ge3A_173 = vector.broadcast %ge3A_172 : i32 to vector<16xi32>
      %ge3A_174 = arith.cmpi sge, %sub3A_168, %ge3A_173 : vector<16xi32>
      %or3A_175 = arith.ori %lt3A_171, %ge3A_174 : vector<16xi1>
      %jit3A_176 = arith.constant 25008 : i32
      %broadcast_in_dim3A_177 = vector.broadcast %jit3A_176 : i32 to vector<16xi32>
      %select_n3A_178 = arith.select %or3A_175, %broadcast_in_dim3A_177, %sub3A_168 : vector<16xi1>, vector<16xi32>
      %swap3A_179 = arith.constant 0 : i32
      %swap3A_180 = arith.index_cast %swap3A_179 : i32 to index
      %swap3A_181 = arith.constant 32 : index
      %swap3A_182 = tpu.vector_load %arg8[%swap3A_180, %swap3A_181] {strides = array<i32>} : memref<2x112xi32, #tpu.memory_space<vmem>>, vector<1x16xi32>,
      %swap3A_183 = vector.shape_cast %swap3A_182 : vector<1x16xi32> to vector<16xi32>
      %swap3A_184 = vector.shape_cast %select_n3A_178 : vector<16xi32> to vector<1x16xi32>
      tpu.vector_store %arg8[%swap3A_180, %swap3A_181], %swap3A_184 {strides = array<i32>} : memref<2x112xi32, #tpu.memory_space<vmem>>, vector<1x16xi32>,
      %get3A_185 = arith.constant 0 : i32
      %get3A_186 = arith.constant 1 : i32
      %get3A_187 = arith.index_cast %get3A_185 : i32 to index
      %get3A_188 = arith.index_cast %get3A_186 : i32 to index
      %get3A_189 = arith.constant 48 : index
      %get3A_190 = tpu.vector_load %arg6[%get3A_187, %get3A_188, %get3A_189] {strides = array<i32>} : memref<2x2x112xi32, #tpu.memory_space<vmem>>, vector<1x1x16xi32>,
      %get3A_191 = vector.shape_cast %get3A_190 : vector<1x1x16xi32> to vector<16xi32>
      %sub3A_192 = vector.broadcast %mul3A_0 : i32 to vector<16xi32>
      %sub3A_193 = arith.subi %get3A_191, %sub3A_192 : vector<16xi32>
      %lt3A_194 = arith.constant 0 : i32
      %lt3A_195 = vector.broadcast %lt3A_194 : i32 to vector<16xi32>
      %lt3A_196 = arith.cmpi slt, %sub3A_193, %lt3A_195 : vector<16xi32>
      %ge3A_197 = arith.constant 25008 : i32
      %ge3A_198 = vector.broadcast %ge3A_197 : i32 to vector<16xi32>
      %ge3A_199 = arith.cmpi sge, %sub3A_193, %ge3A_198 : vector<16xi32>
      %or3A_200 = arith.ori %lt3A_196, %ge3A_199 : vector<16xi1>
      %jit3A_201 = arith.constant 25008 : i32
      %broadcast_in_dim3A_202 = vector.broadcast %jit3A_201 : i32 to vector<16xi32>
      %select_n3A_203 = arith.select %or3A_200, %broadcast_in_dim3A_202, %sub3A_193 : vector<16xi1>, vector<16xi32>
      %swap3A_204 = arith.constant 0 : i32
      %swap3A_205 = arith.index_cast %swap3A_204 : i32 to index
      %swap3A_206 = arith.constant 48 : index
      %swap3A_207 = tpu.vector_load %arg8[%swap3A_205, %swap3A_206] {strides = array<i32>} : memref<2x112xi32, #tpu.memory_space<vmem>>, vector<1x16xi32>,
      %swap3A_208 = vector.shape_cast %swap3A_207 : vector<1x16xi32> to vector<16xi32>
      %swap3A_209 = vector.shape_cast %select_n3A_203 : vector<16xi32> to vector<1x16xi32>
      tpu.vector_store %arg8[%swap3A_205, %swap3A_206], %swap3A_209 {strides = array<i32>} : memref<2x112xi32, #tpu.memory_space<vmem>>, vector<1x16xi32>,
      %get3A_210 = arith.constant 0 : i32
      %get3A_211 = arith.constant 1 : i32
      %get3A_212 = arith.index_cast %get3A_210 : i32 to index
      %get3A_213 = arith.index_cast %get3A_211 : i32 to index
      %get3A_214 = arith.constant 64 : index
      %get3A_215 = tpu.vector_load %arg6[%get3A_212, %get3A_213, %get3A_214] {strides = array<i32>} : memref<2x2x112xi32, #tpu.memory_space<vmem>>, vector<1x1x16xi32>,
      %get3A_216 = vector.shape_cast %get3A_215 : vector<1x1x16xi32> to vector<16xi32>
      %sub3A_217 = vector.broadcast %mul3A_0 : i32 to vector<16xi32>
      %sub3A_218 = arith.subi %get3A_216, %sub3A_217 : vector<16xi32>
      %lt3A_219 = arith.constant 0 : i32
      %lt3A_220 = vector.broadcast %lt3A_219 : i32 to vector<16xi32>
      %lt3A_221 = arith.cmpi slt, %sub3A_218, %lt3A_220 : vector<16xi32>
      %ge3A_222 = arith.constant 25008 : i32
      %ge3A_223 = vector.broadcast %ge3A_222 : i32 to vector<16xi32>
      %ge3A_224 = arith.cmpi sge, %sub3A_218, %ge3A_223 : vector<16xi32>
      %or3A_225 = arith.ori %lt3A_221, %ge3A_224 : vector<16xi1>
      %jit3A_226 = arith.constant 25008 : i32
      %broadcast_in_dim3A_227 = vector.broadcast %jit3A_226 : i32 to vector<16xi32>
      %select_n3A_228 = arith.select %or3A_225, %broadcast_in_dim3A_227, %sub3A_218 : vector<16xi1>, vector<16xi32>
      %swap3A_229 = arith.constant 0 : i32
      %swap3A_230 = arith.index_cast %swap3A_229 : i32 to index
      %swap3A_231 = arith.constant 64 : index
      %swap3A_232 = tpu.vector_load %arg8[%swap3A_230, %swap3A_231] {strides = array<i32>} : memref<2x112xi32, #tpu.memory_space<vmem>>, vector<1x16xi32>,
      %swap3A_233 = vector.shape_cast %swap3A_232 : vector<1x16xi32> to vector<16xi32>
      %swap3A_234 = vector.shape_cast %select_n3A_228 : vector<16xi32> to vector<1x16xi32>
      tpu.vector_store %arg8[%swap3A_230, %swap3A_231], %swap3A_234 {strides = array<i32>} : memref<2x112xi32, #tpu.memory_space<vmem>>, vector<1x16xi32>,
      %get3A_235 = arith.constant 0 : i32
      %get3A_236 = arith.constant 1 : i32
      %get3A_237 = arith.index_cast %get3A_235 : i32 to index
      %get3A_238 = arith.index_cast %get3A_236 : i32 to index
      %get3A_239 = arith.constant 80 : index
      %get3A_240 = tpu.vector_load %arg6[%get3A_237, %get3A_238, %get3A_239] {strides = array<i32>} : memref<2x2x112xi32, #tpu.memory_space<vmem>>, vector<1x1x16xi32>,
      %get3A_241 = vector.shape_cast %get3A_240 : vector<1x1x16xi32> to vector<16xi32>
      %sub3A_242 = vector.broadcast %mul3A_0 : i32 to vector<16xi32>
      %sub3A_243 = arith.subi %get3A_241, %sub3A_242 : vector<16xi32>
      %lt3A_244 = arith.constant 0 : i32
      %lt3A_245 = vector.broadcast %lt3A_244 : i32 to vector<16xi32>
      %lt3A_246 = arith.cmpi slt, %sub3A_243, %lt3A_245 : vector<16xi32>
      %ge3A_247 = arith.constant 25008 : i32
      %ge3A_248 = vector.broadcast %ge3A_247 : i32 to vector<16xi32>
      %ge3A_249 = arith.cmpi sge, %sub3A_243, %ge3A_248 : vector<16xi32>
      %or3A_250 = arith.ori %lt3A_246, %ge3A_249 : vector<16xi1>
      %jit3A_251 = arith.constant 25008 : i32
      %broadcast_in_dim3A_252 = vector.broadcast %jit3A_251 : i32 to vector<16xi32>
      %select_n3A_253 = arith.select %or3A_250, %broadcast_in_dim3A_252, %sub3A_243 : vector<16xi1>, vector<16xi32>
      %swap3A_254 = arith.constant 0 : i32
      %swap3A_255 = arith.index_cast %swap3A_254 : i32 to index
      %swap3A_256 = arith.constant 80 : index
      %swap3A_257 = tpu.vector_load %arg8[%swap3A_255, %swap3A_256] {strides = array<i32>} : memref<2x112xi32, #tpu.memory_space<vmem>>, vector<1x16xi32>,
      %swap3A_258 = vector.shape_cast %swap3A_257 : vector<1x16xi32> to vector<16xi32>
      %swap3A_259 = vector.shape_cast %select_n3A_253 : vector<16xi32> to vector<1x16xi32>
      tpu.vector_store %arg8[%swap3A_255, %swap3A_256], %swap3A_259 {strides = array<i32>} : memref<2x112xi32, #tpu.memory_space<vmem>>, vector<1x16xi32>,
      %get3A_260 = arith.constant 0 : i32
      %get3A_261 = arith.constant 1 : i32
      %get3A_262 = arith.index_cast %get3A_260 : i32 to index
      %get3A_263 = arith.index_cast %get3A_261 : i32 to index
      %get3A_264 = arith.constant 96 : index
      %get3A_265 = tpu.vector_load %arg6[%get3A_262, %get3A_263, %get3A_264] {strides = array<i32>} : memref<2x2x112xi32, #tpu.memory_space<vmem>>, vector<1x1x16xi32>,
      %get3A_266 = vector.shape_cast %get3A_265 : vector<1x1x16xi32> to vector<16xi32>
      %sub3A_267 = vector.broadcast %mul3A_0 : i32 to vector<16xi32>
      %sub3A_268 = arith.subi %get3A_266, %sub3A_267 : vector<16xi32>
      %lt3A_269 = arith.constant 0 : i32
      %lt3A_270 = vector.broadcast %lt3A_269 : i32 to vector<16xi32>
      %lt3A_271 = arith.cmpi slt, %sub3A_268, %lt3A_270 : vector<16xi32>
      %ge3A_272 = arith.constant 25008 : i32
      %ge3A_273 = vector.broadcast %ge3A_272 : i32 to vector<16xi32>
      %ge3A_274 = arith.cmpi sge, %sub3A_268, %ge3A_273 : vector<16xi32>
      %or3A_275 = arith.ori %lt3A_271, %ge3A_274 : vector<16xi1>
      %jit3A_276 = arith.constant 25008 : i32
      %broadcast_in_dim3A_277 = vector.broadcast %jit3A_276 : i32 to vector<16xi32>
      %select_n3A_278 = arith.select %or3A_275, %broadcast_in_dim3A_277, %sub3A_268 : vector<16xi1>, vector<16xi32>
      %swap3A_279 = arith.constant 0 : i32
      %swap3A_280 = arith.index_cast %swap3A_279 : i32 to index
      %swap3A_281 = arith.constant 96 : index
      %swap3A_282 = tpu.vector_load %arg8[%swap3A_280, %swap3A_281] {strides = array<i32>} : memref<2x112xi32, #tpu.memory_space<vmem>>, vector<1x16xi32>,
      %swap3A_283 = vector.shape_cast %swap3A_282 : vector<1x16xi32> to vector<16xi32>
      %swap3A_284 = vector.shape_cast %select_n3A_278 : vector<16xi32> to vector<1x16xi32>
      tpu.vector_store %arg8[%swap3A_280, %swap3A_281], %swap3A_284 {strides = array<i32>} : memref<2x112xi32, #tpu.memory_space<vmem>>, vector<1x16xi32>,
      %get3A_285 = arith.constant 1 : i32
      %get3A_286 = arith.constant 1 : i32
      %get3A_287 = arith.index_cast %get3A_285 : i32 to index
      %get3A_288 = arith.index_cast %get3A_286 : i32 to index
      %get3A_289 = arith.constant 0 : index
      %get3A_290 = tpu.vector_load %arg6[%get3A_287, %get3A_288, %get3A_289] {strides = array<i32>} : memref<2x2x112xi32, #tpu.memory_space<vmem>>, vector<1x1x16xi32>,
      %get3A_291 = vector.shape_cast %get3A_290 : vector<1x1x16xi32> to vector<16xi32>
      %sub3A_292 = vector.broadcast %mul3A_0 : i32 to vector<16xi32>
      %sub3A_293 = arith.subi %get3A_291, %sub3A_292 : vector<16xi32>
      %lt3A_294 = arith.constant 0 : i32
      %lt3A_295 = vector.broadcast %lt3A_294 : i32 to vector<16xi32>
      %lt3A_296 = arith.cmpi slt, %sub3A_293, %lt3A_295 : vector<16xi32>
      %ge3A_297 = arith.constant 25008 : i32
      %ge3A_298 = vector.broadcast %ge3A_297 : i32 to vector<16xi32>
      %ge3A_299 = arith.cmpi sge, %sub3A_293, %ge3A_298 : vector<16xi32>
      %or3A_300 = arith.ori %lt3A_296, %ge3A_299 : vector<16xi1>
      %jit3A_301 = arith.constant 25008 : i32
      %broadcast_in_dim3A_302 = vector.broadcast %jit3A_301 : i32 to vector<16xi32>
      %select_n3A_303 = arith.select %or3A_300, %broadcast_in_dim3A_302, %sub3A_293 : vector<16xi1>, vector<16xi32>
      %swap3A_304 = arith.constant 1 : i32
      %swap3A_305 = arith.index_cast %swap3A_304 : i32 to index
      %swap3A_306 = arith.constant 0 : index
      %swap3A_307 = tpu.vector_load %arg8[%swap3A_305, %swap3A_306] {strides = array<i32>} : memref<2x112xi32, #tpu.memory_space<vmem>>, vector<1x16xi32>,
      %swap3A_308 = vector.shape_cast %swap3A_307 : vector<1x16xi32> to vector<16xi32>
      %swap3A_309 = vector.shape_cast %select_n3A_303 : vector<16xi32> to vector<1x16xi32>
      tpu.vector_store %arg8[%swap3A_305, %swap3A_306], %swap3A_309 {strides = array<i32>} : memref<2x112xi32, #tpu.memory_space<vmem>>, vector<1x16xi32>,
      %get3A_310 = arith.constant 1 : i32
      %get3A_311 = arith.constant 1 : i32
      %get3A_312 = arith.index_cast %get3A_310 : i32 to index
      %get3A_313 = arith.index_cast %get3A_311 : i32 to index
      %get3A_314 = arith.constant 16 : index
      %get3A_315 = tpu.vector_load %arg6[%get3A_312, %get3A_313, %get3A_314] {strides = array<i32>} : memref<2x2x112xi32, #tpu.memory_space<vmem>>, vector<1x1x16xi32>,
      %get3A_316 = vector.shape_cast %get3A_315 : vector<1x1x16xi32> to vector<16xi32>
      %sub3A_317 = vector.broadcast %mul3A_0 : i32 to vector<16xi32>
      %sub3A_318 = arith.subi %get3A_316, %sub3A_317 : vector<16xi32>
      %lt3A_319 = arith.constant 0 : i32
      %lt3A_320 = vector.broadcast %lt3A_319 : i32 to vector<16xi32>
      %lt3A_321 = arith.cmpi slt, %sub3A_318, %lt3A_320 : vector<16xi32>
      %ge3A_322 = arith.constant 25008 : i32
      %ge3A_323 = vector.broadcast %ge3A_322 : i32 to vector<16xi32>
      %ge3A_324 = arith.cmpi sge, %sub3A_318, %ge3A_323 : vector<16xi32>
      %or3A_325 = arith.ori %lt3A_321, %ge3A_324 : vector<16xi1>
      %jit3A_326 = arith.constant 25008 : i32
      %broadcast_in_dim3A_327 = vector.broadcast %jit3A_326 : i32 to vector<16xi32>
      %select_n3A_328 = arith.select %or3A_325, %broadcast_in_dim3A_327, %sub3A_318 : vector<16xi1>, vector<16xi32>
      %swap3A_329 = arith.constant 1 : i32
      %swap3A_330 = arith.index_cast %swap3A_329 : i32 to index
      %swap3A_331 = arith.constant 16 : index
      %swap3A_332 = tpu.vector_load %arg8[%swap3A_330, %swap3A_331] {strides = array<i32>} : memref<2x112xi32, #tpu.memory_space<vmem>>, vector<1x16xi32>,
      %swap3A_333 = vector.shape_cast %swap3A_332 : vector<1x16xi32> to vector<16xi32>
      %swap3A_334 = vector.shape_cast %select_n3A_328 : vector<16xi32> to vector<1x16xi32>
      tpu.vector_store %arg8[%swap3A_330, %swap3A_331], %swap3A_334 {strides = array<i32>} : memref<2x112xi32, #tpu.memory_space<vmem>>, vector<1x16xi32>,
      %get3A_335 = arith.constant 1 : i32
      %get3A_336 = arith.constant 1 : i32
      %get3A_337 = arith.index_cast %get3A_335 : i32 to index
      %get3A_338 = arith.index_cast %get3A_336 : i32 to index
      %get3A_339 = arith.constant 32 : index
      %get3A_340 = tpu.vector_load %arg6[%get3A_337, %get3A_338, %get3A_339] {strides = array<i32>} : memref<2x2x112xi32, #tpu.memory_space<vmem>>, vector<1x1x16xi32>,
      %get3A_341 = vector.shape_cast %get3A_340 : vector<1x1x16xi32> to vector<16xi32>
      %sub3A_342 = vector.broadcast %mul3A_0 : i32 to vector<16xi32>
      %sub3A_343 = arith.subi %get3A_341, %sub3A_342 : vector<16xi32>
      %lt3A_344 = arith.constant 0 : i32
      %lt3A_345 = vector.broadcast %lt3A_344 : i32 to vector<16xi32>
      %lt3A_346 = arith.cmpi slt, %sub3A_343, %lt3A_345 : vector<16xi32>
      %ge3A_347 = arith.constant 25008 : i32
      %ge3A_348 = vector.broadcast %ge3A_347 : i32 to vector<16xi32>
      %ge3A_349 = arith.cmpi sge, %sub3A_343, %ge3A_348 : vector<16xi32>
      %or3A_350 = arith.ori %lt3A_346, %ge3A_349 : vector<16xi1>
      %jit3A_351 = arith.constant 25008 : i32
      %broadcast_in_dim3A_352 = vector.broadcast %jit3A_351 : i32 to vector<16xi32>
      %select_n3A_353 = arith.select %or3A_350, %broadcast_in_dim3A_352, %sub3A_343 : vector<16xi1>, vector<16xi32>
      %swap3A_354 = arith.constant 1 : i32
      %swap3A_355 = arith.index_cast %swap3A_354 : i32 to index
      %swap3A_356 = arith.constant 32 : index
      %swap3A_357 = tpu.vector_load %arg8[%swap3A_355, %swap3A_356] {strides = array<i32>} : memref<2x112xi32, #tpu.memory_space<vmem>>, vector<1x16xi32>,
      %swap3A_358 = vector.shape_cast %swap3A_357 : vector<1x16xi32> to vector<16xi32>
      %swap3A_359 = vector.shape_cast %select_n3A_353 : vector<16xi32> to vector<1x16xi32>
      tpu.vector_store %arg8[%swap3A_355, %swap3A_356], %swap3A_359 {strides = array<i32>} : memref<2x112xi32, #tpu.memory_space<vmem>>, vector<1x16xi32>,
      %get3A_360 = arith.constant 1 : i32
      %get3A_361 = arith.constant 1 : i32
      %get3A_362 = arith.index_cast %get3A_360 : i32 to index
      %get3A_363 = arith.index_cast %get3A_361 : i32 to index
      %get3A_364 = arith.constant 48 : index
      %get3A_365 = tpu.vector_load %arg6[%get3A_362, %get3A_363, %get3A_364] {strides = array<i32>} : memref<2x2x112xi32, #tpu.memory_space<vmem>>, vector<1x1x16xi32>,
      %get3A_366 = vector.shape_cast %get3A_365 : vector<1x1x16xi32> to vector<16xi32>
      %sub3A_367 = vector.broadcast %mul3A_0 : i32 to vector<16xi32>
      %sub3A_368 = arith.subi %get3A_366, %sub3A_367 : vector<16xi32>
      %lt3A_369 = arith.constant 0 : i32
      %lt3A_370 = vector.broadcast %lt3A_369 : i32 to vector<16xi32>
      %lt3A_371 = arith.cmpi slt, %sub3A_368, %lt3A_370 : vector<16xi32>
      %ge3A_372 = arith.constant 25008 : i32
      %ge3A_373 = vector.broadcast %ge3A_372 : i32 to vector<16xi32>
      %ge3A_374 = arith.cmpi sge, %sub3A_368, %ge3A_373 : vector<16xi32>
      %or3A_375 = arith.ori %lt3A_371, %ge3A_374 : vector<16xi1>
      %jit3A_376 = arith.constant 25008 : i32
      %broadcast_in_dim3A_377 = vector.broadcast %jit3A_376 : i32 to vector<16xi32>
      %select_n3A_378 = arith.select %or3A_375, %broadcast_in_dim3A_377, %sub3A_368 : vector<16xi1>, vector<16xi32>
      %swap3A_379 = arith.constant 1 : i32
      %swap3A_380 = arith.index_cast %swap3A_379 : i32 to index
      %swap3A_381 = arith.constant 48 : index
      %swap3A_382 = tpu.vector_load %arg8[%swap3A_380, %swap3A_381] {strides = array<i32>} : memref<2x112xi32, #tpu.memory_space<vmem>>, vector<1x16xi32>,
      %swap3A_383 = vector.shape_cast %swap3A_382 : vector<1x16xi32> to vector<16xi32>
      %swap3A_384 = vector.shape_cast %select_n3A_378 : vector<16xi32> to vector<1x16xi32>
      tpu.vector_store %arg8[%swap3A_380, %swap3A_381], %swap3A_384 {strides = array<i32>} : memref<2x112xi32, #tpu.memory_space<vmem>>, vector<1x16xi32>,
      %get3A_385 = arith.constant 1 : i32
      %get3A_386 = arith.constant 1 : i32
      %get3A_387 = arith.index_cast %get3A_385 : i32 to index
      %get3A_388 = arith.index_cast %get3A_386 : i32 to index
      %get3A_389 = arith.constant 64 : index
      %get3A_390 = tpu.vector_load %arg6[%get3A_387, %get3A_388, %get3A_389] {strides = array<i32>} : memref<2x2x112xi32, #tpu.memory_space<vmem>>, vector<1x1x16xi32>,
      %get3A_391 = vector.shape_cast %get3A_390 : vector<1x1x16xi32> to vector<16xi32>
      %sub3A_392 = vector.broadcast %mul3A_0 : i32 to vector<16xi32>
      %sub3A_393 = arith.subi %get3A_391, %sub3A_392 : vector<16xi32>
      %lt3A_394 = arith.constant 0 : i32
      %lt3A_395 = vector.broadcast %lt3A_394 : i32 to vector<16xi32>
      %lt3A_396 = arith.cmpi slt, %sub3A_393, %lt3A_395 : vector<16xi32>
      %ge3A_397 = arith.constant 25008 : i32
      %ge3A_398 = vector.broadcast %ge3A_397 : i32 to vector<16xi32>
      %ge3A_399 = arith.cmpi sge, %sub3A_393, %ge3A_398 : vector<16xi32>
      %or3A_400 = arith.ori %lt3A_396, %ge3A_399 : vector<16xi1>
      %jit3A_401 = arith.constant 25008 : i32
      %broadcast_in_dim3A_402 = vector.broadcast %jit3A_401 : i32 to vector<16xi32>
      %select_n3A_403 = arith.select %or3A_400, %broadcast_in_dim3A_402, %sub3A_393 : vector<16xi1>, vector<16xi32>
      %swap3A_404 = arith.constant 1 : i32
      %swap3A_405 = arith.index_cast %swap3A_404 : i32 to index
      %swap3A_406 = arith.constant 64 : index
      %swap3A_407 = tpu.vector_load %arg8[%swap3A_405, %swap3A_406] {strides = array<i32>} : memref<2x112xi32, #tpu.memory_space<vmem>>, vector<1x16xi32>,
      %swap3A_408 = vector.shape_cast %swap3A_407 : vector<1x16xi32> to vector<16xi32>
      %swap3A_409 = vector.shape_cast %select_n3A_403 : vector<16xi32> to vector<1x16xi32>
      tpu.vector_store %arg8[%swap3A_405, %swap3A_406], %swap3A_409 {strides = array<i32>} : memref<2x112xi32, #tpu.memory_space<vmem>>, vector<1x16xi32>,
      %get3A_410 = arith.constant 1 : i32
      %get3A_411 = arith.constant 1 : i32
      %get3A_412 = arith.index_cast %get3A_410 : i32 to index
      %get3A_413 = arith.index_cast %get3A_411 : i32 to index
      %get3A_414 = arith.constant 80 : index
      %get3A_415 = tpu.vector_load %arg6[%get3A_412, %get3A_413, %get3A_414] {strides = array<i32>} : memref<2x2x112xi32, #tpu.memory_space<vmem>>, vector<1x1x16xi32>,
      %get3A_416 = vector.shape_cast %get3A_415 : vector<1x1x16xi32> to vector<16xi32>
      %sub3A_417 = vector.broadcast %mul3A_0 : i32 to vector<16xi32>
      %sub3A_418 = arith.subi %get3A_416, %sub3A_417 : vector<16xi32>
      %lt3A_419 = arith.constant 0 : i32
      %lt3A_420 = vector.broadcast %lt3A_419 : i32 to vector<16xi32>
      %lt3A_421 = arith.cmpi slt, %sub3A_418, %lt3A_420 : vector<16xi32>
      %ge3A_422 = arith.constant 25008 : i32
      %ge3A_423 = vector.broadcast %ge3A_422 : i32 to vector<16xi32>
      %ge3A_424 = arith.cmpi sge, %sub3A_418, %ge3A_423 : vector<16xi32>
      %or3A_425 = arith.ori %lt3A_421, %ge3A_424 : vector<16xi1>
      %jit3A_426 = arith.constant 25008 : i32
      %broadcast_in_dim3A_427 = vector.broadcast %jit3A_426 : i32 to vector<16xi32>
      %select_n3A_428 = arith.select %or3A_425, %broadcast_in_dim3A_427, %sub3A_418 : vector<16xi1>, vector<16xi32>
      %swap3A_429 = arith.constant 1 : i32
      %swap3A_430 = arith.index_cast %swap3A_429 : i32 to index
      %swap3A_431 = arith.constant 80 : index
      %swap3A_432 = tpu.vector_load %arg8[%swap3A_430, %swap3A_431] {strides = array<i32>} : memref<2x112xi32, #tpu.memory_space<vmem>>, vector<1x16xi32>,
      %swap3A_433 = vector.shape_cast %swap3A_432 : vector<1x16xi32> to vector<16xi32>
      %swap3A_434 = vector.shape_cast %select_n3A_428 : vector<16xi32> to vector<1x16xi32>
      tpu.vector_store %arg8[%swap3A_430, %swap3A_431], %swap3A_434 {strides = array<i32>} : memref<2x112xi32, #tpu.memory_space<vmem>>, vector<1x16xi32>,
      %get3A_435 = arith.constant 1 : i32
      %get3A_436 = arith.constant 1 : i32
      %get3A_437 = arith.index_cast %get3A_435 : i32 to index
      %get3A_438 = arith.index_cast %get3A_436 : i32 to index
      %get3A_439 = arith.constant 96 : index
      %get3A_440 = tpu.vector_load %arg6[%get3A_437, %get3A_438, %get3A_439] {strides = array<i32>} : memref<2x2x112xi32, #tpu.memory_space<vmem>>, vector<1x1x16xi32>,
      %get3A_441 = vector.shape_cast %get3A_440 : vector<1x1x16xi32> to vector<16xi32>
      %sub3A_442 = vector.broadcast %mul3A_0 : i32 to vector<16xi32>
      %sub3A_443 = arith.subi %get3A_441, %sub3A_442 : vector<16xi32>
      %lt3A_444 = arith.constant 0 : i32
      %lt3A_445 = vector.broadcast %lt3A_444 : i32 to vector<16xi32>
      %lt3A_446 = arith.cmpi slt, %sub3A_443, %lt3A_445 : vector<16xi32>
      %ge3A_447 = arith.constant 25008 : i32
      %ge3A_448 = vector.broadcast %ge3A_447 : i32 to vector<16xi32>
      %ge3A_449 = arith.cmpi sge, %sub3A_443, %ge3A_448 : vector<16xi32>
      %or3A_450 = arith.ori %lt3A_446, %ge3A_449 : vector<16xi1>
      %jit3A_451 = arith.constant 25008 : i32
      %broadcast_in_dim3A_452 = vector.broadcast %jit3A_451 : i32 to vector<16xi32>
      %select_n3A_453 = arith.select %or3A_450, %broadcast_in_dim3A_452, %sub3A_443 : vector<16xi1>, vector<16xi32>
      %swap3A_454 = arith.constant 1 : i32
      %swap3A_455 = arith.index_cast %swap3A_454 : i32 to index
      %swap3A_456 = arith.constant 96 : index
      %swap3A_457 = tpu.vector_load %arg8[%swap3A_455, %swap3A_456] {strides = array<i32>} : memref<2x112xi32, #tpu.memory_space<vmem>>, vector<1x16xi32>,
      %swap3A_458 = vector.shape_cast %swap3A_457 : vector<1x16xi32> to vector<16xi32>
      %swap3A_459 = vector.shape_cast %select_n3A_453 : vector<16xi32> to vector<1x16xi32>
      tpu.vector_store %arg8[%swap3A_455, %swap3A_456], %swap3A_459 {strides = array<i32>} : memref<2x112xi32, #tpu.memory_space<vmem>>, vector<1x16xi32>,
      %ge3A_460 = arith.constant 1 : i32
      %ge3A_461 = arith.cmpi sge, %scan3A_78, %ge3A_460 : i32
      %convert_element_type3A_462 = arith.extui %ge3A_461 : i1 to i32
      %cond3A_463 = arith.constant 0 : i32
      %cond3A_464 = arith.cmpi ne, %convert_element_type3A_462, %cond3A_463 : i32
      scf.if %cond3A_464 {
        %dma_wait3A_897 = arith.constant 0 : i32
        %dma_wait3A_898 = arith.constant 0 : i32
        %dma_wait3A_899 = tpu.memref_slice %arg2[%dma_wait3A_897, %dma_wait3A_898] : memref<50176x64xf32, #tpu.memory_space<hbm>> -> memref<224x64xf32, #tpu.memory_space<hbm>>
        %dma_wait3A_900 = arith.constant 0 : i32
        %dma_wait3A_901 = arith.constant 0 : i32
        %dma_wait3A_902 = tpu.memref_slice %arg2[%dma_wait3A_900, %dma_wait3A_901] : memref<50176x64xf32, #tpu.memory_space<hbm>> -> memref<224x64xf32, #tpu.memory_space<hbm>>
        tpu.wait_dma2 semaphore(%arg15 : memref<!tpu.dma_semaphore, #tpu.memory_space<semaphore_mem>>) src(%dma_wait3A_902 : memref<224x64xf32, #tpu.memory_space<hbm>>) dst(%arg11 : memref<224x64xf32, #tpu.memory_space<vmem>>)
        %dma_start3A_903 = arith.constant 0 : i32
        %dma_start3A_904 = arith.constant 0 : i32
        %dma_start3A_905 = arith.constant 0 : i32
        %dma_start3A_906 = tpu.memref_slice %arg11[%dma_start3A_904, %dma_start3A_905] : memref<224x64xf32, #tpu.memory_space<vmem>> -> memref<112x64xf32, #tpu.memory_space<vmem>>
        %dma_start3A_907 = arith.constant 0 : i32
        %dma_start3A_908 = tpu.memref_slice %arg9[%dma_start3A_903, %dma_start3A_907] : memref<2x112xi32, #tpu.memory_space<vmem>> -> memref<1x112xi32, #tpu.memory_space<vmem>>
        %dma_start3A_909 = tpu.memref_squeeze %dma_start3A_908 : memref<1x112xi32, #tpu.memory_space<vmem>> -> memref<112xi32, #tpu.memory_space<vmem>>
        %dma_start3A_910 = arith.constant 0 : i32
        %dma_start3A_911 = arith.constant 0 : i32
        %dma_start3A_912 = tpu.memref_slice %arg5[%dma_start3A_910, %dma_start3A_911] : memref<25009x64xf32, #tpu.memory_space<vmem_shared>> -> memref<25009x64xf32, #tpu.memory_space<vmem_shared>>
        tpu.enqueue_indirect_dma source(%dma_start3A_906 : memref<112x64xf32, #tpu.memory_space<vmem>>) target(%dma_start3A_912 : memref<25009x64xf32, #tpu.memory_space<vmem_shared>>) offsets(%dma_start3A_909 : memref<112xi32, #tpu.memory_space<vmem>>) semaphore(%arg17 : memref<!tpu.dma_semaphore, #tpu.memory_space<semaphore_mem>>) {add = true}
        %dma_start3A_913 = arith.constant 1 : i32
        %dma_start3A_914 = arith.constant 112 : i32
        %dma_start3A_915 = arith.constant 0 : i32
        %dma_start3A_916 = tpu.memref_slice %arg11[%dma_start3A_914, %dma_start3A_915] : memref<224x64xf32, #tpu.memory_space<vmem>> -> memref<112x64xf32, #tpu.memory_space<vmem>>
        %dma_start3A_917 = arith.constant 0 : i32
        %dma_start3A_918 = tpu.memref_slice %arg9[%dma_start3A_913, %dma_start3A_917] : memref<2x112xi32, #tpu.memory_space<vmem>> -> memref<1x112xi32, #tpu.memory_space<vmem>>
        %dma_start3A_919 = tpu.memref_squeeze %dma_start3A_918 : memref<1x112xi32, #tpu.memory_space<vmem>> -> memref<112xi32, #tpu.memory_space<vmem>>
        %dma_start3A_920 = arith.constant 0 : i32
        %dma_start3A_921 = arith.constant 0 : i32
        %dma_start3A_922 = tpu.memref_slice %arg5[%dma_start3A_920, %dma_start3A_921] : memref<25009x64xf32, #tpu.memory_space<vmem_shared>> -> memref<25009x64xf32, #tpu.memory_space<vmem_shared>>
        tpu.enqueue_indirect_dma source(%dma_start3A_916 : memref<112x64xf32, #tpu.memory_space<vmem>>) target(%dma_start3A_922 : memref<25009x64xf32, #tpu.memory_space<vmem_shared>>) offsets(%dma_start3A_919 : memref<112xi32, #tpu.memory_space<vmem>>) semaphore(%arg17 : memref<!tpu.dma_semaphore, #tpu.memory_space<semaphore_mem>>) {add = true}
      } else {
      }
      %add3A_465 = arith.constant 1 : i32
      %add3A_466 = arith.addi %add3A_83, %add3A_465 : i32
      %mul3A_467 = arith.constant 2 : i32
      %mul3A_468 = arith.muli %mul3A_467, %add3A_466 : i32
      %add3A_469 = arith.addi %mul3A_20, %mul3A_468 : i32
      %dma_start3A_470 = arith.constant 0 : i32
      %dma_start3A_471 = arith.constant 0 : i32
      %dma_start3A_472 = tpu.memref_slice %arg3[%add3A_469, %dma_start3A_470, %dma_start3A_471] : memref<7168x2x112xi32, #tpu.memory_space<hbm>> -> memref<2x2x112xi32, #tpu.memory_space<hbm>>
      %dma_start3A_473 = arith.constant 0 : i32
      %dma_start3A_474 = arith.constant 0 : i32
      %dma_start3A_475 = tpu.memref_slice %arg3[%add3A_469, %dma_start3A_473, %dma_start3A_474] : memref<7168x2x112xi32, #tpu.memory_space<hbm>> -> memref<2x2x112xi32, #tpu.memory_space<hbm>>
      tpu.enqueue_dma source(%dma_start3A_475 : memref<2x2x112xi32, #tpu.memory_space<hbm>>) target(%arg7 : memref<2x2x112xi32, #tpu.memory_space<vmem>>) target_semaphore(%arg13 : memref<!tpu.dma_semaphore, #tpu.memory_space<semaphore_mem>>)
      %mul3A_476 = arith.constant 2 : i32
      %mul3A_477 = arith.muli %scan3A_78, %mul3A_476 : i32
      %add3A_478 = arith.constant 1 : i32
      %add3A_479 = arith.addi %mul3A_477, %add3A_478 : i32
      %dma_wait3A_480 = arith.constant 0 : i32
      %dma_wait3A_481 = arith.constant 0 : i32
      %dma_wait3A_482 = arith.constant 0 : i32
      %dma_wait3A_483 = tpu.memref_slice %arg3[%dma_wait3A_480, %dma_wait3A_481, %dma_wait3A_482] : memref<7168x2x112xi32, #tpu.memory_space<hbm>> -> memref<2x2x112xi32, #tpu.memory_space<hbm>>
      %dma_wait3A_484 = arith.constant 0 : i32
      %dma_wait3A_485 = arith.constant 0 : i32
      %dma_wait3A_486 = arith.constant 0 : i32
      %dma_wait3A_487 = tpu.memref_slice %arg3[%dma_wait3A_484, %dma_wait3A_485, %dma_wait3A_486] : memref<7168x2x112xi32, #tpu.memory_space<hbm>> -> memref<2x2x112xi32, #tpu.memory_space<hbm>>
      tpu.wait_dma2 semaphore(%arg13 : memref<!tpu.dma_semaphore, #tpu.memory_space<semaphore_mem>>) src(%dma_wait3A_487 : memref<2x2x112xi32, #tpu.memory_space<hbm>>) dst(%arg7 : memref<2x2x112xi32, #tpu.memory_space<vmem>>)
      %ge3A_488 = arith.constant 1 : i32
      %ge3A_489 = arith.cmpi sge, %scan3A_78, %ge3A_488 : i32
      %convert_element_type3A_490 = arith.extui %ge3A_489 : i1 to i32
      %cond3A_491 = arith.constant 0 : i32
      %cond3A_492 = arith.cmpi ne, %convert_element_type3A_490, %cond3A_491 : i32
      scf.if %cond3A_492 {
        %dma_wait3A_897 = arith.constant 0 : i32
        %dma_wait3A_898 = arith.constant 0 : i32
        %dma_wait3A_899 = tpu.memref_slice %arg2[%dma_wait3A_897, %dma_wait3A_898] : memref<50176x64xf32, #tpu.memory_space<hbm>> -> memref<224x64xf32, #tpu.memory_space<hbm>>
        %dma_wait3A_900 = arith.constant 0 : i32
        %dma_wait3A_901 = arith.constant 0 : i32
        %dma_wait3A_902 = tpu.memref_slice %arg2[%dma_wait3A_900, %dma_wait3A_901] : memref<50176x64xf32, #tpu.memory_space<hbm>> -> memref<224x64xf32, #tpu.memory_space<hbm>>
        tpu.wait_dma2 semaphore(%arg17 : memref<!tpu.dma_semaphore, #tpu.memory_space<semaphore_mem>>) src(%dma_wait3A_902 : memref<224x64xf32, #tpu.memory_space<hbm>>) dst(%arg11 : memref<224x64xf32, #tpu.memory_space<vmem>>)
      } else {
      }
      %dma_start3A_493 = arith.constant 0 : i32
      %dma_start3A_494 = arith.constant 0 : i32
      %dma_start3A_495 = arith.constant 0 : i32
      %dma_start3A_496 = arith.constant 0 : i32
      %dma_start3A_497 = tpu.memref_slice %arg11[%dma_start3A_495, %dma_start3A_496] : memref<224x64xf32, #tpu.memory_space<vmem>> -> memref<112x64xf32, #tpu.memory_space<vmem>>
      %dma_start3A_498 = arith.constant 0 : i32
      %dma_start3A_499 = tpu.memref_slice %arg7[%dma_start3A_493, %dma_start3A_494, %dma_start3A_498] : memref<2x2x112xi32, #tpu.memory_space<vmem>> -> memref<1x1x112xi32, #tpu.memory_space<vmem>>
      %dma_start3A_500 = tpu.memref_squeeze %dma_start3A_499 : memref<1x1x112xi32, #tpu.memory_space<vmem>> -> memref<112xi32, #tpu.memory_space<vmem>>
      %dma_start3A_501 = arith.constant 0 : i32
      %dma_start3A_502 = arith.constant 0 : i32
      %dma_start3A_503 = tpu.memref_slice %arg2[%dma_start3A_501, %dma_start3A_502] : memref<50176x64xf32, #tpu.memory_space<hbm>> -> memref<50176x64xf32, #tpu.memory_space<hbm>>
      tpu.enqueue_indirect_dma source(%dma_start3A_503 : memref<50176x64xf32, #tpu.memory_space<hbm>>) target(%dma_start3A_497 : memref<112x64xf32, #tpu.memory_space<vmem>>) offsets(%dma_start3A_500 : memref<112xi32, #tpu.memory_space<vmem>>) semaphore(%arg15 : memref<!tpu.dma_semaphore, #tpu.memory_space<semaphore_mem>>)
      %dma_start3A_504 = arith.constant 1 : i32
      %dma_start3A_505 = arith.constant 0 : i32
      %dma_start3A_506 = arith.constant 112 : i32
      %dma_start3A_507 = arith.constant 0 : i32
      %dma_start3A_508 = tpu.memref_slice %arg11[%dma_start3A_506, %dma_start3A_507] : memref<224x64xf32, #tpu.memory_space<vmem>> -> memref<112x64xf32, #tpu.memory_space<vmem>>
      %dma_start3A_509 = arith.constant 0 : i32
      %dma_start3A_510 = tpu.memref_slice %arg7[%dma_start3A_504, %dma_start3A_505, %dma_start3A_509] : memref<2x2x112xi32, #tpu.memory_space<vmem>> -> memref<1x1x112xi32, #tpu.memory_space<vmem>>
      %dma_start3A_511 = tpu.memref_squeeze %dma_start3A_510 : memref<1x1x112xi32, #tpu.memory_space<vmem>> -> memref<112xi32, #tpu.memory_space<vmem>>
      %dma_start3A_512 = arith.constant 0 : i32
      %dma_start3A_513 = arith.constant 0 : i32
      %dma_start3A_514 = tpu.memref_slice %arg2[%dma_start3A_512, %dma_start3A_513] : memref<50176x64xf32, #tpu.memory_space<hbm>> -> memref<50176x64xf32, #tpu.memory_space<hbm>>
      tpu.enqueue_indirect_dma source(%dma_start3A_514 : memref<50176x64xf32, #tpu.memory_space<hbm>>) target(%dma_start3A_508 : memref<112x64xf32, #tpu.memory_space<vmem>>) offsets(%dma_start3A_511 : memref<112xi32, #tpu.memory_space<vmem>>) semaphore(%arg15 : memref<!tpu.dma_semaphore, #tpu.memory_space<semaphore_mem>>)
      %get3A_515 = arith.constant 0 : i32
      %get3A_516 = arith.constant 1 : i32
      %get3A_517 = arith.index_cast %get3A_515 : i32 to index
      %get3A_518 = arith.index_cast %get3A_516 : i32 to index
      %get3A_519 = arith.constant 0 : index
      %get3A_520 = tpu.vector_load %arg7[%get3A_517, %get3A_518, %get3A_519] {strides = array<i32>} : memref<2x2x112xi32, #tpu.memory_space<vmem>>, vector<1x1x16xi32>,
      %get3A_521 = vector.shape_cast %get3A_520 : vector<1x1x16xi32> to vector<16xi32>
      %sub3A_522 = vector.broadcast %mul3A_0 : i32 to vector<16xi32>
      %sub3A_523 = arith.subi %get3A_521, %sub3A_522 : vector<16xi32>
      %lt3A_524 = arith.constant 0 : i32
      %lt3A_525 = vector.broadcast %lt3A_524 : i32 to vector<16xi32>
      %lt3A_526 = arith.cmpi slt, %sub3A_523, %lt3A_525 : vector<16xi32>
      %ge3A_527 = arith.constant 25008 : i32
      %ge3A_528 = vector.broadcast %ge3A_527 : i32 to vector<16xi32>
      %ge3A_529 = arith.cmpi sge, %sub3A_523, %ge3A_528 : vector<16xi32>
      %or3A_530 = arith.ori %lt3A_526, %ge3A_529 : vector<16xi1>
      %jit3A_531 = arith.constant 25008 : i32
      %broadcast_in_dim3A_532 = vector.broadcast %jit3A_531 : i32 to vector<16xi32>
      %select_n3A_533 = arith.select %or3A_530, %broadcast_in_dim3A_532, %sub3A_523 : vector<16xi1>, vector<16xi32>
      %swap3A_534 = arith.constant 0 : i32
      %swap3A_535 = arith.index_cast %swap3A_534 : i32 to index
      %swap3A_536 = arith.constant 0 : index
      %swap3A_537 = tpu.vector_load %arg9[%swap3A_535, %swap3A_536] {strides = array<i32>} : memref<2x112xi32, #tpu.memory_space<vmem>>, vector<1x16xi32>,
      %swap3A_538 = vector.shape_cast %swap3A_537 : vector<1x16xi32> to vector<16xi32>
      %swap3A_539 = vector.shape_cast %select_n3A_533 : vector<16xi32> to vector<1x16xi32>
      tpu.vector_store %arg9[%swap3A_535, %swap3A_536], %swap3A_539 {strides = array<i32>} : memref<2x112xi32, #tpu.memory_space<vmem>>, vector<1x16xi32>,
      %get3A_540 = arith.constant 0 : i32
      %get3A_541 = arith.constant 1 : i32
      %get3A_542 = arith.index_cast %get3A_540 : i32 to index
      %get3A_543 = arith.index_cast %get3A_541 : i32 to index
      %get3A_544 = arith.constant 16 : index
      %get3A_545 = tpu.vector_load %arg7[%get3A_542, %get3A_543, %get3A_544] {strides = array<i32>} : memref<2x2x112xi32, #tpu.memory_space<vmem>>, vector<1x1x16xi32>,
      %get3A_546 = vector.shape_cast %get3A_545 : vector<1x1x16xi32> to vector<16xi32>
      %sub3A_547 = vector.broadcast %mul3A_0 : i32 to vector<16xi32>
      %sub3A_548 = arith.subi %get3A_546, %sub3A_547 : vector<16xi32>
      %lt3A_549 = arith.constant 0 : i32
      %lt3A_550 = vector.broadcast %lt3A_549 : i32 to vector<16xi32>
      %lt3A_551 = arith.cmpi slt, %sub3A_548, %lt3A_550 : vector<16xi32>
      %ge3A_552 = arith.constant 25008 : i32
      %ge3A_553 = vector.broadcast %ge3A_552 : i32 to vector<16xi32>
      %ge3A_554 = arith.cmpi sge, %sub3A_548, %ge3A_553 : vector<16xi32>
      %or3A_555 = arith.ori %lt3A_551, %ge3A_554 : vector<16xi1>
      %jit3A_556 = arith.constant 25008 : i32
      %broadcast_in_dim3A_557 = vector.broadcast %jit3A_556 : i32 to vector<16xi32>
      %select_n3A_558 = arith.select %or3A_555, %broadcast_in_dim3A_557, %sub3A_548 : vector<16xi1>, vector<16xi32>
      %swap3A_559 = arith.constant 0 : i32
      %swap3A_560 = arith.index_cast %swap3A_559 : i32 to index
      %swap3A_561 = arith.constant 16 : index
      %swap3A_562 = tpu.vector_load %arg9[%swap3A_560, %swap3A_561] {strides = array<i32>} : memref<2x112xi32, #tpu.memory_space<vmem>>, vector<1x16xi32>,
      %swap3A_563 = vector.shape_cast %swap3A_562 : vector<1x16xi32> to vector<16xi32>
      %swap3A_564 = vector.shape_cast %select_n3A_558 : vector<16xi32> to vector<1x16xi32>
      tpu.vector_store %arg9[%swap3A_560, %swap3A_561], %swap3A_564 {strides = array<i32>} : memref<2x112xi32, #tpu.memory_space<vmem>>, vector<1x16xi32>,
      %get3A_565 = arith.constant 0 : i32
      %get3A_566 = arith.constant 1 : i32
      %get3A_567 = arith.index_cast %get3A_565 : i32 to index
      %get3A_568 = arith.index_cast %get3A_566 : i32 to index
      %get3A_569 = arith.constant 32 : index
      %get3A_570 = tpu.vector_load %arg7[%get3A_567, %get3A_568, %get3A_569] {strides = array<i32>} : memref<2x2x112xi32, #tpu.memory_space<vmem>>, vector<1x1x16xi32>,
      %get3A_571 = vector.shape_cast %get3A_570 : vector<1x1x16xi32> to vector<16xi32>
      %sub3A_572 = vector.broadcast %mul3A_0 : i32 to vector<16xi32>
      %sub3A_573 = arith.subi %get3A_571, %sub3A_572 : vector<16xi32>
      %lt3A_574 = arith.constant 0 : i32
      %lt3A_575 = vector.broadcast %lt3A_574 : i32 to vector<16xi32>
      %lt3A_576 = arith.cmpi slt, %sub3A_573, %lt3A_575 : vector<16xi32>
      %ge3A_577 = arith.constant 25008 : i32
      %ge3A_578 = vector.broadcast %ge3A_577 : i32 to vector<16xi32>
      %ge3A_579 = arith.cmpi sge, %sub3A_573, %ge3A_578 : vector<16xi32>
      %or3A_580 = arith.ori %lt3A_576, %ge3A_579 : vector<16xi1>
      %jit3A_581 = arith.constant 25008 : i32
      %broadcast_in_dim3A_582 = vector.broadcast %jit3A_581 : i32 to vector<16xi32>
      %select_n3A_583 = arith.select %or3A_580, %broadcast_in_dim3A_582, %sub3A_573 : vector<16xi1>, vector<16xi32>
      %swap3A_584 = arith.constant 0 : i32
      %swap3A_585 = arith.index_cast %swap3A_584 : i32 to index
      %swap3A_586 = arith.constant 32 : index
      %swap3A_587 = tpu.vector_load %arg9[%swap3A_585, %swap3A_586] {strides = array<i32>} : memref<2x112xi32, #tpu.memory_space<vmem>>, vector<1x16xi32>,
      %swap3A_588 = vector.shape_cast %swap3A_587 : vector<1x16xi32> to vector<16xi32>
      %swap3A_589 = vector.shape_cast %select_n3A_583 : vector<16xi32> to vector<1x16xi32>
      tpu.vector_store %arg9[%swap3A_585, %swap3A_586], %swap3A_589 {strides = array<i32>} : memref<2x112xi32, #tpu.memory_space<vmem>>, vector<1x16xi32>,
      %get3A_590 = arith.constant 0 : i32
      %get3A_591 = arith.constant 1 : i32
      %get3A_592 = arith.index_cast %get3A_590 : i32 to index
      %get3A_593 = arith.index_cast %get3A_591 : i32 to index
      %get3A_594 = arith.constant 48 : index
      %get3A_595 = tpu.vector_load %arg7[%get3A_592, %get3A_593, %get3A_594] {strides = array<i32>} : memref<2x2x112xi32, #tpu.memory_space<vmem>>, vector<1x1x16xi32>,
      %get3A_596 = vector.shape_cast %get3A_595 : vector<1x1x16xi32> to vector<16xi32>
      %sub3A_597 = vector.broadcast %mul3A_0 : i32 to vector<16xi32>
      %sub3A_598 = arith.subi %get3A_596, %sub3A_597 : vector<16xi32>
      %lt3A_599 = arith.constant 0 : i32
      %lt3A_600 = vector.broadcast %lt3A_599 : i32 to vector<16xi32>
      %lt3A_601 = arith.cmpi slt, %sub3A_598, %lt3A_600 : vector<16xi32>
      %ge3A_602 = arith.constant 25008 : i32
      %ge3A_603 = vector.broadcast %ge3A_602 : i32 to vector<16xi32>
      %ge3A_604 = arith.cmpi sge, %sub3A_598, %ge3A_603 : vector<16xi32>
      %or3A_605 = arith.ori %lt3A_601, %ge3A_604 : vector<16xi1>
      %jit3A_606 = arith.constant 25008 : i32
      %broadcast_in_dim3A_607 = vector.broadcast %jit3A_606 : i32 to vector<16xi32>
      %select_n3A_608 = arith.select %or3A_605, %broadcast_in_dim3A_607, %sub3A_598 : vector<16xi1>, vector<16xi32>
      %swap3A_609 = arith.constant 0 : i32
      %swap3A_610 = arith.index_cast %swap3A_609 : i32 to index
      %swap3A_611 = arith.constant 48 : index
      %swap3A_612 = tpu.vector_load %arg9[%swap3A_610, %swap3A_611] {strides = array<i32>} : memref<2x112xi32, #tpu.memory_space<vmem>>, vector<1x16xi32>,
      %swap3A_613 = vector.shape_cast %swap3A_612 : vector<1x16xi32> to vector<16xi32>
      %swap3A_614 = vector.shape_cast %select_n3A_608 : vector<16xi32> to vector<1x16xi32>
      tpu.vector_store %arg9[%swap3A_610, %swap3A_611], %swap3A_614 {strides = array<i32>} : memref<2x112xi32, #tpu.memory_space<vmem>>, vector<1x16xi32>,
      %get3A_615 = arith.constant 0 : i32
      %get3A_616 = arith.constant 1 : i32
      %get3A_617 = arith.index_cast %get3A_615 : i32 to index
      %get3A_618 = arith.index_cast %get3A_616 : i32 to index
      %get3A_619 = arith.constant 64 : index
      %get3A_620 = tpu.vector_load %arg7[%get3A_617, %get3A_618, %get3A_619] {strides = array<i32>} : memref<2x2x112xi32, #tpu.memory_space<vmem>>, vector<1x1x16xi32>,
      %get3A_621 = vector.shape_cast %get3A_620 : vector<1x1x16xi32> to vector<16xi32>
      %sub3A_622 = vector.broadcast %mul3A_0 : i32 to vector<16xi32>
      %sub3A_623 = arith.subi %get3A_621, %sub3A_622 : vector<16xi32>
      %lt3A_624 = arith.constant 0 : i32
      %lt3A_625 = vector.broadcast %lt3A_624 : i32 to vector<16xi32>
      %lt3A_626 = arith.cmpi slt, %sub3A_623, %lt3A_625 : vector<16xi32>
      %ge3A_627 = arith.constant 25008 : i32
      %ge3A_628 = vector.broadcast %ge3A_627 : i32 to vector<16xi32>
      %ge3A_629 = arith.cmpi sge, %sub3A_623, %ge3A_628 : vector<16xi32>
      %or3A_630 = arith.ori %lt3A_626, %ge3A_629 : vector<16xi1>
      %jit3A_631 = arith.constant 25008 : i32
      %broadcast_in_dim3A_632 = vector.broadcast %jit3A_631 : i32 to vector<16xi32>
      %select_n3A_633 = arith.select %or3A_630, %broadcast_in_dim3A_632, %sub3A_623 : vector<16xi1>, vector<16xi32>
      %swap3A_634 = arith.constant 0 : i32
      %swap3A_635 = arith.index_cast %swap3A_634 : i32 to index
      %swap3A_636 = arith.constant 64 : index
      %swap3A_637 = tpu.vector_load %arg9[%swap3A_635, %swap3A_636] {strides = array<i32>} : memref<2x112xi32, #tpu.memory_space<vmem>>, vector<1x16xi32>,
      %swap3A_638 = vector.shape_cast %swap3A_637 : vector<1x16xi32> to vector<16xi32>
      %swap3A_639 = vector.shape_cast %select_n3A_633 : vector<16xi32> to vector<1x16xi32>
      tpu.vector_store %arg9[%swap3A_635, %swap3A_636], %swap3A_639 {strides = array<i32>} : memref<2x112xi32, #tpu.memory_space<vmem>>, vector<1x16xi32>,
      %get3A_640 = arith.constant 0 : i32
      %get3A_641 = arith.constant 1 : i32
      %get3A_642 = arith.index_cast %get3A_640 : i32 to index
      %get3A_643 = arith.index_cast %get3A_641 : i32 to index
      %get3A_644 = arith.constant 80 : index
      %get3A_645 = tpu.vector_load %arg7[%get3A_642, %get3A_643, %get3A_644] {strides = array<i32>} : memref<2x2x112xi32, #tpu.memory_space<vmem>>, vector<1x1x16xi32>,
      %get3A_646 = vector.shape_cast %get3A_645 : vector<1x1x16xi32> to vector<16xi32>
      %sub3A_647 = vector.broadcast %mul3A_0 : i32 to vector<16xi32>
      %sub3A_648 = arith.subi %get3A_646, %sub3A_647 : vector<16xi32>
      %lt3A_649 = arith.constant 0 : i32
      %lt3A_650 = vector.broadcast %lt3A_649 : i32 to vector<16xi32>
      %lt3A_651 = arith.cmpi slt, %sub3A_648, %lt3A_650 : vector<16xi32>
      %ge3A_652 = arith.constant 25008 : i32
      %ge3A_653 = vector.broadcast %ge3A_652 : i32 to vector<16xi32>
      %ge3A_654 = arith.cmpi sge, %sub3A_648, %ge3A_653 : vector<16xi32>
      %or3A_655 = arith.ori %lt3A_651, %ge3A_654 : vector<16xi1>
      %jit3A_656 = arith.constant 25008 : i32
      %broadcast_in_dim3A_657 = vector.broadcast %jit3A_656 : i32 to vector<16xi32>
      %select_n3A_658 = arith.select %or3A_655, %broadcast_in_dim3A_657, %sub3A_648 : vector<16xi1>, vector<16xi32>
      %swap3A_659 = arith.constant 0 : i32
      %swap3A_660 = arith.index_cast %swap3A_659 : i32 to index
      %swap3A_661 = arith.constant 80 : index
      %swap3A_662 = tpu.vector_load %arg9[%swap3A_660, %swap3A_661] {strides = array<i32>} : memref<2x112xi32, #tpu.memory_space<vmem>>, vector<1x16xi32>,
      %swap3A_663 = vector.shape_cast %swap3A_662 : vector<1x16xi32> to vector<16xi32>
      %swap3A_664 = vector.shape_cast %select_n3A_658 : vector<16xi32> to vector<1x16xi32>
      tpu.vector_store %arg9[%swap3A_660, %swap3A_661], %swap3A_664 {strides = array<i32>} : memref<2x112xi32, #tpu.memory_space<vmem>>, vector<1x16xi32>,
      %get3A_665 = arith.constant 0 : i32
      %get3A_666 = arith.constant 1 : i32
      %get3A_667 = arith.index_cast %get3A_665 : i32 to index
      %get3A_668 = arith.index_cast %get3A_666 : i32 to index
      %get3A_669 = arith.constant 96 : index
      %get3A_670 = tpu.vector_load %arg7[%get3A_667, %get3A_668, %get3A_669] {strides = array<i32>} : memref<2x2x112xi32, #tpu.memory_space<vmem>>, vector<1x1x16xi32>,
      %get3A_671 = vector.shape_cast %get3A_670 : vector<1x1x16xi32> to vector<16xi32>
      %sub3A_672 = vector.broadcast %mul3A_0 : i32 to vector<16xi32>
      %sub3A_673 = arith.subi %get3A_671, %sub3A_672 : vector<16xi32>
      %lt3A_674 = arith.constant 0 : i32
      %lt3A_675 = vector.broadcast %lt3A_674 : i32 to vector<16xi32>
      %lt3A_676 = arith.cmpi slt, %sub3A_673, %lt3A_675 : vector<16xi32>
      %ge3A_677 = arith.constant 25008 : i32
      %ge3A_678 = vector.broadcast %ge3A_677 : i32 to vector<16xi32>
      %ge3A_679 = arith.cmpi sge, %sub3A_673, %ge3A_678 : vector<16xi32>
      %or3A_680 = arith.ori %lt3A_676, %ge3A_679 : vector<16xi1>
      %jit3A_681 = arith.constant 25008 : i32
      %broadcast_in_dim3A_682 = vector.broadcast %jit3A_681 : i32 to vector<16xi32>
      %select_n3A_683 = arith.select %or3A_680, %broadcast_in_dim3A_682, %sub3A_673 : vector<16xi1>, vector<16xi32>
      %swap3A_684 = arith.constant 0 : i32
      %swap3A_685 = arith.index_cast %swap3A_684 : i32 to index
      %swap3A_686 = arith.constant 96 : index
      %swap3A_687 = tpu.vector_load %arg9[%swap3A_685, %swap3A_686] {strides = array<i32>} : memref<2x112xi32, #tpu.memory_space<vmem>>, vector<1x16xi32>,
      %swap3A_688 = vector.shape_cast %swap3A_687 : vector<1x16xi32> to vector<16xi32>
      %swap3A_689 = vector.shape_cast %select_n3A_683 : vector<16xi32> to vector<1x16xi32>
      tpu.vector_store %arg9[%swap3A_685, %swap3A_686], %swap3A_689 {strides = array<i32>} : memref<2x112xi32, #tpu.memory_space<vmem>>, vector<1x16xi32>,
      %get3A_690 = arith.constant 1 : i32
      %get3A_691 = arith.constant 1 : i32
      %get3A_692 = arith.index_cast %get3A_690 : i32 to index
      %get3A_693 = arith.index_cast %get3A_691 : i32 to index
      %get3A_694 = arith.constant 0 : index
      %get3A_695 = tpu.vector_load %arg7[%get3A_692, %get3A_693, %get3A_694] {strides = array<i32>} : memref<2x2x112xi32, #tpu.memory_space<vmem>>, vector<1x1x16xi32>,
      %get3A_696 = vector.shape_cast %get3A_695 : vector<1x1x16xi32> to vector<16xi32>
      %sub3A_697 = vector.broadcast %mul3A_0 : i32 to vector<16xi32>
      %sub3A_698 = arith.subi %get3A_696, %sub3A_697 : vector<16xi32>
      %lt3A_699 = arith.constant 0 : i32
      %lt3A_700 = vector.broadcast %lt3A_699 : i32 to vector<16xi32>
      %lt3A_701 = arith.cmpi slt, %sub3A_698, %lt3A_700 : vector<16xi32>
      %ge3A_702 = arith.constant 25008 : i32
      %ge3A_703 = vector.broadcast %ge3A_702 : i32 to vector<16xi32>
      %ge3A_704 = arith.cmpi sge, %sub3A_698, %ge3A_703 : vector<16xi32>
      %or3A_705 = arith.ori %lt3A_701, %ge3A_704 : vector<16xi1>
      %jit3A_706 = arith.constant 25008 : i32
      %broadcast_in_dim3A_707 = vector.broadcast %jit3A_706 : i32 to vector<16xi32>
      %select_n3A_708 = arith.select %or3A_705, %broadcast_in_dim3A_707, %sub3A_698 : vector<16xi1>, vector<16xi32>
      %swap3A_709 = arith.constant 1 : i32
      %swap3A_710 = arith.index_cast %swap3A_709 : i32 to index
      %swap3A_711 = arith.constant 0 : index
      %swap3A_712 = tpu.vector_load %arg9[%swap3A_710, %swap3A_711] {strides = array<i32>} : memref<2x112xi32, #tpu.memory_space<vmem>>, vector<1x16xi32>,
      %swap3A_713 = vector.shape_cast %swap3A_712 : vector<1x16xi32> to vector<16xi32>
      %swap3A_714 = vector.shape_cast %select_n3A_708 : vector<16xi32> to vector<1x16xi32>
      tpu.vector_store %arg9[%swap3A_710, %swap3A_711], %swap3A_714 {strides = array<i32>} : memref<2x112xi32, #tpu.memory_space<vmem>>, vector<1x16xi32>,
      %get3A_715 = arith.constant 1 : i32
      %get3A_716 = arith.constant 1 : i32
      %get3A_717 = arith.index_cast %get3A_715 : i32 to index
      %get3A_718 = arith.index_cast %get3A_716 : i32 to index
      %get3A_719 = arith.constant 16 : index
      %get3A_720 = tpu.vector_load %arg7[%get3A_717, %get3A_718, %get3A_719] {strides = array<i32>} : memref<2x2x112xi32, #tpu.memory_space<vmem>>, vector<1x1x16xi32>,
      %get3A_721 = vector.shape_cast %get3A_720 : vector<1x1x16xi32> to vector<16xi32>
      %sub3A_722 = vector.broadcast %mul3A_0 : i32 to vector<16xi32>
      %sub3A_723 = arith.subi %get3A_721, %sub3A_722 : vector<16xi32>
      %lt3A_724 = arith.constant 0 : i32
      %lt3A_725 = vector.broadcast %lt3A_724 : i32 to vector<16xi32>
      %lt3A_726 = arith.cmpi slt, %sub3A_723, %lt3A_725 : vector<16xi32>
      %ge3A_727 = arith.constant 25008 : i32
      %ge3A_728 = vector.broadcast %ge3A_727 : i32 to vector<16xi32>
      %ge3A_729 = arith.cmpi sge, %sub3A_723, %ge3A_728 : vector<16xi32>
      %or3A_730 = arith.ori %lt3A_726, %ge3A_729 : vector<16xi1>
      %jit3A_731 = arith.constant 25008 : i32
      %broadcast_in_dim3A_732 = vector.broadcast %jit3A_731 : i32 to vector<16xi32>
      %select_n3A_733 = arith.select %or3A_730, %broadcast_in_dim3A_732, %sub3A_723 : vector<16xi1>, vector<16xi32>
      %swap3A_734 = arith.constant 1 : i32
      %swap3A_735 = arith.index_cast %swap3A_734 : i32 to index
      %swap3A_736 = arith.constant 16 : index
      %swap3A_737 = tpu.vector_load %arg9[%swap3A_735, %swap3A_736] {strides = array<i32>} : memref<2x112xi32, #tpu.memory_space<vmem>>, vector<1x16xi32>,
      %swap3A_738 = vector.shape_cast %swap3A_737 : vector<1x16xi32> to vector<16xi32>
      %swap3A_739 = vector.shape_cast %select_n3A_733 : vector<16xi32> to vector<1x16xi32>
      tpu.vector_store %arg9[%swap3A_735, %swap3A_736], %swap3A_739 {strides = array<i32>} : memref<2x112xi32, #tpu.memory_space<vmem>>, vector<1x16xi32>,
      %get3A_740 = arith.constant 1 : i32
      %get3A_741 = arith.constant 1 : i32
      %get3A_742 = arith.index_cast %get3A_740 : i32 to index
      %get3A_743 = arith.index_cast %get3A_741 : i32 to index
      %get3A_744 = arith.constant 32 : index
      %get3A_745 = tpu.vector_load %arg7[%get3A_742, %get3A_743, %get3A_744] {strides = array<i32>} : memref<2x2x112xi32, #tpu.memory_space<vmem>>, vector<1x1x16xi32>,
      %get3A_746 = vector.shape_cast %get3A_745 : vector<1x1x16xi32> to vector<16xi32>
      %sub3A_747 = vector.broadcast %mul3A_0 : i32 to vector<16xi32>
      %sub3A_748 = arith.subi %get3A_746, %sub3A_747 : vector<16xi32>
      %lt3A_749 = arith.constant 0 : i32
      %lt3A_750 = vector.broadcast %lt3A_749 : i32 to vector<16xi32>
      %lt3A_751 = arith.cmpi slt, %sub3A_748, %lt3A_750 : vector<16xi32>
      %ge3A_752 = arith.constant 25008 : i32
      %ge3A_753 = vector.broadcast %ge3A_752 : i32 to vector<16xi32>
      %ge3A_754 = arith.cmpi sge, %sub3A_748, %ge3A_753 : vector<16xi32>
      %or3A_755 = arith.ori %lt3A_751, %ge3A_754 : vector<16xi1>
      %jit3A_756 = arith.constant 25008 : i32
      %broadcast_in_dim3A_757 = vector.broadcast %jit3A_756 : i32 to vector<16xi32>
      %select_n3A_758 = arith.select %or3A_755, %broadcast_in_dim3A_757, %sub3A_748 : vector<16xi1>, vector<16xi32>
      %swap3A_759 = arith.constant 1 : i32
      %swap3A_760 = arith.index_cast %swap3A_759 : i32 to index
      %swap3A_761 = arith.constant 32 : index
      %swap3A_762 = tpu.vector_load %arg9[%swap3A_760, %swap3A_761] {strides = array<i32>} : memref<2x112xi32, #tpu.memory_space<vmem>>, vector<1x16xi32>,
      %swap3A_763 = vector.shape_cast %swap3A_762 : vector<1x16xi32> to vector<16xi32>
      %swap3A_764 = vector.shape_cast %select_n3A_758 : vector<16xi32> to vector<1x16xi32>
      tpu.vector_store %arg9[%swap3A_760, %swap3A_761], %swap3A_764 {strides = array<i32>} : memref<2x112xi32, #tpu.memory_space<vmem>>, vector<1x16xi32>,
      %get3A_765 = arith.constant 1 : i32
      %get3A_766 = arith.constant 1 : i32
      %get3A_767 = arith.index_cast %get3A_765 : i32 to index
      %get3A_768 = arith.index_cast %get3A_766 : i32 to index
      %get3A_769 = arith.constant 48 : index
      %get3A_770 = tpu.vector_load %arg7[%get3A_767, %get3A_768, %get3A_769] {strides = array<i32>} : memref<2x2x112xi32, #tpu.memory_space<vmem>>, vector<1x1x16xi32>,
      %get3A_771 = vector.shape_cast %get3A_770 : vector<1x1x16xi32> to vector<16xi32>
      %sub3A_772 = vector.broadcast %mul3A_0 : i32 to vector<16xi32>
      %sub3A_773 = arith.subi %get3A_771, %sub3A_772 : vector<16xi32>
      %lt3A_774 = arith.constant 0 : i32
      %lt3A_775 = vector.broadcast %lt3A_774 : i32 to vector<16xi32>
      %lt3A_776 = arith.cmpi slt, %sub3A_773, %lt3A_775 : vector<16xi32>
      %ge3A_777 = arith.constant 25008 : i32
      %ge3A_778 = vector.broadcast %ge3A_777 : i32 to vector<16xi32>
      %ge3A_779 = arith.cmpi sge, %sub3A_773, %ge3A_778 : vector<16xi32>
      %or3A_780 = arith.ori %lt3A_776, %ge3A_779 : vector<16xi1>
      %jit3A_781 = arith.constant 25008 : i32
      %broadcast_in_dim3A_782 = vector.broadcast %jit3A_781 : i32 to vector<16xi32>
      %select_n3A_783 = arith.select %or3A_780, %broadcast_in_dim3A_782, %sub3A_773 : vector<16xi1>, vector<16xi32>
      %swap3A_784 = arith.constant 1 : i32
      %swap3A_785 = arith.index_cast %swap3A_784 : i32 to index
      %swap3A_786 = arith.constant 48 : index
      %swap3A_787 = tpu.vector_load %arg9[%swap3A_785, %swap3A_786] {strides = array<i32>} : memref<2x112xi32, #tpu.memory_space<vmem>>, vector<1x16xi32>,
      %swap3A_788 = vector.shape_cast %swap3A_787 : vector<1x16xi32> to vector<16xi32>
      %swap3A_789 = vector.shape_cast %select_n3A_783 : vector<16xi32> to vector<1x16xi32>
      tpu.vector_store %arg9[%swap3A_785, %swap3A_786], %swap3A_789 {strides = array<i32>} : memref<2x112xi32, #tpu.memory_space<vmem>>, vector<1x16xi32>,
      %get3A_790 = arith.constant 1 : i32
      %get3A_791 = arith.constant 1 : i32
      %get3A_792 = arith.index_cast %get3A_790 : i32 to index
      %get3A_793 = arith.index_cast %get3A_791 : i32 to index
      %get3A_794 = arith.constant 64 : index
      %get3A_795 = tpu.vector_load %arg7[%get3A_792, %get3A_793, %get3A_794] {strides = array<i32>} : memref<2x2x112xi32, #tpu.memory_space<vmem>>, vector<1x1x16xi32>,
      %get3A_796 = vector.shape_cast %get3A_795 : vector<1x1x16xi32> to vector<16xi32>
      %sub3A_797 = vector.broadcast %mul3A_0 : i32 to vector<16xi32>
      %sub3A_798 = arith.subi %get3A_796, %sub3A_797 : vector<16xi32>
      %lt3A_799 = arith.constant 0 : i32
      %lt3A_800 = vector.broadcast %lt3A_799 : i32 to vector<16xi32>
      %lt3A_801 = arith.cmpi slt, %sub3A_798, %lt3A_800 : vector<16xi32>
      %ge3A_802 = arith.constant 25008 : i32
      %ge3A_803 = vector.broadcast %ge3A_802 : i32 to vector<16xi32>
      %ge3A_804 = arith.cmpi sge, %sub3A_798, %ge3A_803 : vector<16xi32>
      %or3A_805 = arith.ori %lt3A_801, %ge3A_804 : vector<16xi1>
      %jit3A_806 = arith.constant 25008 : i32
      %broadcast_in_dim3A_807 = vector.broadcast %jit3A_806 : i32 to vector<16xi32>
      %select_n3A_808 = arith.select %or3A_805, %broadcast_in_dim3A_807, %sub3A_798 : vector<16xi1>, vector<16xi32>
      %swap3A_809 = arith.constant 1 : i32
      %swap3A_810 = arith.index_cast %swap3A_809 : i32 to index
      %swap3A_811 = arith.constant 64 : index
      %swap3A_812 = tpu.vector_load %arg9[%swap3A_810, %swap3A_811] {strides = array<i32>} : memref<2x112xi32, #tpu.memory_space<vmem>>, vector<1x16xi32>,
      %swap3A_813 = vector.shape_cast %swap3A_812 : vector<1x16xi32> to vector<16xi32>
      %swap3A_814 = vector.shape_cast %select_n3A_808 : vector<16xi32> to vector<1x16xi32>
      tpu.vector_store %arg9[%swap3A_810, %swap3A_811], %swap3A_814 {strides = array<i32>} : memref<2x112xi32, #tpu.memory_space<vmem>>, vector<1x16xi32>,
      %get3A_815 = arith.constant 1 : i32
      %get3A_816 = arith.constant 1 : i32
      %get3A_817 = arith.index_cast %get3A_815 : i32 to index
      %get3A_818 = arith.index_cast %get3A_816 : i32 to index
      %get3A_819 = arith.constant 80 : index
      %get3A_820 = tpu.vector_load %arg7[%get3A_817, %get3A_818, %get3A_819] {strides = array<i32>} : memref<2x2x112xi32, #tpu.memory_space<vmem>>, vector<1x1x16xi32>,
      %get3A_821 = vector.shape_cast %get3A_820 : vector<1x1x16xi32> to vector<16xi32>
      %sub3A_822 = vector.broadcast %mul3A_0 : i32 to vector<16xi32>
      %sub3A_823 = arith.subi %get3A_821, %sub3A_822 : vector<16xi32>
      %lt3A_824 = arith.constant 0 : i32
      %lt3A_825 = vector.broadcast %lt3A_824 : i32 to vector<16xi32>
      %lt3A_826 = arith.cmpi slt, %sub3A_823, %lt3A_825 : vector<16xi32>
      %ge3A_827 = arith.constant 25008 : i32
      %ge3A_828 = vector.broadcast %ge3A_827 : i32 to vector<16xi32>
      %ge3A_829 = arith.cmpi sge, %sub3A_823, %ge3A_828 : vector<16xi32>
      %or3A_830 = arith.ori %lt3A_826, %ge3A_829 : vector<16xi1>
      %jit3A_831 = arith.constant 25008 : i32
      %broadcast_in_dim3A_832 = vector.broadcast %jit3A_831 : i32 to vector<16xi32>
      %select_n3A_833 = arith.select %or3A_830, %broadcast_in_dim3A_832, %sub3A_823 : vector<16xi1>, vector<16xi32>
      %swap3A_834 = arith.constant 1 : i32
      %swap3A_835 = arith.index_cast %swap3A_834 : i32 to index
      %swap3A_836 = arith.constant 80 : index
      %swap3A_837 = tpu.vector_load %arg9[%swap3A_835, %swap3A_836] {strides = array<i32>} : memref<2x112xi32, #tpu.memory_space<vmem>>, vector<1x16xi32>,
      %swap3A_838 = vector.shape_cast %swap3A_837 : vector<1x16xi32> to vector<16xi32>
      %swap3A_839 = vector.shape_cast %select_n3A_833 : vector<16xi32> to vector<1x16xi32>
      tpu.vector_store %arg9[%swap3A_835, %swap3A_836], %swap3A_839 {strides = array<i32>} : memref<2x112xi32, #tpu.memory_space<vmem>>, vector<1x16xi32>,
      %get3A_840 = arith.constant 1 : i32
      %get3A_841 = arith.constant 1 : i32
      %get3A_842 = arith.index_cast %get3A_840 : i32 to index
      %get3A_843 = arith.index_cast %get3A_841 : i32 to index
      %get3A_844 = arith.constant 96 : index
      %get3A_845 = tpu.vector_load %arg7[%get3A_842, %get3A_843, %get3A_844] {strides = array<i32>} : memref<2x2x112xi32, #tpu.memory_space<vmem>>, vector<1x1x16xi32>,
      %get3A_846 = vector.shape_cast %get3A_845 : vector<1x1x16xi32> to vector<16xi32>
      %sub3A_847 = vector.broadcast %mul3A_0 : i32 to vector<16xi32>
      %sub3A_848 = arith.subi %get3A_846, %sub3A_847 : vector<16xi32>
      %lt3A_849 = arith.constant 0 : i32
      %lt3A_850 = vector.broadcast %lt3A_849 : i32 to vector<16xi32>
      %lt3A_851 = arith.cmpi slt, %sub3A_848, %lt3A_850 : vector<16xi32>
      %ge3A_852 = arith.constant 25008 : i32
      %ge3A_853 = vector.broadcast %ge3A_852 : i32 to vector<16xi32>
      %ge3A_854 = arith.cmpi sge, %sub3A_848, %ge3A_853 : vector<16xi32>
      %or3A_855 = arith.ori %lt3A_851, %ge3A_854 : vector<16xi1>
      %jit3A_856 = arith.constant 25008 : i32
      %broadcast_in_dim3A_857 = vector.broadcast %jit3A_856 : i32 to vector<16xi32>
      %select_n3A_858 = arith.select %or3A_855, %broadcast_in_dim3A_857, %sub3A_848 : vector<16xi1>, vector<16xi32>
      %swap3A_859 = arith.constant 1 : i32
      %swap3A_860 = arith.index_cast %swap3A_859 : i32 to index
      %swap3A_861 = arith.constant 96 : index
      %swap3A_862 = tpu.vector_load %arg9[%swap3A_860, %swap3A_861] {strides = array<i32>} : memref<2x112xi32, #tpu.memory_space<vmem>>, vector<1x16xi32>,
      %swap3A_863 = vector.shape_cast %swap3A_862 : vector<1x16xi32> to vector<16xi32>
      %swap3A_864 = vector.shape_cast %select_n3A_858 : vector<16xi32> to vector<1x16xi32>
      tpu.vector_store %arg9[%swap3A_860, %swap3A_861], %swap3A_864 {strides = array<i32>} : memref<2x112xi32, #tpu.memory_space<vmem>>, vector<1x16xi32>,
      %dma_wait3A_865 = arith.constant 0 : i32
      %dma_wait3A_866 = arith.constant 0 : i32
      %dma_wait3A_867 = tpu.memref_slice %arg2[%dma_wait3A_865, %dma_wait3A_866] : memref<50176x64xf32, #tpu.memory_space<hbm>> -> memref<224x64xf32, #tpu.memory_space<hbm>>
      %dma_wait3A_868 = arith.constant 0 : i32
      %dma_wait3A_869 = arith.constant 0 : i32
      %dma_wait3A_870 = tpu.memref_slice %arg2[%dma_wait3A_868, %dma_wait3A_869] : memref<50176x64xf32, #tpu.memory_space<hbm>> -> memref<224x64xf32, #tpu.memory_space<hbm>>
      tpu.wait_dma2 semaphore(%arg14 : memref<!tpu.dma_semaphore, #tpu.memory_space<semaphore_mem>>) src(%dma_wait3A_870 : memref<224x64xf32, #tpu.memory_space<hbm>>) dst(%arg10 : memref<224x64xf32, #tpu.memory_space<vmem>>)
      %dma_start3A_871 = arith.constant 0 : i32
      %dma_start3A_872 = arith.constant 0 : i32
      %dma_start3A_873 = arith.constant 0 : i32
      %dma_start3A_874 = tpu.memref_slice %arg10[%dma_start3A_872, %dma_start3A_873] : memref<224x64xf32, #tpu.memory_space<vmem>> -> memref<112x64xf32, #tpu.memory_space<vmem>>
      %dma_start3A_875 = arith.constant 0 : i32
      %dma_start3A_876 = tpu.memref_slice %arg8[%dma_start3A_871, %dma_start3A_875] : memref<2x112xi32, #tpu.memory_space<vmem>> -> memref<1x112xi32, #tpu.memory_space<vmem>>
      %dma_start3A_877 = tpu.memref_squeeze %dma_start3A_876 : memref<1x112xi32, #tpu.memory_space<vmem>> -> memref<112xi32, #tpu.memory_space<vmem>>
      %dma_start3A_878 = arith.constant 0 : i32
      %dma_start3A_879 = arith.constant 0 : i32
      %dma_start3A_880 = tpu.memref_slice %arg5[%dma_start3A_878, %dma_start3A_879] : memref<25009x64xf32, #tpu.memory_space<vmem_shared>> -> memref<25009x64xf32, #tpu.memory_space<vmem_shared>>
      tpu.enqueue_indirect_dma source(%dma_start3A_874 : memref<112x64xf32, #tpu.memory_space<vmem>>) target(%dma_start3A_880 : memref<25009x64xf32, #tpu.memory_space<vmem_shared>>) offsets(%dma_start3A_877 : memref<112xi32, #tpu.memory_space<vmem>>) semaphore(%arg16 : memref<!tpu.dma_semaphore, #tpu.memory_space<semaphore_mem>>) {add = true}
      %dma_start3A_881 = arith.constant 1 : i32
      %dma_start3A_882 = arith.constant 112 : i32
      %dma_start3A_883 = arith.constant 0 : i32
      %dma_start3A_884 = tpu.memref_slice %arg10[%dma_start3A_882, %dma_start3A_883] : memref<224x64xf32, #tpu.memory_space<vmem>> -> memref<112x64xf32, #tpu.memory_space<vmem>>
      %dma_start3A_885 = arith.constant 0 : i32
      %dma_start3A_886 = tpu.memref_slice %arg8[%dma_start3A_881, %dma_start3A_885] : memref<2x112xi32, #tpu.memory_space<vmem>> -> memref<1x112xi32, #tpu.memory_space<vmem>>
      %dma_start3A_887 = tpu.memref_squeeze %dma_start3A_886 : memref<1x112xi32, #tpu.memory_space<vmem>> -> memref<112xi32, #tpu.memory_space<vmem>>
      %dma_start3A_888 = arith.constant 0 : i32
      %dma_start3A_889 = arith.constant 0 : i32
      %dma_start3A_890 = tpu.memref_slice %arg5[%dma_start3A_888, %dma_start3A_889] : memref<25009x64xf32, #tpu.memory_space<vmem_shared>> -> memref<25009x64xf32, #tpu.memory_space<vmem_shared>>
      tpu.enqueue_indirect_dma source(%dma_start3A_884 : memref<112x64xf32, #tpu.memory_space<vmem>>) target(%dma_start3A_890 : memref<25009x64xf32, #tpu.memory_space<vmem_shared>>) offsets(%dma_start3A_887 : memref<112xi32, #tpu.memory_space<vmem>>) semaphore(%arg16 : memref<!tpu.dma_semaphore, #tpu.memory_space<semaphore_mem>>) {add = true}
      %lt3A_891 = arith.constant 111 : i32
      %lt3A_892 = arith.cmpi slt, %scan3A_78, %lt3A_891 : i32
      %convert_element_type3A_893 = arith.extui %lt3A_892 : i1 to i32
      %cond3A_894 = arith.constant 0 : i32
      %cond3A_895 = arith.cmpi ne, %convert_element_type3A_893, %cond3A_894 : i32
      scf.if %cond3A_895 {
        %add3A_897 = arith.constant 1 : i32
        %add3A_898 = arith.addi %add3A_479, %add3A_897 : i32
        %mul3A_899 = arith.constant 2 : i32
        %mul3A_900 = arith.muli %mul3A_899, %add3A_898 : i32
        %add3A_901 = arith.addi %mul3A_20, %mul3A_900 : i32
        %dma_start3A_902 = arith.constant 0 : i32
        %dma_start3A_903 = arith.constant 0 : i32
        %dma_start3A_904 = tpu.memref_slice %arg3[%add3A_901, %dma_start3A_902, %dma_start3A_903] : memref<7168x2x112xi32, #tpu.memory_space<hbm>> -> memref<2x2x112xi32, #tpu.memory_space<hbm>>
        %dma_start3A_905 = arith.constant 0 : i32
        %dma_start3A_906 = arith.constant 0 : i32
        %dma_start3A_907 = tpu.memref_slice %arg3[%add3A_901, %dma_start3A_905, %dma_start3A_906] : memref<7168x2x112xi32, #tpu.memory_space<hbm>> -> memref<2x2x112xi32, #tpu.memory_space<hbm>>
        tpu.enqueue_dma source(%dma_start3A_907 : memref<2x2x112xi32, #tpu.memory_space<hbm>>) target(%arg6 : memref<2x2x112xi32, #tpu.memory_space<vmem>>) target_semaphore(%arg12 : memref<!tpu.dma_semaphore, #tpu.memory_space<semaphore_mem>>)
      } else {
      }
      %scan3A_896 = arith.constant 0 : i32
      scf.yield %scan3A_896 : i32
    }
    %scan3A_34 = arith.constant 112 : i32
    %dma_wait3A = arith.constant 0 : i32
    %dma_wait3A_35 = arith.constant 0 : i32
    %dma_wait3A_36 = tpu.memref_slice %arg2[%dma_wait3A, %dma_wait3A_35] : memref<50176x64xf32, #tpu.memory_space<hbm>> -> memref<224x64xf32, #tpu.memory_space<hbm>>
    %dma_wait3A_37 = arith.constant 0 : i32
    %dma_wait3A_38 = arith.constant 0 : i32
    %dma_wait3A_39 = tpu.memref_slice %arg2[%dma_wait3A_37, %dma_wait3A_38] : memref<50176x64xf32, #tpu.memory_space<hbm>> -> memref<224x64xf32, #tpu.memory_space<hbm>>
    tpu.wait_dma2 semaphore(%arg15 : memref<!tpu.dma_semaphore, #tpu.memory_space<semaphore_mem>>) src(%dma_wait3A_39 : memref<224x64xf32, #tpu.memory_space<hbm>>) dst(%arg11 : memref<224x64xf32, #tpu.memory_space<vmem>>)
    %dma_start3A_40 = arith.constant 0 : i32
    %dma_start3A_41 = arith.constant 0 : i32
    %dma_start3A_42 = arith.constant 0 : i32
    %dma_start3A_43 = tpu.memref_slice %arg11[%dma_start3A_41, %dma_start3A_42] : memref<224x64xf32, #tpu.memory_space<vmem>> -> memref<112x64xf32, #tpu.memory_space<vmem>>
    %dma_start3A_44 = arith.constant 0 : i32
    %dma_start3A_45 = tpu.memref_slice %arg9[%dma_start3A_40, %dma_start3A_44] : memref<2x112xi32, #tpu.memory_space<vmem>> -> memref<1x112xi32, #tpu.memory_space<vmem>>
    %dma_start3A_46 = tpu.memref_squeeze %dma_start3A_45 : memref<1x112xi32, #tpu.memory_space<vmem>> -> memref<112xi32, #tpu.memory_space<vmem>>
    %dma_start3A_47 = arith.constant 0 : i32
    %dma_start3A_48 = arith.constant 0 : i32
    %dma_start3A_49 = tpu.memref_slice %arg5[%dma_start3A_47, %dma_start3A_48] : memref<25009x64xf32, #tpu.memory_space<vmem_shared>> -> memref<25009x64xf32, #tpu.memory_space<vmem_shared>>
    tpu.enqueue_indirect_dma source(%dma_start3A_43 : memref<112x64xf32, #tpu.memory_space<vmem>>) target(%dma_start3A_49 : memref<25009x64xf32, #tpu.memory_space<vmem_shared>>) offsets(%dma_start3A_46 : memref<112xi32, #tpu.memory_space<vmem>>) semaphore(%arg17 : memref<!tpu.dma_semaphore, #tpu.memory_space<semaphore_mem>>) {add = true}
    %dma_start3A_50 = arith.constant 1 : i32
    %dma_start3A_51 = arith.constant 112 : i32
    %dma_start3A_52 = arith.constant 0 : i32
    %dma_start3A_53 = tpu.memref_slice %arg11[%dma_start3A_51, %dma_start3A_52] : memref<224x64xf32, #tpu.memory_space<vmem>> -> memref<112x64xf32, #tpu.memory_space<vmem>>
    %dma_start3A_54 = arith.constant 0 : i32
    %dma_start3A_55 = tpu.memref_slice %arg9[%dma_start3A_50, %dma_start3A_54] : memref<2x112xi32, #tpu.memory_space<vmem>> -> memref<1x112xi32, #tpu.memory_space<vmem>>
    %dma_start3A_56 = tpu.memref_squeeze %dma_start3A_55 : memref<1x112xi32, #tpu.memory_space<vmem>> -> memref<112xi32, #tpu.memory_space<vmem>>
    %dma_start3A_57 = arith.constant 0 : i32
    %dma_start3A_58 = arith.constant 0 : i32
    %dma_start3A_59 = tpu.memref_slice %arg5[%dma_start3A_57, %dma_start3A_58] : memref<25009x64xf32, #tpu.memory_space<vmem_shared>> -> memref<25009x64xf32, #tpu.memory_space<vmem_shared>>
    tpu.enqueue_indirect_dma source(%dma_start3A_53 : memref<112x64xf32, #tpu.memory_space<vmem>>) target(%dma_start3A_59 : memref<25009x64xf32, #tpu.memory_space<vmem_shared>>) offsets(%dma_start3A_56 : memref<112xi32, #tpu.memory_space<vmem>>) semaphore(%arg17 : memref<!tpu.dma_semaphore, #tpu.memory_space<semaphore_mem>>) {add = true}
    %dma_wait3A_60 = arith.constant 0 : i32
    %dma_wait3A_61 = arith.constant 0 : i32
    %dma_wait3A_62 = tpu.memref_slice %arg2[%dma_wait3A_60, %dma_wait3A_61] : memref<50176x64xf32, #tpu.memory_space<hbm>> -> memref<224x64xf32, #tpu.memory_space<hbm>>
    %dma_wait3A_63 = arith.constant 0 : i32
    %dma_wait3A_64 = arith.constant 0 : i32
    %dma_wait3A_65 = tpu.memref_slice %arg2[%dma_wait3A_63, %dma_wait3A_64] : memref<50176x64xf32, #tpu.memory_space<hbm>> -> memref<224x64xf32, #tpu.memory_space<hbm>>
    tpu.wait_dma2 semaphore(%arg16 : memref<!tpu.dma_semaphore, #tpu.memory_space<semaphore_mem>>) src(%dma_wait3A_65 : memref<224x64xf32, #tpu.memory_space<hbm>>) dst(%arg10 : memref<224x64xf32, #tpu.memory_space<vmem>>)
    %dma_wait3A_66 = arith.constant 0 : i32
    %dma_wait3A_67 = arith.constant 0 : i32
    %dma_wait3A_68 = tpu.memref_slice %arg2[%dma_wait3A_66, %dma_wait3A_67] : memref<50176x64xf32, #tpu.memory_space<hbm>> -> memref<224x64xf32, #tpu.memory_space<hbm>>
    %dma_wait3A_69 = arith.constant 0 : i32
    %dma_wait3A_70 = arith.constant 0 : i32
    %dma_wait3A_71 = tpu.memref_slice %arg2[%dma_wait3A_69, %dma_wait3A_70] : memref<50176x64xf32, #tpu.memory_space<hbm>> -> memref<224x64xf32, #tpu.memory_space<hbm>>
    tpu.wait_dma2 semaphore(%arg17 : memref<!tpu.dma_semaphore, #tpu.memory_space<semaphore_mem>>) src(%dma_wait3A_71 : memref<224x64xf32, #tpu.memory_space<hbm>>) dst(%arg11 : memref<224x64xf32, #tpu.memory_space<vmem>>)
    %barrier3A_72 = arith.constant 0 : index
    tpu.barrier barrier_id(%barrier3A_72)
    %mul3A_73 = arith.constant 1563 : i32
    %mul3A_74 = arith.muli %arg1, %mul3A_73 : i32
    %mul3A_75 = arith.constant 1563 : i32
    %mul3A_76 = arith.muli %arg1, %mul3A_75 : i32
    %add3A_77 = arith.addi %mul3A_0, %mul3A_76 : i32
    "tpu.region"() ({
      %run_scoped3A = tpu.sem_alloc : memref<!tpu.dma_semaphore, #tpu.memory_space<semaphore_mem>>
      %dma_start3A_78 = arith.constant 0 : i32
      %dma_start3A_79 = tpu.memref_slice %arg4[%add3A_77, %dma_start3A_78] : memref<50176x64xf32, #tpu.memory_space<hbm>> -> memref<1563x64xf32, #tpu.memory_space<hbm>>
      %dma_start3A_80 = arith.constant 0 : i32
      %dma_start3A_81 = tpu.memref_slice %arg5[%mul3A_74, %dma_start3A_80] : memref<25009x64xf32, #tpu.memory_space<vmem_shared>> -> memref<1563x64xf32, #tpu.memory_space<vmem_shared>>
      tpu.enqueue_dma source(%dma_start3A_81 : memref<1563x64xf32, #tpu.memory_space<vmem_shared>>) target(%dma_start3A_79 : memref<1563x64xf32, #tpu.memory_space<hbm>>) target_semaphore(%run_scoped3A : memref<!tpu.dma_semaphore, #tpu.memory_space<semaphore_mem>>)
      %dma_wait3A_82 = arith.constant 0 : i32
      %dma_wait3A_83 = tpu.memref_slice %arg4[%add3A_77, %dma_wait3A_82] : memref<50176x64xf32, #tpu.memory_space<hbm>> -> memref<1563x64xf32, #tpu.memory_space<hbm>>
      %dma_wait3A_84 = arith.constant 0 : i32
      %dma_wait3A_85 = tpu.memref_slice %arg5[%mul3A_74, %dma_wait3A_84] : memref<25009x64xf32, #tpu.memory_space<vmem_shared>> -> memref<1563x64xf32, #tpu.memory_space<vmem_shared>>
      tpu.wait_dma2 semaphore(%run_scoped3A : memref<!tpu.dma_semaphore, #tpu.memory_space<semaphore_mem>>) src(%dma_wait3A_85 : memref<1563x64xf32, #tpu.memory_space<vmem_shared>>) dst(%dma_wait3A_83 : memref<1563x64xf32, #tpu.memory_space<hbm>>)
      tpu.yield
    }) : () -> ()
    return
  }
}

#map = affine_map<(d0, d1) -> (0, 0)>
#map1 = affine_map<(d0, d1) -> (0)>
module attributes {stable_mosaic.version = 14 : i64} {
  func.func @_cand_kernel(%arg0: i32, %arg1: i32, %arg2: memref<50176x64xf32, #tpu.memory_space<hbm>>, %arg3: memref<4096xi32, #tpu.memory_space<hbm>>, %arg4: memref<4096xi32, #tpu.memory_space<hbm>>, %arg5: memref<4096x64xf32, #tpu.memory_space<hbm>>, %arg6: memref<4096x64xf32, #tpu.memory_space<hbm>>, %arg7: memref<128xi32, #tpu.memory_space<vmem>>, %arg8: memref<128x64xf32, #tpu.memory_space<vmem>>, %arg9: memref<!tpu.dma_semaphore, #tpu.memory_space<semaphore_mem>>) attributes {dimension_semantics = [#tpu.dimension_semantics<core_parallel>, #tpu.dimension_semantics<subcore_parallel>], iteration_bounds = array<i64: 2, 16>, scalar_prefetch = 0 : i64, scratch_operands = 3 : i64, tpu.core_type = #tpu.core_type<sc_vector_subcore>, window_params = [{transform_indices = #map}, {transform_indices = #map1}, {transform_indices = #map1}, {transform_indices = #map}, {transform_indices = #map}]} {
    %mul3A = arith.constant 2 : i32
    %mul3A_0 = arith.muli %arg1, %mul3A : i32
    %add3A = arith.addi %mul3A_0, %arg0 : i32
    %mul3A_1 = arith.constant 128 : i32
    %mul3A_2 = arith.muli %add3A, %mul3A_1 : i32
    "tpu.region"() ({
      %run_scoped3A = tpu.sem_alloc : memref<!tpu.dma_semaphore, #tpu.memory_space<semaphore_mem>>
      %dma_start3A_13 = tpu.memref_slice %arg3[%mul3A_2] : memref<4096xi32, #tpu.memory_space<hbm>> -> memref<128xi32, #tpu.memory_space<hbm>>
      %dma_start3A_14 = tpu.memref_slice %arg3[%mul3A_2] : memref<4096xi32, #tpu.memory_space<hbm>> -> memref<128xi32, #tpu.memory_space<hbm>>
      tpu.enqueue_dma source(%dma_start3A_14 : memref<128xi32, #tpu.memory_space<hbm>>) target(%arg7 : memref<128xi32, #tpu.memory_space<vmem>>) target_semaphore(%run_scoped3A : memref<!tpu.dma_semaphore, #tpu.memory_space<semaphore_mem>>)
      %dma_wait3A_15 = tpu.memref_slice %arg3[%mul3A_2] : memref<4096xi32, #tpu.memory_space<hbm>> -> memref<128xi32, #tpu.memory_space<hbm>>
      %dma_wait3A_16 = tpu.memref_slice %arg3[%mul3A_2] : memref<4096xi32, #tpu.memory_space<hbm>> -> memref<128xi32, #tpu.memory_space<hbm>>
      tpu.wait_dma2 semaphore(%run_scoped3A : memref<!tpu.dma_semaphore, #tpu.memory_space<semaphore_mem>>) src(%dma_wait3A_16 : memref<128xi32, #tpu.memory_space<hbm>>) dst(%arg7 : memref<128xi32, #tpu.memory_space<vmem>>)
      tpu.yield
    }) : () -> ()
    %dma_start3A = arith.constant 0 : i32
    %dma_start3A_3 = arith.constant 0 : i32
    %dma_start3A_4 = tpu.memref_slice %arg2[%dma_start3A, %dma_start3A_3] : memref<50176x64xf32, #tpu.memory_space<hbm>> -> memref<50176x64xf32, #tpu.memory_space<hbm>>
    tpu.enqueue_indirect_dma source(%dma_start3A_4 : memref<50176x64xf32, #tpu.memory_space<hbm>>) target(%arg8 : memref<128x64xf32, #tpu.memory_space<vmem>>) offsets(%arg7 : memref<128xi32, #tpu.memory_space<vmem>>) semaphore(%arg9 : memref<!tpu.dma_semaphore, #tpu.memory_space<semaphore_mem>>)
    %dma_wait3A = arith.constant 0 : i32
    %dma_wait3A_5 = arith.constant 0 : i32
    %dma_wait3A_6 = tpu.memref_slice %arg2[%dma_wait3A, %dma_wait3A_5] : memref<50176x64xf32, #tpu.memory_space<hbm>> -> memref<50176x64xf32, #tpu.memory_space<hbm>>
    tpu.wait_indirect_dma semaphore(%arg9 : memref<!tpu.dma_semaphore, #tpu.memory_space<semaphore_mem>>) src(%dma_wait3A_6 : memref<50176x64xf32, #tpu.memory_space<hbm>>) dst(%arg8 : memref<128x64xf32, #tpu.memory_space<vmem>>)
    "tpu.region"() ({
      %run_scoped3A = tpu.sem_alloc : memref<!tpu.dma_semaphore, #tpu.memory_space<semaphore_mem>>
      %dma_start3A_13 = arith.constant 0 : i32
      %dma_start3A_14 = tpu.memref_slice %arg5[%mul3A_2, %dma_start3A_13] : memref<4096x64xf32, #tpu.memory_space<hbm>> -> memref<128x64xf32, #tpu.memory_space<hbm>>
      %dma_start3A_15 = arith.constant 0 : i32
      %dma_start3A_16 = tpu.memref_slice %arg5[%mul3A_2, %dma_start3A_15] : memref<4096x64xf32, #tpu.memory_space<hbm>> -> memref<128x64xf32, #tpu.memory_space<hbm>>
      tpu.enqueue_dma source(%arg8 : memref<128x64xf32, #tpu.memory_space<vmem>>) target(%dma_start3A_16 : memref<128x64xf32, #tpu.memory_space<hbm>>) target_semaphore(%run_scoped3A : memref<!tpu.dma_semaphore, #tpu.memory_space<semaphore_mem>>)
      %dma_wait3A_17 = arith.constant 0 : i32
      %dma_wait3A_18 = tpu.memref_slice %arg5[%mul3A_2, %dma_wait3A_17] : memref<4096x64xf32, #tpu.memory_space<hbm>> -> memref<128x64xf32, #tpu.memory_space<hbm>>
      %dma_wait3A_19 = arith.constant 0 : i32
      %dma_wait3A_20 = tpu.memref_slice %arg5[%mul3A_2, %dma_wait3A_19] : memref<4096x64xf32, #tpu.memory_space<hbm>> -> memref<128x64xf32, #tpu.memory_space<hbm>>
      tpu.wait_dma2 semaphore(%run_scoped3A : memref<!tpu.dma_semaphore, #tpu.memory_space<semaphore_mem>>) src(%arg8 : memref<128x64xf32, #tpu.memory_space<vmem>>) dst(%dma_wait3A_20 : memref<128x64xf32, #tpu.memory_space<hbm>>)
      tpu.yield
    }) : () -> ()
    "tpu.region"() ({
      %run_scoped3A = tpu.sem_alloc : memref<!tpu.dma_semaphore, #tpu.memory_space<semaphore_mem>>
      %dma_start3A_13 = tpu.memref_slice %arg4[%mul3A_2] : memref<4096xi32, #tpu.memory_space<hbm>> -> memref<128xi32, #tpu.memory_space<hbm>>
      %dma_start3A_14 = tpu.memref_slice %arg4[%mul3A_2] : memref<4096xi32, #tpu.memory_space<hbm>> -> memref<128xi32, #tpu.memory_space<hbm>>
      tpu.enqueue_dma source(%dma_start3A_14 : memref<128xi32, #tpu.memory_space<hbm>>) target(%arg7 : memref<128xi32, #tpu.memory_space<vmem>>) target_semaphore(%run_scoped3A : memref<!tpu.dma_semaphore, #tpu.memory_space<semaphore_mem>>)
      %dma_wait3A_15 = tpu.memref_slice %arg4[%mul3A_2] : memref<4096xi32, #tpu.memory_space<hbm>> -> memref<128xi32, #tpu.memory_space<hbm>>
      %dma_wait3A_16 = tpu.memref_slice %arg4[%mul3A_2] : memref<4096xi32, #tpu.memory_space<hbm>> -> memref<128xi32, #tpu.memory_space<hbm>>
      tpu.wait_dma2 semaphore(%run_scoped3A : memref<!tpu.dma_semaphore, #tpu.memory_space<semaphore_mem>>) src(%dma_wait3A_16 : memref<128xi32, #tpu.memory_space<hbm>>) dst(%arg7 : memref<128xi32, #tpu.memory_space<vmem>>)
      tpu.yield
    }) : () -> ()
    %dma_start3A_7 = arith.constant 0 : i32
    %dma_start3A_8 = arith.constant 0 : i32
    %dma_start3A_9 = tpu.memref_slice %arg2[%dma_start3A_7, %dma_start3A_8] : memref<50176x64xf32, #tpu.memory_space<hbm>> -> memref<50176x64xf32, #tpu.memory_space<hbm>>
    tpu.enqueue_indirect_dma source(%dma_start3A_9 : memref<50176x64xf32, #tpu.memory_space<hbm>>) target(%arg8 : memref<128x64xf32, #tpu.memory_space<vmem>>) offsets(%arg7 : memref<128xi32, #tpu.memory_space<vmem>>) semaphore(%arg9 : memref<!tpu.dma_semaphore, #tpu.memory_space<semaphore_mem>>)
    %dma_wait3A_10 = arith.constant 0 : i32
    %dma_wait3A_11 = arith.constant 0 : i32
    %dma_wait3A_12 = tpu.memref_slice %arg2[%dma_wait3A_10, %dma_wait3A_11] : memref<50176x64xf32, #tpu.memory_space<hbm>> -> memref<50176x64xf32, #tpu.memory_space<hbm>>
    tpu.wait_indirect_dma semaphore(%arg9 : memref<!tpu.dma_semaphore, #tpu.memory_space<semaphore_mem>>) src(%dma_wait3A_12 : memref<50176x64xf32, #tpu.memory_space<hbm>>) dst(%arg8 : memref<128x64xf32, #tpu.memory_space<vmem>>)
    "tpu.region"() ({
      %run_scoped3A = tpu.sem_alloc : memref<!tpu.dma_semaphore, #tpu.memory_space<semaphore_mem>>
      %dma_start3A_13 = arith.constant 0 : i32
      %dma_start3A_14 = tpu.memref_slice %arg6[%mul3A_2, %dma_start3A_13] : memref<4096x64xf32, #tpu.memory_space<hbm>> -> memref<128x64xf32, #tpu.memory_space<hbm>>
      %dma_start3A_15 = arith.constant 0 : i32
      %dma_start3A_16 = tpu.memref_slice %arg6[%mul3A_2, %dma_start3A_15] : memref<4096x64xf32, #tpu.memory_space<hbm>> -> memref<128x64xf32, #tpu.memory_space<hbm>>
      tpu.enqueue_dma source(%arg8 : memref<128x64xf32, #tpu.memory_space<vmem>>) target(%dma_start3A_16 : memref<128x64xf32, #tpu.memory_space<hbm>>) target_semaphore(%run_scoped3A : memref<!tpu.dma_semaphore, #tpu.memory_space<semaphore_mem>>)
      %dma_wait3A_17 = arith.constant 0 : i32
      %dma_wait3A_18 = tpu.memref_slice %arg6[%mul3A_2, %dma_wait3A_17] : memref<4096x64xf32, #tpu.memory_space<hbm>> -> memref<128x64xf32, #tpu.memory_space<hbm>>
      %dma_wait3A_19 = arith.constant 0 : i32
      %dma_wait3A_20 = tpu.memref_slice %arg6[%mul3A_2, %dma_wait3A_19] : memref<4096x64xf32, #tpu.memory_space<hbm>> -> memref<128x64xf32, #tpu.memory_space<hbm>>
      tpu.wait_dma2 semaphore(%run_scoped3A : memref<!tpu.dma_semaphore, #tpu.memory_space<semaphore_mem>>) src(%arg8 : memref<128x64xf32, #tpu.memory_space<vmem>>) dst(%dma_wait3A_20 : memref<128x64xf32, #tpu.memory_space<hbm>>)
      tpu.yield
    }) : () -> ()
    return
  }
}

module attributes {stable_mosaic.version = 14 : i64} {
  func.func @_dsum_body(%arg0: i32, %arg1: memref<32x128x128xf32, #tpu.memory_space<vmem>>, %arg2: memref<128x128xf32, #tpu.memory_space<vmem>>) attributes {dimension_semantics = [#tpu.dimension_semantics<arbitrary>], iteration_bounds = array<i64: 4>, scalar_prefetch = 0 : i64, scratch_operands = 0 : i64, tpu.core_type = #tpu.core_type<tc>, window_params = [{transform_indices = @transform_0, window_bounds = array<i64: 32, 128, 128>}, {transform_indices = @transform_1, window_bounds = array<i64: 128, 128>}]} {
    %get3A = arith.constant 0 : index
    %get3A_0 = arith.constant 0 : index
    %get3A_1 = arith.constant 0 : index
    %get3A_2 = vector.load %arg1[%get3A, %get3A_0, %get3A_1] : memref<32x128x128xf32, #tpu.memory_space<vmem>>, vector<32x128x128xf32>
    %reduce_sum3A = arith.constant dense<0.000000e+00> : vector<128x128xf32>
    %reduce_sum3A_3 = vector.multi_reduction <add>, %get3A_2, %reduce_sum3A [0] : vector<32x128x128xf32> to vector<128x128xf32>
    %swap3A = arith.constant 0 : index
    %swap3A_4 = arith.constant 0 : index
    %swap3A_5 = vector.load %arg2[%swap3A, %swap3A_4] : memref<128x128xf32, #tpu.memory_space<vmem>>, vector<128x128xf32>
    tpu.vector_store %arg2[%swap3A, %swap3A_4], %reduce_sum3A_3 {strides = array<i32>} : memref<128x128xf32, #tpu.memory_space<vmem>>, vector<128x128xf32>,
    return
  }
  func.func @transform_0(%arg0: i32) -> (i32, i32, i32) {
    %c0_i32 = arith.constant 0 : i32
    %c0_i32_0 = arith.constant 0 : i32
    %c0_i32_1 = arith.constant 0 : i32
    return %c0_i32, %arg0, %c0_i32_0 : i32, i32, i32
  }
  func.func @transform_1(%arg0: i32) -> (i32, i32) {
    %c0_i32 = arith.constant 0 : i32
    %c0_i32_0 = arith.constant 0 : i32
    return %arg0, %c0_i32 : i32, i32
  }
}

module attributes {stable_mosaic.version = 14 : i64} {
  func.func @_a0_body(%arg0: i32, %arg1: memref<1024x1xi32, #tpu.memory_space<vmem>>, %arg2: memref<1024x5xf32, #tpu.memory_space<vmem>>, %arg3: memref<1024x1xf32, #tpu.memory_space<vmem>>, %arg4: memref<6x8xf32, #tpu.memory_space<vmem>>, %arg5: memref<13x64xf32, #tpu.memory_space<vmem>>, %arg6: memref<1024x64xf32, #tpu.memory_space<vmem>>) attributes {dimension_semantics = [#tpu.dimension_semantics<arbitrary>], iteration_bounds = array<i64: 49>, scalar_prefetch = 0 : i64, scratch_operands = 0 : i64, tpu.core_type = #tpu.core_type<tc>, window_params = [{transform_indices = @transform_0, window_bounds = array<i64: 1024, 1>}, {transform_indices = @transform_1, window_bounds = array<i64: 1024, 5>}, {transform_indices = @transform_2, window_bounds = array<i64: 1024, 1>}, {pipeline_mode = #tpu.pipeline_mode<synchronous>, transform_indices = @transform_3, window_bounds = array<i64: 6, 8>}, {pipeline_mode = #tpu.pipeline_mode<synchronous>, transform_indices = @transform_4, window_bounds = array<i64: 13, 64>}, {transform_indices = @transform_5, window_bounds = array<i64: 1024, 64>}]} {
    %get3A = arith.constant 0 : index
    %get3A_0 = arith.constant 0 : index
    %get3A_1 = vector.load %arg3[%get3A, %get3A_0] : memref<1024x1xf32, #tpu.memory_space<vmem>>, vector<1024x1xf32>
    %add3A = arith.constant 1.000000e+00 : f32
    %add3A_2 = vector.broadcast %add3A : f32 to vector<1024x1xf32>
    %add3A_3 = arith.addf %get3A_1, %add3A_2 : vector<1024x1xf32>
    %rsqrt3A = math.rsqrt %add3A_3 : vector<1024x1xf32>
    %mul3A = arith.constant 5.000000e-01 : f32
    %mul3A_4 = vector.broadcast %mul3A : f32 to vector<1024x1xf32>
    %mul3A_5 = arith.mulf %mul3A_4, %add3A_3 : vector<1024x1xf32>
    %mul3A_6 = arith.mulf %mul3A_5, %rsqrt3A : vector<1024x1xf32>
    %mul3A_7 = arith.mulf %mul3A_6, %rsqrt3A : vector<1024x1xf32>
    %sub3A = arith.constant 1.500000e+00 : f32
    %sub3A_8 = vector.broadcast %sub3A : f32 to vector<1024x1xf32>
    %sub3A_9 = arith.subf %sub3A_8, %mul3A_7 : vector<1024x1xf32>
    %mul3A_10 = arith.mulf %rsqrt3A, %sub3A_9 : vector<1024x1xf32>
    %iota3A = tpu.iota {dimensions = array<i32: 1>} : vector<1x8xi32>
    %get3A_11 = arith.constant 0 : index
    %get3A_12 = arith.constant 0 : index
    %get3A_13 = vector.load %arg1[%get3A_11, %get3A_12] : memref<1024x1xi32, #tpu.memory_space<vmem>>, vector<1024x1xi32>
    %eq3A = vector.broadcast %get3A_13 : vector<1024x1xi32> to vector<1024x8xi32>
    %eq3A_14 = vector.broadcast %iota3A : vector<1x8xi32> to vector<1024x8xi32>
    %eq3A_15 = arith.cmpi eq, %eq3A, %eq3A_14 : vector<1024x8xi32>
    %jit3A = arith.constant 1.000000e+00 : f32
    %jit3A_16 = arith.constant 0.000000e+00 : f32
    %broadcast_in_dim3A = vector.broadcast %jit3A : f32 to vector<1024x8xf32>
    %broadcast_in_dim3A_17 = vector.broadcast %jit3A_16 : f32 to vector<1024x8xf32>
    %select_n3A = arith.select %eq3A_15, %broadcast_in_dim3A, %broadcast_in_dim3A_17 : vector<1024x8xi1>, vector<1024x8xf32>
    %get3A_18 = arith.constant 0 : index
    %get3A_19 = arith.constant 0 : index
    %get3A_20 = vector.load %arg4[%get3A_18, %get3A_19] : memref<6x8xf32, #tpu.memory_space<vmem>>, vector<6x8xf32>
    %get3A_21 = arith.constant 0 : index
    %get3A_22 = arith.constant 0 : index
    %get3A_23 = vector.load %arg5[%get3A_21, %get3A_22] : memref<13x64xf32, #tpu.memory_space<vmem>>, vector<8x64xf32>
    %dot_general3A = arith.constant dense<0.000000e+00> : vector<6x64xf32>
    %dot_general3A_24 = tpu.matmul %get3A_20, %get3A_23, %dot_general3A {dimension_numbers = #tpu.dot_dimension_numbers<[1], [0], [0], [1], [0, 0, 1, 1], [], []>, transpose_lhs_hint = false} : vector<6x8xf32>, vector<8x64xf32>, vector<6x64xf32> -> vector<6x64xf32>
    %slice3A = vector.extract_strided_slice %select_n3A {offsets = [0, 0], sizes = [1024, 6], strides = [1, 1]} : vector<1024x8xf32> to vector<1024x6xf32>
    %dot_general3A_25 = arith.constant dense<0.000000e+00> : vector<1024x64xf32>
    %dot_general3A_26 = tpu.matmul %slice3A, %dot_general3A_24, %dot_general3A_25 {dimension_numbers = #tpu.dot_dimension_numbers<[1], [0], [0], [1], [0, 0, 1, 1], [], []>, transpose_lhs_hint = false} : vector<1024x6xf32>, vector<6x64xf32>, vector<1024x64xf32> -> vector<1024x64xf32>
    %get3A_27 = arith.constant 0 : index
    %get3A_28 = arith.constant 0 : index
    %get3A_29 = vector.load %arg2[%get3A_27, %get3A_28] : memref<1024x5xf32, #tpu.memory_space<vmem>>, vector<1024x5xf32>
    %get3A_30 = arith.constant 8 : index
    %get3A_31 = arith.constant 0 : index
    %get3A_32 = vector.load %arg5[%get3A_30, %get3A_31] : memref<13x64xf32, #tpu.memory_space<vmem>>, vector<5x64xf32>
    %dot_general3A_33 = arith.constant dense<0.000000e+00> : vector<1024x64xf32>
    %dot_general3A_34 = tpu.matmul %get3A_29, %get3A_32, %dot_general3A_33 {dimension_numbers = #tpu.dot_dimension_numbers<[1], [0], [0], [1], [0, 0, 1, 1], [], []>, transpose_lhs_hint = false} : vector<1024x5xf32>, vector<5x64xf32>, vector<1024x64xf32> -> vector<1024x64xf32>
    %add3A_35 = arith.addf %dot_general3A_26, %dot_general3A_34 : vector<1024x64xf32>
    %mul3A_36 = vector.broadcast %mul3A_10 : vector<1024x1xf32> to vector<1024x64xf32>
    %mul3A_37 = arith.mulf %add3A_35, %mul3A_36 : vector<1024x64xf32>
    %swap3A = arith.constant 0 : index
    %swap3A_38 = arith.constant 0 : index
    %swap3A_39 = vector.load %arg6[%swap3A, %swap3A_38] : memref<1024x64xf32, #tpu.memory_space<vmem>>, vector<1024x64xf32>
    tpu.vector_store %arg6[%swap3A, %swap3A_38], %mul3A_37 {strides = array<i32>} : memref<1024x64xf32, #tpu.memory_space<vmem>>, vector<1024x64xf32>,
    return
  }
  func.func @transform_0(%arg0: i32) -> (i32, i32) {
    %c0_i32 = arith.constant 0 : i32
    %c0_i32_0 = arith.constant 0 : i32
    return %arg0, %c0_i32 : i32, i32
  }
  func.func @transform_1(%arg0: i32) -> (i32, i32) {
    %c0_i32 = arith.constant 0 : i32
    %c0_i32_0 = arith.constant 0 : i32
    return %arg0, %c0_i32 : i32, i32
  }
  func.func @transform_2(%arg0: i32) -> (i32, i32) {
    %c0_i32 = arith.constant 0 : i32
    %c0_i32_0 = arith.constant 0 : i32
    return %arg0, %c0_i32 : i32, i32
  }
  func.func @transform_3(%arg0: i32) -> (i32, i32) {
    %c0_i32 = arith.constant 0 : i32
    %c0_i32_0 = arith.constant 0 : i32
    %c0_i32_1 = arith.constant 0 : i32
    return %c0_i32, %c0_i32_0 : i32, i32
  }
  func.func @transform_4(%arg0: i32) -> (i32, i32) {
    %c0_i32 = arith.constant 0 : i32
    %c0_i32_0 = arith.constant 0 : i32
    %c0_i32_1 = arith.constant 0 : i32
    return %c0_i32, %c0_i32_0 : i32, i32
  }
  func.func @transform_5(%arg0: i32) -> (i32, i32) {
    %c0_i32 = arith.constant 0 : i32
    %c0_i32_0 = arith.constant 0 : i32
    return %arg0, %c0_i32 : i32, i32
  }
}

module attributes {stable_mosaic.version = 14 : i64} {
  func.func @_al_body(%arg0: i32, %arg1: memref<1024x64xf32, #tpu.memory_space<vmem>>, %arg2: memref<1024x64xf32, #tpu.memory_space<vmem>>, %arg3: memref<1024x1xf32, #tpu.memory_space<vmem>>, %arg4: memref<1x64xf32, #tpu.memory_space<vmem>>, %arg5: memref<64x64xf32, #tpu.memory_space<vmem>>, %arg6: memref<1024x64xf32, #tpu.memory_space<vmem>>) attributes {dimension_semantics = [#tpu.dimension_semantics<arbitrary>], iteration_bounds = array<i64: 49>, scalar_prefetch = 0 : i64, scratch_operands = 0 : i64, tpu.core_type = #tpu.core_type<tc>, window_params = [{transform_indices = @transform_0, window_bounds = array<i64: 1024, 64>}, {transform_indices = @transform_1, window_bounds = array<i64: 1024, 64>}, {transform_indices = @transform_2, window_bounds = array<i64: 1024, 1>}, {pipeline_mode = #tpu.pipeline_mode<synchronous>, transform_indices = @transform_3, window_bounds = array<i64: 1, 64>}, {pipeline_mode = #tpu.pipeline_mode<synchronous>, transform_indices = @transform_4, window_bounds = array<i64: 64, 64>}, {transform_indices = @transform_5, window_bounds = array<i64: 1024, 64>}]} {
    %get3A = arith.constant 0 : index
    %get3A_0 = arith.constant 0 : index
    %get3A_1 = vector.load %arg3[%get3A, %get3A_0] : memref<1024x1xf32, #tpu.memory_space<vmem>>, vector<1024x1xf32>
    %add3A = arith.constant 1.000000e+00 : f32
    %add3A_2 = vector.broadcast %add3A : f32 to vector<1024x1xf32>
    %add3A_3 = arith.addf %get3A_1, %add3A_2 : vector<1024x1xf32>
    %rsqrt3A = math.rsqrt %add3A_3 : vector<1024x1xf32>
    %mul3A = arith.constant 5.000000e-01 : f32
    %mul3A_4 = vector.broadcast %mul3A : f32 to vector<1024x1xf32>
    %mul3A_5 = arith.mulf %mul3A_4, %add3A_3 : vector<1024x1xf32>
    %mul3A_6 = arith.mulf %mul3A_5, %rsqrt3A : vector<1024x1xf32>
    %mul3A_7 = arith.mulf %mul3A_6, %rsqrt3A : vector<1024x1xf32>
    %sub3A = arith.constant 1.500000e+00 : f32
    %sub3A_8 = vector.broadcast %sub3A : f32 to vector<1024x1xf32>
    %sub3A_9 = arith.subf %sub3A_8, %mul3A_7 : vector<1024x1xf32>
    %mul3A_10 = arith.mulf %rsqrt3A, %sub3A_9 : vector<1024x1xf32>
    %get3A_11 = arith.constant 0 : index
    %get3A_12 = arith.constant 0 : index
    %get3A_13 = vector.load %arg1[%get3A_11, %get3A_12] : memref<1024x64xf32, #tpu.memory_space<vmem>>, vector<1024x64xf32>
    %get3A_14 = arith.constant 0 : index
    %get3A_15 = arith.constant 0 : index
    %get3A_16 = vector.load %arg2[%get3A_14, %get3A_15] : memref<1024x64xf32, #tpu.memory_space<vmem>>, vector<1024x64xf32>
    %add3A_17 = arith.addf %get3A_13, %get3A_16 : vector<1024x64xf32>
    %mul3A_18 = vector.broadcast %mul3A_10 : vector<1024x1xf32> to vector<1024x64xf32>
    %mul3A_19 = arith.mulf %mul3A_18, %add3A_17 : vector<1024x64xf32>
    %get3A_20 = arith.constant 0 : index
    %get3A_21 = arith.constant 0 : index
    %get3A_22 = vector.load %arg4[%get3A_20, %get3A_21] : memref<1x64xf32, #tpu.memory_space<vmem>>, vector<1x64xf32>
    %add3A_23 = vector.broadcast %get3A_22 : vector<1x64xf32> to vector<1024x64xf32>
    %add3A_24 = arith.addf %mul3A_19, %add3A_23 : vector<1024x64xf32>
    %max3A = arith.constant 0.000000e+00 : f32
    %max3A_25 = vector.broadcast %max3A : f32 to vector<1024x64xf32>
    %max3A_26 = arith.maximumf %add3A_24, %max3A_25 : vector<1024x64xf32>
    %get3A_27 = arith.constant 0 : index
    %get3A_28 = arith.constant 0 : index
    %get3A_29 = vector.load %arg5[%get3A_27, %get3A_28] : memref<64x64xf32, #tpu.memory_space<vmem>>, vector<64x64xf32>
    %dot_general3A = arith.constant dense<0.000000e+00> : vector<1024x64xf32>
    %dot_general3A_30 = tpu.matmul %max3A_26, %get3A_29, %dot_general3A {dimension_numbers = #tpu.dot_dimension_numbers<[1], [0], [0], [1], [0, 0, 1, 1], [], []>, transpose_lhs_hint = false} : vector<1024x64xf32>, vector<64x64xf32>, vector<1024x64xf32> -> vector<1024x64xf32>
    %mul3A_31 = vector.broadcast %mul3A_10 : vector<1024x1xf32> to vector<1024x64xf32>
    %mul3A_32 = arith.mulf %dot_general3A_30, %mul3A_31 : vector<1024x64xf32>
    %swap3A = arith.constant 0 : index
    %swap3A_33 = arith.constant 0 : index
    %swap3A_34 = vector.load %arg6[%swap3A, %swap3A_33] : memref<1024x64xf32, #tpu.memory_space<vmem>>, vector<1024x64xf32>
    tpu.vector_store %arg6[%swap3A, %swap3A_33], %mul3A_32 {strides = array<i32>} : memref<1024x64xf32, #tpu.memory_space<vmem>>, vector<1024x64xf32>,
    return
  }
  func.func @transform_0(%arg0: i32) -> (i32, i32) {
    %c0_i32 = arith.constant 0 : i32
    %c0_i32_0 = arith.constant 0 : i32
    return %arg0, %c0_i32 : i32, i32
  }
  func.func @transform_1(%arg0: i32) -> (i32, i32) {
    %c0_i32 = arith.constant 0 : i32
    %c0_i32_0 = arith.constant 0 : i32
    return %arg0, %c0_i32 : i32, i32
  }
  func.func @transform_2(%arg0: i32) -> (i32, i32) {
    %c0_i32 = arith.constant 0 : i32
    %c0_i32_0 = arith.constant 0 : i32
    return %arg0, %c0_i32 : i32, i32
  }
  func.func @transform_3(%arg0: i32) -> (i32, i32) {
    %c0_i32 = arith.constant 0 : i32
    %c0_i32_0 = arith.constant 0 : i32
    %c0_i32_1 = arith.constant 0 : i32
    return %c0_i32, %c0_i32_0 : i32, i32
  }
  func.func @transform_4(%arg0: i32) -> (i32, i32) {
    %c0_i32 = arith.constant 0 : i32
    %c0_i32_0 = arith.constant 0 : i32
    %c0_i32_1 = arith.constant 0 : i32
    return %c0_i32, %c0_i32_0 : i32, i32
  }
  func.func @transform_5(%arg0: i32) -> (i32, i32) {
    %c0_i32 = arith.constant 0 : i32
    %c0_i32_0 = arith.constant 0 : i32
    return %arg0, %c0_i32 : i32, i32
  }
}

module attributes {stable_mosaic.version = 14 : i64} {
  func.func @_a3_body(%arg0: i32, %arg1: memref<1024x64xf32, #tpu.memory_space<vmem>>, %arg2: memref<1024x64xf32, #tpu.memory_space<vmem>>, %arg3: memref<1024x1xf32, #tpu.memory_space<vmem>>, %arg4: memref<1x64xf32, #tpu.memory_space<vmem>>, %arg5: memref<1024x64xf32, #tpu.memory_space<vmem>>, %arg6: memref<1x1x64xf32, #tpu.memory_space<vmem>>) attributes {dimension_semantics = [#tpu.dimension_semantics<arbitrary>], iteration_bounds = array<i64: 49>, scalar_prefetch = 0 : i64, scratch_operands = 0 : i64, tpu.core_type = #tpu.core_type<tc>, window_params = [{transform_indices = @transform_0, window_bounds = array<i64: 1024, 64>}, {transform_indices = @transform_1, window_bounds = array<i64: 1024, 64>}, {transform_indices = @transform_2, window_bounds = array<i64: 1024, 1>}, {pipeline_mode = #tpu.pipeline_mode<synchronous>, transform_indices = @transform_3, window_bounds = array<i64: 1, 64>}, {transform_indices = @transform_4, window_bounds = array<i64: 1024, 64>}, {transform_indices = @transform_5, window_bounds = array<i64: 1, 1, 64>}]} {
    %get3A = arith.constant 0 : index
    %get3A_0 = arith.constant 0 : index
    %get3A_1 = vector.load %arg3[%get3A, %get3A_0] : memref<1024x1xf32, #tpu.memory_space<vmem>>, vector<1024x1xf32>
    %add3A = arith.constant 1.000000e+00 : f32
    %add3A_2 = vector.broadcast %add3A : f32 to vector<1024x1xf32>
    %add3A_3 = arith.addf %get3A_1, %add3A_2 : vector<1024x1xf32>
    %rsqrt3A = math.rsqrt %add3A_3 : vector<1024x1xf32>
    %mul3A = arith.constant 5.000000e-01 : f32
    %mul3A_4 = vector.broadcast %mul3A : f32 to vector<1024x1xf32>
    %mul3A_5 = arith.mulf %mul3A_4, %add3A_3 : vector<1024x1xf32>
    %mul3A_6 = arith.mulf %mul3A_5, %rsqrt3A : vector<1024x1xf32>
    %mul3A_7 = arith.mulf %mul3A_6, %rsqrt3A : vector<1024x1xf32>
    %sub3A = arith.constant 1.500000e+00 : f32
    %sub3A_8 = vector.broadcast %sub3A : f32 to vector<1024x1xf32>
    %sub3A_9 = arith.subf %sub3A_8, %mul3A_7 : vector<1024x1xf32>
    %mul3A_10 = arith.mulf %rsqrt3A, %sub3A_9 : vector<1024x1xf32>
    %get3A_11 = arith.constant 0 : index
    %get3A_12 = arith.constant 0 : index
    %get3A_13 = vector.load %arg1[%get3A_11, %get3A_12] : memref<1024x64xf32, #tpu.memory_space<vmem>>, vector<1024x64xf32>
    %get3A_14 = arith.constant 0 : index
    %get3A_15 = arith.constant 0 : index
    %get3A_16 = vector.load %arg2[%get3A_14, %get3A_15] : memref<1024x64xf32, #tpu.memory_space<vmem>>, vector<1024x64xf32>
    %add3A_17 = arith.addf %get3A_13, %get3A_16 : vector<1024x64xf32>
    %mul3A_18 = vector.broadcast %mul3A_10 : vector<1024x1xf32> to vector<1024x64xf32>
    %mul3A_19 = arith.mulf %mul3A_18, %add3A_17 : vector<1024x64xf32>
    %get3A_20 = arith.constant 0 : index
    %get3A_21 = arith.constant 0 : index
    %get3A_22 = vector.load %arg4[%get3A_20, %get3A_21] : memref<1x64xf32, #tpu.memory_space<vmem>>, vector<1x64xf32>
    %add3A_23 = vector.broadcast %get3A_22 : vector<1x64xf32> to vector<1024x64xf32>
    %add3A_24 = arith.addf %mul3A_19, %add3A_23 : vector<1024x64xf32>
    %max3A = arith.constant 0.000000e+00 : f32
    %max3A_25 = vector.broadcast %max3A : f32 to vector<1024x64xf32>
    %max3A_26 = arith.maximumf %add3A_24, %max3A_25 : vector<1024x64xf32>
    %swap3A = arith.constant 0 : index
    %swap3A_27 = arith.constant 0 : index
    %swap3A_28 = vector.load %arg5[%swap3A, %swap3A_27] : memref<1024x64xf32, #tpu.memory_space<vmem>>, vector<1024x64xf32>
    tpu.vector_store %arg5[%swap3A, %swap3A_27], %max3A_26 {strides = array<i32>} : memref<1024x64xf32, #tpu.memory_space<vmem>>, vector<1024x64xf32>,
    %mul3A_29 = arith.constant 1024 : i32
    %mul3A_30 = arith.muli %arg0, %mul3A_29 : i32
    %iota3A = tpu.iota {dimensions = array<i32: 0>} : vector<1024x1xi32>
    %add3A_31 = vector.broadcast %mul3A_30 : i32 to vector<1024x1xi32>
    %add3A_32 = arith.addi %add3A_31, %iota3A : vector<1024x1xi32>
    %lt3A = arith.constant 50000 : i32
    %lt3A_33 = vector.broadcast %lt3A : i32 to vector<1024x1xi32>
    %lt3A_34 = arith.cmpi slt, %add3A_32, %lt3A_33 : vector<1024x1xi32>
    %jit3A = arith.constant 0.000000e+00 : f32
    %broadcast_in_dim3A = vector.shape_cast %lt3A_34 : vector<1024x1xi1> to vector<1024x1xi1>
    %broadcast_in_dim3A_35 = vector.broadcast %broadcast_in_dim3A : vector<1024x1xi1> to vector<1024x64xi1>
    %broadcast_in_dim3A_36 = vector.broadcast %jit3A : f32 to vector<1024x64xf32>
    %select_n3A = arith.select %broadcast_in_dim3A_35, %max3A_26, %broadcast_in_dim3A_36 : vector<1024x64xi1>, vector<1024x64xf32>
    %reduce_sum3A = arith.constant dense<0.000000e+00> : vector<64xf32>
    %reduce_sum3A_37 = vector.multi_reduction <add>, %select_n3A, %reduce_sum3A [0] : vector<1024x64xf32> to vector<64xf32>
    %broadcast_in_dim3A_38 = vector.shape_cast %reduce_sum3A_37 : vector<64xf32> to vector<1x64xf32>
    %broadcast_in_dim3A_39 = vector.shape_cast %broadcast_in_dim3A_38 : vector<1x64xf32> to vector<1x1x64xf32>
    %swap3A_40 = arith.constant 0 : index
    %swap3A_41 = arith.constant 0 : index
    %swap3A_42 = arith.constant 0 : index
    %swap3A_43 = vector.load %arg6[%swap3A_40, %swap3A_41, %swap3A_42] : memref<1x1x64xf32, #tpu.memory_space<vmem>>, vector<1x1x64xf32>
    tpu.vector_store %arg6[%swap3A_40, %swap3A_41, %swap3A_42], %broadcast_in_dim3A_39 {strides = array<i32>} : memref<1x1x64xf32, #tpu.memory_space<vmem>>, vector<1x1x64xf32>,
    return
  }
  func.func @transform_0(%arg0: i32) -> (i32, i32) {
    %c0_i32 = arith.constant 0 : i32
    %c0_i32_0 = arith.constant 0 : i32
    return %arg0, %c0_i32 : i32, i32
  }
  func.func @transform_1(%arg0: i32) -> (i32, i32) {
    %c0_i32 = arith.constant 0 : i32
    %c0_i32_0 = arith.constant 0 : i32
    return %arg0, %c0_i32 : i32, i32
  }
  func.func @transform_2(%arg0: i32) -> (i32, i32) {
    %c0_i32 = arith.constant 0 : i32
    %c0_i32_0 = arith.constant 0 : i32
    return %arg0, %c0_i32 : i32, i32
  }
  func.func @transform_3(%arg0: i32) -> (i32, i32) {
    %c0_i32 = arith.constant 0 : i32
    %c0_i32_0 = arith.constant 0 : i32
    %c0_i32_1 = arith.constant 0 : i32
    return %c0_i32, %c0_i32_0 : i32, i32
  }
  func.func @transform_4(%arg0: i32) -> (i32, i32) {
    %c0_i32 = arith.constant 0 : i32
    %c0_i32_0 = arith.constant 0 : i32
    return %arg0, %c0_i32 : i32, i32
  }
  func.func @transform_5(%arg0: i32) -> (i32, i32, i32) {
    %c0_i32 = arith.constant 0 : i32
    %c0_i32_0 = arith.constant 0 : i32
    %c0_i32_1 = arith.constant 0 : i32
    return %arg0, %c0_i32, %c0_i32_0 : i32, i32, i32
  }
}

module attributes {stable_mosaic.version = 14 : i64} {
  func.func @_f_body(%arg0: memref<49x1x64xf32, #tpu.memory_space<vmem>>, %arg1: memref<64x64xf32, #tpu.memory_space<vmem>>, %arg2: memref<1x64xf32, #tpu.memory_space<vmem>>, %arg3: memref<4096x64xf32, #tpu.memory_space<vmem>>, %arg4: memref<4096x64xf32, #tpu.memory_space<vmem>>, %arg5: memref<192x64xf32, #tpu.memory_space<vmem>>, %arg6: memref<1x64xf32, #tpu.memory_space<vmem>>, %arg7: memref<64x1xf32, #tpu.memory_space<vmem>>, %arg8: memref<1x1xf32, #tpu.memory_space<vmem>>, %arg9: memref<4096x1xf32, #tpu.memory_space<vmem>>) attributes {dimension_semantics = [], scalar_prefetch = 0 : i64, scratch_operands = 0 : i64, tpu.core_type = #tpu.core_type<tc>} {
    %get3A = arith.constant 0 : index
    %get3A_0 = arith.constant 0 : index
    %get3A_1 = arith.constant 0 : index
    %get3A_2 = vector.load %arg0[%get3A, %get3A_0, %get3A_1] : memref<49x1x64xf32, #tpu.memory_space<vmem>>, vector<49x1x64xf32>
    %reduce_sum3A = arith.constant dense<0.000000e+00> : vector<1x64xf32>
    %reduce_sum3A_3 = vector.multi_reduction <add>, %get3A_2, %reduce_sum3A [0] : vector<49x1x64xf32> to vector<1x64xf32>
    %mul3A = arith.constant 2.000000e-05 : f32
    %mul3A_4 = vector.broadcast %mul3A : f32 to vector<1x64xf32>
    %mul3A_5 = arith.mulf %reduce_sum3A_3, %mul3A_4 : vector<1x64xf32>
    %get3A_6 = arith.constant 0 : index
    %get3A_7 = arith.constant 0 : index
    %get3A_8 = vector.load %arg1[%get3A_6, %get3A_7] : memref<64x64xf32, #tpu.memory_space<vmem>>, vector<64x64xf32>
    %dot_general3A = arith.constant dense<0.000000e+00> : vector<1x64xf32>
    %dot_general3A_9 = tpu.matmul %mul3A_5, %get3A_8, %dot_general3A {dimension_numbers = #tpu.dot_dimension_numbers<[1], [0], [0], [1], [0, 0, 1, 1], [], []>, transpose_lhs_hint = false} : vector<1x64xf32>, vector<64x64xf32>, vector<1x64xf32> -> vector<1x64xf32>
    %get3A_10 = arith.constant 0 : index
    %get3A_11 = arith.constant 0 : index
    %get3A_12 = vector.load %arg2[%get3A_10, %get3A_11] : memref<1x64xf32, #tpu.memory_space<vmem>>, vector<1x64xf32>
    %add3A = arith.addf %dot_general3A_9, %get3A_12 : vector<1x64xf32>
    %get3A_13 = arith.constant 128 : index
    %get3A_14 = arith.constant 0 : index
    %get3A_15 = vector.load %arg5[%get3A_13, %get3A_14] : memref<192x64xf32, #tpu.memory_space<vmem>>, vector<64x64xf32>
    %dot_general3A_16 = arith.constant dense<0.000000e+00> : vector<1x64xf32>
    %dot_general3A_17 = tpu.matmul %add3A, %get3A_15, %dot_general3A_16 {dimension_numbers = #tpu.dot_dimension_numbers<[1], [0], [0], [1], [0, 0, 1, 1], [], []>, transpose_lhs_hint = false} : vector<1x64xf32>, vector<64x64xf32>, vector<1x64xf32> -> vector<1x64xf32>
    %get3A_18 = arith.constant 0 : index
    %get3A_19 = arith.constant 0 : index
    %get3A_20 = vector.load %arg6[%get3A_18, %get3A_19] : memref<1x64xf32, #tpu.memory_space<vmem>>, vector<1x64xf32>
    %add3A_21 = arith.addf %dot_general3A_17, %get3A_20 : vector<1x64xf32>
    %get3A_22 = arith.constant 0 : index
    %get3A_23 = arith.constant 0 : index
    %get3A_24 = vector.load %arg3[%get3A_22, %get3A_23] : memref<4096x64xf32, #tpu.memory_space<vmem>>, vector<4096x64xf32>
    %get3A_25 = arith.constant 0 : index
    %get3A_26 = arith.constant 0 : index
    %get3A_27 = vector.load %arg5[%get3A_25, %get3A_26] : memref<192x64xf32, #tpu.memory_space<vmem>>, vector<64x64xf32>
    %dot_general3A_28 = arith.constant dense<0.000000e+00> : vector<4096x64xf32>
    %dot_general3A_29 = tpu.matmul %get3A_24, %get3A_27, %dot_general3A_28 {dimension_numbers = #tpu.dot_dimension_numbers<[1], [0], [0], [1], [0, 0, 1, 1], [], []>, transpose_lhs_hint = false} : vector<4096x64xf32>, vector<64x64xf32>, vector<4096x64xf32> -> vector<4096x64xf32>
    %get3A_30 = arith.constant 0 : index
    %get3A_31 = arith.constant 0 : index
    %get3A_32 = vector.load %arg4[%get3A_30, %get3A_31] : memref<4096x64xf32, #tpu.memory_space<vmem>>, vector<4096x64xf32>
    %get3A_33 = arith.constant 64 : index
    %get3A_34 = arith.constant 0 : index
    %get3A_35 = vector.load %arg5[%get3A_33, %get3A_34] : memref<192x64xf32, #tpu.memory_space<vmem>>, vector<64x64xf32>
    %dot_general3A_36 = arith.constant dense<0.000000e+00> : vector<4096x64xf32>
    %dot_general3A_37 = tpu.matmul %get3A_32, %get3A_35, %dot_general3A_36 {dimension_numbers = #tpu.dot_dimension_numbers<[1], [0], [0], [1], [0, 0, 1, 1], [], []>, transpose_lhs_hint = false} : vector<4096x64xf32>, vector<64x64xf32>, vector<4096x64xf32> -> vector<4096x64xf32>
    %add3A_38 = arith.addf %dot_general3A_29, %dot_general3A_37 : vector<4096x64xf32>
    %add3A_39 = vector.broadcast %add3A_21 : vector<1x64xf32> to vector<4096x64xf32>
    %add3A_40 = arith.addf %add3A_38, %add3A_39 : vector<4096x64xf32>
    %max3A = arith.constant 0.000000e+00 : f32
    %max3A_41 = vector.broadcast %max3A : f32 to vector<4096x64xf32>
    %max3A_42 = arith.maximumf %add3A_40, %max3A_41 : vector<4096x64xf32>
    %get3A_43 = arith.constant 0 : index
    %get3A_44 = arith.constant 0 : index
    %get3A_45 = vector.load %arg7[%get3A_43, %get3A_44] : memref<64x1xf32, #tpu.memory_space<vmem>>, vector<64x1xf32>
    %dot_general3A_46 = arith.constant dense<0.000000e+00> : vector<4096x1xf32>
    %dot_general3A_47 = tpu.matmul %max3A_42, %get3A_45, %dot_general3A_46 {dimension_numbers = #tpu.dot_dimension_numbers<[1], [0], [0], [1], [0, 0, 1, 1], [], []>, transpose_lhs_hint = false} : vector<4096x64xf32>, vector<64x1xf32>, vector<4096x1xf32> -> vector<4096x1xf32>
    %get3A_48 = arith.constant 0 : index
    %get3A_49 = arith.constant 0 : index
    %get3A_50 = vector.load %arg8[%get3A_48, %get3A_49] : memref<1x1xf32, #tpu.memory_space<vmem>>, vector<1x1xf32>
    %add3A_51 = vector.broadcast %get3A_50 : vector<1x1xf32> to vector<4096x1xf32>
    %add3A_52 = arith.addf %dot_general3A_47, %add3A_51 : vector<4096x1xf32>
    %swap3A = arith.constant 0 : index
    %swap3A_53 = arith.constant 0 : index
    %swap3A_54 = vector.load %arg9[%swap3A, %swap3A_53] : memref<4096x1xf32, #tpu.memory_space<vmem>>, vector<4096x1xf32>
    tpu.vector_store %arg9[%swap3A, %swap3A_53], %add3A_52 {strides = array<i32>} : memref<4096x1xf32, #tpu.memory_space<vmem>>, vector<4096x1xf32>,
    return
  }
}

</mosaic_0001>

<sc_bundles>
// kernel: kernel.13.cloned.1.call-start
scs
__scs_entry_jumppad:
0x0: {  	(pc) =	sbr.rel $0x88, $3  }
0x1: {  	(tag) =	ssettag $0x0;
	lr =	simm.s32 $0x1  }
0x2: {  	[smem:$0x3F8F] =	sst lr;
	_ =	strace $0xD0000000  }
0x3: {  	_ = 	snop  }
0x4: {  	_ = 	snop  }
0x5: {  	_ = 	snop  }
0x6: {  	_ = 	snop  }
0x7: {  	_ = 	snop  }
__scs_overlays_trampoline_lowered:
0x8: {  	[smem:$0x3F9E] =	sst s0  }
0x9: {  	[smem:$0x3F9F] =	sst s1  }
0xa: {  	[smem:$0x3FA0] =	sst s2  }
0xb: {  	[smem:$0x3FA1] =	sst s3  }
0xc: {  	[smem:$0x3FA2] =	sst s4  }
0xd: {  	[smem:$0x3FA3] =	sst s5  }
0xe: {  	[smem:$0x3FA4] =	sst s6  }
0xf: {  	[smem:$0x3FA5] =	sst s7  }
0x10: {  	[smem:$0x3FA6] =	sst s8  }
0x11: {  	[smem:$0x3FA7] =	sst s9;
	s0 =	simm.s32 @!p0 $0x0  }
0x12: {  	s1 =	sld [smem:$0x3F8D];
	s0 =	simm.s32 @p0 $0x1  }
0x13: {  	[smem:$0x3FA8] =	sst s0;
	s0 =	simm.s32 @!p1 $0x0  }
0x14: {  	s2 =	sld [smem:$0x3F8C];
	s0 =	simm.s32 @p1 $0x1  }
0x15: {  	[smem:$0x3FA9] =	sst s0;
	s0 =	simm.s32 @!p2 $0x0  }
0x16: {  	s3 =	sld [smem:$0x3FDB];
	s0 =	simm.s32 @p2 $0x1  }
0x17: {  	s4 =	simm.s32 $0x1BF5;
	[smem:$0x3FAB] =	sst s0  }
0x18: {  	s0 =	sld [smem:$0x3F8E];
	_ =	swait.ge [sflag:s4], $0x0  }
0x19: {  	s7 =	sld [smem:$0x3F8F]  }
0x1a: {  	s8 =	sadd.s32 $0xFFFFE003, lr  }
0x1b: {  	s9 =	sadd.s32 $0xFFFFFEF7, lr;
	s5 =	simm.s32 $0xFFFFFFFF;
	p2 =	slt.u32 s8, $0xFFFFF086  }
0x1c: {  	p1 =	slt.u32 s9, $0xF7A;
	s5 =	simm.s32 @!p2 $0x0  }
0x1d: {  	s5 =	simm.s32 @p1 $0x1;
	p0 =	seq.s32 s7, s2  }
0x1e: {  	s7 =	smul.u32 @!p0 $0xF7A, s2;
	p2 =	seq.s32 @!p0 s5, $0x0  }
0x1f: {  	s9 =	smul.u32 $0xF7A, s1;
	s8 =	simm.s32 @!p0 $0x1BF5;
	p2 =	por !p2, p0  }
0x20: {  	[sflag:s8] =	ssyncset.s32 @!p0 $0xFFFFF086;
	s6 =	sadd.s32 @!p0 s3, s7;
	s7 =	simm.s32 @!p0 $0x108  }
0x21: {  	s3 =	sadd.s32 s3, s9;
	s6 =	sadd.s32 @!p0 $0x88, s6;
	s7 =	simm.s32 @p2 $0x1082  }
0x22: {  	[simem:s7], [sflag:s8] =	dma.local @!p0 [hbm:s6], $0xF7A  }
0x23: {  	s9 =	sor.u32 $0xD0000000, s2;
	s6 =	simm.s32 $0x108;
	_ =	swait.ge @!p0 [sflag:s8], $0x0  }
0x24: {  	s3 =	sadd.s32 $0x88, s3;
	s6 =	simm.s32 @!p1 $0x1082;
	[sflag:s4] =	ssyncset.s32 $0xFFFFF086  }
0x25: {  	[simem:s6], [sflag:s4] =	dma.local [hbm:s3], $0xF7A  }
0x26: {  	[smem:$0x3F8F] =	sst s1;
	(tag) =	ssettag s2;
	_ =	strace s9  }
0x27: {  	s1 =	sld [smem:$0x3F9F]  }
0x28: {  	s2 =	sld [smem:$0x3FA0]  }
0x29: {  	s4 =	sld [smem:$0x3FA2]  }
0x2a: {  	p0 =	seq.s32 s5, $0x0;
	s5 =	sld [smem:$0x3FA3]  }
0x2b: {  	s6 =	sld [smem:$0x3FA4]  }
0x2c: {  	s7 =	sld [smem:$0x3FA5]  }
0x2d: {  	s3 =	simm.s32 $0x108;
	s8 =	sld [smem:$0x3FA6]  }
0x2e: {  	s3 =	simm.s32 @!p0 $0x1082;
	s9 =	sld [smem:$0x3FA7]  }
0x2f: {  	lr =	sadd.s32 s0, s3;
	s0 =	sld [smem:$0x3F9E]  }
0x30: {  	s3 =	sld [smem:$0x3FA1]  }
0x31: {  	[smem:$0x3FAA] =	sst s10  }
0x32: {  	s10 =	sld [smem:$0x3FA8];
	_ =	sdelay $0x3  }
0x33: {  	p0 =	seq.s32 s10, $0x1;
	s10 =	sld [smem:$0x3FAA];
	_ =	sdelay $0x3  }
0x34: {  	[smem:$0x3FAA] =	sst s10  }
0x35: {  	s10 =	sld [smem:$0x3FA9];
	_ =	sdelay $0x3  }
0x36: {  	p1 =	seq.s32 s10, $0x1;
	s10 =	sld [smem:$0x3FAA];
	_ =	sdelay $0x3  }
0x37: {  	[smem:$0x3FAA] =	sst s10  }
0x38: {  	s10 =	sld [smem:$0x3FAB]  }
0x39: {  	_ = 	snop;
	(pc) =	sbr.ind lr, $3  }
0x3a: {  	_ = 	snop  }
0x3b: {  	_ = 	snop  }
0x3c: {  	p2 =	seq.s32 s10, $0x1;
	s10 =	sld [smem:$0x3FAA]  }
0x3d: {  	_ =	shalt  }
0x3e: {  	_ =	shalt  }
0x3f: {  	_ =	shalt  }
0x40: {  	_ =	shalt  }
0x41: {  	_ =	shalt  }
0x42: {  	_ =	shalt  }
0x43: {  	_ =	shalt  }
0x44: {  	_ =	shalt  }
0x45: {  	_ =	shalt  }
0x46: {  	_ =	shalt  }
0x47: {  	_ =	shalt  }
0x48: {  	_ =	shalt  }
0x49: {  	_ =	shalt  }
0x4a: {  	_ =	shalt  }
0x4b: {  	_ =	shalt  }
0x4c: {  	_ =	shalt  }
0x4d: {  	_ =	shalt  }
0x4e: {  	_ =	shalt  }
0x4f: {  	_ =	shalt  }
0x50: {  	_ =	shalt  }
0x51: {  	_ =	shalt  }
0x52: {  	_ =	shalt  }
0x53: {  	_ =	shalt  }
0x54: {  	_ =	shalt  }
0x55: {  	_ =	shalt  }
0x56: {  	_ =	shalt  }
0x57: {  	_ =	shalt  }
0x58: {  	_ =	shalt  }
0x59: {  	_ =	shalt  }
0x5a: {  	_ =	shalt  }
0x5b: {  	_ =	shalt  }
0x5c: {  	_ =	shalt  }
0x5d: {  	_ =	shalt  }
0x5e: {  	_ =	shalt  }
0x5f: {  	_ =	shalt  }
0x60: {  	_ =	shalt  }
0x61: {  	_ =	shalt  }
0x62: {  	_ =	shalt  }
0x63: {  	_ =	shalt  }
0x64: {  	_ =	shalt  }
0x65: {  	_ =	shalt  }
0x66: {  	_ =	shalt  }
0x67: {  	_ =	shalt  }
0x68: {  	_ =	shalt  }
0x69: {  	_ =	shalt  }
0x6a: {  	_ =	shalt  }
0x6b: {  	_ =	shalt  }
0x6c: {  	_ =	shalt  }
0x6d: {  	_ =	shalt  }
0x6e: {  	_ =	shalt  }
0x6f: {  	_ =	shalt  }
0x70: {  	_ =	shalt  }
0x71: {  	_ =	shalt  }
0x72: {  	_ =	shalt  }
0x73: {  	_ =	shalt  }
0x74: {  	_ =	shalt  }
0x75: {  	_ =	shalt  }
0x76: {  	_ =	shalt  }
0x77: {  	_ =	shalt  }
0x78: {  	_ =	shalt  }
0x79: {  	_ =	shalt  }
0x7a: {  	_ =	shalt  }
0x7b: {  	_ =	shalt  }
0x7c: {  	_ =	shalt  }
0x7d: {  	_ =	shalt  }
0x7e: {  	_ =	shalt  }
0x7f: {  	_ =	shalt  }
0x80: {  	_ =	shalt  }
0x81: {  	_ =	shalt  }
0x82: {  	_ =	shalt  }
0x83: {  	_ =	shalt  }
0x84: {  	_ =	shalt  }
0x85: {  	_ =	shalt  }
0x86: {  	_ =	shalt  }
0x87: {  	_ =	shalt  }
.Lfunc_end0:
.L_simem_size_0:
called_computation_lowered:
.L_overlay_start_0:
0x88: {  	s2 =	sld [smem:$0x3FD9]  }
0x89: {  	s3 =	sld [smem:$0x3FFE];
	_ =	sdelay $0x1  }
0x8a: {  	s1 =	srdreg.scid  }
0x8b: {  	s0 =	sand.u32 $0x1, s1  }
0x8c: {  	s16 =	sshll.u32 s0, $0xA;
	s2 =	sadd.s32 s3, s2  }
0x8d: {  	s2 =	sadd.s32 s2, s16  }
0x8e: {  	[smem:$0x3FB6] =	sst s2  }
0x8f: {  	_ = 	snop  }
0x90: {  	(tm) =	ssettm $0x1  }
0x91: {  	s17 =	sld [smem:$0x3FFB];
	_ =	sdelay $0x3  }
0x92: {  	_ =	strace s17  }
0x93: {  	s2 =	sld [smem:$0x3FFC];
	_ =	sdelay $0x3  }
0x94: {  	_ =	strace s2  }
0x95: {  	s2 =	sld [smem:$0x3FFD];
	_ =	sdelay $0x3  }
0x96: {  	_ =	strace s2  }
0x97: {  	_ =	strace $0x8FFFFFFF  }
0x98: {  	s18 =	sld [smem:$0x3FDB];
	_ =	sdelay $0x1  }
0x99: {  	s19 =	simm.s32 $_scs_section_size  }
0x9a: {  	s4 =	simm.s32 $_size__tile_overlayer_lowered;
	s5 =	simm.s32 $_tile_overlayer_lowered  }
0x9b: {  	s22 =	simm.s32 $0x1BFF;
	s21 =	sshll.u32 s5, $0x1;
	s2 =	sadd.s32 s19, s18  }
0x9c: {  	s6 =	simm.s32 $0x0;
	s20 =	sshll.u32 s4, $0x1;
	s4 =	sadd.s32 s21, s2  }
0x9d: {  	[timem:s6], [sflag:s22] =	dma.local [hbm:s4], s20  }
0x9e: {  	_ =	swait.ge [sflag:s22], s20  }
0x9f: {  	s3 =	ssub.s32 $0x0, s20;
	[sflag:s22] =	ssyncset.done $0x0  }
0xa0: {  	[sflag:s22] =	ssyncadd.s32 s3;
	_ =	sdelay $0x1  }
0xa1: {  	s23 =	simm.s32 $0x1B8B  }
0xa2: {  	_ =	swait.ge [sflag:s23], $0x1  }
0xa3: {  	[sflag:s23] =	ssyncset.done $0x0  }
0xa4: {  	s25 =	simm.s32 $0x1B8E;
	s24 =	sld [smem:$0x3FFE];
	[sflag:s23] =	ssyncadd.s32 $0xFFFFFFFF  }
0xa5: {  	s26 =	simm.s32 $execute0_lowered;
	[smem:$0x3FD2] =	sst s25  }
0xa6: {  	s4 =	sshll.u32 s26, $0x1;
	_ =	strace $0x80000046;
	[dreg:$0x1] =	wrdreg $0xFFFFFFFF  }
0xa7: {  	s28 =	simm.s32 $_size_execute0_lowered;
	s2 =	sadd.s32 s2, s4;
	[dreg:$0x0] =	wrdreg $0x0  }
0xa8: {  	s4 =	sshll.u32 s28, $0x1;
	[dreg:$0x2] =	wrdreg s2  }
0xa9: {  	[dreg:$0x3] =	wrdreg s4  }
0xaa: {  	[dreg:$0x4] =	wrdreg $0xC0  }
0xab: {  	_ =	task [dreg:s6], $0x5FFFF  }
0xac: {  	[dreg:$0x1] =	wrdreg $0xFFFFFFFF  }
0xad: {  	[dreg:$0x0] =	wrdreg $0x60  }
0xae: {  	[dreg:$0x2] =	wrdreg s24  }
0xaf: {  	[dreg:$0x3] =	wrdreg $0x9  }
0xb0: {  	_ =	task.clear_ibuf [dreg:s6], $0x4FFFF;
	_ =	strace $0x90000046  }
0xb1: {  	s29 =	simm.s32 $0x9;
	_ =	strace $0x80000048  }
0xb2: {  	_ =	swait.ge [sflag:s29], $0x1  }
0xb3: {  	[sflag:s29] =	ssyncadd.s32 $0xFFFFFFFF  }
0xb4: {  	_ =	strace $0x90000048  }
0xb5: {  	_ =	sfence  }
0xb6: {  	s30 =	sld [smem:$0x0];
	_ =	sdelay $0x2  }
0xb7: {  	s31 =	sshll.u32 s1, $0xD;
	s1 =	sshrl.u32 s1, $0x2  }
0xb8: {  	s3 =	sand.u32 $0x4000, s31;
	s1 =	sadd.s32 s1, s30  }
0xb9: {  	s0 =	sor.u32 s3, s0;
	s1 =	sshll.u32 s1, $0x11  }
0xba: {  	s0 =	sor.u32 s1, s0  }
0xbb: {  	s0 =	sadd.s32 $0x8F2B, s0  }
0xbc: {  	[sflag:s0] =	ssyncadd.remote.s32 $0x1  }
0xbd: {  	_ =	sfence.sel $0xFFFF  }
0xbe: {  	[dreg:$0x0] =	wrdreg $0xFFFFFFFF;
	(pc) =	sbr.abs _section_cstart, $3  }
0xbf: {  	[dreg:$0x1] =	wrdreg $0xFFFFFFFF  }
0xc0: {  	_ =	task.clear_ibuf [dreg:s6], $0x2FFFF;
	_ =	strace $0x9FFFFFFF  }
0xc1: {  	(tm) =	ssettm $0x7FFFFFFF  }
tec
execute0_lowered:
.L_overlay_start_1:
0x0: {  	(tag) =	ssettag $0x1  }
0x1: {  	s1 =	srdreg.scid  }
0x2: {  	s0 =	stileid.u32;
	s3 =	rddreg [dreg:$0x0]  }
0x3: {  	s2 =	simm.s32 $0x0;
	s10 =	simm.s32 $0x1;
	s11 =	simm.s32 $0x2  }
0x4: {  	s12 =	simm.s32 $0x3;
	s4 =	sand.u32 $0x1, s1;
	s1 =	rddreg [dreg:$0x1]  }
0x5: {  	s13 =	simm.s32 $0x0;
	s5 =	sshll.u32 s0, $0x1;
	[smem:$0x7FF] =	sst s2  }
0x6: {  	s7 =	smul.u32 $0x18800, s0;
	s9 =	sadd.s32 $0x2A00, s3;
	s5 =	sor.u32 s4, s5  }
0x7: {  	_ =	strace $0x80000047;
	s8 =	ssub.s32 $0x2, s4;
	s4 =	smul.u32 $0xC400, s4  }
0x8: {  	s6 =	smul.u32 $0xC400, s5;
	s5 =	sshll.u32 s5, $0xD;
	s29 =	sshrl.u32 s8, $0x1  }
0x9: {  	s5 =	sadd.s32 s5, s3;
	s8 =	ssub.s32 s8, s29;
	s4 =	sadd.s32 s4, s7  }
0xa: {  	s30 =	sshrl.u32 s6, $0x3;
	s31 =	sor.u32 $0x380, s4;
	s7 =	sor.u32 $0x1C0, s4  }
0xb: {  	s4 =	sadd.s32 $0x33A00, s5;
	s5 =	smax.u32 s8, $0x1;
	s8 =	simm.s32 $0x10000  }
0xc: {  	s3 =	sadd.s32 s9, s30;
	s6 =	sshrl.u32 s31, $0x3;
	s7 =	sshrl.u32 s7, $0x3  }
0xd: {  	v0 =	vimm.f32 $0.0e+00;
	v1 =	vimm.f32 $1.000000000e+00;
	s6 =	sadd.s32 s6, s9;
	s7 =	sadd.s32 s7, s9;
	s9 =	simm.s32 $0x101C0  }
.LBB2_1:
0xe: {  	s14 =	simm.s32 $0x40;
	s15 =	simm.s32 $0x0  }
.LBB2_2:
0xf: {  	p0 =	sne.s32 s14, $0x3FFC0;
	[tilespmem:s15+$0x0] =	vst v0;
	s15 =	smov.u32 s14;
	s14 =	sadd.s32 $0x40, s14  }
.Ltmp0:
0x10: {  	(pc) =	sbr.rel @p0 .LBB2_2-.Ltmp0, $2  }
0x11: {  	_ =	sdelay $0x2  }
0x12: {  	s15 =	sshra.s32 s15, $0x2  }
0x13: {  	[tilespmem:s15+$0x0] =	vst v0;
	s14 =	simm.s32 $0x0  }
0x14: {  	[tilespmem:s8], [sflag:$0x1] =	stream.linear.gather [hbm4b:s3+s14], $0x1C0, $0x38;
	[tilespmem:$0x10380] =	vst v63  }
.LBB2_4:
0x15: {  	s15 =	sadd.s32 s14, s7  }
0x16: {  	[tilespmem:s9], [sflag:$0x2] =	stream.linear.gather [hbm4b:s15+s2], $0x1C0, $0x38;
	[tilespmem:$0x10380] =	vst v63  }
0x17: {  	_ =	swait.ge [sflag:s10], $0x1C0  }
0x18: {  	[sflag:s10] =	ssyncset.done $0x0  }
0x19: {  	[sflag:s10] =	ssyncadd.s32 $0xFFFFFE40  }
0x1a: {  	v2 =	vld [tilespmem:$0x10070];
	_ =	sdelay $0x7  }
0x1b: {  	[tilespmem:v2+s2+$0x0] =	vst.idx.add.f32.msk $0xffff, v1  }
0x1c: {  	v2 =	vld [tilespmem:$0x10080];
	_ =	sdelay $0x7  }
0x1d: {  	[tilespmem:v2+s2+$0x0] =	vst.idx.add.f32.msk $0xffff, v1  }
0x1e: {  	v2 =	vld [tilespmem:$0x10090];
	_ =	sdelay $0x7  }
0x1f: {  	[tilespmem:v2+s2+$0x0] =	vst.idx.add.f32.msk $0xffff, v1  }
0x20: {  	v2 =	vld [tilespmem:$0x100A0];
	_ =	sdelay $0x7  }
0x21: {  	[tilespmem:v2+s2+$0x0] =	vst.idx.add.f32.msk $0xffff, v1  }
0x22: {  	v2 =	vld [tilespmem:$0x100B0];
	_ =	sdelay $0x7  }
0x23: {  	[tilespmem:v2+s2+$0x0] =	vst.idx.add.f32.msk $0xffff, v1  }
0x24: {  	v2 =	vld [tilespmem:$0x100C0];
	_ =	sdelay $0x7  }
0x25: {  	[tilespmem:v2+s2+$0x0] =	vst.idx.add.f32.msk $0xffff, v1  }
0x26: {  	v2 =	vld [tilespmem:$0x100D0];
	_ =	sdelay $0x7  }
0x27: {  	[tilespmem:v2+s2+$0x0] =	vst.idx.add.f32.msk $0xffff, v1  }
0x28: {  	v2 =	vld [tilespmem:$0x10150];
	_ =	sdelay $0x7  }
0x29: {  	[tilespmem:v2+s2+$0x0] =	vst.idx.add.f32.msk $0xffff, v1  }
0x2a: {  	v2 =	vld [tilespmem:$0x10160];
	_ =	sdelay $0x7  }
0x2b: {  	[tilespmem:v2+s2+$0x0] =	vst.idx.add.f32.msk $0xffff, v1  }
0x2c: {  	v2 =	vld [tilespmem:$0x10170];
	_ =	sdelay $0x7  }
0x2d: {  	[tilespmem:v2+s2+$0x0] =	vst.idx.add.f32.msk $0xffff, v1  }
0x2e: {  	v2 =	vld [tilespmem:$0x10180];
	_ =	sdelay $0x7  }
0x2f: {  	[tilespmem:v2+s2+$0x0] =	vst.idx.add.f32.msk $0xffff, v1  }
0x30: {  	v2 =	vld [tilespmem:$0x10190];
	_ =	sdelay $0x7  }
0x31: {  	[tilespmem:v2+s2+$0x0] =	vst.idx.add.f32.msk $0xffff, v1  }
0x32: {  	v2 =	vld [tilespmem:$0x101A0];
	_ =	sdelay $0x7  }
0x33: {  	[tilespmem:v2+s2+$0x0] =	vst.idx.add.f32.msk $0xffff, v1  }
0x34: {  	v2 =	vld [tilespmem:$0x101B0];
	_ =	sdelay $0x6  }
0x35: {  	p0 =	seq.s32 s14, $0x1810  }
0x36: {  	s15 =	sadd.s32 @!p0 s14, s6;
	s16 =	simm.s32 @!p0 $0x0;
	s17 =	simm.s32 @!p0 $0x10000;
	[tilespmem:v2+s2+$0x0] =	vst.idx.add.f32.msk $0xffff, v1  }
0x37: {  	[tilespmem:s17], [sflag:$0x1] =	stream.linear.gather @!p0 [hbm4b:s15+s16], $0x1C0, $0x38;
	[tilespmem:$0x10380] =	vst v63  }
0x38: {  	_ =	swait.ge [sflag:s11], $0x1C0  }
0x39: {  	[sflag:s11] =	ssyncset.done $0x0  }
0x3a: {  	[sflag:s11] =	ssyncadd.s32 $0xFFFFFE40  }
0x3b: {  	v2 =	vld [tilespmem:$0x10230];
	_ =	sdelay $0x7  }
0x3c: {  	[tilespmem:v2+s2+$0x0] =	vst.idx.add.f32.msk $0xffff, v1  }
0x3d: {  	v2 =	vld [tilespmem:$0x10240];
	_ =	sdelay $0x7  }
0x3e: {  	[tilespmem:v2+s2+$0x0] =	vst.idx.add.f32.msk $0xffff, v1  }
0x3f: {  	v2 =	vld [tilespmem:$0x10250];
	_ =	sdelay $0x7  }
0x40: {  	[tilespmem:v2+s2+$0x0] =	vst.idx.add.f32.msk $0xffff, v1  }
0x41: {  	v2 =	vld [tilespmem:$0x10260];
	_ =	sdelay $0x7  }
0x42: {  	[tilespmem:v2+s2+$0x0] =	vst.idx.add.f32.msk $0xffff, v1  }
0x43: {  	v2 =	vld [tilespmem:$0x10270];
	_ =	sdelay $0x7  }
0x44: {  	[tilespmem:v2+s2+$0x0] =	vst.idx.add.f32.msk $0xffff, v1  }
0x45: {  	v2 =	vld [tilespmem:$0x10280];
	_ =	sdelay $0x7  }
0x46: {  	[tilespmem:v2+s2+$0x0] =	vst.idx.add.f32.msk $0xffff, v1  }
0x47: {  	v2 =	vld [tilespmem:$0x10290];
	_ =	sdelay $0x7  }
0x48: {  	[tilespmem:v2+s2+$0x0] =	vst.idx.add.f32.msk $0xffff, v1  }
0x49: {  	v2 =	vld [tilespmem:$0x10310];
	_ =	sdelay $0x7  }
0x4a: {  	[tilespmem:v2+s2+$0x0] =	vst.idx.add.f32.msk $0xffff, v1  }
0x4b: {  	v2 =	vld [tilespmem:$0x10320];
	_ =	sdelay $0x7  }
0x4c: {  	[tilespmem:v2+s2+$0x0] =	vst.idx.add.f32.msk $0xffff, v1  }
0x4d: {  	v2 =	vld [tilespmem:$0x10330];
	_ =	sdelay $0x7  }
0x4e: {  	[tilespmem:v2+s2+$0x0] =	vst.idx.add.f32.msk $0xffff, v1  }
0x4f: {  	v2 =	vld [tilespmem:$0x10340];
	_ =	sdelay $0x7  }
0x50: {  	[tilespmem:v2+s2+$0x0] =	vst.idx.add.f32.msk $0xffff, v1  }
0x51: {  	v2 =	vld [tilespmem:$0x10350];
	_ =	sdelay $0x7  }
0x52: {  	[tilespmem:v2+s2+$0x0] =	vst.idx.add.f32.msk $0xffff, v1  }
0x53: {  	v2 =	vld [tilespmem:$0x10360];
	_ =	sdelay $0x7  }
0x54: {  	[tilespmem:v2+s2+$0x0] =	vst.idx.add.f32.msk $0xffff, v1  }
0x55: {  	v2 =	vld [tilespmem:$0x10370];
	_ =	sdelay $0x1  }
0x56: {  	s14 =	sadd.s32 $0x70, s14  }
0x57: {  	p0 =	sne.s32 s14, $0x1880  }
.Ltmp1:
0x58: {  	_ = 	snop;
	(pc) =	sbr.rel @p0 .LBB2_4-.Ltmp1, $2  }
0x59: {  	_ =	sdelay $0x2  }
0x5a: {  	[tilespmem:v2+s2+$0x0] =	vst.idx.add.f32.msk $0xffff, v1  }
0x5b: {  	s13 =	sadd.s32 $0x1, s13  }
0x5c: {  	p0 =	sne.s32 s13, s5  }
.Ltmp2:
0x5d: {  	_ = 	snop;
	(pc) =	sbr.rel @p0 .LBB2_1-.Ltmp2, $4  }
0x5e: {  	[hbm4b:s4+s2] =	stream.linear.scatter [tilespmem:s2], [sflag:$0x3], $0x10000, $0x38;
	[tilespmem:$0x10380] =	vst v63  }
0x5f: {  	_ =	swait.ge [sflag:s12], $0x10000  }
0x60: {  	[sflag:s12] =	ssyncset.done $0x0  }
0x61: {  	[sflag:s12] =	ssyncadd.s32 $0xFFFF0000  }
0x62: {  	_ =	sfence.sel $0x180000  }
0x63: {  	[bflag:$0x0] =	sbarrier.arrive $0xFFFF  }
0x64: {  	p0 =	sne.s32 s0, $0x0;
	_ =	strace $0x90000047  }
0x65: {  	s0 =	sadd.s32 @!p0 $0x100000, s1;
	[bflag:$0x2] =	sbarrier.arrive $0xFFFF  }
0x66: {  	[sflag:s0] =	ssyncadd.tile.s32 @!p0 $0x1;
	_ =	shalt  }
.Lfunc_end2:
_tile_overlayer_lowered:
.L_overlay_start_2:
0x67: {  	(tag) =	ssettag $0x2  }
0x68: {  	s0 =	rddreg [dreg:$0x0];
	s2 =	stileid.u32  }
0x69: {  	s1 =	rddreg [dreg:$0x1];
	p0 =	sne.s32 s2, $0x0  }
0x6a: {  	s3 =	rddreg [dreg:$0x2];
	[bflag:$0x3] =	sbarrier.arrive $0xFFFF;
	s2 =	simm.s32 @!p0 $0x1C03  }
0x6b: {  	[timem:s3], [sflag:s2] =	dma.local @!p0 [hbm:s0], s1  }
0x6c: {  	s0 =	simm.s32 @!p0 $0x3  }
0x6d: {  	_ =	swait.ge @!p0 [sflag:s0], s1  }
0x6e: {  	s1 =	ssub.s32 @!p0 $0x0, s1;
	[sflag:s0] =	ssyncset.done @!p0 $0x0  }
0x6f: {  	[sflag:s0] =	ssyncadd.s32 @!p0 s1  }
0x70: {  	[bflag:$0x3] =	sbarrier.arrive $0xFFFF  }
0x71: {  	_ =	shalt  }

// kernel: kernel.16.cloned.1.call-start
scs
__scs_entry_jumppad:
0x0: {  	(pc) =	sbr.rel $0x88, $3  }
0x1: {  	(tag) =	ssettag $0x0;
	lr =	simm.s32 $0x1  }
0x2: {  	[smem:$0x3F8F] =	sst lr;
	_ =	strace $0xD0000000  }
0x3: {  	_ = 	snop  }
0x4: {  	_ = 	snop  }
0x5: {  	_ = 	snop  }
0x6: {  	_ = 	snop  }
0x7: {  	_ = 	snop  }
__scs_overlays_trampoline_lowered:
0x8: {  	[smem:$0x3F9E] =	sst s0  }
0x9: {  	[smem:$0x3F9F] =	sst s1  }
0xa: {  	[smem:$0x3FA0] =	sst s2  }
0xb: {  	[smem:$0x3FA1] =	sst s3  }
0xc: {  	[smem:$0x3FA2] =	sst s4  }
0xd: {  	[smem:$0x3FA3] =	sst s5  }
0xe: {  	[smem:$0x3FA4] =	sst s6  }
0xf: {  	[smem:$0x3FA5] =	sst s7  }
0x10: {  	[smem:$0x3FA6] =	sst s8  }
0x11: {  	[smem:$0x3FA7] =	sst s9;
	s0 =	simm.s32 @!p0 $0x0  }
0x12: {  	s1 =	sld [smem:$0x3F8D];
	s0 =	simm.s32 @p0 $0x1  }
0x13: {  	[smem:$0x3FA8] =	sst s0;
	s0 =	simm.s32 @!p1 $0x0  }
0x14: {  	s2 =	sld [smem:$0x3F8C];
	s0 =	simm.s32 @p1 $0x1  }
0x15: {  	[smem:$0x3FA9] =	sst s0;
	s0 =	simm.s32 @!p2 $0x0  }
0x16: {  	s3 =	sld [smem:$0x3FDB];
	s0 =	simm.s32 @p2 $0x1  }
0x17: {  	s4 =	simm.s32 $0x1BF5;
	[smem:$0x3FAB] =	sst s0  }
0x18: {  	s0 =	sld [smem:$0x3F8E];
	_ =	swait.ge [sflag:s4], $0x0  }
0x19: {  	s7 =	sld [smem:$0x3F8F]  }
0x1a: {  	s8 =	sadd.s32 $0xFFFFE003, lr  }
0x1b: {  	s9 =	sadd.s32 $0xFFFFFEF7, lr;
	s5 =	simm.s32 $0xFFFFFFFF;
	p2 =	slt.u32 s8, $0xFFFFF086  }
0x1c: {  	p1 =	slt.u32 s9, $0xF7A;
	s5 =	simm.s32 @!p2 $0x0  }
0x1d: {  	s5 =	simm.s32 @p1 $0x1;
	p0 =	seq.s32 s7, s2  }
0x1e: {  	s7 =	smul.u32 @!p0 $0xF7A, s2;
	p2 =	seq.s32 @!p0 s5, $0x0  }
0x1f: {  	s9 =	smul.u32 $0xF7A, s1;
	s8 =	simm.s32 @!p0 $0x1BF5;
	p2 =	por !p2, p0  }
0x20: {  	[sflag:s8] =	ssyncset.s32 @!p0 $0xFFFFF086;
	s6 =	sadd.s32 @!p0 s3, s7;
	s7 =	simm.s32 @!p0 $0x108  }
0x21: {  	s3 =	sadd.s32 s3, s9;
	s6 =	sadd.s32 @!p0 $0x88, s6;
	s7 =	simm.s32 @p2 $0x1082  }
0x22: {  	[simem:s7], [sflag:s8] =	dma.local @!p0 [hbm:s6], $0xF7A  }
0x23: {  	s9 =	sor.u32 $0xD0000000, s2;
	s6 =	simm.s32 $0x108;
	_ =	swait.ge @!p0 [sflag:s8], $0x0  }
0x24: {  	s3 =	sadd.s32 $0x88, s3;
	s6 =	simm.s32 @!p1 $0x1082;
	[sflag:s4] =	ssyncset.s32 $0xFFFFF086  }
0x25: {  	[simem:s6], [sflag:s4] =	dma.local [hbm:s3], $0xF7A  }
0x26: {  	[smem:$0x3F8F] =	sst s1;
	(tag) =	ssettag s2;
	_ =	strace s9  }
0x27: {  	s1 =	sld [smem:$0x3F9F]  }
0x28: {  	s2 =	sld [smem:$0x3FA0]  }
0x29: {  	s4 =	sld [smem:$0x3FA2]  }
0x2a: {  	p0 =	seq.s32 s5, $0x0;
	s5 =	sld [smem:$0x3FA3]  }
0x2b: {  	s6 =	sld [smem:$0x3FA4]  }
0x2c: {  	s7 =	sld [smem:$0x3FA5]  }
0x2d: {  	s3 =	simm.s32 $0x108;
	s8 =	sld [smem:$0x3FA6]  }
0x2e: {  	s3 =	simm.s32 @!p0 $0x1082;
	s9 =	sld [smem:$0x3FA7]  }
0x2f: {  	lr =	sadd.s32 s0, s3;
	s0 =	sld [smem:$0x3F9E]  }
0x30: {  	s3 =	sld [smem:$0x3FA1]  }
0x31: {  	[smem:$0x3FAA] =	sst s10  }
0x32: {  	s10 =	sld [smem:$0x3FA8];
	_ =	sdelay $0x3  }
0x33: {  	p0 =	seq.s32 s10, $0x1;
	s10 =	sld [smem:$0x3FAA];
	_ =	sdelay $0x3  }
0x34: {  	[smem:$0x3FAA] =	sst s10  }
0x35: {  	s10 =	sld [smem:$0x3FA9];
	_ =	sdelay $0x3  }
0x36: {  	p1 =	seq.s32 s10, $0x1;
	s10 =	sld [smem:$0x3FAA];
	_ =	sdelay $0x3  }
0x37: {  	[smem:$0x3FAA] =	sst s10  }
0x38: {  	s10 =	sld [smem:$0x3FAB]  }
0x39: {  	_ = 	snop;
	(pc) =	sbr.ind lr, $3  }
0x3a: {  	_ = 	snop  }
0x3b: {  	_ = 	snop  }
0x3c: {  	p2 =	seq.s32 s10, $0x1;
	s10 =	sld [smem:$0x3FAA]  }
0x3d: {  	_ =	shalt  }
0x3e: {  	_ =	shalt  }
0x3f: {  	_ =	shalt  }
0x40: {  	_ =	shalt  }
0x41: {  	_ =	shalt  }
0x42: {  	_ =	shalt  }
0x43: {  	_ =	shalt  }
0x44: {  	_ =	shalt  }
0x45: {  	_ =	shalt  }
0x46: {  	_ =	shalt  }
0x47: {  	_ =	shalt  }
0x48: {  	_ =	shalt  }
0x49: {  	_ =	shalt  }
0x4a: {  	_ =	shalt  }
0x4b: {  	_ =	shalt  }
0x4c: {  	_ =	shalt  }
0x4d: {  	_ =	shalt  }
0x4e: {  	_ =	shalt  }
0x4f: {  	_ =	shalt  }
0x50: {  	_ =	shalt  }
0x51: {  	_ =	shalt  }
0x52: {  	_ =	shalt  }
0x53: {  	_ =	shalt  }
0x54: {  	_ =	shalt  }
0x55: {  	_ =	shalt  }
0x56: {  	_ =	shalt  }
0x57: {  	_ =	shalt  }
0x58: {  	_ =	shalt  }
0x59: {  	_ =	shalt  }
0x5a: {  	_ =	shalt  }
0x5b: {  	_ =	shalt  }
0x5c: {  	_ =	shalt  }
0x5d: {  	_ =	shalt  }
0x5e: {  	_ =	shalt  }
0x5f: {  	_ =	shalt  }
0x60: {  	_ =	shalt  }
0x61: {  	_ =	shalt  }
0x62: {  	_ =	shalt  }
0x63: {  	_ =	shalt  }
0x64: {  	_ =	shalt  }
0x65: {  	_ =	shalt  }
0x66: {  	_ =	shalt  }
0x67: {  	_ =	shalt  }
0x68: {  	_ =	shalt  }
0x69: {  	_ =	shalt  }
0x6a: {  	_ =	shalt  }
0x6b: {  	_ =	shalt  }
0x6c: {  	_ =	shalt  }
0x6d: {  	_ =	shalt  }
0x6e: {  	_ =	shalt  }
0x6f: {  	_ =	shalt  }
0x70: {  	_ =	shalt  }
0x71: {  	_ =	shalt  }
0x72: {  	_ =	shalt  }
0x73: {  	_ =	shalt  }
0x74: {  	_ =	shalt  }
0x75: {  	_ =	shalt  }
0x76: {  	_ =	shalt  }
0x77: {  	_ =	shalt  }
0x78: {  	_ =	shalt  }
0x79: {  	_ =	shalt  }
0x7a: {  	_ =	shalt  }
0x7b: {  	_ =	shalt  }
0x7c: {  	_ =	shalt  }
0x7d: {  	_ =	shalt  }
0x7e: {  	_ =	shalt  }
0x7f: {  	_ =	shalt  }
0x80: {  	_ =	shalt  }
0x81: {  	_ =	shalt  }
0x82: {  	_ =	shalt  }
0x83: {  	_ =	shalt  }
0x84: {  	_ =	shalt  }
0x85: {  	_ =	shalt  }
0x86: {  	_ =	shalt  }
0x87: {  	_ =	shalt  }
.Lfunc_end0:
.L_simem_size_0:
called_computation.1_lowered:
.L_overlay_start_0:
0x88: {  	s2 =	sld [smem:$0x3FD9]  }
0x89: {  	s3 =	sld [smem:$0x3FFE];
	_ =	sdelay $0x1  }
0x8a: {  	s1 =	srdreg.scid  }
0x8b: {  	s0 =	sand.u32 $0x1, s1  }
0x8c: {  	s16 =	sshll.u32 s0, $0xA;
	s2 =	sadd.s32 s3, s2  }
0x8d: {  	s2 =	sadd.s32 s2, s16  }
0x8e: {  	[smem:$0x3FB6] =	sst s2  }
0x8f: {  	_ = 	snop  }
0x90: {  	(tm) =	ssettm $0x1  }
0x91: {  	s17 =	sld [smem:$0x3FFB];
	_ =	sdelay $0x3  }
0x92: {  	_ =	strace s17  }
0x93: {  	s2 =	sld [smem:$0x3FFC];
	_ =	sdelay $0x3  }
0x94: {  	_ =	strace s2  }
0x95: {  	s2 =	sld [smem:$0x3FFD];
	_ =	sdelay $0x3  }
0x96: {  	_ =	strace s2  }
0x97: {  	_ =	strace $0x8FFFFFFF  }
0x98: {  	s18 =	sld [smem:$0x3FDB];
	_ =	sdelay $0x1  }
0x99: {  	s19 =	simm.s32 $_scs_section_size  }
0x9a: {  	s4 =	simm.s32 $_size__tile_overlayer_lowered;
	s5 =	simm.s32 $_tile_overlayer_lowered  }
0x9b: {  	s22 =	simm.s32 $0x1BFF;
	s21 =	sshll.u32 s5, $0x1;
	s2 =	sadd.s32 s19, s18  }
0x9c: {  	s6 =	simm.s32 $0x0;
	s20 =	sshll.u32 s4, $0x1;
	s4 =	sadd.s32 s21, s2  }
0x9d: {  	[timem:s6], [sflag:s22] =	dma.local [hbm:s4], s20  }
0x9e: {  	_ =	swait.ge [sflag:s22], s20  }
0x9f: {  	s3 =	ssub.s32 $0x0, s20;
	[sflag:s22] =	ssyncset.done $0x0  }
0xa0: {  	[sflag:s22] =	ssyncadd.s32 s3;
	_ =	sdelay $0x1  }
0xa1: {  	s23 =	simm.s32 $0x1B8B  }
0xa2: {  	_ =	swait.ge [sflag:s23], $0x1  }
0xa3: {  	[sflag:s23] =	ssyncset.done $0x0  }
0xa4: {  	s25 =	simm.s32 $0x1B8E;
	s24 =	sld [smem:$0x3FFE];
	[sflag:s23] =	ssyncadd.s32 $0xFFFFFFFF  }
0xa5: {  	s26 =	simm.s32 $execute0_lowered;
	[smem:$0x3FD2] =	sst s25  }
0xa6: {  	s4 =	sshll.u32 s26, $0x1;
	_ =	strace $0x80000049;
	[dreg:$0x1] =	wrdreg $0xFFFFFFFF  }
0xa7: {  	s28 =	simm.s32 $_size_execute0_lowered;
	s2 =	sadd.s32 s2, s4;
	[dreg:$0x0] =	wrdreg $0x0  }
0xa8: {  	s4 =	sshll.u32 s28, $0x1;
	[dreg:$0x2] =	wrdreg s2  }
0xa9: {  	[dreg:$0x3] =	wrdreg s4  }
0xaa: {  	[dreg:$0x4] =	wrdreg $0xC0  }
0xab: {  	_ =	task [dreg:s6], $0x5FFFF  }
0xac: {  	[dreg:$0x1] =	wrdreg $0xFFFFFFFF  }
0xad: {  	[dreg:$0x0] =	wrdreg $0x60  }
0xae: {  	[dreg:$0x2] =	wrdreg s24  }
0xaf: {  	[dreg:$0x3] =	wrdreg $0x0  }
0xb0: {  	[dreg:$0x4] =	wrdreg $0x9  }
0xb1: {  	_ =	task.clear_ibuf [dreg:s6], $0x5FFFF;
	_ =	strace $0x90000049  }
0xb2: {  	s29 =	simm.s32 $0x9;
	_ =	strace $0x8000004B  }
0xb3: {  	_ =	swait.ge [sflag:s29], $0x1  }
0xb4: {  	[sflag:s29] =	ssyncadd.s32 $0xFFFFFFFF  }
0xb5: {  	_ =	strace $0x9000004B  }
0xb6: {  	_ =	sfence  }
0xb7: {  	s30 =	sld [smem:$0x0];
	_ =	sdelay $0x2  }
0xb8: {  	s31 =	sshll.u32 s1, $0xD;
	s1 =	sshrl.u32 s1, $0x2  }
0xb9: {  	s3 =	sand.u32 $0x4000, s31;
	s1 =	sadd.s32 s1, s30  }
0xba: {  	s0 =	sor.u32 s3, s0;
	s1 =	sshll.u32 s1, $0x11  }
0xbb: {  	s0 =	sor.u32 s1, s0  }
0xbc: {  	s0 =	sadd.s32 $0x8F2B, s0  }
0xbd: {  	[sflag:s0] =	ssyncadd.remote.s32 $0x1  }
0xbe: {  	_ =	sfence.sel $0xFFFF  }
0xbf: {  	[dreg:$0x0] =	wrdreg $0xFFFFFFFF;
	(pc) =	sbr.abs _section_cstart, $3  }
0xc0: {  	[dreg:$0x1] =	wrdreg $0xFFFFFFFF  }
0xc1: {  	_ =	task.clear_ibuf [dreg:s6], $0x2FFFF;
	_ =	strace $0x9FFFFFFF  }
0xc2: {  	(tm) =	ssettm $0x7FFFFFFF  }
0xc3: {  	_ =	shalt  }
tec
execute0_lowered:
.L_overlay_start_1:
0x0: {  	(tag) =	ssettag $0x1  }
0x1: {  	s0 =	rddreg [dreg:$0x0];
	s2 =	srdreg.scid  }
0x2: {  	s1 =	rddreg [dreg:$0x1];
	s11 =	stileid.u32;
	s3 =	simm.s32 $0x0  }
0x3: {  	s28 =	simm.s32 $0x70;
	s29 =	simm.s32 $0x187A8;
	s4 =	smul.u32 $0x61B, s11  }
0x4: {  	s30 =	simm.s32 $0x1A808;
	s31 =	simm.s32 $0x18888;
	s6 =	smul.u32 $0x61B00, s11  }
0x5: {  	s2 =	sand.u32 $0x1, s2;
	[smem:$0x7FF] =	sst s3;
	s14 =	smul.u32 $0x1C0, s11  }
0x6: {  	s7 =	sadd.s32 $0x2A00, s0;
	s10 =	smul.u32 $0x3100, s11;
	s16 =	sadd.s32 $0x186C00, s1  }
0x7: {  	p0 =	sne.s32 s11, $0x0;
	s11 =	simm.s32 $0x4;
	s12 =	smul.u32 $0x61B0, s2  }
0x8: {  	_ =	strace $0x8000004A;
	s2 =	ssub.s32 $0x2, s2;
	[dreg:$0x4] =	wrdreg s16  }
0x9: {  	s13 =	sshrl.u32 s6, $0x2;
	s9 =	sshrl.u32 s2, $0x1;
	s6 =	sor.u32 $0x2, s14  }
0xa: {  	s14 =	simm.s32 $0x0;
	s5 =	sadd.s32 s4, s12;
	s4 =	sadd.s32 $0x33A00, s0  }
0xb: {  	s2 =	ssub.s32 s2, s9;
	s24 =	smul.u32 $0x1C, s6;
	s6 =	simm.s32 $0x1E008  }
0xc: {  	s8 =	sshll.u32 s5, $0x3;
	s5 =	sadd.s32 s13, s1;
	s17 =	smax.u32 s2, $0x1  }
0xd: {  	s9 =	simm.s32 $0x18A48;
	s15 =	sadd.s32 $0x18000, s5;
	[dreg:$0x6] =	wrdreg s17  }
0xe: {  	v0 =	vmov s12;
	s12 =	simm.s32 $0x5;
	s18 =	sadd.s32 $0x2000, s5;
	[dreg:$0x3] =	wrdreg s15  }
0xf: {  	s2 =	simm.s32 $0x18968;
	s19 =	sadd.s32 $0x4000, s5;
	[dreg:$0x7] =	wrdreg s18  }
0x10: {  	s13 =	simm.s32 $0x6;
	s20 =	sadd.s32 $0x6000, s5;
	[dreg:$0x8] =	wrdreg s19  }
0x11: {  	s0 =	sadd.s32 s8, s0;
	s21 =	sadd.s32 $0x8000, s5;
	[dreg:$0x9] =	wrdreg s20  }
0x12: {  	s8 =	sadd.s32 s7, s10;
	s22 =	sadd.s32 $0xA000, s5;
	[dreg:$0xa] =	wrdreg s21  }
0x13: {  	s23 =	sadd.s32 $0xC000, s5;
	s25 =	sadd.s32 $0xE000, s5;
	[dreg:$0xb] =	wrdreg s22  }
0x14: {  	s26 =	sadd.s32 $0x10000, s5;
	s10 =	simm.s32 $0x18AB8;
	[dreg:$0xc] =	wrdreg s23  }
.Ltmp0:
0x15: {  	s0 =	sadd.s32 $0x95A00, s0;
	[dreg:$0xd] =	wrdreg s25;
	(pc) =	sbr.rel .LBB2_1-.Ltmp0, $4  }
0x16: {  	[dreg:$0xe] =	wrdreg s26;
	s19 =	sadd.s32 $0x12000, s5;
	s20 =	sadd.s32 $0x14000, s5  }
0x17: {  	s21 =	sadd.s32 $0x16000, s5;
	s22 =	sadd.s32 s7, s24;
	s23 =	simm.s32 $0x18C08  }
0x18: {  	s24 =	simm.s32 $0x7;
	s25 =	simm.s32 $0x186C8;
	s26 =	simm.s32 $0x1  }
0x19: {  	v1 =	vimm.f32 $0.0e+00;
	s7 =	simm.s32 $0x3;
	[dreg:$0x5] =	wrdreg s0;
	s0 =	simm.s32 $0x1C408  }
.LBB2_6:
0x1a: {  	_ =	swait.ge [sflag:s11], $0x3800  }
0x1b: {  	[sflag:s11] =	ssyncset.done $0x0  }
0x1c: {  	s15 =	simm.s32 $0x18B28;
	[sflag:s11] =	ssyncadd.s32 $0xFFFFC800  }
0x1d: {  	[spmem:s1] =	stream.indirect.scatter.add.f32 [tilespmem:s0], [sflag:$0x6], $0x40, s15, s28, $0xb8;
	[tilespmem:$0x1FC08] =	vst v63  }
0x1e: {  	s16 =	simm.s32 $0x18B98  }
0x1f: {  	[spmem:s1] =	stream.indirect.scatter.add.f32 [tilespmem:s6], [sflag:$0x6], $0x40, s16, s28, $0xb8;
	[tilespmem:$0x1FC08] =	vst v63  }
0x20: {  	_ =	swait.ge [sflag:s12], $0x3800  }
0x21: {  	[sflag:s12] =	ssyncset.done $0x0  }
0x22: {  	[sflag:s12] =	ssyncadd.s32 $0xFFFFC800  }
0x23: {  	_ =	swait.ge [sflag:s13], $0x3800  }
0x24: {  	[sflag:s13] =	ssyncset.done $0x0  }
0x25: {  	s17 =	stileid.u32;
	[sflag:s13] =	ssyncadd.s32 $0xFFFFC800  }
0x26: {  	s15 =	sshll.u32 s17, $0x6;
	[bflag:$0x0] =	sbarrier.arrive $0xFFFF  }
0x27: {  	s15 =	sor.u32 $0x1C07, s15;
	s16 =	sshrl.u32 s5, $0x3;
	s17 =	rddreg [dreg:$0x5]  }
0x28: {  	[hbm:s17], [sflag:s15] =	dma.local [spmem:s16], $0x30D8  }
0x29: {  	_ =	swait.ge [sflag:s24], $0x30D8  }
0x2a: {  	s14 =	sadd.s32 $0x1, s14;
	s18 =	rddreg [dreg:$0x6]  }
0x2b: {  	p1 =	sne.s32 s14, s18  }
.Ltmp1:
0x2c: {  	_ = 	snop;
	(pc) =	sbr.rel @!p1 .LBB2_7-.Ltmp1, $3  }
0x2d: {  	_ =	sdelay $0x1  }
0x2e: {  	[sflag:s24] =	ssyncset.done $0x0  }
0x2f: {  	[sflag:s24] =	ssyncadd.s32 $0xFFFFCF28  }
.LBB2_1:
0x30: {  	s16 =	simm.s32 $0x100;
	s15 =	simm.s32 $0x0  }
.LBB2_2:
0x31: {  	p1 =	sne.s32 s16, $0x7F00;
	[tilespmem:s15+$0x18C38] =	vst v1;
	s17 =	smov.u32 s16;
	s16 =	sadd.s32 $0x100, s16  }
.Ltmp2:
0x32: {  	[tilespmem:s15+$0x18C28] =	vst v1;
	(pc) =	sbr.rel @p1 .LBB2_2-.Ltmp2, $3  }
0x33: {  	[tilespmem:s15+$0x18C08] =	vst v1  }
0x34: {  	[tilespmem:s15+$0x18C18] =	vst v1;
	_ =	sdelay $0x1  }
0x35: {  	s15 =	sshra.s32 s17, $0x2  }
0x36: {  	[tilespmem:s15+$0x18C38] =	vst v1  }
0x37: {  	[tilespmem:s15+$0x18C28] =	vst v1  }
0x38: {  	[tilespmem:s15+$0x18C08] =	vst v1  }
0x39: {  	[tilespmem:s15+$0x18C18] =	vst v1  }
0x3a: {  	[spmem:s5] =	stream.linear.scatter [tilespmem:s23], [sflag:$0x7], $0x2000, $0x38;
	[tilespmem:$0x1FC08] =	vst v63  }
0x3b: {  	_ =	swait.ge [sflag:s24], $0x2000  }
0x3c: {  	[sflag:s24] =	ssyncset.done $0x0  }
0x3d: {  	s16 =	rddreg [dreg:$0x7];
	[sflag:s24] =	ssyncadd.s32 $0xFFFFE000  }
0x3e: {  	[spmem:s16] =	stream.linear.scatter [tilespmem:s23], [sflag:$0x7], $0x2000, $0x38;
	[tilespmem:$0x1FC08] =	vst v63  }
0x3f: {  	_ =	swait.ge [sflag:s24], $0x2000  }
0x40: {  	[sflag:s24] =	ssyncset.done $0x0  }
0x41: {  	s17 =	rddreg [dreg:$0x8];
	[sflag:s24] =	ssyncadd.s32 $0xFFFFE000  }
0x42: {  	[spmem:s17] =	stream.linear.scatter [tilespmem:s23], [sflag:$0x7], $0x2000, $0x38;
	[tilespmem:$0x1FC08] =	vst v63  }
0x43: {  	_ =	swait.ge [sflag:s24], $0x2000  }
0x44: {  	[sflag:s24] =	ssyncset.done $0x0  }
0x45: {  	s18 =	rddreg [dreg:$0x9];
	[sflag:s24] =	ssyncadd.s32 $0xFFFFE000  }
0x46: {  	[spmem:s18] =	stream.linear.scatter [tilespmem:s23], [sflag:$0x7], $0x2000, $0x38;
	[tilespmem:$0x1FC08] =	vst v63  }
0x47: {  	_ =	swait.ge [sflag:s24], $0x2000  }
0x48: {  	[sflag:s24] =	ssyncset.done $0x0  }
0x49: {  	s16 =	rddreg [dreg:$0xa];
	[sflag:s24] =	ssyncadd.s32 $0xFFFFE000  }
0x4a: {  	[spmem:s16] =	stream.linear.scatter [tilespmem:s23], [sflag:$0x7], $0x2000, $0x38;
	[tilespmem:$0x1FC08] =	vst v63  }
0x4b: {  	_ =	swait.ge [sflag:s24], $0x2000  }
0x4c: {  	[sflag:s24] =	ssyncset.done $0x0  }
0x4d: {  	s17 =	rddreg [dreg:$0xb];
	[sflag:s24] =	ssyncadd.s32 $0xFFFFE000  }
0x4e: {  	[spmem:s17] =	stream.linear.scatter [tilespmem:s23], [sflag:$0x7], $0x2000, $0x38;
	[tilespmem:$0x1FC08] =	vst v63  }
0x4f: {  	_ =	swait.ge [sflag:s24], $0x2000  }
0x50: {  	[sflag:s24] =	ssyncset.done $0x0  }
0x51: {  	s18 =	rddreg [dreg:$0xc];
	[sflag:s24] =	ssyncadd.s32 $0xFFFFE000  }
0x52: {  	[spmem:s18] =	stream.linear.scatter [tilespmem:s23], [sflag:$0x7], $0x2000, $0x38;
	[tilespmem:$0x1FC08] =	vst v63  }
0x53: {  	_ =	swait.ge [sflag:s24], $0x2000  }
0x54: {  	[sflag:s24] =	ssyncset.done $0x0  }
0x55: {  	s16 =	rddreg [dreg:$0xd];
	[sflag:s24] =	ssyncadd.s32 $0xFFFFE000  }
0x56: {  	[spmem:s16] =	stream.linear.scatter [tilespmem:s23], [sflag:$0x7], $0x2000, $0x38;
	[tilespmem:$0x1FC08] =	vst v63  }
0x57: {  	_ =	swait.ge [sflag:s24], $0x2000  }
0x58: {  	[sflag:s24] =	ssyncset.done $0x0  }
0x59: {  	s17 =	rddreg [dreg:$0xe];
	[sflag:s24] =	ssyncadd.s32 $0xFFFFE000  }
0x5a: {  	[spmem:s17] =	stream.linear.scatter [tilespmem:s23], [sflag:$0x7], $0x2000, $0x38;
	[tilespmem:$0x1FC08] =	vst v63  }
0x5b: {  	_ =	swait.ge [sflag:s24], $0x2000  }
0x5c: {  	[sflag:s24] =	ssyncset.done $0x0  }
0x5d: {  	[sflag:s24] =	ssyncadd.s32 $0xFFFFE000  }
0x5e: {  	[spmem:s19] =	stream.linear.scatter [tilespmem:s23], [sflag:$0x7], $0x2000, $0x38;
	[tilespmem:$0x1FC08] =	vst v63  }
0x5f: {  	_ =	swait.ge [sflag:s24], $0x2000  }
0x60: {  	[sflag:s24] =	ssyncset.done $0x0  }
0x61: {  	[sflag:s24] =	ssyncadd.s32 $0xFFFFE000  }
0x62: {  	[spmem:s20] =	stream.linear.scatter [tilespmem:s23], [sflag:$0x7], $0x2000, $0x38;
	[tilespmem:$0x1FC08] =	vst v63  }
0x63: {  	_ =	swait.ge [sflag:s24], $0x2000  }
0x64: {  	[sflag:s24] =	ssyncset.done $0x0  }
0x65: {  	[sflag:s24] =	ssyncadd.s32 $0xFFFFE000  }
0x66: {  	[spmem:s21] =	stream.linear.scatter [tilespmem:s23], [sflag:$0x7], $0x2000, $0x38;
	[tilespmem:$0x1FC08] =	vst v63  }
0x67: {  	_ =	swait.ge [sflag:s24], $0x2000  }
0x68: {  	[sflag:s24] =	ssyncset.done $0x0  }
0x69: {  	s18 =	rddreg [dreg:$0x3];
	[sflag:s24] =	ssyncadd.s32 $0xFFFFE000  }
0x6a: {  	[spmem:s18] =	stream.linear.scatter [tilespmem:s23], [sflag:$0x7], $0x6C0, $0x38;
	[tilespmem:$0x1FC08] =	vst v63  }
0x6b: {  	_ =	swait.ge [sflag:s24], $0x6C0  }
0x6c: {  	[sflag:s24] =	ssyncset.done $0x0  }
0x6d: {  	s15 =	simm.s32 @!p0 $0x18C08;
	s16 =	rddreg [dreg:$0x4];
	[sflag:s24] =	ssyncadd.s32 $0xFFFFF940  }
0x6e: {  	[spmem:s16] =	stream.linear.scatter @!p0 [tilespmem:s15], [sflag:$0x7], $0x40, $0x38;
	[tilespmem:$0x1FC08] =	vst v63  }
0x6f: {  	s15 =	simm.s32 @!p0 $0x7  }
0x70: {  	_ =	swait.ge @!p0 [sflag:s15], $0x40  }
0x71: {  	[sflag:s15] =	ssyncset.done @!p0 $0x0  }
0x72: {  	[sflag:s15] =	ssyncadd.s32 @!p0 $0xFFFFFFC0  }
0x73: {  	s15 =	simm.s32 $0xFFFFCF70;
	[bflag:$0x0] =	sbarrier.arrive $0xFFFF  }
0x74: {  	[tilespmem:s25], [sflag:$0x1] =	stream.linear.gather [hbm4b:s8+s3], $0x1C0, $0x38;
	[tilespmem:$0x1FC08] =	vst v63  }
.LBB2_4:
0x75: {  	_ =	swait.ge [sflag:s26], $0x1C0  }
0x76: {  	p1 =	seq.s32 s15, $0xFFFFCF70;
	[sflag:s26] =	ssyncset.done $0x0  }
0x77: {  	s16 =	simm.s32 @!p1 $0x5;
	[sflag:s26] =	ssyncadd.s32 $0xFFFFFE40  }
0x78: {  	_ =	swait.ge @!p1 [sflag:s16], $0x3800  }
0x79: {  	[sflag:s16] =	ssyncset.done @!p1 $0x0  }
0x7a: {  	[sflag:s16] =	ssyncadd.s32 @!p1 $0xFFFFC800  }
0x7b: {  	[tilespmem:s23], [sflag:$0x3] =	stream.indirect.gather [hbm4b:s4+s28], $0x40, s25, s28, $0xb8;
	[tilespmem:$0x1FC08] =	vst v63  }
0x7c: {  	_ = 	snop  }
0x7d: {  	[tilespmem:s30], [sflag:$0x3] =	stream.indirect.gather [hbm4b:s4+s28], $0x40, s29, s28, $0xb8;
	[tilespmem:$0x1FC08] =	vst v63  }
0x7e: {  	v2 =	vld [tilespmem:$0x18738]  }
0x7f: {  	v3 =	vld [tilespmem:$0x18748]  }
0x80: {  	v4 =	vld [tilespmem:$0x18758]  }
0x81: {  	v5 =	vld [tilespmem:$0x18768]  }
0x82: {  	v6 =	vld [tilespmem:$0x18778]  }
0x83: {  	v7 =	vld [tilespmem:$0x18788];
	v2 =	vsub.s32 v2, v0  }
0x84: {  	v8 =	vld [tilespmem:$0x18798];
	v3 =	vsub.s32 v3, v0;
	v2 =	vmin.u32 v2, $0x61B0  }
0x85: {  	v45 =	vld [tilespmem:$0x18818];
	[tilespmem:$0x18A48] =	vst v2;
	v2 =	vmin.u32 v3, $0x61B0;
	v3 =	vsub.s32 v4, v0  }
0x86: {  	v46 =	vld [tilespmem:$0x18828];
	[tilespmem:$0x18A58] =	vst v2;
	v2 =	vmin.u32 v3, $0x61B0;
	v3 =	vsub.s32 v5, v0  }
0x87: {  	v47 =	vld [tilespmem:$0x18838];
	[tilespmem:$0x18A68] =	vst v2;
	v2 =	vmin.u32 v3, $0x61B0;
	v3 =	vsub.s32 v6, v0  }
0x88: {  	v48 =	vld [tilespmem:$0x18848];
	[tilespmem:$0x18A78] =	vst v2;
	v2 =	vmin.u32 v3, $0x61B0;
	v3 =	vsub.s32 v7, v0  }
0x89: {  	v49 =	vld [tilespmem:$0x18858];
	[tilespmem:$0x18A88] =	vst v2;
	v2 =	vmin.u32 v3, $0x61B0;
	v3 =	vsub.s32 v8, v0  }
0x8a: {  	v50 =	vld [tilespmem:$0x18868];
	[tilespmem:$0x18A98] =	vst v2;
	v2 =	vmin.u32 v3, $0x61B0;
	v3 =	vsub.s32 v45, v0  }
0x8b: {  	v51 =	vld [tilespmem:$0x18878];
	[tilespmem:$0x18AA8] =	vst v2;
	v2 =	vmin.u32 v3, $0x61B0;
	v3 =	vsub.s32 v46, v0  }
0x8c: {  	[tilespmem:$0x18AB8] =	vst v2;
	v2 =	vmin.u32 v3, $0x61B0;
	v3 =	vsub.s32 v47, v0  }
0x8d: {  	[tilespmem:$0x18AC8] =	vst v2;
	v2 =	vmin.u32 v3, $0x61B0;
	v3 =	vsub.s32 v48, v0  }
0x8e: {  	[tilespmem:$0x18AD8] =	vst v2;
	v2 =	vmin.u32 v3, $0x61B0;
	v3 =	vsub.s32 v49, v0  }
0x8f: {  	[tilespmem:$0x18AE8] =	vst v2;
	v2 =	vmin.u32 v3, $0x61B0;
	v3 =	vsub.s32 v50, v0  }
0x90: {  	[tilespmem:$0x18AF8] =	vst v2;
	v2 =	vmin.u32 v3, $0x61B0;
	v3 =	vsub.s32 v51, v0  }
0x91: {  	[tilespmem:$0x18B08] =	vst v2;
	v2 =	vmin.u32 v3, $0x61B0  }
0x92: {  	s17 =	simm.s32 @p1 $0x18888;
	s16 =	simm.s32 @p1 $0x0;
	[tilespmem:$0x18B18] =	vst v2  }
0x93: {  	[tilespmem:s17], [sflag:$0x2] =	stream.linear.gather @p1 [hbm4b:s22+s16], $0x1C0, $0x38;
	[tilespmem:$0x1FC08] =	vst v63  }
0x94: {  	s16 =	simm.s32 @p1 $0x2  }
0x95: {  	_ =	swait.ge @p1 [sflag:s16], $0x1C0  }
0x96: {  	[sflag:s16] =	ssyncset.done @p1 $0x0  }
0x97: {  	[sflag:s16] =	ssyncadd.s32 @p1 $0xFFFFFE40;
	s16 =	simm.s32 @!p1 $0x4  }
0x98: {  	_ =	swait.ge @!p1 [sflag:s16], $0x3800  }
0x99: {  	s18 =	simm.s32 @!p1 $0x1C408;
	[sflag:s16] =	ssyncset.done @!p1 $0x0  }
0x9a: {  	s17 =	simm.s32 @!p1 $0x18B28;
	[sflag:s16] =	ssyncadd.s32 @!p1 $0xFFFFC800;
	s16 =	simm.s32 @!p1 $0x70  }
0x9b: {  	[spmem:s1] =	stream.indirect.scatter.add.f32 @!p1 [tilespmem:s18], [sflag:$0x6], $0x40, s17, s16, $0xb8;
	[tilespmem:$0x1FC08] =	vst v63  }
0x9c: {  	s17 =	simm.s32 @!p1 $0x18B98;
	s18 =	simm.s32 @!p1 $0x1E008  }
0x9d: {  	[spmem:s1] =	stream.indirect.scatter.add.f32 @!p1 [tilespmem:s18], [sflag:$0x6], $0x40, s17, s16, $0xb8;
	[tilespmem:$0x1FC08] =	vst v63  }
0x9e: {  	s16 =	sadd.s32 @!p1 s15, s8  }
0x9f: {  	s17 =	simm.s32 @!p1 $0x0;
	s18 =	simm.s32 @!p1 $0x18888;
	s16 =	sadd.s32 @!p1 $0x30C8, s16  }
0xa0: {  	[tilespmem:s18], [sflag:$0x2] =	stream.linear.gather @!p1 [hbm4b:s16+s17], $0x1C0, $0x38;
	[tilespmem:$0x1FC08] =	vst v63  }
0xa1: {  	s16 =	simm.s32 @!p1 $0x2  }
0xa2: {  	_ =	swait.ge @!p1 [sflag:s16], $0x1C0  }
0xa3: {  	[sflag:s16] =	ssyncset.done @!p1 $0x0  }
0xa4: {  	[sflag:s16] =	ssyncadd.s32 @!p1 $0xFFFFFE40;
	s16 =	simm.s32 @!p1 $0x6  }
0xa5: {  	_ =	swait.ge @!p1 [sflag:s16], $0x3800  }
0xa6: {  	[sflag:s16] =	ssyncset.done @!p1 $0x0  }
0xa7: {  	[sflag:s16] =	ssyncadd.s32 @!p1 $0xFFFFC800  }
0xa8: {  	[tilespmem:s0], [sflag:$0x4] =	stream.indirect.gather [hbm4b:s4+s28], $0x40, s31, s28, $0xb8;
	[tilespmem:$0x1FC08] =	vst v63  }
0xa9: {  	_ = 	snop  }
0xaa: {  	[tilespmem:s6], [sflag:$0x4] =	stream.indirect.gather [hbm4b:s4+s28], $0x40, s2, s28, $0xb8;
	[tilespmem:$0x1FC08] =	vst v63  }
0xab: {  	v2 =	vld [tilespmem:$0x188F8]  }
0xac: {  	v3 =	vld [tilespmem:$0x18908]  }
0xad: {  	v52 =	vld [tilespmem:$0x18918]  }
0xae: {  	v53 =	vld [tilespmem:$0x18928]  }
0xaf: {  	v54 =	vld [tilespmem:$0x18938]  }
0xb0: {  	v55 =	vld [tilespmem:$0x18948];
	v2 =	vsub.s32 v2, v0  }
0xb1: {  	v56 =	vld [tilespmem:$0x18958];
	v3 =	vsub.s32 v3, v0;
	v2 =	vmin.u32 v2, $0x61B0  }
0xb2: {  	v57 =	vld [tilespmem:$0x189D8];
	[tilespmem:$0x18B28] =	vst v2;
	v2 =	vmin.u32 v3, $0x61B0;
	v3 =	vsub.s32 v52, v0  }
0xb3: {  	v58 =	vld [tilespmem:$0x189E8];
	[tilespmem:$0x18B38] =	vst v2;
	v2 =	vmin.u32 v3, $0x61B0;
	v3 =	vsub.s32 v53, v0  }
0xb4: {  	v59 =	vld [tilespmem:$0x189F8];
	[tilespmem:$0x18B48] =	vst v2;
	v2 =	vmin.u32 v3, $0x61B0;
	v3 =	vsub.s32 v54, v0  }
0xb5: {  	v60 =	vld [tilespmem:$0x18A08];
	[tilespmem:$0x18B58] =	vst v2;
	v2 =	vmin.u32 v3, $0x61B0;
	v3 =	vsub.s32 v55, v0  }
0xb6: {  	v61 =	vld [tilespmem:$0x18A18];
	[tilespmem:$0x18B68] =	vst v2;
	v2 =	vmin.u32 v3, $0x61B0;
	v3 =	vsub.s32 v56, v0  }
0xb7: {  	v62 =	vld [tilespmem:$0x18A28];
	[tilespmem:$0x18B78] =	vst v2;
	v2 =	vmin.u32 v3, $0x61B0;
	v3 =	vsub.s32 v57, v0  }
0xb8: {  	v63 =	vld [tilespmem:$0x18A38];
	[tilespmem:$0x18B88] =	vst v2;
	v2 =	vmin.u32 v3, $0x61B0;
	v3 =	vsub.s32 v58, v0  }
0xb9: {  	[tilespmem:$0x18B98] =	vst v2;
	v2 =	vmin.u32 v3, $0x61B0;
	v3 =	vsub.s32 v59, v0  }
0xba: {  	[tilespmem:$0x18BA8] =	vst v2;
	v2 =	vmin.u32 v3, $0x61B0;
	v3 =	vsub.s32 v60, v0  }
0xbb: {  	[tilespmem:$0x18BB8] =	vst v2;
	v2 =	vmin.u32 v3, $0x61B0;
	v3 =	vsub.s32 v61, v0  }
0xbc: {  	[tilespmem:$0x18BC8] =	vst v2;
	v2 =	vmin.u32 v3, $0x61B0;
	v3 =	vsub.s32 v62, v0  }
0xbd: {  	[tilespmem:$0x18BD8] =	vst v2;
	v2 =	vmin.u32 v3, $0x61B0;
	v3 =	vsub.s32 v63, v0  }
0xbe: {  	[tilespmem:$0x18BE8] =	vst v2;
	v2 =	vmin.u32 v3, $0x61B0  }
0xbf: {  	[tilespmem:$0x18BF8] =	vst v2  }
0xc0: {  	p1 =	seq.s32 s15, $0x0;
	_ =	swait.ge [sflag:s7], $0x3800  }
.Ltmp3:
0xc1: {  	[sflag:s7] =	ssyncset.done $0x0;
	(pc) =	sbr.rel @p1 .LBB2_6-.Ltmp3, $4  }
0xc2: {  	[sflag:s7] =	ssyncadd.s32 $0xFFFFC800  }
0xc3: {  	[spmem:s1] =	stream.indirect.scatter.add.f32 [tilespmem:s23], [sflag:$0x5], $0x40, s9, s28, $0xb8;
	[tilespmem:$0x1FC08] =	vst v63  }
0xc4: {  	_ = 	snop  }
0xc5: {  	[spmem:s1] =	stream.indirect.scatter.add.f32 [tilespmem:s30], [sflag:$0x5], $0x40, s10, s28, $0xb8;
	[tilespmem:$0x1FC08] =	vst v63  }
.Ltmp4:
0xc6: {  	(pc) =	sbr.rel .LBB2_4-.Ltmp4, $4  }
0xc7: {  	_ = 	snop  }
0xc8: {  	s16 =	sadd.s32 s15, s8  }
0xc9: {  	s15 =	sadd.s32 $0x70, s15;
	s16 =	sadd.s32 $0x3100, s16  }
0xca: {  	[tilespmem:s25], [sflag:$0x1] =	stream.linear.gather [hbm4b:s16+s3], $0x1C0, $0x38;
	[tilespmem:$0x1FC08] =	vst v63  }
.LBB2_7:
0xcb: {  	_ =	sfence.sel $0x180000  }
0xcc: {  	[bflag:$0x0] =	sbarrier.arrive $0xFFFF  }
0xcd: {  	_ =	strace $0x9000004A  }
0xce: {  	[bflag:$0x2] =	sbarrier.arrive $0xFFFF  }
0xcf: {  	s0 =	rddreg [dreg:$0x2]  }
0xd0: {  	s0 =	sadd.s32 @!p0 $0x100000, s0  }
0xd1: {  	[sflag:s0] =	ssyncadd.tile.s32 @!p0 $0x1;
	_ =	shalt  }
.Lfunc_end2:
_tile_overlayer_lowered:
.L_overlay_start_2:
0xd2: {  	(tag) =	ssettag $0x2  }
0xd3: {  	s0 =	rddreg [dreg:$0x0];
	s2 =	stileid.u32  }
0xd4: {  	s1 =	rddreg [dreg:$0x1];
	p0 =	sne.s32 s2, $0x0  }
0xd5: {  	s3 =	rddreg [dreg:$0x2];
	[bflag:$0x3] =	sbarrier.arrive $0xFFFF;
	s2 =	simm.s32 @!p0 $0x1C07  }
0xd6: {  	[timem:s3], [sflag:s2] =	dma.local @!p0 [hbm:s0], s1  }
0xd7: {  	s0 =	simm.s32 @!p0 $0x7  }
0xd8: {  	_ =	swait.ge @!p0 [sflag:s0], s1  }
0xd9: {  	s1 =	ssub.s32 @!p0 $0x0, s1;
	[sflag:s0] =	ssyncset.done @!p0 $0x0  }
0xda: {  	[sflag:s0] =	ssyncadd.s32 @!p0 s1  }
0xdb: {  	[bflag:$0x3] =	sbarrier.arrive $0xFFFF  }
0xdc: {  	_ =	shalt  }

// kernel: kernel.19.cloned.1.call-start
scs
__scs_entry_jumppad:
0x0: {  	(pc) =	sbr.rel $0x88, $3  }
0x1: {  	(tag) =	ssettag $0x0;
	lr =	simm.s32 $0x1  }
0x2: {  	[smem:$0x3F8F] =	sst lr;
	_ =	strace $0xD0000000  }
0x3: {  	_ = 	snop  }
0x4: {  	_ = 	snop  }
0x5: {  	_ = 	snop  }
0x6: {  	_ = 	snop  }
0x7: {  	_ = 	snop  }
__scs_overlays_trampoline_lowered:
0x8: {  	[smem:$0x3F9E] =	sst s0  }
0x9: {  	[smem:$0x3F9F] =	sst s1  }
0xa: {  	[smem:$0x3FA0] =	sst s2  }
0xb: {  	[smem:$0x3FA1] =	sst s3  }
0xc: {  	[smem:$0x3FA2] =	sst s4  }
0xd: {  	[smem:$0x3FA3] =	sst s5  }
0xe: {  	[smem:$0x3FA4] =	sst s6  }
0xf: {  	[smem:$0x3FA5] =	sst s7  }
0x10: {  	[smem:$0x3FA6] =	sst s8  }
0x11: {  	[smem:$0x3FA7] =	sst s9;
	s0 =	simm.s32 @!p0 $0x0  }
0x12: {  	s1 =	sld [smem:$0x3F8D];
	s0 =	simm.s32 @p0 $0x1  }
0x13: {  	[smem:$0x3FA8] =	sst s0;
	s0 =	simm.s32 @!p1 $0x0  }
0x14: {  	s2 =	sld [smem:$0x3F8C];
	s0 =	simm.s32 @p1 $0x1  }
0x15: {  	[smem:$0x3FA9] =	sst s0;
	s0 =	simm.s32 @!p2 $0x0  }
0x16: {  	s3 =	sld [smem:$0x3FDB];
	s0 =	simm.s32 @p2 $0x1  }
0x17: {  	s4 =	simm.s32 $0x1BF5;
	[smem:$0x3FAB] =	sst s0  }
0x18: {  	s0 =	sld [smem:$0x3F8E];
	_ =	swait.ge [sflag:s4], $0x0  }
0x19: {  	s7 =	sld [smem:$0x3F8F]  }
0x1a: {  	s8 =	sadd.s32 $0xFFFFE003, lr  }
0x1b: {  	s9 =	sadd.s32 $0xFFFFFEF7, lr;
	s5 =	simm.s32 $0xFFFFFFFF;
	p2 =	slt.u32 s8, $0xFFFFF086  }
0x1c: {  	p1 =	slt.u32 s9, $0xF7A;
	s5 =	simm.s32 @!p2 $0x0  }
0x1d: {  	s5 =	simm.s32 @p1 $0x1;
	p0 =	seq.s32 s7, s2  }
0x1e: {  	s7 =	smul.u32 @!p0 $0xF7A, s2;
	p2 =	seq.s32 @!p0 s5, $0x0  }
0x1f: {  	s9 =	smul.u32 $0xF7A, s1;
	s8 =	simm.s32 @!p0 $0x1BF5;
	p2 =	por !p2, p0  }
0x20: {  	[sflag:s8] =	ssyncset.s32 @!p0 $0xFFFFF086;
	s6 =	sadd.s32 @!p0 s3, s7;
	s7 =	simm.s32 @!p0 $0x108  }
0x21: {  	s3 =	sadd.s32 s3, s9;
	s6 =	sadd.s32 @!p0 $0x88, s6;
	s7 =	simm.s32 @p2 $0x1082  }
0x22: {  	[simem:s7], [sflag:s8] =	dma.local @!p0 [hbm:s6], $0xF7A  }
0x23: {  	s9 =	sor.u32 $0xD0000000, s2;
	s6 =	simm.s32 $0x108;
	_ =	swait.ge @!p0 [sflag:s8], $0x0  }
0x24: {  	s3 =	sadd.s32 $0x88, s3;
	s6 =	simm.s32 @!p1 $0x1082;
	[sflag:s4] =	ssyncset.s32 $0xFFFFF086  }
0x25: {  	[simem:s6], [sflag:s4] =	dma.local [hbm:s3], $0xF7A  }
0x26: {  	[smem:$0x3F8F] =	sst s1;
	(tag) =	ssettag s2;
	_ =	strace s9  }
0x27: {  	s1 =	sld [smem:$0x3F9F]  }
0x28: {  	s2 =	sld [smem:$0x3FA0]  }
0x29: {  	s4 =	sld [smem:$0x3FA2]  }
0x2a: {  	p0 =	seq.s32 s5, $0x0;
	s5 =	sld [smem:$0x3FA3]  }
0x2b: {  	s6 =	sld [smem:$0x3FA4]  }
0x2c: {  	s7 =	sld [smem:$0x3FA5]  }
0x2d: {  	s3 =	simm.s32 $0x108;
	s8 =	sld [smem:$0x3FA6]  }
0x2e: {  	s3 =	simm.s32 @!p0 $0x1082;
	s9 =	sld [smem:$0x3FA7]  }
0x2f: {  	lr =	sadd.s32 s0, s3;
	s0 =	sld [smem:$0x3F9E]  }
0x30: {  	s3 =	sld [smem:$0x3FA1]  }
0x31: {  	[smem:$0x3FAA] =	sst s10  }
0x32: {  	s10 =	sld [smem:$0x3FA8];
	_ =	sdelay $0x3  }
0x33: {  	p0 =	seq.s32 s10, $0x1;
	s10 =	sld [smem:$0x3FAA];
	_ =	sdelay $0x3  }
0x34: {  	[smem:$0x3FAA] =	sst s10  }
0x35: {  	s10 =	sld [smem:$0x3FA9];
	_ =	sdelay $0x3  }
0x36: {  	p1 =	seq.s32 s10, $0x1;
	s10 =	sld [smem:$0x3FAA];
	_ =	sdelay $0x3  }
0x37: {  	[smem:$0x3FAA] =	sst s10  }
0x38: {  	s10 =	sld [smem:$0x3FAB]  }
0x39: {  	_ = 	snop;
	(pc) =	sbr.ind lr, $3  }
0x3a: {  	_ = 	snop  }
0x3b: {  	_ = 	snop  }
0x3c: {  	p2 =	seq.s32 s10, $0x1;
	s10 =	sld [smem:$0x3FAA]  }
0x3d: {  	_ =	shalt  }
0x3e: {  	_ =	shalt  }
0x3f: {  	_ =	shalt  }
0x40: {  	_ =	shalt  }
0x41: {  	_ =	shalt  }
0x42: {  	_ =	shalt  }
0x43: {  	_ =	shalt  }
0x44: {  	_ =	shalt  }
0x45: {  	_ =	shalt  }
0x46: {  	_ =	shalt  }
0x47: {  	_ =	shalt  }
0x48: {  	_ =	shalt  }
0x49: {  	_ =	shalt  }
0x4a: {  	_ =	shalt  }
0x4b: {  	_ =	shalt  }
0x4c: {  	_ =	shalt  }
0x4d: {  	_ =	shalt  }
0x4e: {  	_ =	shalt  }
0x4f: {  	_ =	shalt  }
0x50: {  	_ =	shalt  }
0x51: {  	_ =	shalt  }
0x52: {  	_ =	shalt  }
0x53: {  	_ =	shalt  }
0x54: {  	_ =	shalt  }
0x55: {  	_ =	shalt  }
0x56: {  	_ =	shalt  }
0x57: {  	_ =	shalt  }
0x58: {  	_ =	shalt  }
0x59: {  	_ =	shalt  }
0x5a: {  	_ =	shalt  }
0x5b: {  	_ =	shalt  }
0x5c: {  	_ =	shalt  }
0x5d: {  	_ =	shalt  }
0x5e: {  	_ =	shalt  }
0x5f: {  	_ =	shalt  }
0x60: {  	_ =	shalt  }
0x61: {  	_ =	shalt  }
0x62: {  	_ =	shalt  }
0x63: {  	_ =	shalt  }
0x64: {  	_ =	shalt  }
0x65: {  	_ =	shalt  }
0x66: {  	_ =	shalt  }
0x67: {  	_ =	shalt  }
0x68: {  	_ =	shalt  }
0x69: {  	_ =	shalt  }
0x6a: {  	_ =	shalt  }
0x6b: {  	_ =	shalt  }
0x6c: {  	_ =	shalt  }
0x6d: {  	_ =	shalt  }
0x6e: {  	_ =	shalt  }
0x6f: {  	_ =	shalt  }
0x70: {  	_ =	shalt  }
0x71: {  	_ =	shalt  }
0x72: {  	_ =	shalt  }
0x73: {  	_ =	shalt  }
0x74: {  	_ =	shalt  }
0x75: {  	_ =	shalt  }
0x76: {  	_ =	shalt  }
0x77: {  	_ =	shalt  }
0x78: {  	_ =	shalt  }
0x79: {  	_ =	shalt  }
0x7a: {  	_ =	shalt  }
0x7b: {  	_ =	shalt  }
0x7c: {  	_ =	shalt  }
0x7d: {  	_ =	shalt  }
0x7e: {  	_ =	shalt  }
0x7f: {  	_ =	shalt  }
0x80: {  	_ =	shalt  }
0x81: {  	_ =	shalt  }
0x82: {  	_ =	shalt  }
0x83: {  	_ =	shalt  }
0x84: {  	_ =	shalt  }
0x85: {  	_ =	shalt  }
0x86: {  	_ =	shalt  }
0x87: {  	_ =	shalt  }
.Lfunc_end0:
.L_simem_size_0:
called_computation.2_lowered:
.L_overlay_start_0:
0x88: {  	s2 =	sld [smem:$0x3FD9]  }
0x89: {  	s3 =	sld [smem:$0x3FFE];
	_ =	sdelay $0x1  }
0x8a: {  	s1 =	srdreg.scid  }
0x8b: {  	s0 =	sand.u32 $0x1, s1  }
0x8c: {  	s16 =	sshll.u32 s0, $0xA;
	s2 =	sadd.s32 s3, s2  }
0x8d: {  	s2 =	sadd.s32 s2, s16  }
0x8e: {  	[smem:$0x3FB6] =	sst s2  }
0x8f: {  	_ = 	snop  }
0x90: {  	(tm) =	ssettm $0x1  }
0x91: {  	s17 =	sld [smem:$0x3FFB];
	_ =	sdelay $0x3  }
0x92: {  	_ =	strace s17  }
0x93: {  	s2 =	sld [smem:$0x3FFC];
	_ =	sdelay $0x3  }
0x94: {  	_ =	strace s2  }
0x95: {  	s2 =	sld [smem:$0x3FFD];
	_ =	sdelay $0x3  }
0x96: {  	_ =	strace s2  }
0x97: {  	_ =	strace $0x8FFFFFFF  }
0x98: {  	s18 =	sld [smem:$0x3FDB];
	_ =	sdelay $0x1  }
0x99: {  	s19 =	simm.s32 $_scs_section_size  }
0x9a: {  	s4 =	simm.s32 $_size__tile_overlayer_lowered;
	s5 =	simm.s32 $_tile_overlayer_lowered  }
0x9b: {  	s22 =	simm.s32 $0x1BFF;
	s21 =	sshll.u32 s5, $0x1;
	s2 =	sadd.s32 s19, s18  }
0x9c: {  	s6 =	simm.s32 $0x0;
	s20 =	sshll.u32 s4, $0x1;
	s4 =	sadd.s32 s21, s2  }
0x9d: {  	[timem:s6], [sflag:s22] =	dma.local [hbm:s4], s20  }
0x9e: {  	_ =	swait.ge [sflag:s22], s20  }
0x9f: {  	s3 =	ssub.s32 $0x0, s20;
	[sflag:s22] =	ssyncset.done $0x0  }
0xa0: {  	[sflag:s22] =	ssyncadd.s32 s3;
	_ =	sdelay $0x1  }
0xa1: {  	s23 =	simm.s32 $0x1B8B  }
0xa2: {  	_ =	swait.ge [sflag:s23], $0x1  }
0xa3: {  	[sflag:s23] =	ssyncset.done $0x0  }
0xa4: {  	s25 =	simm.s32 $0x1B8E;
	s24 =	sld [smem:$0x3FFE];
	[sflag:s23] =	ssyncadd.s32 $0xFFFFFFFF  }
0xa5: {  	s26 =	simm.s32 $execute0_lowered;
	[smem:$0x3FD2] =	sst s25  }
0xa6: {  	s4 =	sshll.u32 s26, $0x1;
	_ =	strace $0x8000004C;
	[dreg:$0x1] =	wrdreg $0xFFFFFFFF  }
0xa7: {  	s28 =	simm.s32 $_size_execute0_lowered;
	s2 =	sadd.s32 s2, s4;
	[dreg:$0x0] =	wrdreg $0x0  }
0xa8: {  	s4 =	sshll.u32 s28, $0x1;
	[dreg:$0x2] =	wrdreg s2  }
0xa9: {  	[dreg:$0x3] =	wrdreg s4  }
0xaa: {  	[dreg:$0x4] =	wrdreg $0xC0  }
0xab: {  	_ =	task [dreg:s6], $0x5FFFF  }
0xac: {  	[dreg:$0x1] =	wrdreg $0xFFFFFFFF  }
0xad: {  	[dreg:$0x0] =	wrdreg $0x60  }
0xae: {  	[dreg:$0x2] =	wrdreg s24  }
0xaf: {  	[dreg:$0x3] =	wrdreg $0x0  }
0xb0: {  	[dreg:$0x4] =	wrdreg $0x9  }
0xb1: {  	_ =	task.clear_ibuf [dreg:s6], $0x5FFFF;
	_ =	strace $0x9000004C  }
0xb2: {  	s29 =	simm.s32 $0x9;
	_ =	strace $0x8000004E  }
0xb3: {  	_ =	swait.ge [sflag:s29], $0x1  }
0xb4: {  	[sflag:s29] =	ssyncadd.s32 $0xFFFFFFFF  }
0xb5: {  	_ =	strace $0x9000004E  }
0xb6: {  	_ =	sfence  }
0xb7: {  	s30 =	sld [smem:$0x0];
	_ =	sdelay $0x2  }
0xb8: {  	s31 =	sshll.u32 s1, $0xD;
	s1 =	sshrl.u32 s1, $0x2  }
0xb9: {  	s3 =	sand.u32 $0x4000, s31;
	s1 =	sadd.s32 s1, s30  }
0xba: {  	s0 =	sor.u32 s3, s0;
	s1 =	sshll.u32 s1, $0x11  }
0xbb: {  	s0 =	sor.u32 s1, s0  }
0xbc: {  	s0 =	sadd.s32 $0x8F2B, s0  }
0xbd: {  	[sflag:s0] =	ssyncadd.remote.s32 $0x1  }
0xbe: {  	_ =	sfence.sel $0xFFFF  }
0xbf: {  	[dreg:$0x0] =	wrdreg $0xFFFFFFFF;
	(pc) =	sbr.abs _section_cstart, $3  }
0xc0: {  	[dreg:$0x1] =	wrdreg $0xFFFFFFFF  }
0xc1: {  	_ =	task.clear_ibuf [dreg:s6], $0x2FFFF;
	_ =	strace $0x9FFFFFFF  }
0xc2: {  	(tm) =	ssettm $0x7FFFFFFF  }
0xc3: {  	_ =	shalt  }
tec
execute0_lowered:
.L_overlay_start_1:
0x0: {  	(tag) =	ssettag $0x1  }
0x1: {  	s0 =	rddreg [dreg:$0x0];
	s2 =	srdreg.scid  }
0x2: {  	s1 =	rddreg [dreg:$0x1];
	s11 =	stileid.u32;
	s3 =	simm.s32 $0x0  }
0x3: {  	s28 =	simm.s32 $0x70;
	s29 =	simm.s32 $0x187A8;
	s4 =	smul.u32 $0x61B, s11  }
0x4: {  	s30 =	simm.s32 $0x1A808;
	s31 =	simm.s32 $0x18888;
	s6 =	smul.u32 $0x61B00, s11  }
0x5: {  	s2 =	sand.u32 $0x1, s2;
	[smem:$0x7FF] =	sst s3;
	s14 =	smul.u32 $0x1C0, s11  }
0x6: {  	s7 =	sadd.s32 $0x2A00, s0;
	s10 =	smul.u32 $0x3100, s11;
	s16 =	sadd.s32 $0x186C00, s1  }
0x7: {  	p0 =	sne.s32 s11, $0x0;
	s11 =	simm.s32 $0x4;
	s12 =	smul.u32 $0x61B0, s2  }
0x8: {  	_ =	strace $0x8000004D;
	s2 =	ssub.s32 $0x2, s2;
	[dreg:$0x4] =	wrdreg s16  }
0x9: {  	s13 =	sshrl.u32 s6, $0x2;
	s9 =	sshrl.u32 s2, $0x1;
	s6 =	sor.u32 $0x2, s14  }
0xa: {  	s14 =	simm.s32 $0x0;
	s5 =	sadd.s32 s4, s12;
	s4 =	sadd.s32 $0xF7A00, s0  }
0xb: {  	s2 =	ssub.s32 s2, s9;
	s24 =	smul.u32 $0x1C, s6;
	s6 =	simm.s32 $0x1E008  }
0xc: {  	s8 =	sshll.u32 s5, $0x3;
	s5 =	sadd.s32 s13, s1;
	s17 =	smax.u32 s2, $0x1  }
0xd: {  	s9 =	simm.s32 $0x18A48;
	s15 =	sadd.s32 $0x18000, s5;
	[dreg:$0x6] =	wrdreg s17  }
0xe: {  	v0 =	vmov s12;
	s12 =	simm.s32 $0x5;
	s18 =	sadd.s32 $0x2000, s5;
	[dreg:$0x3] =	wrdreg s15  }
0xf: {  	s2 =	simm.s32 $0x18968;
	s19 =	sadd.s32 $0x4000, s5;
	[dreg:$0x7] =	wrdreg s18  }
0x10: {  	s13 =	simm.s32 $0x6;
	s20 =	sadd.s32 $0x6000, s5;
	[dreg:$0x8] =	wrdreg s19  }
0x11: {  	s0 =	sadd.s32 s8, s0;
	s21 =	sadd.s32 $0x8000, s5;
	[dreg:$0x9] =	wrdreg s20  }
0x12: {  	s8 =	sadd.s32 s7, s10;
	s22 =	sadd.s32 $0xA000, s5;
	[dreg:$0xa] =	wrdreg s21  }
0x13: {  	s23 =	sadd.s32 $0xC000, s5;
	s25 =	sadd.s32 $0xE000, s5;
	[dreg:$0xb] =	wrdreg s22  }
0x14: {  	s26 =	sadd.s32 $0x10000, s5;
	s10 =	simm.s32 $0x18AB8;
	[dreg:$0xc] =	wrdreg s23  }
.Ltmp0:
0x15: {  	s0 =	sadd.s32 $0x159A00, s0;
	[dreg:$0xd] =	wrdreg s25;
	(pc) =	sbr.rel .LBB2_1-.Ltmp0, $4  }
0x16: {  	[dreg:$0xe] =	wrdreg s26;
	s19 =	sadd.s32 $0x12000, s5;
	s20 =	sadd.s32 $0x14000, s5  }
0x17: {  	s21 =	sadd.s32 $0x16000, s5;
	s22 =	sadd.s32 s7, s24;
	s23 =	simm.s32 $0x18C08  }
0x18: {  	s24 =	simm.s32 $0x7;
	s25 =	simm.s32 $0x186C8;
	s26 =	simm.s32 $0x1  }
0x19: {  	v1 =	vimm.f32 $0.0e+00;
	s7 =	simm.s32 $0x3;
	[dreg:$0x5] =	wrdreg s0;
	s0 =	simm.s32 $0x1C408  }
.LBB2_6:
0x1a: {  	_ =	swait.ge [sflag:s11], $0x3800  }
0x1b: {  	[sflag:s11] =	ssyncset.done $0x0  }
0x1c: {  	s15 =	simm.s32 $0x18B28;
	[sflag:s11] =	ssyncadd.s32 $0xFFFFC800  }
0x1d: {  	[spmem:s1] =	stream.indirect.scatter.add.f32 [tilespmem:s0], [sflag:$0x6], $0x40, s15, s28, $0xb8;
	[tilespmem:$0x1FC08] =	vst v63  }
0x1e: {  	s16 =	simm.s32 $0x18B98  }
0x1f: {  	[spmem:s1] =	stream.indirect.scatter.add.f32 [tilespmem:s6], [sflag:$0x6], $0x40, s16, s28, $0xb8;
	[tilespmem:$0x1FC08] =	vst v63  }
0x20: {  	_ =	swait.ge [sflag:s12], $0x3800  }
0x21: {  	[sflag:s12] =	ssyncset.done $0x0  }
0x22: {  	[sflag:s12] =	ssyncadd.s32 $0xFFFFC800  }
0x23: {  	_ =	swait.ge [sflag:s13], $0x3800  }
0x24: {  	[sflag:s13] =	ssyncset.done $0x0  }
0x25: {  	s17 =	stileid.u32;
	[sflag:s13] =	ssyncadd.s32 $0xFFFFC800  }
0x26: {  	s15 =	sshll.u32 s17, $0x6;
	[bflag:$0x0] =	sbarrier.arrive $0xFFFF  }
0x27: {  	s15 =	sor.u32 $0x1C07, s15;
	s16 =	sshrl.u32 s5, $0x3;
	s17 =	rddreg [dreg:$0x5]  }
0x28: {  	[hbm:s17], [sflag:s15] =	dma.local [spmem:s16], $0x30D8  }
0x29: {  	_ =	swait.ge [sflag:s24], $0x30D8  }
0x2a: {  	s14 =	sadd.s32 $0x1, s14;
	s18 =	rddreg [dreg:$0x6]  }
0x2b: {  	p1 =	sne.s32 s14, s18  }
.Ltmp1:
0x2c: {  	_ = 	snop;
	(pc) =	sbr.rel @!p1 .LBB2_7-.Ltmp1, $3  }
0x2d: {  	_ =	sdelay $0x1  }
0x2e: {  	[sflag:s24] =	ssyncset.done $0x0  }
0x2f: {  	[sflag:s24] =	ssyncadd.s32 $0xFFFFCF28  }
.LBB2_1:
0x30: {  	s16 =	simm.s32 $0x100;
	s15 =	simm.s32 $0x0  }
.LBB2_2:
0x31: {  	p1 =	sne.s32 s16, $0x7F00;
	[tilespmem:s15+$0x18C38] =	vst v1;
	s17 =	smov.u32 s16;
	s16 =	sadd.s32 $0x100, s16  }
.Ltmp2:
0x32: {  	[tilespmem:s15+$0x18C28] =	vst v1;
	(pc) =	sbr.rel @p1 .LBB2_2-.Ltmp2, $3  }
0x33: {  	[tilespmem:s15+$0x18C08] =	vst v1  }
0x34: {  	[tilespmem:s15+$0x18C18] =	vst v1;
	_ =	sdelay $0x1  }
0x35: {  	s15 =	sshra.s32 s17, $0x2  }
0x36: {  	[tilespmem:s15+$0x18C38] =	vst v1  }
0x37: {  	[tilespmem:s15+$0x18C28] =	vst v1  }
0x38: {  	[tilespmem:s15+$0x18C08] =	vst v1  }
0x39: {  	[tilespmem:s15+$0x18C18] =	vst v1  }
0x3a: {  	[spmem:s5] =	stream.linear.scatter [tilespmem:s23], [sflag:$0x7], $0x2000, $0x38;
	[tilespmem:$0x1FC08] =	vst v63  }
0x3b: {  	_ =	swait.ge [sflag:s24], $0x2000  }
0x3c: {  	[sflag:s24] =	ssyncset.done $0x0  }
0x3d: {  	s16 =	rddreg [dreg:$0x7];
	[sflag:s24] =	ssyncadd.s32 $0xFFFFE000  }
0x3e: {  	[spmem:s16] =	stream.linear.scatter [tilespmem:s23], [sflag:$0x7], $0x2000, $0x38;
	[tilespmem:$0x1FC08] =	vst v63  }
0x3f: {  	_ =	swait.ge [sflag:s24], $0x2000  }
0x40: {  	[sflag:s24] =	ssyncset.done $0x0  }
0x41: {  	s17 =	rddreg [dreg:$0x8];
	[sflag:s24] =	ssyncadd.s32 $0xFFFFE000  }
0x42: {  	[spmem:s17] =	stream.linear.scatter [tilespmem:s23], [sflag:$0x7], $0x2000, $0x38;
	[tilespmem:$0x1FC08] =	vst v63  }
0x43: {  	_ =	swait.ge [sflag:s24], $0x2000  }
0x44: {  	[sflag:s24] =	ssyncset.done $0x0  }
0x45: {  	s18 =	rddreg [dreg:$0x9];
	[sflag:s24] =	ssyncadd.s32 $0xFFFFE000  }
0x46: {  	[spmem:s18] =	stream.linear.scatter [tilespmem:s23], [sflag:$0x7], $0x2000, $0x38;
	[tilespmem:$0x1FC08] =	vst v63  }
0x47: {  	_ =	swait.ge [sflag:s24], $0x2000  }
0x48: {  	[sflag:s24] =	ssyncset.done $0x0  }
0x49: {  	s16 =	rddreg [dreg:$0xa];
	[sflag:s24] =	ssyncadd.s32 $0xFFFFE000  }
0x4a: {  	[spmem:s16] =	stream.linear.scatter [tilespmem:s23], [sflag:$0x7], $0x2000, $0x38;
	[tilespmem:$0x1FC08] =	vst v63  }
0x4b: {  	_ =	swait.ge [sflag:s24], $0x2000  }
0x4c: {  	[sflag:s24] =	ssyncset.done $0x0  }
0x4d: {  	s17 =	rddreg [dreg:$0xb];
	[sflag:s24] =	ssyncadd.s32 $0xFFFFE000  }
0x4e: {  	[spmem:s17] =	stream.linear.scatter [tilespmem:s23], [sflag:$0x7], $0x2000, $0x38;
	[tilespmem:$0x1FC08] =	vst v63  }
0x4f: {  	_ =	swait.ge [sflag:s24], $0x2000  }
0x50: {  	[sflag:s24] =	ssyncset.done $0x0  }
0x51: {  	s18 =	rddreg [dreg:$0xc];
	[sflag:s24] =	ssyncadd.s32 $0xFFFFE000  }
0x52: {  	[spmem:s18] =	stream.linear.scatter [tilespmem:s23], [sflag:$0x7], $0x2000, $0x38;
	[tilespmem:$0x1FC08] =	vst v63  }
0x53: {  	_ =	swait.ge [sflag:s24], $0x2000  }
0x54: {  	[sflag:s24] =	ssyncset.done $0x0  }
0x55: {  	s16 =	rddreg [dreg:$0xd];
	[sflag:s24] =	ssyncadd.s32 $0xFFFFE000  }
0x56: {  	[spmem:s16] =	stream.linear.scatter [tilespmem:s23], [sflag:$0x7], $0x2000, $0x38;
	[tilespmem:$0x1FC08] =	vst v63  }
0x57: {  	_ =	swait.ge [sflag:s24], $0x2000  }
0x58: {  	[sflag:s24] =	ssyncset.done $0x0  }
0x59: {  	s17 =	rddreg [dreg:$0xe];
	[sflag:s24] =	ssyncadd.s32 $0xFFFFE000  }
0x5a: {  	[spmem:s17] =	stream.linear.scatter [tilespmem:s23], [sflag:$0x7], $0x2000, $0x38;
	[tilespmem:$0x1FC08] =	vst v63  }
0x5b: {  	_ =	swait.ge [sflag:s24], $0x2000  }
0x5c: {  	[sflag:s24] =	ssyncset.done $0x0  }
0x5d: {  	[sflag:s24] =	ssyncadd.s32 $0xFFFFE000  }
0x5e: {  	[spmem:s19] =	stream.linear.scatter [tilespmem:s23], [sflag:$0x7], $0x2000, $0x38;
	[tilespmem:$0x1FC08] =	vst v63  }
0x5f: {  	_ =	swait.ge [sflag:s24], $0x2000  }
0x60: {  	[sflag:s24] =	ssyncset.done $0x0  }
0x61: {  	[sflag:s24] =	ssyncadd.s32 $0xFFFFE000  }
0x62: {  	[spmem:s20] =	stream.linear.scatter [tilespmem:s23], [sflag:$0x7], $0x2000, $0x38;
	[tilespmem:$0x1FC08] =	vst v63  }
0x63: {  	_ =	swait.ge [sflag:s24], $0x2000  }
0x64: {  	[sflag:s24] =	ssyncset.done $0x0  }
0x65: {  	[sflag:s24] =	ssyncadd.s32 $0xFFFFE000  }
0x66: {  	[spmem:s21] =	stream.linear.scatter [tilespmem:s23], [sflag:$0x7], $0x2000, $0x38;
	[tilespmem:$0x1FC08] =	vst v63  }
0x67: {  	_ =	swait.ge [sflag:s24], $0x2000  }
0x68: {  	[sflag:s24] =	ssyncset.done $0x0  }
0x69: {  	s18 =	rddreg [dreg:$0x3];
	[sflag:s24] =	ssyncadd.s32 $0xFFFFE000  }
0x6a: {  	[spmem:s18] =	stream.linear.scatter [tilespmem:s23], [sflag:$0x7], $0x6C0, $0x38;
	[tilespmem:$0x1FC08] =	vst v63  }
0x6b: {  	_ =	swait.ge [sflag:s24], $0x6C0  }
0x6c: {  	[sflag:s24] =	ssyncset.done $0x0  }
0x6d: {  	s15 =	simm.s32 @!p0 $0x18C08;
	s16 =	rddreg [dreg:$0x4];
	[sflag:s24] =	ssyncadd.s32 $0xFFFFF940  }
0x6e: {  	[spmem:s16] =	stream.linear.scatter @!p0 [tilespmem:s15], [sflag:$0x7], $0x40, $0x38;
	[tilespmem:$0x1FC08] =	vst v63  }
0x6f: {  	s15 =	simm.s32 @!p0 $0x7  }
0x70: {  	_ =	swait.ge @!p0 [sflag:s15], $0x40  }
0x71: {  	[sflag:s15] =	ssyncset.done @!p0 $0x0  }
0x72: {  	[sflag:s15] =	ssyncadd.s32 @!p0 $0xFFFFFFC0  }
0x73: {  	s15 =	simm.s32 $0xFFFFCF70;
	[bflag:$0x0] =	sbarrier.arrive $0xFFFF  }
0x74: {  	[tilespmem:s25], [sflag:$0x1] =	stream.linear.gather [hbm4b:s8+s3], $0x1C0, $0x38;
	[tilespmem:$0x1FC08] =	vst v63  }
.LBB2_4:
0x75: {  	_ =	swait.ge [sflag:s26], $0x1C0  }
0x76: {  	p1 =	seq.s32 s15, $0xFFFFCF70;
	[sflag:s26] =	ssyncset.done $0x0  }
0x77: {  	s16 =	simm.s32 @!p1 $0x5;
	[sflag:s26] =	ssyncadd.s32 $0xFFFFFE40  }
0x78: {  	_ =	swait.ge @!p1 [sflag:s16], $0x3800  }
0x79: {  	[sflag:s16] =	ssyncset.done @!p1 $0x0  }
0x7a: {  	[sflag:s16] =	ssyncadd.s32 @!p1 $0xFFFFC800  }
0x7b: {  	[tilespmem:s23], [sflag:$0x3] =	stream.indirect.gather [hbm4b:s4+s28], $0x40, s25, s28, $0xb8;
	[tilespmem:$0x1FC08] =	vst v63  }
0x7c: {  	_ = 	snop  }
0x7d: {  	[tilespmem:s30], [sflag:$0x3] =	stream.indirect.gather [hbm4b:s4+s28], $0x40, s29, s28, $0xb8;
	[tilespmem:$0x1FC08] =	vst v63  }
0x7e: {  	v2 =	vld [tilespmem:$0x18738]  }
0x7f: {  	v3 =	vld [tilespmem:$0x18748]  }
0x80: {  	v4 =	vld [tilespmem:$0x18758]  }
0x81: {  	v5 =	vld [tilespmem:$0x18768]  }
0x82: {  	v6 =	vld [tilespmem:$0x18778]  }
0x83: {  	v7 =	vld [tilespmem:$0x18788];
	v2 =	vsub.s32 v2, v0  }
0x84: {  	v8 =	vld [tilespmem:$0x18798];
	v3 =	vsub.s32 v3, v0;
	v2 =	vmin.u32 v2, $0x61B0  }
0x85: {  	v45 =	vld [tilespmem:$0x18818];
	[tilespmem:$0x18A48] =	vst v2;
	v2 =	vmin.u32 v3, $0x61B0;
	v3 =	vsub.s32 v4, v0  }
0x86: {  	v46 =	vld [tilespmem:$0x18828];
	[tilespmem:$0x18A58] =	vst v2;
	v2 =	vmin.u32 v3, $0x61B0;
	v3 =	vsub.s32 v5, v0  }
0x87: {  	v47 =	vld [tilespmem:$0x18838];
	[tilespmem:$0x18A68] =	vst v2;
	v2 =	vmin.u32 v3, $0x61B0;
	v3 =	vsub.s32 v6, v0  }
0x88: {  	v48 =	vld [tilespmem:$0x18848];
	[tilespmem:$0x18A78] =	vst v2;
	v2 =	vmin.u32 v3, $0x61B0;
	v3 =	vsub.s32 v7, v0  }
0x89: {  	v49 =	vld [tilespmem:$0x18858];
	[tilespmem:$0x18A88] =	vst v2;
	v2 =	vmin.u32 v3, $0x61B0;
	v3 =	vsub.s32 v8, v0  }
0x8a: {  	v50 =	vld [tilespmem:$0x18868];
	[tilespmem:$0x18A98] =	vst v2;
	v2 =	vmin.u32 v3, $0x61B0;
	v3 =	vsub.s32 v45, v0  }
0x8b: {  	v51 =	vld [tilespmem:$0x18878];
	[tilespmem:$0x18AA8] =	vst v2;
	v2 =	vmin.u32 v3, $0x61B0;
	v3 =	vsub.s32 v46, v0  }
0x8c: {  	[tilespmem:$0x18AB8] =	vst v2;
	v2 =	vmin.u32 v3, $0x61B0;
	v3 =	vsub.s32 v47, v0  }
0x8d: {  	[tilespmem:$0x18AC8] =	vst v2;
	v2 =	vmin.u32 v3, $0x61B0;
	v3 =	vsub.s32 v48, v0  }
0x8e: {  	[tilespmem:$0x18AD8] =	vst v2;
	v2 =	vmin.u32 v3, $0x61B0;
	v3 =	vsub.s32 v49, v0  }
0x8f: {  	[tilespmem:$0x18AE8] =	vst v2;
	v2 =	vmin.u32 v3, $0x61B0;
	v3 =	vsub.s32 v50, v0  }
0x90: {  	[tilespmem:$0x18AF8] =	vst v2;
	v2 =	vmin.u32 v3, $0x61B0;
	v3 =	vsub.s32 v51, v0  }
0x91: {  	[tilespmem:$0x18B08] =	vst v2;
	v2 =	vmin.u32 v3, $0x61B0  }
0x92: {  	s17 =	simm.s32 @p1 $0x18888;
	s16 =	simm.s32 @p1 $0x0;
	[tilespmem:$0x18B18] =	vst v2  }
0x93: {  	[tilespmem:s17], [sflag:$0x2] =	stream.linear.gather @p1 [hbm4b:s22+s16], $0x1C0, $0x38;
	[tilespmem:$0x1FC08] =	vst v63  }
0x94: {  	s16 =	simm.s32 @p1 $0x2  }
0x95: {  	_ =	swait.ge @p1 [sflag:s16], $0x1C0  }
0x96: {  	[sflag:s16] =	ssyncset.done @p1 $0x0  }
0x97: {  	[sflag:s16] =	ssyncadd.s32 @p1 $0xFFFFFE40;
	s16 =	simm.s32 @!p1 $0x4  }
0x98: {  	_ =	swait.ge @!p1 [sflag:s16], $0x3800  }
0x99: {  	s18 =	simm.s32 @!p1 $0x1C408;
	[sflag:s16] =	ssyncset.done @!p1 $0x0  }
0x9a: {  	s17 =	simm.s32 @!p1 $0x18B28;
	[sflag:s16] =	ssyncadd.s32 @!p1 $0xFFFFC800;
	s16 =	simm.s32 @!p1 $0x70  }
0x9b: {  	[spmem:s1] =	stream.indirect.scatter.add.f32 @!p1 [tilespmem:s18], [sflag:$0x6], $0x40, s17, s16, $0xb8;
	[tilespmem:$0x1FC08] =	vst v63  }
0x9c: {  	s17 =	simm.s32 @!p1 $0x18B98;
	s18 =	simm.s32 @!p1 $0x1E008  }
0x9d: {  	[spmem:s1] =	stream.indirect.scatter.add.f32 @!p1 [tilespmem:s18], [sflag:$0x6], $0x40, s17, s16, $0xb8;
	[tilespmem:$0x1FC08] =	vst v63  }
0x9e: {  	s16 =	sadd.s32 @!p1 s15, s8  }
0x9f: {  	s17 =	simm.s32 @!p1 $0x0;
	s18 =	simm.s32 @!p1 $0x18888;
	s16 =	sadd.s32 @!p1 $0x30C8, s16  }
0xa0: {  	[tilespmem:s18], [sflag:$0x2] =	stream.linear.gather @!p1 [hbm4b:s16+s17], $0x1C0, $0x38;
	[tilespmem:$0x1FC08] =	vst v63  }
0xa1: {  	s16 =	simm.s32 @!p1 $0x2  }
0xa2: {  	_ =	swait.ge @!p1 [sflag:s16], $0x1C0  }
0xa3: {  	[sflag:s16] =	ssyncset.done @!p1 $0x0  }
0xa4: {  	[sflag:s16] =	ssyncadd.s32 @!p1 $0xFFFFFE40;
	s16 =	simm.s32 @!p1 $0x6  }
0xa5: {  	_ =	swait.ge @!p1 [sflag:s16], $0x3800  }
0xa6: {  	[sflag:s16] =	ssyncset.done @!p1 $0x0  }
0xa7: {  	[sflag:s16] =	ssyncadd.s32 @!p1 $0xFFFFC800  }
0xa8: {  	[tilespmem:s0], [sflag:$0x4] =	stream.indirect.gather [hbm4b:s4+s28], $0x40, s31, s28, $0xb8;
	[tilespmem:$0x1FC08] =	vst v63  }
0xa9: {  	_ = 	snop  }
0xaa: {  	[tilespmem:s6], [sflag:$0x4] =	stream.indirect.gather [hbm4b:s4+s28], $0x40, s2, s28, $0xb8;
	[tilespmem:$0x1FC08] =	vst v63  }
0xab: {  	v2 =	vld [tilespmem:$0x188F8]  }
0xac: {  	v3 =	vld [tilespmem:$0x18908]  }
0xad: {  	v52 =	vld [tilespmem:$0x18918]  }
0xae: {  	v53 =	vld [tilespmem:$0x18928]  }
0xaf: {  	v54 =	vld [tilespmem:$0x18938]  }
0xb0: {  	v55 =	vld [tilespmem:$0x18948];
	v2 =	vsub.s32 v2, v0  }
0xb1: {  	v56 =	vld [tilespmem:$0x18958];
	v3 =	vsub.s32 v3, v0;
	v2 =	vmin.u32 v2, $0x61B0  }
0xb2: {  	v57 =	vld [tilespmem:$0x189D8];
	[tilespmem:$0x18B28] =	vst v2;
	v2 =	vmin.u32 v3, $0x61B0;
	v3 =	vsub.s32 v52, v0  }
0xb3: {  	v58 =	vld [tilespmem:$0x189E8];
	[tilespmem:$0x18B38] =	vst v2;
	v2 =	vmin.u32 v3, $0x61B0;
	v3 =	vsub.s32 v53, v0  }
0xb4: {  	v59 =	vld [tilespmem:$0x189F8];
	[tilespmem:$0x18B48] =	vst v2;
	v2 =	vmin.u32 v3, $0x61B0;
	v3 =	vsub.s32 v54, v0  }
0xb5: {  	v60 =	vld [tilespmem:$0x18A08];
	[tilespmem:$0x18B58] =	vst v2;
	v2 =	vmin.u32 v3, $0x61B0;
	v3 =	vsub.s32 v55, v0  }
0xb6: {  	v61 =	vld [tilespmem:$0x18A18];
	[tilespmem:$0x18B68] =	vst v2;
	v2 =	vmin.u32 v3, $0x61B0;
	v3 =	vsub.s32 v56, v0  }
0xb7: {  	v62 =	vld [tilespmem:$0x18A28];
	[tilespmem:$0x18B78] =	vst v2;
	v2 =	vmin.u32 v3, $0x61B0;
	v3 =	vsub.s32 v57, v0  }
0xb8: {  	v63 =	vld [tilespmem:$0x18A38];
	[tilespmem:$0x18B88] =	vst v2;
	v2 =	vmin.u32 v3, $0x61B0;
	v3 =	vsub.s32 v58, v0  }
0xb9: {  	[tilespmem:$0x18B98] =	vst v2;
	v2 =	vmin.u32 v3, $0x61B0;
	v3 =	vsub.s32 v59, v0  }
0xba: {  	[tilespmem:$0x18BA8] =	vst v2;
	v2 =	vmin.u32 v3, $0x61B0;
	v3 =	vsub.s32 v60, v0  }
0xbb: {  	[tilespmem:$0x18BB8] =	vst v2;
	v2 =	vmin.u32 v3, $0x61B0;
	v3 =	vsub.s32 v61, v0  }
0xbc: {  	[tilespmem:$0x18BC8] =	vst v2;
	v2 =	vmin.u32 v3, $0x61B0;
	v3 =	vsub.s32 v62, v0  }
0xbd: {  	[tilespmem:$0x18BD8] =	vst v2;
	v2 =	vmin.u32 v3, $0x61B0;
	v3 =	vsub.s32 v63, v0  }
0xbe: {  	[tilespmem:$0x18BE8] =	vst v2;
	v2 =	vmin.u32 v3, $0x61B0  }
0xbf: {  	[tilespmem:$0x18BF8] =	vst v2  }
0xc0: {  	p1 =	seq.s32 s15, $0x0;
	_ =	swait.ge [sflag:s7], $0x3800  }
.Ltmp3:
0xc1: {  	[sflag:s7] =	ssyncset.done $0x0;
	(pc) =	sbr.rel @p1 .LBB2_6-.Ltmp3, $4  }
0xc2: {  	[sflag:s7] =	ssyncadd.s32 $0xFFFFC800  }
0xc3: {  	[spmem:s1] =	stream.indirect.scatter.add.f32 [tilespmem:s23], [sflag:$0x5], $0x40, s9, s28, $0xb8;
	[tilespmem:$0x1FC08] =	vst v63  }
0xc4: {  	_ = 	snop  }
0xc5: {  	[spmem:s1] =	stream.indirect.scatter.add.f32 [tilespmem:s30], [sflag:$0x5], $0x40, s10, s28, $0xb8;
	[tilespmem:$0x1FC08] =	vst v63  }
.Ltmp4:
0xc6: {  	(pc) =	sbr.rel .LBB2_4-.Ltmp4, $4  }
0xc7: {  	_ = 	snop  }
0xc8: {  	s16 =	sadd.s32 s15, s8  }
0xc9: {  	s15 =	sadd.s32 $0x70, s15;
	s16 =	sadd.s32 $0x3100, s16  }
0xca: {  	[tilespmem:s25], [sflag:$0x1] =	stream.linear.gather [hbm4b:s16+s3], $0x1C0, $0x38;
	[tilespmem:$0x1FC08] =	vst v63  }
.LBB2_7:
0xcb: {  	_ =	sfence.sel $0x180000  }
0xcc: {  	[bflag:$0x0] =	sbarrier.arrive $0xFFFF  }
0xcd: {  	_ =	strace $0x9000004D  }
0xce: {  	[bflag:$0x2] =	sbarrier.arrive $0xFFFF  }
0xcf: {  	s0 =	rddreg [dreg:$0x2]  }
0xd0: {  	s0 =	sadd.s32 @!p0 $0x100000, s0  }
0xd1: {  	[sflag:s0] =	ssyncadd.tile.s32 @!p0 $0x1;
	_ =	shalt  }
.Lfunc_end2:
_tile_overlayer_lowered:
.L_overlay_start_2:
0xd2: {  	(tag) =	ssettag $0x2  }
0xd3: {  	s0 =	rddreg [dreg:$0x0];
	s2 =	stileid.u32  }
0xd4: {  	s1 =	rddreg [dreg:$0x1];
	p0 =	sne.s32 s2, $0x0  }
0xd5: {  	s3 =	rddreg [dreg:$0x2];
	[bflag:$0x3] =	sbarrier.arrive $0xFFFF;
	s2 =	simm.s32 @!p0 $0x1C07  }
0xd6: {  	[timem:s3], [sflag:s2] =	dma.local @!p0 [hbm:s0], s1  }
0xd7: {  	s0 =	simm.s32 @!p0 $0x7  }
0xd8: {  	_ =	swait.ge @!p0 [sflag:s0], s1  }
0xd9: {  	s1 =	ssub.s32 @!p0 $0x0, s1;
	[sflag:s0] =	ssyncset.done @!p0 $0x0  }
0xda: {  	[sflag:s0] =	ssyncadd.s32 @!p0 s1  }
0xdb: {  	[bflag:$0x3] =	sbarrier.arrive $0xFFFF  }
0xdc: {  	_ =	shalt  }

// kernel: kernel.22.cloned.1.call-start
scs
__scs_entry_jumppad:
0x0: {  	(pc) =	sbr.rel $0x88, $3  }
0x1: {  	(tag) =	ssettag $0x0;
	lr =	simm.s32 $0x1  }
0x2: {  	[smem:$0x3F8F] =	sst lr;
	_ =	strace $0xD0000000  }
0x3: {  	_ = 	snop  }
0x4: {  	_ = 	snop  }
0x5: {  	_ = 	snop  }
0x6: {  	_ = 	snop  }
0x7: {  	_ = 	snop  }
__scs_overlays_trampoline_lowered:
0x8: {  	[smem:$0x3F9E] =	sst s0  }
0x9: {  	[smem:$0x3F9F] =	sst s1  }
0xa: {  	[smem:$0x3FA0] =	sst s2  }
0xb: {  	[smem:$0x3FA1] =	sst s3  }
0xc: {  	[smem:$0x3FA2] =	sst s4  }
0xd: {  	[smem:$0x3FA3] =	sst s5  }
0xe: {  	[smem:$0x3FA4] =	sst s6  }
0xf: {  	[smem:$0x3FA5] =	sst s7  }
0x10: {  	[smem:$0x3FA6] =	sst s8  }
0x11: {  	[smem:$0x3FA7] =	sst s9;
	s0 =	simm.s32 @!p0 $0x0  }
0x12: {  	s1 =	sld [smem:$0x3F8D];
	s0 =	simm.s32 @p0 $0x1  }
0x13: {  	[smem:$0x3FA8] =	sst s0;
	s0 =	simm.s32 @!p1 $0x0  }
0x14: {  	s2 =	sld [smem:$0x3F8C];
	s0 =	simm.s32 @p1 $0x1  }
0x15: {  	[smem:$0x3FA9] =	sst s0;
	s0 =	simm.s32 @!p2 $0x0  }
0x16: {  	s3 =	sld [smem:$0x3FDB];
	s0 =	simm.s32 @p2 $0x1  }
0x17: {  	s4 =	simm.s32 $0x1BF5;
	[smem:$0x3FAB] =	sst s0  }
0x18: {  	s0 =	sld [smem:$0x3F8E];
	_ =	swait.ge [sflag:s4], $0x0  }
0x19: {  	s7 =	sld [smem:$0x3F8F]  }
0x1a: {  	s8 =	sadd.s32 $0xFFFFE003, lr  }
0x1b: {  	s9 =	sadd.s32 $0xFFFFFEF7, lr;
	s5 =	simm.s32 $0xFFFFFFFF;
	p2 =	slt.u32 s8, $0xFFFFF086  }
0x1c: {  	p1 =	slt.u32 s9, $0xF7A;
	s5 =	simm.s32 @!p2 $0x0  }
0x1d: {  	s5 =	simm.s32 @p1 $0x1;
	p0 =	seq.s32 s7, s2  }
0x1e: {  	s7 =	smul.u32 @!p0 $0xF7A, s2;
	p2 =	seq.s32 @!p0 s5, $0x0  }
0x1f: {  	s9 =	smul.u32 $0xF7A, s1;
	s8 =	simm.s32 @!p0 $0x1BF5;
	p2 =	por !p2, p0  }
0x20: {  	[sflag:s8] =	ssyncset.s32 @!p0 $0xFFFFF086;
	s6 =	sadd.s32 @!p0 s3, s7;
	s7 =	simm.s32 @!p0 $0x108  }
0x21: {  	s3 =	sadd.s32 s3, s9;
	s6 =	sadd.s32 @!p0 $0x88, s6;
	s7 =	simm.s32 @p2 $0x1082  }
0x22: {  	[simem:s7], [sflag:s8] =	dma.local @!p0 [hbm:s6], $0xF7A  }
0x23: {  	s9 =	sor.u32 $0xD0000000, s2;
	s6 =	simm.s32 $0x108;
	_ =	swait.ge @!p0 [sflag:s8], $0x0  }
0x24: {  	s3 =	sadd.s32 $0x88, s3;
	s6 =	simm.s32 @!p1 $0x1082;
	[sflag:s4] =	ssyncset.s32 $0xFFFFF086  }
0x25: {  	[simem:s6], [sflag:s4] =	dma.local [hbm:s3], $0xF7A  }
0x26: {  	[smem:$0x3F8F] =	sst s1;
	(tag) =	ssettag s2;
	_ =	strace s9  }
0x27: {  	s1 =	sld [smem:$0x3F9F]  }
0x28: {  	s2 =	sld [smem:$0x3FA0]  }
0x29: {  	s4 =	sld [smem:$0x3FA2]  }
0x2a: {  	p0 =	seq.s32 s5, $0x0;
	s5 =	sld [smem:$0x3FA3]  }
0x2b: {  	s6 =	sld [smem:$0x3FA4]  }
0x2c: {  	s7 =	sld [smem:$0x3FA5]  }
0x2d: {  	s3 =	simm.s32 $0x108;
	s8 =	sld [smem:$0x3FA6]  }
0x2e: {  	s3 =	simm.s32 @!p0 $0x1082;
	s9 =	sld [smem:$0x3FA7]  }
0x2f: {  	lr =	sadd.s32 s0, s3;
	s0 =	sld [smem:$0x3F9E]  }
0x30: {  	s3 =	sld [smem:$0x3FA1]  }
0x31: {  	[smem:$0x3FAA] =	sst s10  }
0x32: {  	s10 =	sld [smem:$0x3FA8];
	_ =	sdelay $0x3  }
0x33: {  	p0 =	seq.s32 s10, $0x1;
	s10 =	sld [smem:$0x3FAA];
	_ =	sdelay $0x3  }
0x34: {  	[smem:$0x3FAA] =	sst s10  }
0x35: {  	s10 =	sld [smem:$0x3FA9];
	_ =	sdelay $0x3  }
0x36: {  	p1 =	seq.s32 s10, $0x1;
	s10 =	sld [smem:$0x3FAA];
	_ =	sdelay $0x3  }
0x37: {  	[smem:$0x3FAA] =	sst s10  }
0x38: {  	s10 =	sld [smem:$0x3FAB]  }
0x39: {  	_ = 	snop;
	(pc) =	sbr.ind lr, $3  }
0x3a: {  	_ = 	snop  }
0x3b: {  	_ = 	snop  }
0x3c: {  	p2 =	seq.s32 s10, $0x1;
	s10 =	sld [smem:$0x3FAA]  }
0x3d: {  	_ =	shalt  }
0x3e: {  	_ =	shalt  }
0x3f: {  	_ =	shalt  }
0x40: {  	_ =	shalt  }
0x41: {  	_ =	shalt  }
0x42: {  	_ =	shalt  }
0x43: {  	_ =	shalt  }
0x44: {  	_ =	shalt  }
0x45: {  	_ =	shalt  }
0x46: {  	_ =	shalt  }
0x47: {  	_ =	shalt  }
0x48: {  	_ =	shalt  }
0x49: {  	_ =	shalt  }
0x4a: {  	_ =	shalt  }
0x4b: {  	_ =	shalt  }
0x4c: {  	_ =	shalt  }
0x4d: {  	_ =	shalt  }
0x4e: {  	_ =	shalt  }
0x4f: {  	_ =	shalt  }
0x50: {  	_ =	shalt  }
0x51: {  	_ =	shalt  }
0x52: {  	_ =	shalt  }
0x53: {  	_ =	shalt  }
0x54: {  	_ =	shalt  }
0x55: {  	_ =	shalt  }
0x56: {  	_ =	shalt  }
0x57: {  	_ =	shalt  }
0x58: {  	_ =	shalt  }
0x59: {  	_ =	shalt  }
0x5a: {  	_ =	shalt  }
0x5b: {  	_ =	shalt  }
0x5c: {  	_ =	shalt  }
0x5d: {  	_ =	shalt  }
0x5e: {  	_ =	shalt  }
0x5f: {  	_ =	shalt  }
0x60: {  	_ =	shalt  }
0x61: {  	_ =	shalt  }
0x62: {  	_ =	shalt  }
0x63: {  	_ =	shalt  }
0x64: {  	_ =	shalt  }
0x65: {  	_ =	shalt  }
0x66: {  	_ =	shalt  }
0x67: {  	_ =	shalt  }
0x68: {  	_ =	shalt  }
0x69: {  	_ =	shalt  }
0x6a: {  	_ =	shalt  }
0x6b: {  	_ =	shalt  }
0x6c: {  	_ =	shalt  }
0x6d: {  	_ =	shalt  }
0x6e: {  	_ =	shalt  }
0x6f: {  	_ =	shalt  }
0x70: {  	_ =	shalt  }
0x71: {  	_ =	shalt  }
0x72: {  	_ =	shalt  }
0x73: {  	_ =	shalt  }
0x74: {  	_ =	shalt  }
0x75: {  	_ =	shalt  }
0x76: {  	_ =	shalt  }
0x77: {  	_ =	shalt  }
0x78: {  	_ =	shalt  }
0x79: {  	_ =	shalt  }
0x7a: {  	_ =	shalt  }
0x7b: {  	_ =	shalt  }
0x7c: {  	_ =	shalt  }
0x7d: {  	_ =	shalt  }
0x7e: {  	_ =	shalt  }
0x7f: {  	_ =	shalt  }
0x80: {  	_ =	shalt  }
0x81: {  	_ =	shalt  }
0x82: {  	_ =	shalt  }
0x83: {  	_ =	shalt  }
0x84: {  	_ =	shalt  }
0x85: {  	_ =	shalt  }
0x86: {  	_ =	shalt  }
0x87: {  	_ =	shalt  }
.Lfunc_end0:
.L_simem_size_0:
called_computation.3_lowered:
.L_overlay_start_0:
0x88: {  	s2 =	sld [smem:$0x3FD9]  }
0x89: {  	s3 =	sld [smem:$0x3FFE];
	_ =	sdelay $0x1  }
0x8a: {  	s1 =	srdreg.scid  }
0x8b: {  	s0 =	sand.u32 $0x1, s1  }
0x8c: {  	s16 =	sshll.u32 s0, $0xA;
	s2 =	sadd.s32 s3, s2  }
0x8d: {  	s2 =	sadd.s32 s2, s16  }
0x8e: {  	[smem:$0x3FB6] =	sst s2  }
0x8f: {  	_ = 	snop  }
0x90: {  	(tm) =	ssettm $0x1  }
0x91: {  	s17 =	sld [smem:$0x3FFB];
	_ =	sdelay $0x3  }
0x92: {  	_ =	strace s17  }
0x93: {  	s2 =	sld [smem:$0x3FFC];
	_ =	sdelay $0x3  }
0x94: {  	_ =	strace s2  }
0x95: {  	s2 =	sld [smem:$0x3FFD];
	_ =	sdelay $0x3  }
0x96: {  	_ =	strace s2  }
0x97: {  	_ =	strace $0x8FFFFFFF  }
0x98: {  	s18 =	sld [smem:$0x3FDB];
	_ =	sdelay $0x1  }
0x99: {  	s19 =	simm.s32 $_scs_section_size  }
0x9a: {  	s4 =	simm.s32 $_size__tile_overlayer_lowered;
	s5 =	simm.s32 $_tile_overlayer_lowered  }
0x9b: {  	s22 =	simm.s32 $0x1BFF;
	s21 =	sshll.u32 s5, $0x1;
	s2 =	sadd.s32 s19, s18  }
0x9c: {  	s6 =	simm.s32 $0x0;
	s20 =	sshll.u32 s4, $0x1;
	s4 =	sadd.s32 s21, s2  }
0x9d: {  	[timem:s6], [sflag:s22] =	dma.local [hbm:s4], s20  }
0x9e: {  	_ =	swait.ge [sflag:s22], s20  }
0x9f: {  	s3 =	ssub.s32 $0x0, s20;
	[sflag:s22] =	ssyncset.done $0x0  }
0xa0: {  	[sflag:s22] =	ssyncadd.s32 s3;
	_ =	sdelay $0x1  }
0xa1: {  	s23 =	simm.s32 $0x1B8B  }
0xa2: {  	_ =	swait.ge [sflag:s23], $0x1  }
0xa3: {  	[sflag:s23] =	ssyncset.done $0x0  }
0xa4: {  	s25 =	simm.s32 $0x1B8E;
	s24 =	sld [smem:$0x3FFE];
	[sflag:s23] =	ssyncadd.s32 $0xFFFFFFFF  }
0xa5: {  	s26 =	simm.s32 $execute0_lowered;
	[smem:$0x3FD2] =	sst s25  }
0xa6: {  	s4 =	sshll.u32 s26, $0x1;
	_ =	strace $0x8000004F;
	[dreg:$0x1] =	wrdreg $0xFFFFFFFF  }
0xa7: {  	s28 =	simm.s32 $_size_execute0_lowered;
	s2 =	sadd.s32 s2, s4;
	[dreg:$0x0] =	wrdreg $0x0  }
0xa8: {  	s4 =	sshll.u32 s28, $0x1;
	[dreg:$0x2] =	wrdreg s2  }
0xa9: {  	[dreg:$0x3] =	wrdreg s4  }
0xaa: {  	[dreg:$0x4] =	wrdreg $0xC0  }
0xab: {  	_ =	task [dreg:s6], $0x5FFFF  }
0xac: {  	[dreg:$0x1] =	wrdreg $0xFFFFFFFF  }
0xad: {  	[dreg:$0x0] =	wrdreg $0x60  }
0xae: {  	[dreg:$0x2] =	wrdreg s24  }
0xaf: {  	[dreg:$0x3] =	wrdreg $0x0  }
0xb0: {  	[dreg:$0x4] =	wrdreg $0x9  }
0xb1: {  	_ =	task.clear_ibuf [dreg:s6], $0x5FFFF;
	_ =	strace $0x9000004F  }
0xb2: {  	s29 =	simm.s32 $0x9;
	_ =	strace $0x80000051  }
0xb3: {  	_ =	swait.ge [sflag:s29], $0x1  }
0xb4: {  	[sflag:s29] =	ssyncadd.s32 $0xFFFFFFFF  }
0xb5: {  	_ =	strace $0x90000051  }
0xb6: {  	_ =	sfence  }
0xb7: {  	s30 =	sld [smem:$0x0];
	_ =	sdelay $0x2  }
0xb8: {  	s31 =	sshll.u32 s1, $0xD;
	s1 =	sshrl.u32 s1, $0x2  }
0xb9: {  	s3 =	sand.u32 $0x4000, s31;
	s1 =	sadd.s32 s1, s30  }
0xba: {  	s0 =	sor.u32 s3, s0;
	s1 =	sshll.u32 s1, $0x11  }
0xbb: {  	s0 =	sor.u32 s1, s0  }
0xbc: {  	s0 =	sadd.s32 $0x8F2B, s0  }
0xbd: {  	[sflag:s0] =	ssyncadd.remote.s32 $0x1  }
0xbe: {  	_ =	sfence.sel $0xFFFF  }
0xbf: {  	[dreg:$0x0] =	wrdreg $0xFFFFFFFF;
	(pc) =	sbr.abs _section_cstart, $3  }
0xc0: {  	[dreg:$0x1] =	wrdreg $0xFFFFFFFF  }
0xc1: {  	_ =	task.clear_ibuf [dreg:s6], $0x2FFFF;
	_ =	strace $0x9FFFFFFF  }
0xc2: {  	(tm) =	ssettm $0x7FFFFFFF  }
0xc3: {  	_ =	shalt  }
tec
execute0_lowered:
.L_overlay_start_1:
0x0: {  	(tag) =	ssettag $0x1  }
0x1: {  	s0 =	rddreg [dreg:$0x0];
	s2 =	srdreg.scid  }
0x2: {  	s1 =	rddreg [dreg:$0x1];
	s11 =	stileid.u32;
	s3 =	simm.s32 $0x0  }
0x3: {  	s28 =	simm.s32 $0x70;
	s29 =	simm.s32 $0x187A8;
	s4 =	smul.u32 $0x61B, s11  }
0x4: {  	s30 =	simm.s32 $0x1A808;
	s31 =	simm.s32 $0x18888;
	s6 =	smul.u32 $0x61B00, s11  }
0x5: {  	s2 =	sand.u32 $0x1, s2;
	[smem:$0x7FF] =	sst s3;
	s14 =	smul.u32 $0x1C0, s11  }
0x6: {  	s7 =	sadd.s32 $0x2A00, s0;
	s10 =	smul.u32 $0x3100, s11;
	s16 =	sadd.s32 $0x186C00, s1  }
0x7: {  	p0 =	sne.s32 s11, $0x0;
	s11 =	simm.s32 $0x4;
	s12 =	smul.u32 $0x61B0, s2  }
0x8: {  	_ =	strace $0x80000050;
	s2 =	ssub.s32 $0x2, s2;
	[dreg:$0x4] =	wrdreg s16  }
0x9: {  	s13 =	sshrl.u32 s6, $0x2;
	s9 =	sshrl.u32 s2, $0x1;
	s6 =	sor.u32 $0x2, s14  }
0xa: {  	s14 =	simm.s32 $0x0;
	s5 =	sadd.s32 s4, s12;
	s4 =	sadd.s32 $0x33A00, s0  }
0xb: {  	s2 =	ssub.s32 s2, s9;
	s24 =	smul.u32 $0x1C, s6;
	s6 =	simm.s32 $0x1E008  }
0xc: {  	s8 =	sshll.u32 s5, $0x3;
	s5 =	sadd.s32 s13, s1;
	s17 =	smax.u32 s2, $0x1  }
0xd: {  	s9 =	simm.s32 $0x18A48;
	s15 =	sadd.s32 $0x18000, s5;
	[dreg:$0x6] =	wrdreg s17  }
0xe: {  	v0 =	vmov s12;
	s12 =	simm.s32 $0x5;
	s18 =	sadd.s32 $0x2000, s5;
	[dreg:$0x3] =	wrdreg s15  }
0xf: {  	s2 =	simm.s32 $0x18968;
	s19 =	sadd.s32 $0x4000, s5;
	[dreg:$0x7] =	wrdreg s18  }
0x10: {  	s13 =	simm.s32 $0x6;
	s20 =	sadd.s32 $0x6000, s5;
	[dreg:$0x8] =	wrdreg s19  }
0x11: {  	s0 =	sadd.s32 s8, s0;
	s21 =	sadd.s32 $0x8000, s5;
	[dreg:$0x9] =	wrdreg s20  }
0x12: {  	s8 =	sadd.s32 s7, s10;
	s22 =	sadd.s32 $0xA000, s5;
	[dreg:$0xa] =	wrdreg s21  }
0x13: {  	s23 =	sadd.s32 $0xC000, s5;
	s25 =	sadd.s32 $0xE000, s5;
	[dreg:$0xb] =	wrdreg s22  }
0x14: {  	s26 =	sadd.s32 $0x10000, s5;
	s10 =	simm.s32 $0x18AB8;
	[dreg:$0xc] =	wrdreg s23  }
.Ltmp0:
0x15: {  	s0 =	sadd.s32 $0x95A00, s0;
	[dreg:$0xd] =	wrdreg s25;
	(pc) =	sbr.rel .LBB2_1-.Ltmp0, $4  }
0x16: {  	[dreg:$0xe] =	wrdreg s26;
	s19 =	sadd.s32 $0x12000, s5;
	s20 =	sadd.s32 $0x14000, s5  }
0x17: {  	s21 =	sadd.s32 $0x16000, s5;
	s22 =	sadd.s32 s7, s24;
	s23 =	simm.s32 $0x18C08  }
0x18: {  	s24 =	simm.s32 $0x7;
	s25 =	simm.s32 $0x186C8;
	s26 =	simm.s32 $0x1  }
0x19: {  	v1 =	vimm.f32 $0.0e+00;
	s7 =	simm.s32 $0x3;
	[dreg:$0x5] =	wrdreg s0;
	s0 =	simm.s32 $0x1C408  }
.LBB2_6:
0x1a: {  	_ =	swait.ge [sflag:s11], $0x3800  }
0x1b: {  	[sflag:s11] =	ssyncset.done $0x0  }
0x1c: {  	s15 =	simm.s32 $0x18B28;
	[sflag:s11] =	ssyncadd.s32 $0xFFFFC800  }
0x1d: {  	[spmem:s1] =	stream.indirect.scatter.add.f32 [tilespmem:s0], [sflag:$0x6], $0x40, s15, s28, $0xb8;
	[tilespmem:$0x1FC08] =	vst v63  }
0x1e: {  	s16 =	simm.s32 $0x18B98  }
0x1f: {  	[spmem:s1] =	stream.indirect.scatter.add.f32 [tilespmem:s6], [sflag:$0x6], $0x40, s16, s28, $0xb8;
	[tilespmem:$0x1FC08] =	vst v63  }
0x20: {  	_ =	swait.ge [sflag:s12], $0x3800  }
0x21: {  	[sflag:s12] =	ssyncset.done $0x0  }
0x22: {  	[sflag:s12] =	ssyncadd.s32 $0xFFFFC800  }
0x23: {  	_ =	swait.ge [sflag:s13], $0x3800  }
0x24: {  	[sflag:s13] =	ssyncset.done $0x0  }
0x25: {  	s17 =	stileid.u32;
	[sflag:s13] =	ssyncadd.s32 $0xFFFFC800  }
0x26: {  	s15 =	sshll.u32 s17, $0x6;
	[bflag:$0x0] =	sbarrier.arrive $0xFFFF  }
0x27: {  	s15 =	sor.u32 $0x1C07, s15;
	s16 =	sshrl.u32 s5, $0x3;
	s17 =	rddreg [dreg:$0x5]  }
0x28: {  	[hbm:s17], [sflag:s15] =	dma.local [spmem:s16], $0x30D8  }
0x29: {  	_ =	swait.ge [sflag:s24], $0x30D8  }
0x2a: {  	s14 =	sadd.s32 $0x1, s14;
	s18 =	rddreg [dreg:$0x6]  }
0x2b: {  	p1 =	sne.s32 s14, s18  }
.Ltmp1:
0x2c: {  	_ = 	snop;
	(pc) =	sbr.rel @!p1 .LBB2_7-.Ltmp1, $3  }
0x2d: {  	_ =	sdelay $0x1  }
0x2e: {  	[sflag:s24] =	ssyncset.done $0x0  }
0x2f: {  	[sflag:s24] =	ssyncadd.s32 $0xFFFFCF28  }
.LBB2_1:
0x30: {  	s16 =	simm.s32 $0x100;
	s15 =	simm.s32 $0x0  }
.LBB2_2:
0x31: {  	p1 =	sne.s32 s16, $0x7F00;
	[tilespmem:s15+$0x18C38] =	vst v1;
	s17 =	smov.u32 s16;
	s16 =	sadd.s32 $0x100, s16  }
.Ltmp2:
0x32: {  	[tilespmem:s15+$0x18C28] =	vst v1;
	(pc) =	sbr.rel @p1 .LBB2_2-.Ltmp2, $3  }
0x33: {  	[tilespmem:s15+$0x18C08] =	vst v1  }
0x34: {  	[tilespmem:s15+$0x18C18] =	vst v1;
	_ =	sdelay $0x1  }
0x35: {  	s15 =	sshra.s32 s17, $0x2  }
0x36: {  	[tilespmem:s15+$0x18C38] =	vst v1  }
0x37: {  	[tilespmem:s15+$0x18C28] =	vst v1  }
0x38: {  	[tilespmem:s15+$0x18C08] =	vst v1  }
0x39: {  	[tilespmem:s15+$0x18C18] =	vst v1  }
0x3a: {  	[spmem:s5] =	stream.linear.scatter [tilespmem:s23], [sflag:$0x7], $0x2000, $0x38;
	[tilespmem:$0x1FC08] =	vst v63  }
0x3b: {  	_ =	swait.ge [sflag:s24], $0x2000  }
0x3c: {  	[sflag:s24] =	ssyncset.done $0x0  }
0x3d: {  	s16 =	rddreg [dreg:$0x7];
	[sflag:s24] =	ssyncadd.s32 $0xFFFFE000  }
0x3e: {  	[spmem:s16] =	stream.linear.scatter [tilespmem:s23], [sflag:$0x7], $0x2000, $0x38;
	[tilespmem:$0x1FC08] =	vst v63  }
0x3f: {  	_ =	swait.ge [sflag:s24], $0x2000  }
0x40: {  	[sflag:s24] =	ssyncset.done $0x0  }
0x41: {  	s17 =	rddreg [dreg:$0x8];
	[sflag:s24] =	ssyncadd.s32 $0xFFFFE000  }
0x42: {  	[spmem:s17] =	stream.linear.scatter [tilespmem:s23], [sflag:$0x7], $0x2000, $0x38;
	[tilespmem:$0x1FC08] =	vst v63  }
0x43: {  	_ =	swait.ge [sflag:s24], $0x2000  }
0x44: {  	[sflag:s24] =	ssyncset.done $0x0  }
0x45: {  	s18 =	rddreg [dreg:$0x9];
	[sflag:s24] =	ssyncadd.s32 $0xFFFFE000  }
0x46: {  	[spmem:s18] =	stream.linear.scatter [tilespmem:s23], [sflag:$0x7], $0x2000, $0x38;
	[tilespmem:$0x1FC08] =	vst v63  }
0x47: {  	_ =	swait.ge [sflag:s24], $0x2000  }
0x48: {  	[sflag:s24] =	ssyncset.done $0x0  }
0x49: {  	s16 =	rddreg [dreg:$0xa];
	[sflag:s24] =	ssyncadd.s32 $0xFFFFE000  }
0x4a: {  	[spmem:s16] =	stream.linear.scatter [tilespmem:s23], [sflag:$0x7], $0x2000, $0x38;
	[tilespmem:$0x1FC08] =	vst v63  }
0x4b: {  	_ =	swait.ge [sflag:s24], $0x2000  }
0x4c: {  	[sflag:s24] =	ssyncset.done $0x0  }
0x4d: {  	s17 =	rddreg [dreg:$0xb];
	[sflag:s24] =	ssyncadd.s32 $0xFFFFE000  }
0x4e: {  	[spmem:s17] =	stream.linear.scatter [tilespmem:s23], [sflag:$0x7], $0x2000, $0x38;
	[tilespmem:$0x1FC08] =	vst v63  }
0x4f: {  	_ =	swait.ge [sflag:s24], $0x2000  }
0x50: {  	[sflag:s24] =	ssyncset.done $0x0  }
0x51: {  	s18 =	rddreg [dreg:$0xc];
	[sflag:s24] =	ssyncadd.s32 $0xFFFFE000  }
0x52: {  	[spmem:s18] =	stream.linear.scatter [tilespmem:s23], [sflag:$0x7], $0x2000, $0x38;
	[tilespmem:$0x1FC08] =	vst v63  }
0x53: {  	_ =	swait.ge [sflag:s24], $0x2000  }
0x54: {  	[sflag:s24] =	ssyncset.done $0x0  }
0x55: {  	s16 =	rddreg [dreg:$0xd];
	[sflag:s24] =	ssyncadd.s32 $0xFFFFE000  }
0x56: {  	[spmem:s16] =	stream.linear.scatter [tilespmem:s23], [sflag:$0x7], $0x2000, $0x38;
	[tilespmem:$0x1FC08] =	vst v63  }
0x57: {  	_ =	swait.ge [sflag:s24], $0x2000  }
0x58: {  	[sflag:s24] =	ssyncset.done $0x0  }
0x59: {  	s17 =	rddreg [dreg:$0xe];
	[sflag:s24] =	ssyncadd.s32 $0xFFFFE000  }
0x5a: {  	[spmem:s17] =	stream.linear.scatter [tilespmem:s23], [sflag:$0x7], $0x2000, $0x38;
	[tilespmem:$0x1FC08] =	vst v63  }
0x5b: {  	_ =	swait.ge [sflag:s24], $0x2000  }
0x5c: {  	[sflag:s24] =	ssyncset.done $0x0  }
0x5d: {  	[sflag:s24] =	ssyncadd.s32 $0xFFFFE000  }
0x5e: {  	[spmem:s19] =	stream.linear.scatter [tilespmem:s23], [sflag:$0x7], $0x2000, $0x38;
	[tilespmem:$0x1FC08] =	vst v63  }
0x5f: {  	_ =	swait.ge [sflag:s24], $0x2000  }
0x60: {  	[sflag:s24] =	ssyncset.done $0x0  }
0x61: {  	[sflag:s24] =	ssyncadd.s32 $0xFFFFE000  }
0x62: {  	[spmem:s20] =	stream.linear.scatter [tilespmem:s23], [sflag:$0x7], $0x2000, $0x38;
	[tilespmem:$0x1FC08] =	vst v63  }
0x63: {  	_ =	swait.ge [sflag:s24], $0x2000  }
0x64: {  	[sflag:s24] =	ssyncset.done $0x0  }
0x65: {  	[sflag:s24] =	ssyncadd.s32 $0xFFFFE000  }
0x66: {  	[spmem:s21] =	stream.linear.scatter [tilespmem:s23], [sflag:$0x7], $0x2000, $0x38;
	[tilespmem:$0x1FC08] =	vst v63  }
0x67: {  	_ =	swait.ge [sflag:s24], $0x2000  }
0x68: {  	[sflag:s24] =	ssyncset.done $0x0  }
0x69: {  	s18 =	rddreg [dreg:$0x3];
	[sflag:s24] =	ssyncadd.s32 $0xFFFFE000  }
0x6a: {  	[spmem:s18] =	stream.linear.scatter [tilespmem:s23], [sflag:$0x7], $0x6C0, $0x38;
	[tilespmem:$0x1FC08] =	vst v63  }
0x6b: {  	_ =	swait.ge [sflag:s24], $0x6C0  }
0x6c: {  	[sflag:s24] =	ssyncset.done $0x0  }
0x6d: {  	s15 =	simm.s32 @!p0 $0x18C08;
	s16 =	rddreg [dreg:$0x4];
	[sflag:s24] =	ssyncadd.s32 $0xFFFFF940  }
0x6e: {  	[spmem:s16] =	stream.linear.scatter @!p0 [tilespmem:s15], [sflag:$0x7], $0x40, $0x38;
	[tilespmem:$0x1FC08] =	vst v63  }
0x6f: {  	s15 =	simm.s32 @!p0 $0x7  }
0x70: {  	_ =	swait.ge @!p0 [sflag:s15], $0x40  }
0x71: {  	[sflag:s15] =	ssyncset.done @!p0 $0x0  }
0x72: {  	[sflag:s15] =	ssyncadd.s32 @!p0 $0xFFFFFFC0  }
0x73: {  	s15 =	simm.s32 $0xFFFFCF70;
	[bflag:$0x0] =	sbarrier.arrive $0xFFFF  }
0x74: {  	[tilespmem:s25], [sflag:$0x1] =	stream.linear.gather [hbm4b:s8+s3], $0x1C0, $0x38;
	[tilespmem:$0x1FC08] =	vst v63  }
.LBB2_4:
0x75: {  	_ =	swait.ge [sflag:s26], $0x1C0  }
0x76: {  	p1 =	seq.s32 s15, $0xFFFFCF70;
	[sflag:s26] =	ssyncset.done $0x0  }
0x77: {  	s16 =	simm.s32 @!p1 $0x5;
	[sflag:s26] =	ssyncadd.s32 $0xFFFFFE40  }
0x78: {  	_ =	swait.ge @!p1 [sflag:s16], $0x3800  }
0x79: {  	[sflag:s16] =	ssyncset.done @!p1 $0x0  }
0x7a: {  	[sflag:s16] =	ssyncadd.s32 @!p1 $0xFFFFC800  }
0x7b: {  	[tilespmem:s23], [sflag:$0x3] =	stream.indirect.gather [hbm4b:s4+s28], $0x40, s25, s28, $0xb8;
	[tilespmem:$0x1FC08] =	vst v63  }
0x7c: {  	_ = 	snop  }
0x7d: {  	[tilespmem:s30], [sflag:$0x3] =	stream.indirect.gather [hbm4b:s4+s28], $0x40, s29, s28, $0xb8;
	[tilespmem:$0x1FC08] =	vst v63  }
0x7e: {  	v2 =	vld [tilespmem:$0x18738]  }
0x7f: {  	v3 =	vld [tilespmem:$0x18748]  }
0x80: {  	v4 =	vld [tilespmem:$0x18758]  }
0x81: {  	v5 =	vld [tilespmem:$0x18768]  }
0x82: {  	v6 =	vld [tilespmem:$0x18778]  }
0x83: {  	v7 =	vld [tilespmem:$0x18788];
	v2 =	vsub.s32 v2, v0  }
0x84: {  	v8 =	vld [tilespmem:$0x18798];
	v3 =	vsub.s32 v3, v0;
	v2 =	vmin.u32 v2, $0x61B0  }
0x85: {  	v45 =	vld [tilespmem:$0x18818];
	[tilespmem:$0x18A48] =	vst v2;
	v2 =	vmin.u32 v3, $0x61B0;
	v3 =	vsub.s32 v4, v0  }
0x86: {  	v46 =	vld [tilespmem:$0x18828];
	[tilespmem:$0x18A58] =	vst v2;
	v2 =	vmin.u32 v3, $0x61B0;
	v3 =	vsub.s32 v5, v0  }
0x87: {  	v47 =	vld [tilespmem:$0x18838];
	[tilespmem:$0x18A68] =	vst v2;
	v2 =	vmin.u32 v3, $0x61B0;
	v3 =	vsub.s32 v6, v0  }
0x88: {  	v48 =	vld [tilespmem:$0x18848];
	[tilespmem:$0x18A78] =	vst v2;
	v2 =	vmin.u32 v3, $0x61B0;
	v3 =	vsub.s32 v7, v0  }
0x89: {  	v49 =	vld [tilespmem:$0x18858];
	[tilespmem:$0x18A88] =	vst v2;
	v2 =	vmin.u32 v3, $0x61B0;
	v3 =	vsub.s32 v8, v0  }
0x8a: {  	v50 =	vld [tilespmem:$0x18868];
	[tilespmem:$0x18A98] =	vst v2;
	v2 =	vmin.u32 v3, $0x61B0;
	v3 =	vsub.s32 v45, v0  }
0x8b: {  	v51 =	vld [tilespmem:$0x18878];
	[tilespmem:$0x18AA8] =	vst v2;
	v2 =	vmin.u32 v3, $0x61B0;
	v3 =	vsub.s32 v46, v0  }
0x8c: {  	[tilespmem:$0x18AB8] =	vst v2;
	v2 =	vmin.u32 v3, $0x61B0;
	v3 =	vsub.s32 v47, v0  }
0x8d: {  	[tilespmem:$0x18AC8] =	vst v2;
	v2 =	vmin.u32 v3, $0x61B0;
	v3 =	vsub.s32 v48, v0  }
0x8e: {  	[tilespmem:$0x18AD8] =	vst v2;
	v2 =	vmin.u32 v3, $0x61B0;
	v3 =	vsub.s32 v49, v0  }
0x8f: {  	[tilespmem:$0x18AE8] =	vst v2;
	v2 =	vmin.u32 v3, $0x61B0;
	v3 =	vsub.s32 v50, v0  }
0x90: {  	[tilespmem:$0x18AF8] =	vst v2;
	v2 =	vmin.u32 v3, $0x61B0;
	v3 =	vsub.s32 v51, v0  }
0x91: {  	[tilespmem:$0x18B08] =	vst v2;
	v2 =	vmin.u32 v3, $0x61B0  }
0x92: {  	s17 =	simm.s32 @p1 $0x18888;
	s16 =	simm.s32 @p1 $0x0;
	[tilespmem:$0x18B18] =	vst v2  }
0x93: {  	[tilespmem:s17], [sflag:$0x2] =	stream.linear.gather @p1 [hbm4b:s22+s16], $0x1C0, $0x38;
	[tilespmem:$0x1FC08] =	vst v63  }
0x94: {  	s16 =	simm.s32 @p1 $0x2  }
0x95: {  	_ =	swait.ge @p1 [sflag:s16], $0x1C0  }
0x96: {  	[sflag:s16] =	ssyncset.done @p1 $0x0  }
0x97: {  	[sflag:s16] =	ssyncadd.s32 @p1 $0xFFFFFE40;
	s16 =	simm.s32 @!p1 $0x4  }
0x98: {  	_ =	swait.ge @!p1 [sflag:s16], $0x3800  }
0x99: {  	s18 =	simm.s32 @!p1 $0x1C408;
	[sflag:s16] =	ssyncset.done @!p1 $0x0  }
0x9a: {  	s17 =	simm.s32 @!p1 $0x18B28;
	[sflag:s16] =	ssyncadd.s32 @!p1 $0xFFFFC800;
	s16 =	simm.s32 @!p1 $0x70  }
0x9b: {  	[spmem:s1] =	stream.indirect.scatter.add.f32 @!p1 [tilespmem:s18], [sflag:$0x6], $0x40, s17, s16, $0xb8;
	[tilespmem:$0x1FC08] =	vst v63  }
0x9c: {  	s17 =	simm.s32 @!p1 $0x18B98;
	s18 =	simm.s32 @!p1 $0x1E008  }
0x9d: {  	[spmem:s1] =	stream.indirect.scatter.add.f32 @!p1 [tilespmem:s18], [sflag:$0x6], $0x40, s17, s16, $0xb8;
	[tilespmem:$0x1FC08] =	vst v63  }
0x9e: {  	s16 =	sadd.s32 @!p1 s15, s8  }
0x9f: {  	s17 =	simm.s32 @!p1 $0x0;
	s18 =	simm.s32 @!p1 $0x18888;
	s16 =	sadd.s32 @!p1 $0x30C8, s16  }
0xa0: {  	[tilespmem:s18], [sflag:$0x2] =	stream.linear.gather @!p1 [hbm4b:s16+s17], $0x1C0, $0x38;
	[tilespmem:$0x1FC08] =	vst v63  }
0xa1: {  	s16 =	simm.s32 @!p1 $0x2  }
0xa2: {  	_ =	swait.ge @!p1 [sflag:s16], $0x1C0  }
0xa3: {  	[sflag:s16] =	ssyncset.done @!p1 $0x0  }
0xa4: {  	[sflag:s16] =	ssyncadd.s32 @!p1 $0xFFFFFE40;
	s16 =	simm.s32 @!p1 $0x6  }
0xa5: {  	_ =	swait.ge @!p1 [sflag:s16], $0x3800  }
0xa6: {  	[sflag:s16] =	ssyncset.done @!p1 $0x0  }
0xa7: {  	[sflag:s16] =	ssyncadd.s32 @!p1 $0xFFFFC800  }
0xa8: {  	[tilespmem:s0], [sflag:$0x4] =	stream.indirect.gather [hbm4b:s4+s28], $0x40, s31, s28, $0xb8;
	[tilespmem:$0x1FC08] =	vst v63  }
0xa9: {  	_ = 	snop  }
0xaa: {  	[tilespmem:s6], [sflag:$0x4] =	stream.indirect.gather [hbm4b:s4+s28], $0x40, s2, s28, $0xb8;
	[tilespmem:$0x1FC08] =	vst v63  }
0xab: {  	v2 =	vld [tilespmem:$0x188F8]  }
0xac: {  	v3 =	vld [tilespmem:$0x18908]  }
0xad: {  	v52 =	vld [tilespmem:$0x18918]  }
0xae: {  	v53 =	vld [tilespmem:$0x18928]  }
0xaf: {  	v54 =	vld [tilespmem:$0x18938]  }
0xb0: {  	v55 =	vld [tilespmem:$0x18948];
	v2 =	vsub.s32 v2, v0  }
0xb1: {  	v56 =	vld [tilespmem:$0x18958];
	v3 =	vsub.s32 v3, v0;
	v2 =	vmin.u32 v2, $0x61B0  }
0xb2: {  	v57 =	vld [tilespmem:$0x189D8];
	[tilespmem:$0x18B28] =	vst v2;
	v2 =	vmin.u32 v3, $0x61B0;
	v3 =	vsub.s32 v52, v0  }
0xb3: {  	v58 =	vld [tilespmem:$0x189E8];
	[tilespmem:$0x18B38] =	vst v2;
	v2 =	vmin.u32 v3, $0x61B0;
	v3 =	vsub.s32 v53, v0  }
0xb4: {  	v59 =	vld [tilespmem:$0x189F8];
	[tilespmem:$0x18B48] =	vst v2;
	v2 =	vmin.u32 v3, $0x61B0;
	v3 =	vsub.s32 v54, v0  }
0xb5: {  	v60 =	vld [tilespmem:$0x18A08];
	[tilespmem:$0x18B58] =	vst v2;
	v2 =	vmin.u32 v3, $0x61B0;
	v3 =	vsub.s32 v55, v0  }
0xb6: {  	v61 =	vld [tilespmem:$0x18A18];
	[tilespmem:$0x18B68] =	vst v2;
	v2 =	vmin.u32 v3, $0x61B0;
	v3 =	vsub.s32 v56, v0  }
0xb7: {  	v62 =	vld [tilespmem:$0x18A28];
	[tilespmem:$0x18B78] =	vst v2;
	v2 =	vmin.u32 v3, $0x61B0;
	v3 =	vsub.s32 v57, v0  }
0xb8: {  	v63 =	vld [tilespmem:$0x18A38];
	[tilespmem:$0x18B88] =	vst v2;
	v2 =	vmin.u32 v3, $0x61B0;
	v3 =	vsub.s32 v58, v0  }
0xb9: {  	[tilespmem:$0x18B98] =	vst v2;
	v2 =	vmin.u32 v3, $0x61B0;
	v3 =	vsub.s32 v59, v0  }
0xba: {  	[tilespmem:$0x18BA8] =	vst v2;
	v2 =	vmin.u32 v3, $0x61B0;
	v3 =	vsub.s32 v60, v0  }
0xbb: {  	[tilespmem:$0x18BB8] =	vst v2;
	v2 =	vmin.u32 v3, $0x61B0;
	v3 =	vsub.s32 v61, v0  }
0xbc: {  	[tilespmem:$0x18BC8] =	vst v2;
	v2 =	vmin.u32 v3, $0x61B0;
	v3 =	vsub.s32 v62, v0  }
0xbd: {  	[tilespmem:$0x18BD8] =	vst v2;
	v2 =	vmin.u32 v3, $0x61B0;
	v3 =	vsub.s32 v63, v0  }
0xbe: {  	[tilespmem:$0x18BE8] =	vst v2;
	v2 =	vmin.u32 v3, $0x61B0  }
0xbf: {  	[tilespmem:$0x18BF8] =	vst v2  }
0xc0: {  	p1 =	seq.s32 s15, $0x0;
	_ =	swait.ge [sflag:s7], $0x3800  }
.Ltmp3:
0xc1: {  	[sflag:s7] =	ssyncset.done $0x0;
	(pc) =	sbr.rel @p1 .LBB2_6-.Ltmp3, $4  }
0xc2: {  	[sflag:s7] =	ssyncadd.s32 $0xFFFFC800  }
0xc3: {  	[spmem:s1] =	stream.indirect.scatter.add.f32 [tilespmem:s23], [sflag:$0x5], $0x40, s9, s28, $0xb8;
	[tilespmem:$0x1FC08] =	vst v63  }
0xc4: {  	_ = 	snop  }
0xc5: {  	[spmem:s1] =	stream.indirect.scatter.add.f32 [tilespmem:s30], [sflag:$0x5], $0x40, s10, s28, $0xb8;
	[tilespmem:$0x1FC08] =	vst v63  }
.Ltmp4:
0xc6: {  	(pc) =	sbr.rel .LBB2_4-.Ltmp4, $4  }
0xc7: {  	_ = 	snop  }
0xc8: {  	s16 =	sadd.s32 s15, s8  }
0xc9: {  	s15 =	sadd.s32 $0x70, s15;
	s16 =	sadd.s32 $0x3100, s16  }
0xca: {  	[tilespmem:s25], [sflag:$0x1] =	stream.linear.gather [hbm4b:s16+s3], $0x1C0, $0x38;
	[tilespmem:$0x1FC08] =	vst v63  }
.LBB2_7:
0xcb: {  	_ =	sfence.sel $0x180000  }
0xcc: {  	[bflag:$0x0] =	sbarrier.arrive $0xFFFF  }
0xcd: {  	_ =	strace $0x90000050  }
0xce: {  	[bflag:$0x2] =	sbarrier.arrive $0xFFFF  }
0xcf: {  	s0 =	rddreg [dreg:$0x2]  }
0xd0: {  	s0 =	sadd.s32 @!p0 $0x100000, s0  }
0xd1: {  	[sflag:s0] =	ssyncadd.tile.s32 @!p0 $0x1;
	_ =	shalt  }
.Lfunc_end2:
_tile_overlayer_lowered:
.L_overlay_start_2:
0xd2: {  	(tag) =	ssettag $0x2  }
0xd3: {  	s0 =	rddreg [dreg:$0x0];
	s2 =	stileid.u32  }
0xd4: {  	s1 =	rddreg [dreg:$0x1];
	p0 =	sne.s32 s2, $0x0  }
0xd5: {  	s3 =	rddreg [dreg:$0x2];
	[bflag:$0x3] =	sbarrier.arrive $0xFFFF;
	s2 =	simm.s32 @!p0 $0x1C07  }
0xd6: {  	[timem:s3], [sflag:s2] =	dma.local @!p0 [hbm:s0], s1  }
0xd7: {  	s0 =	simm.s32 @!p0 $0x7  }
0xd8: {  	_ =	swait.ge @!p0 [sflag:s0], s1  }
0xd9: {  	s1 =	ssub.s32 @!p0 $0x0, s1;
	[sflag:s0] =	ssyncset.done @!p0 $0x0  }
0xda: {  	[sflag:s0] =	ssyncadd.s32 @!p0 s1  }
0xdb: {  	[bflag:$0x3] =	sbarrier.arrive $0xFFFF  }
0xdc: {  	_ =	shalt  }

// kernel: kernel.25.cloned.1.call-start
scs
__scs_entry_jumppad:
0x0: {  	(pc) =	sbr.rel $0x88, $3  }
0x1: {  	(tag) =	ssettag $0x0;
	lr =	simm.s32 $0x1  }
0x2: {  	[smem:$0x3F8F] =	sst lr;
	_ =	strace $0xD0000000  }
0x3: {  	_ = 	snop  }
0x4: {  	_ = 	snop  }
0x5: {  	_ = 	snop  }
0x6: {  	_ = 	snop  }
0x7: {  	_ = 	snop  }
__scs_overlays_trampoline_lowered:
0x8: {  	[smem:$0x3F9E] =	sst s0  }
0x9: {  	[smem:$0x3F9F] =	sst s1  }
0xa: {  	[smem:$0x3FA0] =	sst s2  }
0xb: {  	[smem:$0x3FA1] =	sst s3  }
0xc: {  	[smem:$0x3FA2] =	sst s4  }
0xd: {  	[smem:$0x3FA3] =	sst s5  }
0xe: {  	[smem:$0x3FA4] =	sst s6  }
0xf: {  	[smem:$0x3FA5] =	sst s7  }
0x10: {  	[smem:$0x3FA6] =	sst s8  }
0x11: {  	[smem:$0x3FA7] =	sst s9;
	s0 =	simm.s32 @!p0 $0x0  }
0x12: {  	s1 =	sld [smem:$0x3F8D];
	s0 =	simm.s32 @p0 $0x1  }
0x13: {  	[smem:$0x3FA8] =	sst s0;
	s0 =	simm.s32 @!p1 $0x0  }
0x14: {  	s2 =	sld [smem:$0x3F8C];
	s0 =	simm.s32 @p1 $0x1  }
0x15: {  	[smem:$0x3FA9] =	sst s0;
	s0 =	simm.s32 @!p2 $0x0  }
0x16: {  	s3 =	sld [smem:$0x3FDB];
	s0 =	simm.s32 @p2 $0x1  }
0x17: {  	s4 =	simm.s32 $0x1BF5;
	[smem:$0x3FAB] =	sst s0  }
0x18: {  	s0 =	sld [smem:$0x3F8E];
	_ =	swait.ge [sflag:s4], $0x0  }
0x19: {  	s7 =	sld [smem:$0x3F8F]  }
0x1a: {  	s8 =	sadd.s32 $0xFFFFE003, lr  }
0x1b: {  	s9 =	sadd.s32 $0xFFFFFEF7, lr;
	s5 =	simm.s32 $0xFFFFFFFF;
	p2 =	slt.u32 s8, $0xFFFFF086  }
0x1c: {  	p1 =	slt.u32 s9, $0xF7A;
	s5 =	simm.s32 @!p2 $0x0  }
0x1d: {  	s5 =	simm.s32 @p1 $0x1;
	p0 =	seq.s32 s7, s2  }
0x1e: {  	s7 =	smul.u32 @!p0 $0xF7A, s2;
	p2 =	seq.s32 @!p0 s5, $0x0  }
0x1f: {  	s9 =	smul.u32 $0xF7A, s1;
	s8 =	simm.s32 @!p0 $0x1BF5;
	p2 =	por !p2, p0  }
0x20: {  	[sflag:s8] =	ssyncset.s32 @!p0 $0xFFFFF086;
	s6 =	sadd.s32 @!p0 s3, s7;
	s7 =	simm.s32 @!p0 $0x108  }
0x21: {  	s3 =	sadd.s32 s3, s9;
	s6 =	sadd.s32 @!p0 $0x88, s6;
	s7 =	simm.s32 @p2 $0x1082  }
0x22: {  	[simem:s7], [sflag:s8] =	dma.local @!p0 [hbm:s6], $0xF7A  }
0x23: {  	s9 =	sor.u32 $0xD0000000, s2;
	s6 =	simm.s32 $0x108;
	_ =	swait.ge @!p0 [sflag:s8], $0x0  }
0x24: {  	s3 =	sadd.s32 $0x88, s3;
	s6 =	simm.s32 @!p1 $0x1082;
	[sflag:s4] =	ssyncset.s32 $0xFFFFF086  }
0x25: {  	[simem:s6], [sflag:s4] =	dma.local [hbm:s3], $0xF7A  }
0x26: {  	[smem:$0x3F8F] =	sst s1;
	(tag) =	ssettag s2;
	_ =	strace s9  }
0x27: {  	s1 =	sld [smem:$0x3F9F]  }
0x28: {  	s2 =	sld [smem:$0x3FA0]  }
0x29: {  	s4 =	sld [smem:$0x3FA2]  }
0x2a: {  	p0 =	seq.s32 s5, $0x0;
	s5 =	sld [smem:$0x3FA3]  }
0x2b: {  	s6 =	sld [smem:$0x3FA4]  }
0x2c: {  	s7 =	sld [smem:$0x3FA5]  }
0x2d: {  	s3 =	simm.s32 $0x108;
	s8 =	sld [smem:$0x3FA6]  }
0x2e: {  	s3 =	simm.s32 @!p0 $0x1082;
	s9 =	sld [smem:$0x3FA7]  }
0x2f: {  	lr =	sadd.s32 s0, s3;
	s0 =	sld [smem:$0x3F9E]  }
0x30: {  	s3 =	sld [smem:$0x3FA1]  }
0x31: {  	[smem:$0x3FAA] =	sst s10  }
0x32: {  	s10 =	sld [smem:$0x3FA8];
	_ =	sdelay $0x3  }
0x33: {  	p0 =	seq.s32 s10, $0x1;
	s10 =	sld [smem:$0x3FAA];
	_ =	sdelay $0x3  }
0x34: {  	[smem:$0x3FAA] =	sst s10  }
0x35: {  	s10 =	sld [smem:$0x3FA9];
	_ =	sdelay $0x3  }
0x36: {  	p1 =	seq.s32 s10, $0x1;
	s10 =	sld [smem:$0x3FAA];
	_ =	sdelay $0x3  }
0x37: {  	[smem:$0x3FAA] =	sst s10  }
0x38: {  	s10 =	sld [smem:$0x3FAB]  }
0x39: {  	_ = 	snop;
	(pc) =	sbr.ind lr, $3  }
0x3a: {  	_ = 	snop  }
0x3b: {  	_ = 	snop  }
0x3c: {  	p2 =	seq.s32 s10, $0x1;
	s10 =	sld [smem:$0x3FAA]  }
0x3d: {  	_ =	shalt  }
0x3e: {  	_ =	shalt  }
0x3f: {  	_ =	shalt  }
0x40: {  	_ =	shalt  }
0x41: {  	_ =	shalt  }
0x42: {  	_ =	shalt  }
0x43: {  	_ =	shalt  }
0x44: {  	_ =	shalt  }
0x45: {  	_ =	shalt  }
0x46: {  	_ =	shalt  }
0x47: {  	_ =	shalt  }
0x48: {  	_ =	shalt  }
0x49: {  	_ =	shalt  }
0x4a: {  	_ =	shalt  }
0x4b: {  	_ =	shalt  }
0x4c: {  	_ =	shalt  }
0x4d: {  	_ =	shalt  }
0x4e: {  	_ =	shalt  }
0x4f: {  	_ =	shalt  }
0x50: {  	_ =	shalt  }
0x51: {  	_ =	shalt  }
0x52: {  	_ =	shalt  }
0x53: {  	_ =	shalt  }
0x54: {  	_ =	shalt  }
0x55: {  	_ =	shalt  }
0x56: {  	_ =	shalt  }
0x57: {  	_ =	shalt  }
0x58: {  	_ =	shalt  }
0x59: {  	_ =	shalt  }
0x5a: {  	_ =	shalt  }
0x5b: {  	_ =	shalt  }
0x5c: {  	_ =	shalt  }
0x5d: {  	_ =	shalt  }
0x5e: {  	_ =	shalt  }
0x5f: {  	_ =	shalt  }
0x60: {  	_ =	shalt  }
0x61: {  	_ =	shalt  }
0x62: {  	_ =	shalt  }
0x63: {  	_ =	shalt  }
0x64: {  	_ =	shalt  }
0x65: {  	_ =	shalt  }
0x66: {  	_ =	shalt  }
0x67: {  	_ =	shalt  }
0x68: {  	_ =	shalt  }
0x69: {  	_ =	shalt  }
0x6a: {  	_ =	shalt  }
0x6b: {  	_ =	shalt  }
0x6c: {  	_ =	shalt  }
0x6d: {  	_ =	shalt  }
0x6e: {  	_ =	shalt  }
0x6f: {  	_ =	shalt  }
0x70: {  	_ =	shalt  }
0x71: {  	_ =	shalt  }
0x72: {  	_ =	shalt  }
0x73: {  	_ =	shalt  }
0x74: {  	_ =	shalt  }
0x75: {  	_ =	shalt  }
0x76: {  	_ =	shalt  }
0x77: {  	_ =	shalt  }
0x78: {  	_ =	shalt  }
0x79: {  	_ =	shalt  }
0x7a: {  	_ =	shalt  }
0x7b: {  	_ =	shalt  }
0x7c: {  	_ =	shalt  }
0x7d: {  	_ =	shalt  }
0x7e: {  	_ =	shalt  }
0x7f: {  	_ =	shalt  }
0x80: {  	_ =	shalt  }
0x81: {  	_ =	shalt  }
0x82: {  	_ =	shalt  }
0x83: {  	_ =	shalt  }
0x84: {  	_ =	shalt  }
0x85: {  	_ =	shalt  }
0x86: {  	_ =	shalt  }
0x87: {  	_ =	shalt  }
.Lfunc_end0:
.L_simem_size_0:
called_computation.4_lowered:
.L_overlay_start_0:
0x88: {  	s2 =	sld [smem:$0x3FD9]  }
0x89: {  	s3 =	sld [smem:$0x3FFE];
	_ =	sdelay $0x1  }
0x8a: {  	s1 =	srdreg.scid  }
0x8b: {  	s0 =	sand.u32 $0x1, s1  }
0x8c: {  	s17 =	sshll.u32 s0, $0xA;
	s2 =	sadd.s32 s3, s2  }
0x8d: {  	s2 =	sadd.s32 s2, s17  }
0x8e: {  	[smem:$0x3FB6] =	sst s2  }
0x8f: {  	_ = 	snop  }
0x90: {  	s2 =	sld [smem:$0x3FC6]  }
0x91: {  	s18 =	sld [smem:$0x3FC5];
	(tm) =	ssettm $0x1  }
0x92: {  	s4 =	sld [smem:$0x3FFB];
	_ =	sdelay $0x3  }
0x93: {  	_ =	strace s4  }
0x94: {  	s4 =	sld [smem:$0x3FFC];
	_ =	sdelay $0x3  }
0x95: {  	_ =	strace s4  }
0x96: {  	s4 =	sld [smem:$0x3FFD];
	_ =	sdelay $0x3  }
0x97: {  	_ =	strace s4  }
0x98: {  	_ =	strace $0x8FFFFFFF  }
0x99: {  	s19 =	sld [smem:$0x3FDB];
	_ =	sdelay $0x1  }
0x9a: {  	s5 =	simm.s32 $_scs_section_size  }
0x9b: {  	s6 =	simm.s32 $_size__tile_overlayer_lowered;
	s7 =	simm.s32 $_tile_overlayer_lowered  }
0x9c: {  	s22 =	simm.s32 $0x1BFF;
	s21 =	sshll.u32 s7, $0x1;
	s4 =	sadd.s32 s5, s19  }
0x9d: {  	s8 =	simm.s32 $0x0;
	s20 =	sshll.u32 s6, $0x1;
	s6 =	sadd.s32 s21, s4  }
0x9e: {  	[timem:s8], [sflag:s22] =	dma.local [hbm:s6], s20  }
0x9f: {  	_ =	swait.ge [sflag:s22], s20  }
0xa0: {  	s5 =	ssub.s32 $0x0, s20;
	[sflag:s22] =	ssyncset.done $0x0  }
0xa1: {  	[sflag:s22] =	ssyncadd.s32 s5;
	_ =	sdelay $0x1  }
0xa2: {  	s23 =	simm.s32 $0x1B8B  }
0xa3: {  	_ =	swait.ge [sflag:s23], $0x1  }
0xa4: {  	[sflag:s23] =	ssyncset.done $0x0  }
0xa5: {  	s25 =	simm.s32 $0x1B8E;
	s24 =	sld [smem:$0x3FFE];
	[sflag:s23] =	ssyncadd.s32 $0xFFFFFFFF  }
0xa6: {  	s26 =	simm.s32 $execute0_lowered;
	[smem:$0x3FD2] =	sst s25  }
0xa7: {  	s6 =	sshll.u32 s26, $0x1;
	_ =	strace $0x80000052;
	[dreg:$0x1] =	wrdreg $0xFFFFFFFF  }
0xa8: {  	s28 =	simm.s32 $_size_execute0_lowered;
	s4 =	sadd.s32 s4, s6;
	[dreg:$0x0] =	wrdreg $0x0  }
0xa9: {  	s6 =	sshll.u32 s28, $0x1;
	[dreg:$0x2] =	wrdreg s4  }
0xaa: {  	[dreg:$0x3] =	wrdreg s6  }
0xab: {  	[dreg:$0x4] =	wrdreg $0xC0  }
0xac: {  	_ =	task [dreg:s8], $0x5FFFF  }
0xad: {  	[dreg:$0x1] =	wrdreg $0xFFFFFFFF  }
0xae: {  	[dreg:$0x0] =	wrdreg $0x60  }
0xaf: {  	[dreg:$0x2] =	wrdreg s24  }
0xb0: {  	[dreg:$0x3] =	wrdreg s2  }
0xb1: {  	[dreg:$0x4] =	wrdreg s18  }
0xb2: {  	[dreg:$0x5] =	wrdreg $0x9  }
0xb3: {  	_ =	task.clear_ibuf [dreg:s8], $0x6FFFF;
	_ =	strace $0x90000052  }
0xb4: {  	s29 =	simm.s32 $0x9;
	_ =	strace $0x80000054  }
0xb5: {  	_ =	swait.ge [sflag:s29], $0x1  }
0xb6: {  	[sflag:s29] =	ssyncadd.s32 $0xFFFFFFFF  }
0xb7: {  	_ =	strace $0x90000054  }
0xb8: {  	_ =	sfence  }
0xb9: {  	s30 =	sld [smem:$0x0];
	_ =	sdelay $0x2  }
0xba: {  	s31 =	sshll.u32 s1, $0xD;
	s1 =	sshrl.u32 s1, $0x2  }
0xbb: {  	s3 =	sand.u32 $0x4000, s31;
	s1 =	sadd.s32 s1, s30  }
0xbc: {  	s0 =	sor.u32 s3, s0;
	s1 =	sshll.u32 s1, $0x11  }
0xbd: {  	s0 =	sor.u32 s1, s0  }
0xbe: {  	s0 =	sadd.s32 $0x8F2B, s0  }
0xbf: {  	[sflag:s0] =	ssyncadd.remote.s32 $0x1  }
0xc0: {  	_ =	sfence.sel $0xFFFF  }
0xc1: {  	[dreg:$0x0] =	wrdreg $0xFFFFFFFF;
	(pc) =	sbr.abs _section_cstart, $3  }
0xc2: {  	[dreg:$0x1] =	wrdreg $0xFFFFFFFF  }
0xc3: {  	_ =	task.clear_ibuf [dreg:s8], $0x2FFFF;
	_ =	strace $0x9FFFFFFF  }
0xc4: {  	(tm) =	ssettm $0x7FFFFFFF  }
0xc5: {  	_ =	shalt  }
tec
execute0_lowered:
.L_overlay_start_1:
0x0: {  	(tag) =	ssettag $0x1  }
0x1: {  	s8 =	rddreg [dreg:$0x0];
	s1 =	srdreg.scid  }
0x2: {  	s3 =	rddreg [dreg:$0x1];
	s0 =	stileid.u32;
	s10 =	sand.u32 $0x1, s1  }
0x3: {  	s9 =	rddreg [dreg:$0x2];
	s4 =	sshll.u32 s0, $0x8;
	s5 =	sshll.u32 s10, $0x7  }
0x4: {  	s2 =	simm.s32 $0x0;
	s1 =	rddreg [dreg:$0x3];
	s11 =	sor.u32 s5, s4  }
0x5: {  	[smem:$0x7FF] =	sst s2;
	s12 =	sshrl.u32 s11, $0x3  }
0x6: {  	_ =	strace $0x80000053;
	s4 =	sadd.s32 s3, s12;
	s3 =	simm.s32 $0x2  }
0x7: {  	[tilespmem:s2], [sflag:$0x2] =	stream.linear.gather [hbm4b:s4+s2], $0x80, $0x38;
	[tilespmem:$0x2080] =	vst v63  }
0x8: {  	_ =	swait.ge [sflag:s3], $0x80  }
0x9: {  	s6 =	simm.s32 $0x80;
	[sflag:s3] =	ssyncset.done $0x0  }
0xa: {  	s7 =	simm.s32 $0x1;
	s5 =	sadd.s32 $0xC6A00, s8;
	[sflag:s3] =	ssyncadd.s32 $0xFFFFFF80  }
0xb: {  	[tilespmem:s6], [sflag:$0x1] =	stream.indirect.gather [hbm4b:s5+s6], $0x40, s2, s6, $0xb8;
	[tilespmem:$0x2080] =	vst v63  }
0xc: {  	s11 =	sshll.u32 s11, $0x3;
	_ =	swait.ge [sflag:s7], $0x2000  }
0xd: {  	s11 =	sadd.s32 s11, s8;
	[sflag:s7] =	ssyncset.done $0x0  }
0xe: {  	s8 =	sadd.s32 $0xAA00, s11;
	[sflag:s7] =	ssyncadd.s32 $0xFFFFE000  }
0xf: {  	[hbm4b:s8+s2] =	stream.linear.scatter [tilespmem:s6], [sflag:$0x2], $0x2000, $0x38;
	[tilespmem:$0x2080] =	vst v63  }
0x10: {  	_ =	swait.ge [sflag:s3], $0x2000  }
0x11: {  	[sflag:s3] =	ssyncset.done $0x0  }
0x12: {  	s10 =	ssub.s32 $0x2, s10;
	s9 =	sadd.s32 s9, s12;
	[sflag:s3] =	ssyncadd.s32 $0xFFFFE000  }
0x13: {  	[tilespmem:s2], [sflag:$0x2] =	stream.linear.gather [hbm4b:s9+s2], $0x80, $0x38;
	[tilespmem:$0x2080] =	vst v63  }
0x14: {  	s30 =	sshrl.u32 s10, $0x1;
	_ =	swait.ge [sflag:s3], $0x80  }
0x15: {  	s12 =	ssub.s32 s10, s30;
	[sflag:s3] =	ssyncset.done $0x0  }
0x16: {  	s31 =	smax.u32 s12, $0x1;
	[sflag:s3] =	ssyncadd.s32 $0xFFFFFF80  }
0x17: {  	[tilespmem:s6], [sflag:$0x1] =	stream.indirect.gather [hbm4b:s5+s6], $0x40, s2, s6, $0xb8;
	[tilespmem:$0x2080] =	vst v63  }
0x18: {  	p0 =	sne.s32 s31, $0x1;
	_ =	swait.ge [sflag:s7], $0x2000  }
.Ltmp0:
0x19: {  	[sflag:s7] =	ssyncset.done $0x0;
	(pc) =	sbr.rel @!p0 .LBB2_2-.Ltmp0, $4  }
0x1a: {  	s10 =	sadd.s32 $0x2A00, s11;
	[sflag:s7] =	ssyncadd.s32 $0xFFFFE000  }
0x1b: {  	[hbm4b:s10+s2] =	stream.linear.scatter [tilespmem:s6], [sflag:$0x2], $0x2000, $0x38;
	[tilespmem:$0x2080] =	vst v63  }
0x1c: {  	_ =	swait.ge [sflag:s3], $0x2000  }
0x1d: {  	s11 =	sadd.s32 $0xFFFFFFFF, s31;
	[sflag:s3] =	ssyncset.done $0x0  }
.LBB2_1:
0x1e: {  	p0 =	sne.s32 s11, $0x1;
	s11 =	sadd.s32 $0xFFFFFFFF, s11;
	[sflag:s3] =	ssyncadd.s32 $0xFFFFE000  }
0x1f: {  	[tilespmem:s2], [sflag:$0x2] =	stream.linear.gather [hbm4b:s4+s2], $0x80, $0x38;
	[tilespmem:$0x2080] =	vst v63  }
0x20: {  	_ =	swait.ge [sflag:s3], $0x80  }
0x21: {  	[sflag:s3] =	ssyncset.done $0x0  }
0x22: {  	[sflag:s3] =	ssyncadd.s32 $0xFFFFFF80  }
0x23: {  	[tilespmem:s6], [sflag:$0x1] =	stream.indirect.gather [hbm4b:s5+s6], $0x40, s2, s6, $0xb8;
	[tilespmem:$0x2080] =	vst v63  }
0x24: {  	_ =	swait.ge [sflag:s7], $0x2000  }
0x25: {  	[sflag:s7] =	ssyncset.done $0x0  }
0x26: {  	[sflag:s7] =	ssyncadd.s32 $0xFFFFE000  }
0x27: {  	[hbm4b:s8+s2] =	stream.linear.scatter [tilespmem:s6], [sflag:$0x2], $0x2000, $0x38;
	[tilespmem:$0x2080] =	vst v63  }
0x28: {  	_ =	swait.ge [sflag:s3], $0x2000  }
0x29: {  	[sflag:s3] =	ssyncset.done $0x0  }
0x2a: {  	[sflag:s3] =	ssyncadd.s32 $0xFFFFE000  }
0x2b: {  	[tilespmem:s2], [sflag:$0x2] =	stream.linear.gather [hbm4b:s9+s2], $0x80, $0x38;
	[tilespmem:$0x2080] =	vst v63  }
0x2c: {  	_ =	swait.ge [sflag:s3], $0x80  }
0x2d: {  	[sflag:s3] =	ssyncset.done $0x0  }
0x2e: {  	[sflag:s3] =	ssyncadd.s32 $0xFFFFFF80  }
0x2f: {  	[tilespmem:s6], [sflag:$0x1] =	stream.indirect.gather [hbm4b:s5+s6], $0x40, s2, s6, $0xb8;
	[tilespmem:$0x2080] =	vst v63  }
0x30: {  	_ =	swait.ge [sflag:s7], $0x2000  }
.Ltmp1:
0x31: {  	[sflag:s7] =	ssyncset.done $0x0;
	(pc) =	sbr.rel @p0 .LBB2_1-.Ltmp1, $4  }
0x32: {  	[sflag:s7] =	ssyncadd.s32 $0xFFFFE000  }
0x33: {  	[hbm4b:s10+s2] =	stream.linear.scatter [tilespmem:s6], [sflag:$0x2], $0x2000, $0x38;
	[tilespmem:$0x2080] =	vst v63  }
0x34: {  	_ =	swait.ge [sflag:s3], $0x2000  }
0x35: {  	[sflag:s3] =	ssyncset.done $0x0  }
.LBB2_2:
0x36: {  	[sflag:s3] =	ssyncadd.s32 $0xFFFFE000  }
0x37: {  	_ =	sfence.sel $0x180000  }
0x38: {  	[bflag:$0x0] =	sbarrier.arrive $0xFFFF  }
0x39: {  	p0 =	sne.s32 s0, $0x0;
	_ =	strace $0x90000053  }
0x3a: {  	s0 =	sadd.s32 @!p0 $0x100000, s1;
	[bflag:$0x2] =	sbarrier.arrive $0xFFFF  }
0x3b: {  	[sflag:s0] =	ssyncadd.tile.s32 @!p0 $0x1;
	_ =	shalt  }
.Lfunc_end2:
_tile_overlayer_lowered:
.L_overlay_start_2:
0x3c: {  	(tag) =	ssettag $0x2  }
0x3d: {  	s0 =	rddreg [dreg:$0x0];
	s2 =	stileid.u32  }
0x3e: {  	s1 =	rddreg [dreg:$0x1];
	p0 =	sne.s32 s2, $0x0  }
0x3f: {  	s3 =	rddreg [dreg:$0x2];
	[bflag:$0x3] =	sbarrier.arrive $0xFFFF;
	s2 =	simm.s32 @!p0 $0x1C02  }
0x40: {  	[timem:s3], [sflag:s2] =	dma.local @!p0 [hbm:s0], s1  }
0x41: {  	s0 =	simm.s32 @!p0 $0x2  }
0x42: {  	_ =	swait.ge @!p0 [sflag:s0], s1  }
0x43: {  	s1 =	ssub.s32 @!p0 $0x0, s1;
	[sflag:s0] =	ssyncset.done @!p0 $0x0  }
0x44: {  	[sflag:s0] =	ssyncadd.s32 @!p0 s1  }
0x45: {  	[bflag:$0x3] =	sbarrier.arrive $0xFFFF  }
0x46: {  	_ =	shalt  }

</sc_bundles>
